<compile_context>
chip_gen: v7x
topology: tpu7x:2x2x1
jax: 0.10.2.dev20260603
libtpu: 0.0.44.dev20260713+nightly
codegen_flags: <defaults>
</compile_context>

<pallas_src>
import functools

import jax
import jax.numpy as jnp
from jax import lax
from jax.experimental import pallas as pl
from jax.experimental.pallas import tpu as pltpu
from jax.experimental.pallas import tpu_sc as plsc

N = 10000
E = 320000
D_IN = 128
F = 8

NC, NS = 2, 16
NW = NC * NS
N_PAD = 10240
E_PAD = 327680
CHUNK = 128
CH0 = 80
CH1 = 80
CHMAX = max(CH0, CH1)
NDEEP = 16
ROWS = N_PAD // NS

_mesh = plsc.VectorSubcoreMesh(
    core_axis_name="c", subcore_axis_name="s", num_cores=NC, num_subcores=NS
)
_sc_params = pltpu.CompilerParams(use_tc_tiling_on_sc=False)


@functools.partial(
    pl.kernel,
    out_type=jax.ShapeDtypeStruct((NC, N_PAD), jnp.float32),
    mesh=_mesh,
    scratch_types=[
        pltpu.VMEM((CHMAX, CHUNK), jnp.int32),
        pltpu.VMEM((CHUNK,), jnp.float32),
        pltpu.VMEM_SHARED((N_PAD,), jnp.float32),
        pltpu.SemaphoreType.DMA,
    ],
    compiler_params=_sc_params,
)
def _degree_pass(dst_hbm, ones_hbm, zero_hbm, out_hbm, dst_v, msg_v, acc, sem):
    cid = lax.axis_index("c")
    sid = lax.axis_index("s")
    wid = cid * NS + sid
    r0 = sid * ROWS
    nch = CH0 if CH0 == CH1 else jnp.where(cid == 0, CH0, CH1)
    pltpu.async_copy(dst_hbm.at[wid], dst_v, sem)
    pltpu.async_copy(ones_hbm, msg_v, sem)
    pltpu.async_copy(zero_hbm.at[pl.ds(r0, ROWS)], acc.at[pl.ds(r0, ROWS)], sem)
    pltpu.make_async_copy(dst_hbm.at[wid], dst_v, sem).wait()
    pltpu.make_async_copy(ones_hbm, msg_v, sem).wait()
    pltpu.make_async_copy(
        zero_hbm.at[pl.ds(r0, ROWS)], acc.at[pl.ds(r0, ROWS)], sem).wait()
    plsc.subcore_barrier()

    def fire(j, carry):
        pltpu.async_copy(msg_v, acc.at[dst_v.at[j]], sem, add=True)
        return carry

    def drain(j, carry):
        pltpu.make_async_copy(msg_v, acc.at[dst_v.at[j]], sem).wait()
        return carry

    lax.fori_loop(0, nch, fire, 0)
    lax.fori_loop(0, nch, drain, 0)
    plsc.subcore_barrier()
    pltpu.sync_copy(acc.at[pl.ds(r0, ROWS)], out_hbm.at[cid, pl.ds(r0, ROWS)])


def _make_message_pass(f):
  @functools.partial(
      pl.kernel,
      out_type=jax.ShapeDtypeStruct((NC, N_PAD, f), jnp.float32),
      mesh=_mesh,
      scratch_types=[
          pltpu.VMEM((CHMAX, CHUNK), jnp.int32),
          pltpu.VMEM((CHMAX, CHUNK), jnp.int32),
          pltpu.VMEM((CHMAX, CHUNK, f), jnp.float32),
          pltpu.VMEM_SHARED((N_PAD, f), jnp.float32),
          pltpu.VMEM_SHARED((N_PAD, f), jnp.float32),
          pltpu.SemaphoreType.DMA,
      ] + [pltpu.SemaphoreType.DMA] * NDEEP,
      compiler_params=_sc_params,
  )
  def _message_pass(src_hbm, dst_hbm, y_hbm, zero_hbm, out_hbm,
                    src_v, dst_v, msg_v, acc, y_spm, ssem, *gsems):
      cid = lax.axis_index("c")
      sid = lax.axis_index("s")
      wid = cid * NS + sid
      r0 = sid * ROWS
      nch = CH0 if CH0 == CH1 else jnp.where(cid == 0, CH0, CH1)
      pltpu.async_copy(src_hbm.at[wid], src_v, ssem)
      pltpu.async_copy(dst_hbm.at[wid], dst_v, ssem)
      pltpu.async_copy(y_hbm.at[pl.ds(r0, ROWS)], y_spm.at[pl.ds(r0, ROWS)],
                       ssem)
      pltpu.async_copy(zero_hbm.at[pl.ds(r0, ROWS)], acc.at[pl.ds(r0, ROWS)],
                       ssem)
      pltpu.make_async_copy(src_hbm.at[wid], src_v, ssem).wait()
      pltpu.make_async_copy(dst_hbm.at[wid], dst_v, ssem).wait()
      pltpu.make_async_copy(
          y_hbm.at[pl.ds(r0, ROWS)], y_spm.at[pl.ds(r0, ROWS)], ssem).wait()
      pltpu.make_async_copy(
          zero_hbm.at[pl.ds(r0, ROWS)], acc.at[pl.ds(r0, ROWS)], ssem).wait()
      plsc.subcore_barrier()

      y_core = y_spm
      for b in range(NDEEP):
          pltpu.async_copy(y_core.at[src_v.at[b]], msg_v.at[b], gsems[b])

      ngrp = nch // NDEEP

      def group(g, carry):
          for b in range(NDEEP):
              j = g * NDEEP + b
              pltpu.make_async_copy(y_core.at[src_v.at[j]], msg_v.at[j],
                                    gsems[b]).wait()
              pltpu.async_copy(msg_v.at[j], acc.at[dst_v.at[j]], ssem,
                               add=True)

              @pl.when(g < ngrp - 1)
              def _():
                  pltpu.async_copy(y_core.at[src_v.at[j + NDEEP]],
                                   msg_v.at[j + NDEEP], gsems[b])
          return carry

      lax.fori_loop(0, ngrp, group, 0)

      def drain_scatter(j, carry):
          pltpu.make_async_copy(msg_v.at[j], acc.at[dst_v.at[j]], ssem).wait()
          return carry

      lax.fori_loop(0, nch, drain_scatter, 0)
      plsc.subcore_barrier()
      pltpu.sync_copy(acc.at[pl.ds(r0, ROWS)],
                      out_hbm.at[cid, pl.ds(r0, ROWS)])

  return _message_pass


_message_pass_f8 = _make_message_pass(F)


_RB = 2048


def _dinv_of(deg_ref):
    deg = deg_ref[0] + deg_ref[1] + 1.0
    return lax.rsqrt(deg)


def _y1_body(deg_ref, x_ref, w_ref, y_ref):
    dinv = _dinv_of(deg_ref)
    xw = jnp.dot(x_ref[...], w_ref[...], preferred_element_type=jnp.float32)
    y_ref[...] = dinv[:, None] * xw


def _layer1_body(deg_ref, agg_ref, y1_ref, b1_ref, w2_ref, y2_ref):
    dinv = _dinv_of(deg_ref)
    s = agg_ref[0] + agg_ref[1] + y1_ref[...]
    h = jnp.maximum(dinv[:, None] * s + b1_ref[...], 0.0)
    y2_ref[...] = dinv[:, None] * jnp.dot(
        h, w2_ref[...], preferred_element_type=jnp.float32)


def _layer2_body(deg_ref, agg_ref, y2_ref, b2_ref, out_ref):
    dinv = _dinv_of(deg_ref)
    s = agg_ref[0] + agg_ref[1] + y2_ref[...]
    out_ref[...] = dinv[:, None] * s + b2_ref[...]


def _tc_call(body, in_specs, out_shape, out_spec):
    return pl.pallas_call(
        body,
        grid=(N_PAD // _RB,),
        in_specs=in_specs,
        out_specs=out_spec,
        out_shape=jax.ShapeDtypeStruct(out_shape, jnp.float32),
    )


_deg_spec = pl.BlockSpec((NC, _RB), lambda i: (0, i))
_dup_spec = pl.BlockSpec((NC, _RB, F), lambda i: (0, i, 0))
_row_spec = pl.BlockSpec((_RB, F), lambda i: (i, 0))
_vec_spec = pl.BlockSpec((1, F), lambda i: (0, 0))
_dup4_spec = pl.BlockSpec((NC, _RB, 4), lambda i: (0, i, 0))
_row4_spec = pl.BlockSpec((_RB, 4), lambda i: (i, 0))
_vec4_spec = pl.BlockSpec((1, 4), lambda i: (0, 0))


def _split_edges(flat):
    n0 = NS * CH0 * CHUNK
    e0 = flat[:n0].reshape(NS, CH0, CHUNK)
    e1 = flat[n0:].reshape(NS, CH1, CHUNK)
    pad0 = jnp.full((NS, CHMAX - CH0, CHUNK), N, jnp.int32)
    pad1 = jnp.full((NS, CHMAX - CH1, CHUNK), N, jnp.int32)
    return jnp.concatenate(
        [jnp.concatenate([e0, pad0], axis=1),
         jnp.concatenate([e1, pad1], axis=1)], axis=0)


def kernel(x, edge_index, W1, b1, W2, b2):
    src = edge_index[0]
    dst = edge_index[1]
    pad_e = jnp.full((E_PAD - E,), N, dtype=jnp.int32)
    src3 = _split_edges(jnp.concatenate([src, pad_e]))
    dst3 = _split_edges(jnp.concatenate([dst, pad_e]))

    x_pad = jnp.zeros((N_PAD, D_IN), x.dtype).at[:N].set(x)
    zero_rows = jnp.zeros((N_PAD, F), jnp.float32)
    zero_deg = jnp.zeros((N_PAD,), jnp.float32)
    ones_deg = jnp.ones((CHUNK,), jnp.float32)
    w2p = jnp.zeros((F, F), W2.dtype).at[:, : W2.shape[1]].set(W2)
    b1r = b1.reshape(1, F)
    b2r = jnp.zeros((1, F), b2.dtype).at[0, : b2.shape[0]].set(b2)

    degp = _degree_pass(dst3, ones_deg, zero_deg)

    y1 = _tc_call(
        _y1_body,
        [_deg_spec,
         pl.BlockSpec((_RB, D_IN), lambda i: (i, 0)),
         pl.BlockSpec((D_IN, F), lambda i: (0, 0))],
        (N_PAD, F), _row_spec,
    )(degp, x_pad, W1)

    agg1 = _message_pass_f8(src3, dst3, y1, zero_rows)

    y2 = _tc_call(
        _layer1_body,
        [_deg_spec, _dup_spec, _row_spec, _vec_spec,
         pl.BlockSpec((F, F), lambda i: (0, 0))],
        (N_PAD, F), _row_spec,
    )(degp, agg1, y1, b1r, w2p)

    agg2 = _message_pass_f8(src3, dst3, y2, zero_rows)

    out = _tc_call(
        _layer2_body,
        [_deg_spec, _dup_spec, _row_spec, _vec_spec],
        (N_PAD, F), _row_spec,
    )(degp, agg2, y2, b2r)

    return out[:N, : W2.shape[1]]

# --- scband reference (transcript-rebuilt; emitter-appended) ---
"""Pipeline reference for scband-gcn-9972914061648 (READ-ONLY COPY).

The authoritative reference and input builder live on the scoring server;
editing this copy changes nothing except your own understanding.
"""

import jax, jax.numpy as jnp
import numpy as np

N = 10000
E = 320000
D_IN = 128
HID = 8
OUT = 4


def setup_inputs(seed: int = 0) -> dict:
    key = jax.random.key(seed)
    k1, k2, k3, k4 = jax.random.split(key, 4)
    x = jax.random.normal(k1, (N, D_IN), dtype=jnp.float32)
    edge_index = jax.random.randint(k2, (2, E), 0, N, dtype=jnp.int32)
    # GCNConv learned parameters (glorot-style init, zero bias)
    W1 = jax.random.normal(k3, (D_IN, HID), dtype=jnp.float32) * (1.0 / np.sqrt(D_IN))
    b1 = jnp.zeros((HID,), dtype=jnp.float32)
    W2 = jax.random.normal(k4, (HID, OUT), dtype=jnp.float32) * (1.0 / np.sqrt(HID))
    b2 = jnp.zeros((OUT,), dtype=jnp.float32)
    return {"x": x, "edge_index": edge_index, "W1": W1, "b1": b1, "W2": W2, "b2": b2}


def _gcn_conv(x, src, dst, W, b, n):
    # x' = D^{-1/2} (A + I) D^{-1/2} X W + b  (self loops already appended to src/dst)
    xw = x @ W
    ones = jnp.ones(src.shape[0], dtype=x.dtype)
    deg = jax.ops.segment_sum(ones, dst, num_segments=n)
    dinv = jnp.where(deg > 0, 1.0 / jnp.sqrt(deg), 0.0)
    norm = dinv[src] * dinv[dst]
    msg = norm[:, None] * xw[src]          # gather over edges
    out = jax.ops.segment_sum(msg, dst, num_segments=n)  # scatter-add to dst nodes
    return out + b


def reference(x, edge_index, W1, b1, W2, b2):
    n = x.shape[0]
    loop = jnp.arange(n, dtype=edge_index.dtype)
    src = jnp.concatenate([edge_index[0], loop])
    dst = jnp.concatenate([edge_index[1], loop])
    h = _gcn_conv(x, src, dst, W1, b1, n)
    h = jax.nn.relu(h)
    # dropout is identity in eval mode (training=False)
    out = _gcn_conv(h, src, dst, W2, b2, n)
    return out

if __name__ == "__main__":
    import jax
    _d = setup_inputs()
    print(jax.jit(kernel)(*tuple(_d.values())))

</pallas_src>

<mosaic_0001>
#map = affine_map<(d0, d1) -> (0, 0, 0)>
#map1 = affine_map<(d0, d1) -> (0)>
#map2 = affine_map<(d0, d1) -> (0, 0)>
module attributes {stable_mosaic.version = 14 : i64} {
  func.func @_degree_pass(%arg0: i32, %arg1: i32, %arg2: memref<32x80x128xi32, #tpu.memory_space<hbm>>, %arg3: memref<128xf32, #tpu.memory_space<hbm>>, %arg4: memref<10240xf32, #tpu.memory_space<hbm>>, %arg5: memref<2x10240xf32, #tpu.memory_space<hbm>>, %arg6: memref<80x128xi32, #tpu.memory_space<vmem>>, %arg7: memref<128xf32, #tpu.memory_space<vmem>>, %arg8: memref<10240xf32, #tpu.memory_space<vmem_shared>>, %arg9: memref<!tpu.dma_semaphore, #tpu.memory_space<semaphore_mem>>) attributes {dimension_semantics = [#tpu.dimension_semantics<core_parallel>, #tpu.dimension_semantics<subcore_parallel>], iteration_bounds = array<i64: 2, 16>, scalar_prefetch = 0 : i64, scratch_operands = 4 : i64, tpu.core_type = #tpu.core_type<sc_vector_subcore>, window_params = [{transform_indices = #map}, {transform_indices = #map1}, {transform_indices = #map1}, {transform_indices = #map2}]} {
    %mul3A = arith.constant 16 : i32
    %mul3A_0 = arith.muli %arg0, %mul3A : i32
    %add3A = arith.addi %mul3A_0, %arg1 : i32
    %mul3A_1 = arith.constant 640 : i32
    %mul3A_2 = arith.muli %arg1, %mul3A_1 : i32
    %dma_start3A = arith.constant 0 : i32
    %dma_start3A_3 = arith.constant 0 : i32
    %dma_start3A_4 = tpu.memref_slice %arg2[%add3A, %dma_start3A, %dma_start3A_3] : memref<32x80x128xi32, #tpu.memory_space<hbm>> -> memref<1x80x128xi32, #tpu.memory_space<hbm>>
    %dma_start3A_5 = tpu.memref_squeeze %dma_start3A_4 : memref<1x80x128xi32, #tpu.memory_space<hbm>> -> memref<80x128xi32, #tpu.memory_space<hbm>>
    %dma_start3A_6 = arith.constant 0 : i32
    %dma_start3A_7 = arith.constant 0 : i32
    %dma_start3A_8 = tpu.memref_slice %arg2[%add3A, %dma_start3A_6, %dma_start3A_7] : memref<32x80x128xi32, #tpu.memory_space<hbm>> -> memref<1x80x128xi32, #tpu.memory_space<hbm>>
    %dma_start3A_9 = tpu.memref_squeeze %dma_start3A_8 : memref<1x80x128xi32, #tpu.memory_space<hbm>> -> memref<80x128xi32, #tpu.memory_space<hbm>>
    tpu.enqueue_dma source(%dma_start3A_9 : memref<80x128xi32, #tpu.memory_space<hbm>>) target(%arg6 : memref<80x128xi32, #tpu.memory_space<vmem>>) target_semaphore(%arg9 : memref<!tpu.dma_semaphore, #tpu.memory_space<semaphore_mem>>)
    tpu.enqueue_dma source(%arg3 : memref<128xf32, #tpu.memory_space<hbm>>) target(%arg7 : memref<128xf32, #tpu.memory_space<vmem>>) target_semaphore(%arg9 : memref<!tpu.dma_semaphore, #tpu.memory_space<semaphore_mem>>)
    %dma_start3A_10 = tpu.memref_slice %arg8[%mul3A_2] : memref<10240xf32, #tpu.memory_space<vmem_shared>> -> memref<640xf32, #tpu.memory_space<vmem_shared>>
    %dma_start3A_11 = tpu.memref_slice %arg4[%mul3A_2] : memref<10240xf32, #tpu.memory_space<hbm>> -> memref<640xf32, #tpu.memory_space<hbm>>
    tpu.enqueue_dma source(%dma_start3A_11 : memref<640xf32, #tpu.memory_space<hbm>>) target(%dma_start3A_10 : memref<640xf32, #tpu.memory_space<vmem_shared>>) target_semaphore(%arg9 : memref<!tpu.dma_semaphore, #tpu.memory_space<semaphore_mem>>)
    %dma_wait3A = arith.constant 0 : i32
    %dma_wait3A_12 = arith.constant 0 : i32
    %dma_wait3A_13 = tpu.memref_slice %arg2[%add3A, %dma_wait3A, %dma_wait3A_12] : memref<32x80x128xi32, #tpu.memory_space<hbm>> -> memref<1x80x128xi32, #tpu.memory_space<hbm>>
    %dma_wait3A_14 = tpu.memref_squeeze %dma_wait3A_13 : memref<1x80x128xi32, #tpu.memory_space<hbm>> -> memref<80x128xi32, #tpu.memory_space<hbm>>
    %dma_wait3A_15 = arith.constant 0 : i32
    %dma_wait3A_16 = arith.constant 0 : i32
    %dma_wait3A_17 = tpu.memref_slice %arg2[%add3A, %dma_wait3A_15, %dma_wait3A_16] : memref<32x80x128xi32, #tpu.memory_space<hbm>> -> memref<1x80x128xi32, #tpu.memory_space<hbm>>
    %dma_wait3A_18 = tpu.memref_squeeze %dma_wait3A_17 : memref<1x80x128xi32, #tpu.memory_space<hbm>> -> memref<80x128xi32, #tpu.memory_space<hbm>>
    tpu.wait_dma2 semaphore(%arg9 : memref<!tpu.dma_semaphore, #tpu.memory_space<semaphore_mem>>) src(%dma_wait3A_18 : memref<80x128xi32, #tpu.memory_space<hbm>>) dst(%arg6 : memref<80x128xi32, #tpu.memory_space<vmem>>)
    tpu.wait_dma2 semaphore(%arg9 : memref<!tpu.dma_semaphore, #tpu.memory_space<semaphore_mem>>) src(%arg3 : memref<128xf32, #tpu.memory_space<hbm>>) dst(%arg7 : memref<128xf32, #tpu.memory_space<vmem>>)
    %dma_wait3A_19 = tpu.memref_slice %arg8[%mul3A_2] : memref<10240xf32, #tpu.memory_space<vmem_shared>> -> memref<640xf32, #tpu.memory_space<vmem_shared>>
    %dma_wait3A_20 = tpu.memref_slice %arg4[%mul3A_2] : memref<10240xf32, #tpu.memory_space<hbm>> -> memref<640xf32, #tpu.memory_space<hbm>>
    tpu.wait_dma2 semaphore(%arg9 : memref<!tpu.dma_semaphore, #tpu.memory_space<semaphore_mem>>) src(%dma_wait3A_20 : memref<640xf32, #tpu.memory_space<hbm>>) dst(%dma_wait3A_19 : memref<640xf32, #tpu.memory_space<vmem_shared>>)
    %barrier3A = arith.constant 0 : index
    tpu.barrier barrier_id(%barrier3A)
    %scan3A = arith.constant 0 : i32
    %scan3A_21 = arith.constant 0 : i32
    %scan3A_22 = arith.constant 80 : i32
    %scan3A_23 = arith.addi %scan3A_21, %scan3A_22 : i32
    %scan3A_24 = arith.constant 1 : i32
    scf.for %scan3A_33 = %scan3A_21 to %scan3A_23 step %scan3A_24  : i32 {
      %dma_start3A_34 = arith.constant 0 : i32
      %dma_start3A_35 = tpu.memref_slice %arg6[%scan3A_33, %dma_start3A_34] : memref<80x128xi32, #tpu.memory_space<vmem>> -> memref<1x128xi32, #tpu.memory_space<vmem>>
      %dma_start3A_36 = tpu.memref_squeeze %dma_start3A_35 : memref<1x128xi32, #tpu.memory_space<vmem>> -> memref<128xi32, #tpu.memory_space<vmem>>
      %dma_start3A_37 = arith.constant 0 : i32
      %dma_start3A_38 = tpu.memref_slice %arg8[%dma_start3A_37] : memref<10240xf32, #tpu.memory_space<vmem_shared>> -> memref<10240xf32, #tpu.memory_space<vmem_shared>>
      tpu.enqueue_indirect_dma source(%arg7 : memref<128xf32, #tpu.memory_space<vmem>>) target(%dma_start3A_38 : memref<10240xf32, #tpu.memory_space<vmem_shared>>) offsets(%dma_start3A_36 : memref<128xi32, #tpu.memory_space<vmem>>) semaphore(%arg9 : memref<!tpu.dma_semaphore, #tpu.memory_space<semaphore_mem>>) {add = true}
    }
    %scan3A_25 = arith.constant 80 : i32
    %scan3A_26 = arith.constant 0 : i32
    %scan3A_27 = arith.constant 0 : i32
    %scan3A_28 = arith.constant 80 : i32
    %scan3A_29 = arith.addi %scan3A_27, %scan3A_28 : i32
    %scan3A_30 = arith.constant 1 : i32
    scf.for %scan3A_33 = %scan3A_27 to %scan3A_29 step %scan3A_30  : i32 {
      %dma_wait3A_34 = arith.constant 0 : i32
      %dma_wait3A_35 = tpu.memref_slice %arg6[%scan3A_33, %dma_wait3A_34] : memref<80x128xi32, #tpu.memory_space<vmem>> -> memref<1x128xi32, #tpu.memory_space<vmem>>
      %dma_wait3A_36 = tpu.memref_squeeze %dma_wait3A_35 : memref<1x128xi32, #tpu.memory_space<vmem>> -> memref<128xi32, #tpu.memory_space<vmem>>
      %dma_wait3A_37 = arith.constant 0 : i32
      %dma_wait3A_38 = tpu.memref_slice %arg8[%dma_wait3A_37] : memref<10240xf32, #tpu.memory_space<vmem_shared>> -> memref<10240xf32, #tpu.memory_space<vmem_shared>>
      tpu.wait_indirect_dma semaphore(%arg9 : memref<!tpu.dma_semaphore, #tpu.memory_space<semaphore_mem>>) src(%arg7 : memref<128xf32, #tpu.memory_space<vmem>>) dst(%dma_wait3A_38 : memref<10240xf32, #tpu.memory_space<vmem_shared>>)
    }
    %scan3A_31 = arith.constant 80 : i32
    %barrier3A_32 = arith.constant 0 : index
    tpu.barrier barrier_id(%barrier3A_32)
    "tpu.region"() ({
      %run_scoped3A = tpu.sem_alloc : memref<!tpu.dma_semaphore, #tpu.memory_space<semaphore_mem>>
      %dma_start3A_33 = tpu.memref_slice %arg5[%arg0, %mul3A_2] : memref<2x10240xf32, #tpu.memory_space<hbm>> -> memref<1x640xf32, #tpu.memory_space<hbm>>
      %dma_start3A_34 = tpu.memref_squeeze %dma_start3A_33 : memref<1x640xf32, #tpu.memory_space<hbm>> -> memref<640xf32, #tpu.memory_space<hbm>>
      %dma_start3A_35 = tpu.memref_slice %arg8[%mul3A_2] : memref<10240xf32, #tpu.memory_space<vmem_shared>> -> memref<640xf32, #tpu.memory_space<vmem_shared>>
      tpu.enqueue_dma source(%dma_start3A_35 : memref<640xf32, #tpu.memory_space<vmem_shared>>) target(%dma_start3A_34 : memref<640xf32, #tpu.memory_space<hbm>>) target_semaphore(%run_scoped3A : memref<!tpu.dma_semaphore, #tpu.memory_space<semaphore_mem>>)
      %dma_wait3A_36 = tpu.memref_slice %arg5[%arg0, %mul3A_2] : memref<2x10240xf32, #tpu.memory_space<hbm>> -> memref<1x640xf32, #tpu.memory_space<hbm>>
      %dma_wait3A_37 = tpu.memref_squeeze %dma_wait3A_36 : memref<1x640xf32, #tpu.memory_space<hbm>> -> memref<640xf32, #tpu.memory_space<hbm>>
      %dma_wait3A_38 = tpu.memref_slice %arg8[%mul3A_2] : memref<10240xf32, #tpu.memory_space<vmem_shared>> -> memref<640xf32, #tpu.memory_space<vmem_shared>>
      tpu.wait_dma2 semaphore(%run_scoped3A : memref<!tpu.dma_semaphore, #tpu.memory_space<semaphore_mem>>) src(%dma_wait3A_38 : memref<640xf32, #tpu.memory_space<vmem_shared>>) dst(%dma_wait3A_37 : memref<640xf32, #tpu.memory_space<hbm>>)
      tpu.yield
    }) : () -> ()
    return
  }
}

#map = affine_map<(d0, d1) -> (0, 0, 0)>
#map1 = affine_map<(d0, d1) -> (0, 0)>
module attributes {stable_mosaic.version = 14 : i64} {
  func.func @_message_pass(%arg0: i32, %arg1: i32, %arg2: memref<32x80x128xi32, #tpu.memory_space<hbm>>, %arg3: memref<32x80x128xi32, #tpu.memory_space<hbm>>, %arg4: memref<10240x8xf32, #tpu.memory_space<hbm>>, %arg5: memref<10240x8xf32, #tpu.memory_space<hbm>>, %arg6: memref<2x10240x8xf32, #tpu.memory_space<hbm>>, %arg7: memref<80x128xi32, #tpu.memory_space<vmem>>, %arg8: memref<80x128xi32, #tpu.memory_space<vmem>>, %arg9: memref<80x128x8xf32, #tpu.memory_space<vmem>>, %arg10: memref<10240x8xf32, #tpu.memory_space<vmem_shared>>, %arg11: memref<10240x8xf32, #tpu.memory_space<vmem_shared>>, %arg12: memref<!tpu.dma_semaphore, #tpu.memory_space<semaphore_mem>>, %arg13: memref<!tpu.dma_semaphore, #tpu.memory_space<semaphore_mem>>, %arg14: memref<!tpu.dma_semaphore, #tpu.memory_space<semaphore_mem>>, %arg15: memref<!tpu.dma_semaphore, #tpu.memory_space<semaphore_mem>>, %arg16: memref<!tpu.dma_semaphore, #tpu.memory_space<semaphore_mem>>, %arg17: memref<!tpu.dma_semaphore, #tpu.memory_space<semaphore_mem>>, %arg18: memref<!tpu.dma_semaphore, #tpu.memory_space<semaphore_mem>>, %arg19: memref<!tpu.dma_semaphore, #tpu.memory_space<semaphore_mem>>, %arg20: memref<!tpu.dma_semaphore, #tpu.memory_space<semaphore_mem>>, %arg21: memref<!tpu.dma_semaphore, #tpu.memory_space<semaphore_mem>>, %arg22: memref<!tpu.dma_semaphore, #tpu.memory_space<semaphore_mem>>, %arg23: memref<!tpu.dma_semaphore, #tpu.memory_space<semaphore_mem>>, %arg24: memref<!tpu.dma_semaphore, #tpu.memory_space<semaphore_mem>>, %arg25: memref<!tpu.dma_semaphore, #tpu.memory_space<semaphore_mem>>, %arg26: memref<!tpu.dma_semaphore, #tpu.memory_space<semaphore_mem>>, %arg27: memref<!tpu.dma_semaphore, #tpu.memory_space<semaphore_mem>>, %arg28: memref<!tpu.dma_semaphore, #tpu.memory_space<semaphore_mem>>) attributes {dimension_semantics = [#tpu.dimension_semantics<core_parallel>, #tpu.dimension_semantics<subcore_parallel>], iteration_bounds = array<i64: 2, 16>, scalar_prefetch = 0 : i64, scratch_operands = 22 : i64, tpu.core_type = #tpu.core_type<sc_vector_subcore>, window_params = [{transform_indices = #map}, {transform_indices = #map}, {transform_indices = #map1}, {transform_indices = #map1}, {transform_indices = #map}]} {
    %mul3A = arith.constant 16 : i32
    %mul3A_0 = arith.muli %arg0, %mul3A : i32
    %add3A = arith.addi %mul3A_0, %arg1 : i32
    %mul3A_1 = arith.constant 640 : i32
    %mul3A_2 = arith.muli %arg1, %mul3A_1 : i32
    %dma_start3A = arith.constant 0 : i32
    %dma_start3A_3 = arith.constant 0 : i32
    %dma_start3A_4 = tpu.memref_slice %arg2[%add3A, %dma_start3A, %dma_start3A_3] : memref<32x80x128xi32, #tpu.memory_space<hbm>> -> memref<1x80x128xi32, #tpu.memory_space<hbm>>
    %dma_start3A_5 = tpu.memref_squeeze %dma_start3A_4 : memref<1x80x128xi32, #tpu.memory_space<hbm>> -> memref<80x128xi32, #tpu.memory_space<hbm>>
    %dma_start3A_6 = arith.constant 0 : i32
    %dma_start3A_7 = arith.constant 0 : i32
    %dma_start3A_8 = tpu.memref_slice %arg2[%add3A, %dma_start3A_6, %dma_start3A_7] : memref<32x80x128xi32, #tpu.memory_space<hbm>> -> memref<1x80x128xi32, #tpu.memory_space<hbm>>
    %dma_start3A_9 = tpu.memref_squeeze %dma_start3A_8 : memref<1x80x128xi32, #tpu.memory_space<hbm>> -> memref<80x128xi32, #tpu.memory_space<hbm>>
    tpu.enqueue_dma source(%dma_start3A_9 : memref<80x128xi32, #tpu.memory_space<hbm>>) target(%arg7 : memref<80x128xi32, #tpu.memory_space<vmem>>) target_semaphore(%arg12 : memref<!tpu.dma_semaphore, #tpu.memory_space<semaphore_mem>>)
    %dma_start3A_10 = arith.constant 0 : i32
    %dma_start3A_11 = arith.constant 0 : i32
    %dma_start3A_12 = tpu.memref_slice %arg3[%add3A, %dma_start3A_10, %dma_start3A_11] : memref<32x80x128xi32, #tpu.memory_space<hbm>> -> memref<1x80x128xi32, #tpu.memory_space<hbm>>
    %dma_start3A_13 = tpu.memref_squeeze %dma_start3A_12 : memref<1x80x128xi32, #tpu.memory_space<hbm>> -> memref<80x128xi32, #tpu.memory_space<hbm>>
    %dma_start3A_14 = arith.constant 0 : i32
    %dma_start3A_15 = arith.constant 0 : i32
    %dma_start3A_16 = tpu.memref_slice %arg3[%add3A, %dma_start3A_14, %dma_start3A_15] : memref<32x80x128xi32, #tpu.memory_space<hbm>> -> memref<1x80x128xi32, #tpu.memory_space<hbm>>
    %dma_start3A_17 = tpu.memref_squeeze %dma_start3A_16 : memref<1x80x128xi32, #tpu.memory_space<hbm>> -> memref<80x128xi32, #tpu.memory_space<hbm>>
    tpu.enqueue_dma source(%dma_start3A_17 : memref<80x128xi32, #tpu.memory_space<hbm>>) target(%arg8 : memref<80x128xi32, #tpu.memory_space<vmem>>) target_semaphore(%arg12 : memref<!tpu.dma_semaphore, #tpu.memory_space<semaphore_mem>>)
    %dma_start3A_18 = arith.constant 0 : i32
    %dma_start3A_19 = tpu.memref_slice %arg11[%mul3A_2, %dma_start3A_18] : memref<10240x8xf32, #tpu.memory_space<vmem_shared>> -> memref<640x8xf32, #tpu.memory_space<vmem_shared>>
    %dma_start3A_20 = arith.constant 0 : i32
    %dma_start3A_21 = tpu.memref_slice %arg4[%mul3A_2, %dma_start3A_20] : memref<10240x8xf32, #tpu.memory_space<hbm>> -> memref<640x8xf32, #tpu.memory_space<hbm>>
    tpu.enqueue_dma source(%dma_start3A_21 : memref<640x8xf32, #tpu.memory_space<hbm>>) target(%dma_start3A_19 : memref<640x8xf32, #tpu.memory_space<vmem_shared>>) target_semaphore(%arg12 : memref<!tpu.dma_semaphore, #tpu.memory_space<semaphore_mem>>)
    %dma_start3A_22 = arith.constant 0 : i32
    %dma_start3A_23 = tpu.memref_slice %arg10[%mul3A_2, %dma_start3A_22] : memref<10240x8xf32, #tpu.memory_space<vmem_shared>> -> memref<640x8xf32, #tpu.memory_space<vmem_shared>>
    %dma_start3A_24 = arith.constant 0 : i32
    %dma_start3A_25 = tpu.memref_slice %arg5[%mul3A_2, %dma_start3A_24] : memref<10240x8xf32, #tpu.memory_space<hbm>> -> memref<640x8xf32, #tpu.memory_space<hbm>>
    tpu.enqueue_dma source(%dma_start3A_25 : memref<640x8xf32, #tpu.memory_space<hbm>>) target(%dma_start3A_23 : memref<640x8xf32, #tpu.memory_space<vmem_shared>>) target_semaphore(%arg12 : memref<!tpu.dma_semaphore, #tpu.memory_space<semaphore_mem>>)
    %dma_wait3A = arith.constant 0 : i32
    %dma_wait3A_26 = arith.constant 0 : i32
    %dma_wait3A_27 = tpu.memref_slice %arg2[%add3A, %dma_wait3A, %dma_wait3A_26] : memref<32x80x128xi32, #tpu.memory_space<hbm>> -> memref<1x80x128xi32, #tpu.memory_space<hbm>>
    %dma_wait3A_28 = tpu.memref_squeeze %dma_wait3A_27 : memref<1x80x128xi32, #tpu.memory_space<hbm>> -> memref<80x128xi32, #tpu.memory_space<hbm>>
    %dma_wait3A_29 = arith.constant 0 : i32
    %dma_wait3A_30 = arith.constant 0 : i32
    %dma_wait3A_31 = tpu.memref_slice %arg2[%add3A, %dma_wait3A_29, %dma_wait3A_30] : memref<32x80x128xi32, #tpu.memory_space<hbm>> -> memref<1x80x128xi32, #tpu.memory_space<hbm>>
    %dma_wait3A_32 = tpu.memref_squeeze %dma_wait3A_31 : memref<1x80x128xi32, #tpu.memory_space<hbm>> -> memref<80x128xi32, #tpu.memory_space<hbm>>
    tpu.wait_dma2 semaphore(%arg12 : memref<!tpu.dma_semaphore, #tpu.memory_space<semaphore_mem>>) src(%dma_wait3A_32 : memref<80x128xi32, #tpu.memory_space<hbm>>) dst(%arg7 : memref<80x128xi32, #tpu.memory_space<vmem>>)
    %dma_wait3A_33 = arith.constant 0 : i32
    %dma_wait3A_34 = arith.constant 0 : i32
    %dma_wait3A_35 = tpu.memref_slice %arg3[%add3A, %dma_wait3A_33, %dma_wait3A_34] : memref<32x80x128xi32, #tpu.memory_space<hbm>> -> memref<1x80x128xi32, #tpu.memory_space<hbm>>
    %dma_wait3A_36 = tpu.memref_squeeze %dma_wait3A_35 : memref<1x80x128xi32, #tpu.memory_space<hbm>> -> memref<80x128xi32, #tpu.memory_space<hbm>>
    %dma_wait3A_37 = arith.constant 0 : i32
    %dma_wait3A_38 = arith.constant 0 : i32
    %dma_wait3A_39 = tpu.memref_slice %arg3[%add3A, %dma_wait3A_37, %dma_wait3A_38] : memref<32x80x128xi32, #tpu.memory_space<hbm>> -> memref<1x80x128xi32, #tpu.memory_space<hbm>>
    %dma_wait3A_40 = tpu.memref_squeeze %dma_wait3A_39 : memref<1x80x128xi32, #tpu.memory_space<hbm>> -> memref<80x128xi32, #tpu.memory_space<hbm>>
    tpu.wait_dma2 semaphore(%arg12 : memref<!tpu.dma_semaphore, #tpu.memory_space<semaphore_mem>>) src(%dma_wait3A_40 : memref<80x128xi32, #tpu.memory_space<hbm>>) dst(%arg8 : memref<80x128xi32, #tpu.memory_space<vmem>>)
    %dma_wait3A_41 = arith.constant 0 : i32
    %dma_wait3A_42 = tpu.memref_slice %arg11[%mul3A_2, %dma_wait3A_41] : memref<10240x8xf32, #tpu.memory_space<vmem_shared>> -> memref<640x8xf32, #tpu.memory_space<vmem_shared>>
    %dma_wait3A_43 = arith.constant 0 : i32
    %dma_wait3A_44 = tpu.memref_slice %arg4[%mul3A_2, %dma_wait3A_43] : memref<10240x8xf32, #tpu.memory_space<hbm>> -> memref<640x8xf32, #tpu.memory_space<hbm>>
    tpu.wait_dma2 semaphore(%arg12 : memref<!tpu.dma_semaphore, #tpu.memory_space<semaphore_mem>>) src(%dma_wait3A_44 : memref<640x8xf32, #tpu.memory_space<hbm>>) dst(%dma_wait3A_42 : memref<640x8xf32, #tpu.memory_space<vmem_shared>>)
    %dma_wait3A_45 = arith.constant 0 : i32
    %dma_wait3A_46 = tpu.memref_slice %arg10[%mul3A_2, %dma_wait3A_45] : memref<10240x8xf32, #tpu.memory_space<vmem_shared>> -> memref<640x8xf32, #tpu.memory_space<vmem_shared>>
    %dma_wait3A_47 = arith.constant 0 : i32
    %dma_wait3A_48 = tpu.memref_slice %arg5[%mul3A_2, %dma_wait3A_47] : memref<10240x8xf32, #tpu.memory_space<hbm>> -> memref<640x8xf32, #tpu.memory_space<hbm>>
    tpu.wait_dma2 semaphore(%arg12 : memref<!tpu.dma_semaphore, #tpu.memory_space<semaphore_mem>>) src(%dma_wait3A_48 : memref<640x8xf32, #tpu.memory_space<hbm>>) dst(%dma_wait3A_46 : memref<640x8xf32, #tpu.memory_space<vmem_shared>>)
    %barrier3A = arith.constant 0 : index
    tpu.barrier barrier_id(%barrier3A)
    %dma_start3A_49 = arith.constant 0 : i32
    %dma_start3A_50 = arith.constant 0 : i32
    %dma_start3A_51 = arith.constant 0 : i32
    %dma_start3A_52 = arith.constant 0 : i32
    %dma_start3A_53 = tpu.memref_slice %arg9[%dma_start3A_50, %dma_start3A_51, %dma_start3A_52] : memref<80x128x8xf32, #tpu.memory_space<vmem>> -> memref<1x128x8xf32, #tpu.memory_space<vmem>>
    %dma_start3A_54 = tpu.memref_squeeze %dma_start3A_53 : memref<1x128x8xf32, #tpu.memory_space<vmem>> -> memref<128x8xf32, #tpu.memory_space<vmem>>
    %dma_start3A_55 = arith.constant 0 : i32
    %dma_start3A_56 = tpu.memref_slice %arg7[%dma_start3A_49, %dma_start3A_55] : memref<80x128xi32, #tpu.memory_space<vmem>> -> memref<1x128xi32, #tpu.memory_space<vmem>>
    %dma_start3A_57 = tpu.memref_squeeze %dma_start3A_56 : memref<1x128xi32, #tpu.memory_space<vmem>> -> memref<128xi32, #tpu.memory_space<vmem>>
    %dma_start3A_58 = arith.constant 0 : i32
    %dma_start3A_59 = arith.constant 0 : i32
    %dma_start3A_60 = tpu.memref_slice %arg11[%dma_start3A_58, %dma_start3A_59] : memref<10240x8xf32, #tpu.memory_space<vmem_shared>> -> memref<10240x8xf32, #tpu.memory_space<vmem_shared>>
    tpu.enqueue_indirect_dma source(%dma_start3A_60 : memref<10240x8xf32, #tpu.memory_space<vmem_shared>>) target(%dma_start3A_54 : memref<128x8xf32, #tpu.memory_space<vmem>>) offsets(%dma_start3A_57 : memref<128xi32, #tpu.memory_space<vmem>>) semaphore(%arg13 : memref<!tpu.dma_semaphore, #tpu.memory_space<semaphore_mem>>)
    %dma_start3A_61 = arith.constant 1 : i32
    %dma_start3A_62 = arith.constant 1 : i32
    %dma_start3A_63 = arith.constant 0 : i32
    %dma_start3A_64 = arith.constant 0 : i32
    %dma_start3A_65 = tpu.memref_slice %arg9[%dma_start3A_62, %dma_start3A_63, %dma_start3A_64] : memref<80x128x8xf32, #tpu.memory_space<vmem>> -> memref<1x128x8xf32, #tpu.memory_space<vmem>>
    %dma_start3A_66 = tpu.memref_squeeze %dma_start3A_65 : memref<1x128x8xf32, #tpu.memory_space<vmem>> -> memref<128x8xf32, #tpu.memory_space<vmem>>
    %dma_start3A_67 = arith.constant 0 : i32
    %dma_start3A_68 = tpu.memref_slice %arg7[%dma_start3A_61, %dma_start3A_67] : memref<80x128xi32, #tpu.memory_space<vmem>> -> memref<1x128xi32, #tpu.memory_space<vmem>>
    %dma_start3A_69 = tpu.memref_squeeze %dma_start3A_68 : memref<1x128xi32, #tpu.memory_space<vmem>> -> memref<128xi32, #tpu.memory_space<vmem>>
    %dma_start3A_70 = arith.constant 0 : i32
    %dma_start3A_71 = arith.constant 0 : i32
    %dma_start3A_72 = tpu.memref_slice %arg11[%dma_start3A_70, %dma_start3A_71] : memref<10240x8xf32, #tpu.memory_space<vmem_shared>> -> memref<10240x8xf32, #tpu.memory_space<vmem_shared>>
    tpu.enqueue_indirect_dma source(%dma_start3A_72 : memref<10240x8xf32, #tpu.memory_space<vmem_shared>>) target(%dma_start3A_66 : memref<128x8xf32, #tpu.memory_space<vmem>>) offsets(%dma_start3A_69 : memref<128xi32, #tpu.memory_space<vmem>>) semaphore(%arg14 : memref<!tpu.dma_semaphore, #tpu.memory_space<semaphore_mem>>)
    %dma_start3A_73 = arith.constant 2 : i32
    %dma_start3A_74 = arith.constant 2 : i32
    %dma_start3A_75 = arith.constant 0 : i32
    %dma_start3A_76 = arith.constant 0 : i32
    %dma_start3A_77 = tpu.memref_slice %arg9[%dma_start3A_74, %dma_start3A_75, %dma_start3A_76] : memref<80x128x8xf32, #tpu.memory_space<vmem>> -> memref<1x128x8xf32, #tpu.memory_space<vmem>>
    %dma_start3A_78 = tpu.memref_squeeze %dma_start3A_77 : memref<1x128x8xf32, #tpu.memory_space<vmem>> -> memref<128x8xf32, #tpu.memory_space<vmem>>
    %dma_start3A_79 = arith.constant 0 : i32
    %dma_start3A_80 = tpu.memref_slice %arg7[%dma_start3A_73, %dma_start3A_79] : memref<80x128xi32, #tpu.memory_space<vmem>> -> memref<1x128xi32, #tpu.memory_space<vmem>>
    %dma_start3A_81 = tpu.memref_squeeze %dma_start3A_80 : memref<1x128xi32, #tpu.memory_space<vmem>> -> memref<128xi32, #tpu.memory_space<vmem>>
    %dma_start3A_82 = arith.constant 0 : i32
    %dma_start3A_83 = arith.constant 0 : i32
    %dma_start3A_84 = tpu.memref_slice %arg11[%dma_start3A_82, %dma_start3A_83] : memref<10240x8xf32, #tpu.memory_space<vmem_shared>> -> memref<10240x8xf32, #tpu.memory_space<vmem_shared>>
    tpu.enqueue_indirect_dma source(%dma_start3A_84 : memref<10240x8xf32, #tpu.memory_space<vmem_shared>>) target(%dma_start3A_78 : memref<128x8xf32, #tpu.memory_space<vmem>>) offsets(%dma_start3A_81 : memref<128xi32, #tpu.memory_space<vmem>>) semaphore(%arg15 : memref<!tpu.dma_semaphore, #tpu.memory_space<semaphore_mem>>)
    %dma_start3A_85 = arith.constant 3 : i32
    %dma_start3A_86 = arith.constant 3 : i32
    %dma_start3A_87 = arith.constant 0 : i32
    %dma_start3A_88 = arith.constant 0 : i32
    %dma_start3A_89 = tpu.memref_slice %arg9[%dma_start3A_86, %dma_start3A_87, %dma_start3A_88] : memref<80x128x8xf32, #tpu.memory_space<vmem>> -> memref<1x128x8xf32, #tpu.memory_space<vmem>>
    %dma_start3A_90 = tpu.memref_squeeze %dma_start3A_89 : memref<1x128x8xf32, #tpu.memory_space<vmem>> -> memref<128x8xf32, #tpu.memory_space<vmem>>
    %dma_start3A_91 = arith.constant 0 : i32
    %dma_start3A_92 = tpu.memref_slice %arg7[%dma_start3A_85, %dma_start3A_91] : memref<80x128xi32, #tpu.memory_space<vmem>> -> memref<1x128xi32, #tpu.memory_space<vmem>>
    %dma_start3A_93 = tpu.memref_squeeze %dma_start3A_92 : memref<1x128xi32, #tpu.memory_space<vmem>> -> memref<128xi32, #tpu.memory_space<vmem>>
    %dma_start3A_94 = arith.constant 0 : i32
    %dma_start3A_95 = arith.constant 0 : i32
    %dma_start3A_96 = tpu.memref_slice %arg11[%dma_start3A_94, %dma_start3A_95] : memref<10240x8xf32, #tpu.memory_space<vmem_shared>> -> memref<10240x8xf32, #tpu.memory_space<vmem_shared>>
    tpu.enqueue_indirect_dma source(%dma_start3A_96 : memref<10240x8xf32, #tpu.memory_space<vmem_shared>>) target(%dma_start3A_90 : memref<128x8xf32, #tpu.memory_space<vmem>>) offsets(%dma_start3A_93 : memref<128xi32, #tpu.memory_space<vmem>>) semaphore(%arg16 : memref<!tpu.dma_semaphore, #tpu.memory_space<semaphore_mem>>)
    %dma_start3A_97 = arith.constant 4 : i32
    %dma_start3A_98 = arith.constant 4 : i32
    %dma_start3A_99 = arith.constant 0 : i32
    %dma_start3A_100 = arith.constant 0 : i32
    %dma_start3A_101 = tpu.memref_slice %arg9[%dma_start3A_98, %dma_start3A_99, %dma_start3A_100] : memref<80x128x8xf32, #tpu.memory_space<vmem>> -> memref<1x128x8xf32, #tpu.memory_space<vmem>>
    %dma_start3A_102 = tpu.memref_squeeze %dma_start3A_101 : memref<1x128x8xf32, #tpu.memory_space<vmem>> -> memref<128x8xf32, #tpu.memory_space<vmem>>
    %dma_start3A_103 = arith.constant 0 : i32
    %dma_start3A_104 = tpu.memref_slice %arg7[%dma_start3A_97, %dma_start3A_103] : memref<80x128xi32, #tpu.memory_space<vmem>> -> memref<1x128xi32, #tpu.memory_space<vmem>>
    %dma_start3A_105 = tpu.memref_squeeze %dma_start3A_104 : memref<1x128xi32, #tpu.memory_space<vmem>> -> memref<128xi32, #tpu.memory_space<vmem>>
    %dma_start3A_106 = arith.constant 0 : i32
    %dma_start3A_107 = arith.constant 0 : i32
    %dma_start3A_108 = tpu.memref_slice %arg11[%dma_start3A_106, %dma_start3A_107] : memref<10240x8xf32, #tpu.memory_space<vmem_shared>> -> memref<10240x8xf32, #tpu.memory_space<vmem_shared>>
    tpu.enqueue_indirect_dma source(%dma_start3A_108 : memref<10240x8xf32, #tpu.memory_space<vmem_shared>>) target(%dma_start3A_102 : memref<128x8xf32, #tpu.memory_space<vmem>>) offsets(%dma_start3A_105 : memref<128xi32, #tpu.memory_space<vmem>>) semaphore(%arg17 : memref<!tpu.dma_semaphore, #tpu.memory_space<semaphore_mem>>)
    %dma_start3A_109 = arith.constant 5 : i32
    %dma_start3A_110 = arith.constant 5 : i32
    %dma_start3A_111 = arith.constant 0 : i32
    %dma_start3A_112 = arith.constant 0 : i32
    %dma_start3A_113 = tpu.memref_slice %arg9[%dma_start3A_110, %dma_start3A_111, %dma_start3A_112] : memref<80x128x8xf32, #tpu.memory_space<vmem>> -> memref<1x128x8xf32, #tpu.memory_space<vmem>>
    %dma_start3A_114 = tpu.memref_squeeze %dma_start3A_113 : memref<1x128x8xf32, #tpu.memory_space<vmem>> -> memref<128x8xf32, #tpu.memory_space<vmem>>
    %dma_start3A_115 = arith.constant 0 : i32
    %dma_start3A_116 = tpu.memref_slice %arg7[%dma_start3A_109, %dma_start3A_115] : memref<80x128xi32, #tpu.memory_space<vmem>> -> memref<1x128xi32, #tpu.memory_space<vmem>>
    %dma_start3A_117 = tpu.memref_squeeze %dma_start3A_116 : memref<1x128xi32, #tpu.memory_space<vmem>> -> memref<128xi32, #tpu.memory_space<vmem>>
    %dma_start3A_118 = arith.constant 0 : i32
    %dma_start3A_119 = arith.constant 0 : i32
    %dma_start3A_120 = tpu.memref_slice %arg11[%dma_start3A_118, %dma_start3A_119] : memref<10240x8xf32, #tpu.memory_space<vmem_shared>> -> memref<10240x8xf32, #tpu.memory_space<vmem_shared>>
    tpu.enqueue_indirect_dma source(%dma_start3A_120 : memref<10240x8xf32, #tpu.memory_space<vmem_shared>>) target(%dma_start3A_114 : memref<128x8xf32, #tpu.memory_space<vmem>>) offsets(%dma_start3A_117 : memref<128xi32, #tpu.memory_space<vmem>>) semaphore(%arg18 : memref<!tpu.dma_semaphore, #tpu.memory_space<semaphore_mem>>)
    %dma_start3A_121 = arith.constant 6 : i32
    %dma_start3A_122 = arith.constant 6 : i32
    %dma_start3A_123 = arith.constant 0 : i32
    %dma_start3A_124 = arith.constant 0 : i32
    %dma_start3A_125 = tpu.memref_slice %arg9[%dma_start3A_122, %dma_start3A_123, %dma_start3A_124] : memref<80x128x8xf32, #tpu.memory_space<vmem>> -> memref<1x128x8xf32, #tpu.memory_space<vmem>>
    %dma_start3A_126 = tpu.memref_squeeze %dma_start3A_125 : memref<1x128x8xf32, #tpu.memory_space<vmem>> -> memref<128x8xf32, #tpu.memory_space<vmem>>
    %dma_start3A_127 = arith.constant 0 : i32
    %dma_start3A_128 = tpu.memref_slice %arg7[%dma_start3A_121, %dma_start3A_127] : memref<80x128xi32, #tpu.memory_space<vmem>> -> memref<1x128xi32, #tpu.memory_space<vmem>>
    %dma_start3A_129 = tpu.memref_squeeze %dma_start3A_128 : memref<1x128xi32, #tpu.memory_space<vmem>> -> memref<128xi32, #tpu.memory_space<vmem>>
    %dma_start3A_130 = arith.constant 0 : i32
    %dma_start3A_131 = arith.constant 0 : i32
    %dma_start3A_132 = tpu.memref_slice %arg11[%dma_start3A_130, %dma_start3A_131] : memref<10240x8xf32, #tpu.memory_space<vmem_shared>> -> memref<10240x8xf32, #tpu.memory_space<vmem_shared>>
    tpu.enqueue_indirect_dma source(%dma_start3A_132 : memref<10240x8xf32, #tpu.memory_space<vmem_shared>>) target(%dma_start3A_126 : memref<128x8xf32, #tpu.memory_space<vmem>>) offsets(%dma_start3A_129 : memref<128xi32, #tpu.memory_space<vmem>>) semaphore(%arg19 : memref<!tpu.dma_semaphore, #tpu.memory_space<semaphore_mem>>)
    %dma_start3A_133 = arith.constant 7 : i32
    %dma_start3A_134 = arith.constant 7 : i32
    %dma_start3A_135 = arith.constant 0 : i32
    %dma_start3A_136 = arith.constant 0 : i32
    %dma_start3A_137 = tpu.memref_slice %arg9[%dma_start3A_134, %dma_start3A_135, %dma_start3A_136] : memref<80x128x8xf32, #tpu.memory_space<vmem>> -> memref<1x128x8xf32, #tpu.memory_space<vmem>>
    %dma_start3A_138 = tpu.memref_squeeze %dma_start3A_137 : memref<1x128x8xf32, #tpu.memory_space<vmem>> -> memref<128x8xf32, #tpu.memory_space<vmem>>
    %dma_start3A_139 = arith.constant 0 : i32
    %dma_start3A_140 = tpu.memref_slice %arg7[%dma_start3A_133, %dma_start3A_139] : memref<80x128xi32, #tpu.memory_space<vmem>> -> memref<1x128xi32, #tpu.memory_space<vmem>>
    %dma_start3A_141 = tpu.memref_squeeze %dma_start3A_140 : memref<1x128xi32, #tpu.memory_space<vmem>> -> memref<128xi32, #tpu.memory_space<vmem>>
    %dma_start3A_142 = arith.constant 0 : i32
    %dma_start3A_143 = arith.constant 0 : i32
    %dma_start3A_144 = tpu.memref_slice %arg11[%dma_start3A_142, %dma_start3A_143] : memref<10240x8xf32, #tpu.memory_space<vmem_shared>> -> memref<10240x8xf32, #tpu.memory_space<vmem_shared>>
    tpu.enqueue_indirect_dma source(%dma_start3A_144 : memref<10240x8xf32, #tpu.memory_space<vmem_shared>>) target(%dma_start3A_138 : memref<128x8xf32, #tpu.memory_space<vmem>>) offsets(%dma_start3A_141 : memref<128xi32, #tpu.memory_space<vmem>>) semaphore(%arg20 : memref<!tpu.dma_semaphore, #tpu.memory_space<semaphore_mem>>)
    %dma_start3A_145 = arith.constant 8 : i32
    %dma_start3A_146 = arith.constant 8 : i32
    %dma_start3A_147 = arith.constant 0 : i32
    %dma_start3A_148 = arith.constant 0 : i32
    %dma_start3A_149 = tpu.memref_slice %arg9[%dma_start3A_146, %dma_start3A_147, %dma_start3A_148] : memref<80x128x8xf32, #tpu.memory_space<vmem>> -> memref<1x128x8xf32, #tpu.memory_space<vmem>>
    %dma_start3A_150 = tpu.memref_squeeze %dma_start3A_149 : memref<1x128x8xf32, #tpu.memory_space<vmem>> -> memref<128x8xf32, #tpu.memory_space<vmem>>
    %dma_start3A_151 = arith.constant 0 : i32
    %dma_start3A_152 = tpu.memref_slice %arg7[%dma_start3A_145, %dma_start3A_151] : memref<80x128xi32, #tpu.memory_space<vmem>> -> memref<1x128xi32, #tpu.memory_space<vmem>>
    %dma_start3A_153 = tpu.memref_squeeze %dma_start3A_152 : memref<1x128xi32, #tpu.memory_space<vmem>> -> memref<128xi32, #tpu.memory_space<vmem>>
    %dma_start3A_154 = arith.constant 0 : i32
    %dma_start3A_155 = arith.constant 0 : i32
    %dma_start3A_156 = tpu.memref_slice %arg11[%dma_start3A_154, %dma_start3A_155] : memref<10240x8xf32, #tpu.memory_space<vmem_shared>> -> memref<10240x8xf32, #tpu.memory_space<vmem_shared>>
    tpu.enqueue_indirect_dma source(%dma_start3A_156 : memref<10240x8xf32, #tpu.memory_space<vmem_shared>>) target(%dma_start3A_150 : memref<128x8xf32, #tpu.memory_space<vmem>>) offsets(%dma_start3A_153 : memref<128xi32, #tpu.memory_space<vmem>>) semaphore(%arg21 : memref<!tpu.dma_semaphore, #tpu.memory_space<semaphore_mem>>)
    %dma_start3A_157 = arith.constant 9 : i32
    %dma_start3A_158 = arith.constant 9 : i32
    %dma_start3A_159 = arith.constant 0 : i32
    %dma_start3A_160 = arith.constant 0 : i32
    %dma_start3A_161 = tpu.memref_slice %arg9[%dma_start3A_158, %dma_start3A_159, %dma_start3A_160] : memref<80x128x8xf32, #tpu.memory_space<vmem>> -> memref<1x128x8xf32, #tpu.memory_space<vmem>>
    %dma_start3A_162 = tpu.memref_squeeze %dma_start3A_161 : memref<1x128x8xf32, #tpu.memory_space<vmem>> -> memref<128x8xf32, #tpu.memory_space<vmem>>
    %dma_start3A_163 = arith.constant 0 : i32
    %dma_start3A_164 = tpu.memref_slice %arg7[%dma_start3A_157, %dma_start3A_163] : memref<80x128xi32, #tpu.memory_space<vmem>> -> memref<1x128xi32, #tpu.memory_space<vmem>>
    %dma_start3A_165 = tpu.memref_squeeze %dma_start3A_164 : memref<1x128xi32, #tpu.memory_space<vmem>> -> memref<128xi32, #tpu.memory_space<vmem>>
    %dma_start3A_166 = arith.constant 0 : i32
    %dma_start3A_167 = arith.constant 0 : i32
    %dma_start3A_168 = tpu.memref_slice %arg11[%dma_start3A_166, %dma_start3A_167] : memref<10240x8xf32, #tpu.memory_space<vmem_shared>> -> memref<10240x8xf32, #tpu.memory_space<vmem_shared>>
    tpu.enqueue_indirect_dma source(%dma_start3A_168 : memref<10240x8xf32, #tpu.memory_space<vmem_shared>>) target(%dma_start3A_162 : memref<128x8xf32, #tpu.memory_space<vmem>>) offsets(%dma_start3A_165 : memref<128xi32, #tpu.memory_space<vmem>>) semaphore(%arg22 : memref<!tpu.dma_semaphore, #tpu.memory_space<semaphore_mem>>)
    %dma_start3A_169 = arith.constant 10 : i32
    %dma_start3A_170 = arith.constant 10 : i32
    %dma_start3A_171 = arith.constant 0 : i32
    %dma_start3A_172 = arith.constant 0 : i32
    %dma_start3A_173 = tpu.memref_slice %arg9[%dma_start3A_170, %dma_start3A_171, %dma_start3A_172] : memref<80x128x8xf32, #tpu.memory_space<vmem>> -> memref<1x128x8xf32, #tpu.memory_space<vmem>>
    %dma_start3A_174 = tpu.memref_squeeze %dma_start3A_173 : memref<1x128x8xf32, #tpu.memory_space<vmem>> -> memref<128x8xf32, #tpu.memory_space<vmem>>
    %dma_start3A_175 = arith.constant 0 : i32
    %dma_start3A_176 = tpu.memref_slice %arg7[%dma_start3A_169, %dma_start3A_175] : memref<80x128xi32, #tpu.memory_space<vmem>> -> memref<1x128xi32, #tpu.memory_space<vmem>>
    %dma_start3A_177 = tpu.memref_squeeze %dma_start3A_176 : memref<1x128xi32, #tpu.memory_space<vmem>> -> memref<128xi32, #tpu.memory_space<vmem>>
    %dma_start3A_178 = arith.constant 0 : i32
    %dma_start3A_179 = arith.constant 0 : i32
    %dma_start3A_180 = tpu.memref_slice %arg11[%dma_start3A_178, %dma_start3A_179] : memref<10240x8xf32, #tpu.memory_space<vmem_shared>> -> memref<10240x8xf32, #tpu.memory_space<vmem_shared>>
    tpu.enqueue_indirect_dma source(%dma_start3A_180 : memref<10240x8xf32, #tpu.memory_space<vmem_shared>>) target(%dma_start3A_174 : memref<128x8xf32, #tpu.memory_space<vmem>>) offsets(%dma_start3A_177 : memref<128xi32, #tpu.memory_space<vmem>>) semaphore(%arg23 : memref<!tpu.dma_semaphore, #tpu.memory_space<semaphore_mem>>)
    %dma_start3A_181 = arith.constant 11 : i32
    %dma_start3A_182 = arith.constant 11 : i32
    %dma_start3A_183 = arith.constant 0 : i32
    %dma_start3A_184 = arith.constant 0 : i32
    %dma_start3A_185 = tpu.memref_slice %arg9[%dma_start3A_182, %dma_start3A_183, %dma_start3A_184] : memref<80x128x8xf32, #tpu.memory_space<vmem>> -> memref<1x128x8xf32, #tpu.memory_space<vmem>>
    %dma_start3A_186 = tpu.memref_squeeze %dma_start3A_185 : memref<1x128x8xf32, #tpu.memory_space<vmem>> -> memref<128x8xf32, #tpu.memory_space<vmem>>
    %dma_start3A_187 = arith.constant 0 : i32
    %dma_start3A_188 = tpu.memref_slice %arg7[%dma_start3A_181, %dma_start3A_187] : memref<80x128xi32, #tpu.memory_space<vmem>> -> memref<1x128xi32, #tpu.memory_space<vmem>>
    %dma_start3A_189 = tpu.memref_squeeze %dma_start3A_188 : memref<1x128xi32, #tpu.memory_space<vmem>> -> memref<128xi32, #tpu.memory_space<vmem>>
    %dma_start3A_190 = arith.constant 0 : i32
    %dma_start3A_191 = arith.constant 0 : i32
    %dma_start3A_192 = tpu.memref_slice %arg11[%dma_start3A_190, %dma_start3A_191] : memref<10240x8xf32, #tpu.memory_space<vmem_shared>> -> memref<10240x8xf32, #tpu.memory_space<vmem_shared>>
    tpu.enqueue_indirect_dma source(%dma_start3A_192 : memref<10240x8xf32, #tpu.memory_space<vmem_shared>>) target(%dma_start3A_186 : memref<128x8xf32, #tpu.memory_space<vmem>>) offsets(%dma_start3A_189 : memref<128xi32, #tpu.memory_space<vmem>>) semaphore(%arg24 : memref<!tpu.dma_semaphore, #tpu.memory_space<semaphore_mem>>)
    %dma_start3A_193 = arith.constant 12 : i32
    %dma_start3A_194 = arith.constant 12 : i32
    %dma_start3A_195 = arith.constant 0 : i32
    %dma_start3A_196 = arith.constant 0 : i32
    %dma_start3A_197 = tpu.memref_slice %arg9[%dma_start3A_194, %dma_start3A_195, %dma_start3A_196] : memref<80x128x8xf32, #tpu.memory_space<vmem>> -> memref<1x128x8xf32, #tpu.memory_space<vmem>>
    %dma_start3A_198 = tpu.memref_squeeze %dma_start3A_197 : memref<1x128x8xf32, #tpu.memory_space<vmem>> -> memref<128x8xf32, #tpu.memory_space<vmem>>
    %dma_start3A_199 = arith.constant 0 : i32
    %dma_start3A_200 = tpu.memref_slice %arg7[%dma_start3A_193, %dma_start3A_199] : memref<80x128xi32, #tpu.memory_space<vmem>> -> memref<1x128xi32, #tpu.memory_space<vmem>>
    %dma_start3A_201 = tpu.memref_squeeze %dma_start3A_200 : memref<1x128xi32, #tpu.memory_space<vmem>> -> memref<128xi32, #tpu.memory_space<vmem>>
    %dma_start3A_202 = arith.constant 0 : i32
    %dma_start3A_203 = arith.constant 0 : i32
    %dma_start3A_204 = tpu.memref_slice %arg11[%dma_start3A_202, %dma_start3A_203] : memref<10240x8xf32, #tpu.memory_space<vmem_shared>> -> memref<10240x8xf32, #tpu.memory_space<vmem_shared>>
    tpu.enqueue_indirect_dma source(%dma_start3A_204 : memref<10240x8xf32, #tpu.memory_space<vmem_shared>>) target(%dma_start3A_198 : memref<128x8xf32, #tpu.memory_space<vmem>>) offsets(%dma_start3A_201 : memref<128xi32, #tpu.memory_space<vmem>>) semaphore(%arg25 : memref<!tpu.dma_semaphore, #tpu.memory_space<semaphore_mem>>)
    %dma_start3A_205 = arith.constant 13 : i32
    %dma_start3A_206 = arith.constant 13 : i32
    %dma_start3A_207 = arith.constant 0 : i32
    %dma_start3A_208 = arith.constant 0 : i32
    %dma_start3A_209 = tpu.memref_slice %arg9[%dma_start3A_206, %dma_start3A_207, %dma_start3A_208] : memref<80x128x8xf32, #tpu.memory_space<vmem>> -> memref<1x128x8xf32, #tpu.memory_space<vmem>>
    %dma_start3A_210 = tpu.memref_squeeze %dma_start3A_209 : memref<1x128x8xf32, #tpu.memory_space<vmem>> -> memref<128x8xf32, #tpu.memory_space<vmem>>
    %dma_start3A_211 = arith.constant 0 : i32
    %dma_start3A_212 = tpu.memref_slice %arg7[%dma_start3A_205, %dma_start3A_211] : memref<80x128xi32, #tpu.memory_space<vmem>> -> memref<1x128xi32, #tpu.memory_space<vmem>>
    %dma_start3A_213 = tpu.memref_squeeze %dma_start3A_212 : memref<1x128xi32, #tpu.memory_space<vmem>> -> memref<128xi32, #tpu.memory_space<vmem>>
    %dma_start3A_214 = arith.constant 0 : i32
    %dma_start3A_215 = arith.constant 0 : i32
    %dma_start3A_216 = tpu.memref_slice %arg11[%dma_start3A_214, %dma_start3A_215] : memref<10240x8xf32, #tpu.memory_space<vmem_shared>> -> memref<10240x8xf32, #tpu.memory_space<vmem_shared>>
    tpu.enqueue_indirect_dma source(%dma_start3A_216 : memref<10240x8xf32, #tpu.memory_space<vmem_shared>>) target(%dma_start3A_210 : memref<128x8xf32, #tpu.memory_space<vmem>>) offsets(%dma_start3A_213 : memref<128xi32, #tpu.memory_space<vmem>>) semaphore(%arg26 : memref<!tpu.dma_semaphore, #tpu.memory_space<semaphore_mem>>)
    %dma_start3A_217 = arith.constant 14 : i32
    %dma_start3A_218 = arith.constant 14 : i32
    %dma_start3A_219 = arith.constant 0 : i32
    %dma_start3A_220 = arith.constant 0 : i32
    %dma_start3A_221 = tpu.memref_slice %arg9[%dma_start3A_218, %dma_start3A_219, %dma_start3A_220] : memref<80x128x8xf32, #tpu.memory_space<vmem>> -> memref<1x128x8xf32, #tpu.memory_space<vmem>>
    %dma_start3A_222 = tpu.memref_squeeze %dma_start3A_221 : memref<1x128x8xf32, #tpu.memory_space<vmem>> -> memref<128x8xf32, #tpu.memory_space<vmem>>
    %dma_start3A_223 = arith.constant 0 : i32
    %dma_start3A_224 = tpu.memref_slice %arg7[%dma_start3A_217, %dma_start3A_223] : memref<80x128xi32, #tpu.memory_space<vmem>> -> memref<1x128xi32, #tpu.memory_space<vmem>>
    %dma_start3A_225 = tpu.memref_squeeze %dma_start3A_224 : memref<1x128xi32, #tpu.memory_space<vmem>> -> memref<128xi32, #tpu.memory_space<vmem>>
    %dma_start3A_226 = arith.constant 0 : i32
    %dma_start3A_227 = arith.constant 0 : i32
    %dma_start3A_228 = tpu.memref_slice %arg11[%dma_start3A_226, %dma_start3A_227] : memref<10240x8xf32, #tpu.memory_space<vmem_shared>> -> memref<10240x8xf32, #tpu.memory_space<vmem_shared>>
    tpu.enqueue_indirect_dma source(%dma_start3A_228 : memref<10240x8xf32, #tpu.memory_space<vmem_shared>>) target(%dma_start3A_222 : memref<128x8xf32, #tpu.memory_space<vmem>>) offsets(%dma_start3A_225 : memref<128xi32, #tpu.memory_space<vmem>>) semaphore(%arg27 : memref<!tpu.dma_semaphore, #tpu.memory_space<semaphore_mem>>)
    %dma_start3A_229 = arith.constant 15 : i32
    %dma_start3A_230 = arith.constant 15 : i32
    %dma_start3A_231 = arith.constant 0 : i32
    %dma_start3A_232 = arith.constant 0 : i32
    %dma_start3A_233 = tpu.memref_slice %arg9[%dma_start3A_230, %dma_start3A_231, %dma_start3A_232] : memref<80x128x8xf32, #tpu.memory_space<vmem>> -> memref<1x128x8xf32, #tpu.memory_space<vmem>>
    %dma_start3A_234 = tpu.memref_squeeze %dma_start3A_233 : memref<1x128x8xf32, #tpu.memory_space<vmem>> -> memref<128x8xf32, #tpu.memory_space<vmem>>
    %dma_start3A_235 = arith.constant 0 : i32
    %dma_start3A_236 = tpu.memref_slice %arg7[%dma_start3A_229, %dma_start3A_235] : memref<80x128xi32, #tpu.memory_space<vmem>> -> memref<1x128xi32, #tpu.memory_space<vmem>>
    %dma_start3A_237 = tpu.memref_squeeze %dma_start3A_236 : memref<1x128xi32, #tpu.memory_space<vmem>> -> memref<128xi32, #tpu.memory_space<vmem>>
    %dma_start3A_238 = arith.constant 0 : i32
    %dma_start3A_239 = arith.constant 0 : i32
    %dma_start3A_240 = tpu.memref_slice %arg11[%dma_start3A_238, %dma_start3A_239] : memref<10240x8xf32, #tpu.memory_space<vmem_shared>> -> memref<10240x8xf32, #tpu.memory_space<vmem_shared>>
    tpu.enqueue_indirect_dma source(%dma_start3A_240 : memref<10240x8xf32, #tpu.memory_space<vmem_shared>>) target(%dma_start3A_234 : memref<128x8xf32, #tpu.memory_space<vmem>>) offsets(%dma_start3A_237 : memref<128xi32, #tpu.memory_space<vmem>>) semaphore(%arg28 : memref<!tpu.dma_semaphore, #tpu.memory_space<semaphore_mem>>)
    %scan3A = arith.constant 0 : i32
    %scan3A_241 = arith.constant 0 : i32
    %scan3A_242 = arith.constant 5 : i32
    %scan3A_243 = arith.addi %scan3A_241, %scan3A_242 : i32
    %scan3A_244 = arith.constant 1 : i32
    scf.for %scan3A_253 = %scan3A_241 to %scan3A_243 step %scan3A_244  : i32 {
      %mul3A_254 = arith.constant 16 : i32
      %mul3A_255 = arith.muli %scan3A_253, %mul3A_254 : i32
      %add3A_256 = arith.constant 0 : i32
      %add3A_257 = arith.addi %mul3A_255, %add3A_256 : i32
      %dma_wait3A_258 = arith.constant 0 : i32
      %dma_wait3A_259 = arith.constant 0 : i32
      %dma_wait3A_260 = tpu.memref_slice %arg9[%add3A_257, %dma_wait3A_258, %dma_wait3A_259] : memref<80x128x8xf32, #tpu.memory_space<vmem>> -> memref<1x128x8xf32, #tpu.memory_space<vmem>>
      %dma_wait3A_261 = tpu.memref_squeeze %dma_wait3A_260 : memref<1x128x8xf32, #tpu.memory_space<vmem>> -> memref<128x8xf32, #tpu.memory_space<vmem>>
      %dma_wait3A_262 = arith.constant 0 : i32
      %dma_wait3A_263 = tpu.memref_slice %arg7[%add3A_257, %dma_wait3A_262] : memref<80x128xi32, #tpu.memory_space<vmem>> -> memref<1x128xi32, #tpu.memory_space<vmem>>
      %dma_wait3A_264 = tpu.memref_squeeze %dma_wait3A_263 : memref<1x128xi32, #tpu.memory_space<vmem>> -> memref<128xi32, #tpu.memory_space<vmem>>
      %dma_wait3A_265 = arith.constant 0 : i32
      %dma_wait3A_266 = arith.constant 0 : i32
      %dma_wait3A_267 = tpu.memref_slice %arg11[%dma_wait3A_265, %dma_wait3A_266] : memref<10240x8xf32, #tpu.memory_space<vmem_shared>> -> memref<10240x8xf32, #tpu.memory_space<vmem_shared>>
      tpu.wait_indirect_dma semaphore(%arg13 : memref<!tpu.dma_semaphore, #tpu.memory_space<semaphore_mem>>) src(%dma_wait3A_267 : memref<10240x8xf32, #tpu.memory_space<vmem_shared>>) dst(%dma_wait3A_261 : memref<128x8xf32, #tpu.memory_space<vmem>>)
      %dma_start3A_268 = arith.constant 0 : i32
      %dma_start3A_269 = arith.constant 0 : i32
      %dma_start3A_270 = tpu.memref_slice %arg9[%add3A_257, %dma_start3A_268, %dma_start3A_269] : memref<80x128x8xf32, #tpu.memory_space<vmem>> -> memref<1x128x8xf32, #tpu.memory_space<vmem>>
      %dma_start3A_271 = tpu.memref_squeeze %dma_start3A_270 : memref<1x128x8xf32, #tpu.memory_space<vmem>> -> memref<128x8xf32, #tpu.memory_space<vmem>>
      %dma_start3A_272 = arith.constant 0 : i32
      %dma_start3A_273 = tpu.memref_slice %arg8[%add3A_257, %dma_start3A_272] : memref<80x128xi32, #tpu.memory_space<vmem>> -> memref<1x128xi32, #tpu.memory_space<vmem>>
      %dma_start3A_274 = tpu.memref_squeeze %dma_start3A_273 : memref<1x128xi32, #tpu.memory_space<vmem>> -> memref<128xi32, #tpu.memory_space<vmem>>
      %dma_start3A_275 = arith.constant 0 : i32
      %dma_start3A_276 = arith.constant 0 : i32
      %dma_start3A_277 = tpu.memref_slice %arg10[%dma_start3A_275, %dma_start3A_276] : memref<10240x8xf32, #tpu.memory_space<vmem_shared>> -> memref<10240x8xf32, #tpu.memory_space<vmem_shared>>
      tpu.enqueue_indirect_dma source(%dma_start3A_271 : memref<128x8xf32, #tpu.memory_space<vmem>>) target(%dma_start3A_277 : memref<10240x8xf32, #tpu.memory_space<vmem_shared>>) offsets(%dma_start3A_274 : memref<128xi32, #tpu.memory_space<vmem>>) semaphore(%arg12 : memref<!tpu.dma_semaphore, #tpu.memory_space<semaphore_mem>>) {add = true}
      %lt3A = arith.constant 4 : i32
      %lt3A_278 = arith.cmpi slt, %scan3A_253, %lt3A : i32
      %convert_element_type3A = arith.extui %lt3A_278 : i1 to i32
      %cond3A = arith.constant 0 : i32
      %cond3A_279 = arith.cmpi ne, %convert_element_type3A, %cond3A : i32
      scf.if %cond3A_279 {
        %add3A_715 = arith.constant 16 : i32
        %add3A_716 = arith.addi %add3A_257, %add3A_715 : i32
        %add3A_717 = arith.constant 16 : i32
        %add3A_718 = arith.addi %add3A_257, %add3A_717 : i32
        %dma_start3A_719 = arith.constant 0 : i32
        %dma_start3A_720 = arith.constant 0 : i32
        %dma_start3A_721 = tpu.memref_slice %arg9[%add3A_718, %dma_start3A_719, %dma_start3A_720] : memref<80x128x8xf32, #tpu.memory_space<vmem>> -> memref<1x128x8xf32, #tpu.memory_space<vmem>>
        %dma_start3A_722 = tpu.memref_squeeze %dma_start3A_721 : memref<1x128x8xf32, #tpu.memory_space<vmem>> -> memref<128x8xf32, #tpu.memory_space<vmem>>
        %dma_start3A_723 = arith.constant 0 : i32
        %dma_start3A_724 = tpu.memref_slice %arg7[%add3A_716, %dma_start3A_723] : memref<80x128xi32, #tpu.memory_space<vmem>> -> memref<1x128xi32, #tpu.memory_space<vmem>>
        %dma_start3A_725 = tpu.memref_squeeze %dma_start3A_724 : memref<1x128xi32, #tpu.memory_space<vmem>> -> memref<128xi32, #tpu.memory_space<vmem>>
        %dma_start3A_726 = arith.constant 0 : i32
        %dma_start3A_727 = arith.constant 0 : i32
        %dma_start3A_728 = tpu.memref_slice %arg11[%dma_start3A_726, %dma_start3A_727] : memref<10240x8xf32, #tpu.memory_space<vmem_shared>> -> memref<10240x8xf32, #tpu.memory_space<vmem_shared>>
        tpu.enqueue_indirect_dma source(%dma_start3A_728 : memref<10240x8xf32, #tpu.memory_space<vmem_shared>>) target(%dma_start3A_722 : memref<128x8xf32, #tpu.memory_space<vmem>>) offsets(%dma_start3A_725 : memref<128xi32, #tpu.memory_space<vmem>>) semaphore(%arg13 : memref<!tpu.dma_semaphore, #tpu.memory_space<semaphore_mem>>)
      } else {
      }
      %mul3A_280 = arith.constant 16 : i32
      %mul3A_281 = arith.muli %scan3A_253, %mul3A_280 : i32
      %add3A_282 = arith.constant 1 : i32
      %add3A_283 = arith.addi %mul3A_281, %add3A_282 : i32
      %dma_wait3A_284 = arith.constant 0 : i32
      %dma_wait3A_285 = arith.constant 0 : i32
      %dma_wait3A_286 = tpu.memref_slice %arg9[%add3A_283, %dma_wait3A_284, %dma_wait3A_285] : memref<80x128x8xf32, #tpu.memory_space<vmem>> -> memref<1x128x8xf32, #tpu.memory_space<vmem>>
      %dma_wait3A_287 = tpu.memref_squeeze %dma_wait3A_286 : memref<1x128x8xf32, #tpu.memory_space<vmem>> -> memref<128x8xf32, #tpu.memory_space<vmem>>
      %dma_wait3A_288 = arith.constant 0 : i32
      %dma_wait3A_289 = tpu.memref_slice %arg7[%add3A_283, %dma_wait3A_288] : memref<80x128xi32, #tpu.memory_space<vmem>> -> memref<1x128xi32, #tpu.memory_space<vmem>>
      %dma_wait3A_290 = tpu.memref_squeeze %dma_wait3A_289 : memref<1x128xi32, #tpu.memory_space<vmem>> -> memref<128xi32, #tpu.memory_space<vmem>>
      %dma_wait3A_291 = arith.constant 0 : i32
      %dma_wait3A_292 = arith.constant 0 : i32
      %dma_wait3A_293 = tpu.memref_slice %arg11[%dma_wait3A_291, %dma_wait3A_292] : memref<10240x8xf32, #tpu.memory_space<vmem_shared>> -> memref<10240x8xf32, #tpu.memory_space<vmem_shared>>
      tpu.wait_indirect_dma semaphore(%arg14 : memref<!tpu.dma_semaphore, #tpu.memory_space<semaphore_mem>>) src(%dma_wait3A_293 : memref<10240x8xf32, #tpu.memory_space<vmem_shared>>) dst(%dma_wait3A_287 : memref<128x8xf32, #tpu.memory_space<vmem>>)
      %dma_start3A_294 = arith.constant 0 : i32
      %dma_start3A_295 = arith.constant 0 : i32
      %dma_start3A_296 = tpu.memref_slice %arg9[%add3A_283, %dma_start3A_294, %dma_start3A_295] : memref<80x128x8xf32, #tpu.memory_space<vmem>> -> memref<1x128x8xf32, #tpu.memory_space<vmem>>
      %dma_start3A_297 = tpu.memref_squeeze %dma_start3A_296 : memref<1x128x8xf32, #tpu.memory_space<vmem>> -> memref<128x8xf32, #tpu.memory_space<vmem>>
      %dma_start3A_298 = arith.constant 0 : i32
      %dma_start3A_299 = tpu.memref_slice %arg8[%add3A_283, %dma_start3A_298] : memref<80x128xi32, #tpu.memory_space<vmem>> -> memref<1x128xi32, #tpu.memory_space<vmem>>
      %dma_start3A_300 = tpu.memref_squeeze %dma_start3A_299 : memref<1x128xi32, #tpu.memory_space<vmem>> -> memref<128xi32, #tpu.memory_space<vmem>>
      %dma_start3A_301 = arith.constant 0 : i32
      %dma_start3A_302 = arith.constant 0 : i32
      %dma_start3A_303 = tpu.memref_slice %arg10[%dma_start3A_301, %dma_start3A_302] : memref<10240x8xf32, #tpu.memory_space<vmem_shared>> -> memref<10240x8xf32, #tpu.memory_space<vmem_shared>>
      tpu.enqueue_indirect_dma source(%dma_start3A_297 : memref<128x8xf32, #tpu.memory_space<vmem>>) target(%dma_start3A_303 : memref<10240x8xf32, #tpu.memory_space<vmem_shared>>) offsets(%dma_start3A_300 : memref<128xi32, #tpu.memory_space<vmem>>) semaphore(%arg12 : memref<!tpu.dma_semaphore, #tpu.memory_space<semaphore_mem>>) {add = true}
      %lt3A_304 = arith.constant 4 : i32
      %lt3A_305 = arith.cmpi slt, %scan3A_253, %lt3A_304 : i32
      %convert_element_type3A_306 = arith.extui %lt3A_305 : i1 to i32
      %cond3A_307 = arith.constant 0 : i32
      %cond3A_308 = arith.cmpi ne, %convert_element_type3A_306, %cond3A_307 : i32
      scf.if %cond3A_308 {
        %add3A_715 = arith.constant 16 : i32
        %add3A_716 = arith.addi %add3A_283, %add3A_715 : i32
        %add3A_717 = arith.constant 16 : i32
        %add3A_718 = arith.addi %add3A_283, %add3A_717 : i32
        %dma_start3A_719 = arith.constant 0 : i32
        %dma_start3A_720 = arith.constant 0 : i32
        %dma_start3A_721 = tpu.memref_slice %arg9[%add3A_718, %dma_start3A_719, %dma_start3A_720] : memref<80x128x8xf32, #tpu.memory_space<vmem>> -> memref<1x128x8xf32, #tpu.memory_space<vmem>>
        %dma_start3A_722 = tpu.memref_squeeze %dma_start3A_721 : memref<1x128x8xf32, #tpu.memory_space<vmem>> -> memref<128x8xf32, #tpu.memory_space<vmem>>
        %dma_start3A_723 = arith.constant 0 : i32
        %dma_start3A_724 = tpu.memref_slice %arg7[%add3A_716, %dma_start3A_723] : memref<80x128xi32, #tpu.memory_space<vmem>> -> memref<1x128xi32, #tpu.memory_space<vmem>>
        %dma_start3A_725 = tpu.memref_squeeze %dma_start3A_724 : memref<1x128xi32, #tpu.memory_space<vmem>> -> memref<128xi32, #tpu.memory_space<vmem>>
        %dma_start3A_726 = arith.constant 0 : i32
        %dma_start3A_727 = arith.constant 0 : i32
        %dma_start3A_728 = tpu.memref_slice %arg11[%dma_start3A_726, %dma_start3A_727] : memref<10240x8xf32, #tpu.memory_space<vmem_shared>> -> memref<10240x8xf32, #tpu.memory_space<vmem_shared>>
        tpu.enqueue_indirect_dma source(%dma_start3A_728 : memref<10240x8xf32, #tpu.memory_space<vmem_shared>>) target(%dma_start3A_722 : memref<128x8xf32, #tpu.memory_space<vmem>>) offsets(%dma_start3A_725 : memref<128xi32, #tpu.memory_space<vmem>>) semaphore(%arg14 : memref<!tpu.dma_semaphore, #tpu.memory_space<semaphore_mem>>)
      } else {
      }
      %mul3A_309 = arith.constant 16 : i32
      %mul3A_310 = arith.muli %scan3A_253, %mul3A_309 : i32
      %add3A_311 = arith.constant 2 : i32
      %add3A_312 = arith.addi %mul3A_310, %add3A_311 : i32
      %dma_wait3A_313 = arith.constant 0 : i32
      %dma_wait3A_314 = arith.constant 0 : i32
      %dma_wait3A_315 = tpu.memref_slice %arg9[%add3A_312, %dma_wait3A_313, %dma_wait3A_314] : memref<80x128x8xf32, #tpu.memory_space<vmem>> -> memref<1x128x8xf32, #tpu.memory_space<vmem>>
      %dma_wait3A_316 = tpu.memref_squeeze %dma_wait3A_315 : memref<1x128x8xf32, #tpu.memory_space<vmem>> -> memref<128x8xf32, #tpu.memory_space<vmem>>
      %dma_wait3A_317 = arith.constant 0 : i32
      %dma_wait3A_318 = tpu.memref_slice %arg7[%add3A_312, %dma_wait3A_317] : memref<80x128xi32, #tpu.memory_space<vmem>> -> memref<1x128xi32, #tpu.memory_space<vmem>>
      %dma_wait3A_319 = tpu.memref_squeeze %dma_wait3A_318 : memref<1x128xi32, #tpu.memory_space<vmem>> -> memref<128xi32, #tpu.memory_space<vmem>>
      %dma_wait3A_320 = arith.constant 0 : i32
      %dma_wait3A_321 = arith.constant 0 : i32
      %dma_wait3A_322 = tpu.memref_slice %arg11[%dma_wait3A_320, %dma_wait3A_321] : memref<10240x8xf32, #tpu.memory_space<vmem_shared>> -> memref<10240x8xf32, #tpu.memory_space<vmem_shared>>
      tpu.wait_indirect_dma semaphore(%arg15 : memref<!tpu.dma_semaphore, #tpu.memory_space<semaphore_mem>>) src(%dma_wait3A_322 : memref<10240x8xf32, #tpu.memory_space<vmem_shared>>) dst(%dma_wait3A_316 : memref<128x8xf32, #tpu.memory_space<vmem>>)
      %dma_start3A_323 = arith.constant 0 : i32
      %dma_start3A_324 = arith.constant 0 : i32
      %dma_start3A_325 = tpu.memref_slice %arg9[%add3A_312, %dma_start3A_323, %dma_start3A_324] : memref<80x128x8xf32, #tpu.memory_space<vmem>> -> memref<1x128x8xf32, #tpu.memory_space<vmem>>
      %dma_start3A_326 = tpu.memref_squeeze %dma_start3A_325 : memref<1x128x8xf32, #tpu.memory_space<vmem>> -> memref<128x8xf32, #tpu.memory_space<vmem>>
      %dma_start3A_327 = arith.constant 0 : i32
      %dma_start3A_328 = tpu.memref_slice %arg8[%add3A_312, %dma_start3A_327] : memref<80x128xi32, #tpu.memory_space<vmem>> -> memref<1x128xi32, #tpu.memory_space<vmem>>
      %dma_start3A_329 = tpu.memref_squeeze %dma_start3A_328 : memref<1x128xi32, #tpu.memory_space<vmem>> -> memref<128xi32, #tpu.memory_space<vmem>>
      %dma_start3A_330 = arith.constant 0 : i32
      %dma_start3A_331 = arith.constant 0 : i32
      %dma_start3A_332 = tpu.memref_slice %arg10[%dma_start3A_330, %dma_start3A_331] : memref<10240x8xf32, #tpu.memory_space<vmem_shared>> -> memref<10240x8xf32, #tpu.memory_space<vmem_shared>>
      tpu.enqueue_indirect_dma source(%dma_start3A_326 : memref<128x8xf32, #tpu.memory_space<vmem>>) target(%dma_start3A_332 : memref<10240x8xf32, #tpu.memory_space<vmem_shared>>) offsets(%dma_start3A_329 : memref<128xi32, #tpu.memory_space<vmem>>) semaphore(%arg12 : memref<!tpu.dma_semaphore, #tpu.memory_space<semaphore_mem>>) {add = true}
      %lt3A_333 = arith.constant 4 : i32
      %lt3A_334 = arith.cmpi slt, %scan3A_253, %lt3A_333 : i32
      %convert_element_type3A_335 = arith.extui %lt3A_334 : i1 to i32
      %cond3A_336 = arith.constant 0 : i32
      %cond3A_337 = arith.cmpi ne, %convert_element_type3A_335, %cond3A_336 : i32
      scf.if %cond3A_337 {
        %add3A_715 = arith.constant 16 : i32
        %add3A_716 = arith.addi %add3A_312, %add3A_715 : i32
        %add3A_717 = arith.constant 16 : i32
        %add3A_718 = arith.addi %add3A_312, %add3A_717 : i32
        %dma_start3A_719 = arith.constant 0 : i32
        %dma_start3A_720 = arith.constant 0 : i32
        %dma_start3A_721 = tpu.memref_slice %arg9[%add3A_718, %dma_start3A_719, %dma_start3A_720] : memref<80x128x8xf32, #tpu.memory_space<vmem>> -> memref<1x128x8xf32, #tpu.memory_space<vmem>>
        %dma_start3A_722 = tpu.memref_squeeze %dma_start3A_721 : memref<1x128x8xf32, #tpu.memory_space<vmem>> -> memref<128x8xf32, #tpu.memory_space<vmem>>
        %dma_start3A_723 = arith.constant 0 : i32
        %dma_start3A_724 = tpu.memref_slice %arg7[%add3A_716, %dma_start3A_723] : memref<80x128xi32, #tpu.memory_space<vmem>> -> memref<1x128xi32, #tpu.memory_space<vmem>>
        %dma_start3A_725 = tpu.memref_squeeze %dma_start3A_724 : memref<1x128xi32, #tpu.memory_space<vmem>> -> memref<128xi32, #tpu.memory_space<vmem>>
        %dma_start3A_726 = arith.constant 0 : i32
        %dma_start3A_727 = arith.constant 0 : i32
        %dma_start3A_728 = tpu.memref_slice %arg11[%dma_start3A_726, %dma_start3A_727] : memref<10240x8xf32, #tpu.memory_space<vmem_shared>> -> memref<10240x8xf32, #tpu.memory_space<vmem_shared>>
        tpu.enqueue_indirect_dma source(%dma_start3A_728 : memref<10240x8xf32, #tpu.memory_space<vmem_shared>>) target(%dma_start3A_722 : memref<128x8xf32, #tpu.memory_space<vmem>>) offsets(%dma_start3A_725 : memref<128xi32, #tpu.memory_space<vmem>>) semaphore(%arg15 : memref<!tpu.dma_semaphore, #tpu.memory_space<semaphore_mem>>)
      } else {
      }
      %mul3A_338 = arith.constant 16 : i32
      %mul3A_339 = arith.muli %scan3A_253, %mul3A_338 : i32
      %add3A_340 = arith.constant 3 : i32
      %add3A_341 = arith.addi %mul3A_339, %add3A_340 : i32
      %dma_wait3A_342 = arith.constant 0 : i32
      %dma_wait3A_343 = arith.constant 0 : i32
      %dma_wait3A_344 = tpu.memref_slice %arg9[%add3A_341, %dma_wait3A_342, %dma_wait3A_343] : memref<80x128x8xf32, #tpu.memory_space<vmem>> -> memref<1x128x8xf32, #tpu.memory_space<vmem>>
      %dma_wait3A_345 = tpu.memref_squeeze %dma_wait3A_344 : memref<1x128x8xf32, #tpu.memory_space<vmem>> -> memref<128x8xf32, #tpu.memory_space<vmem>>
      %dma_wait3A_346 = arith.constant 0 : i32
      %dma_wait3A_347 = tpu.memref_slice %arg7[%add3A_341, %dma_wait3A_346] : memref<80x128xi32, #tpu.memory_space<vmem>> -> memref<1x128xi32, #tpu.memory_space<vmem>>
      %dma_wait3A_348 = tpu.memref_squeeze %dma_wait3A_347 : memref<1x128xi32, #tpu.memory_space<vmem>> -> memref<128xi32, #tpu.memory_space<vmem>>
      %dma_wait3A_349 = arith.constant 0 : i32
      %dma_wait3A_350 = arith.constant 0 : i32
      %dma_wait3A_351 = tpu.memref_slice %arg11[%dma_wait3A_349, %dma_wait3A_350] : memref<10240x8xf32, #tpu.memory_space<vmem_shared>> -> memref<10240x8xf32, #tpu.memory_space<vmem_shared>>
      tpu.wait_indirect_dma semaphore(%arg16 : memref<!tpu.dma_semaphore, #tpu.memory_space<semaphore_mem>>) src(%dma_wait3A_351 : memref<10240x8xf32, #tpu.memory_space<vmem_shared>>) dst(%dma_wait3A_345 : memref<128x8xf32, #tpu.memory_space<vmem>>)
      %dma_start3A_352 = arith.constant 0 : i32
      %dma_start3A_353 = arith.constant 0 : i32
      %dma_start3A_354 = tpu.memref_slice %arg9[%add3A_341, %dma_start3A_352, %dma_start3A_353] : memref<80x128x8xf32, #tpu.memory_space<vmem>> -> memref<1x128x8xf32, #tpu.memory_space<vmem>>
      %dma_start3A_355 = tpu.memref_squeeze %dma_start3A_354 : memref<1x128x8xf32, #tpu.memory_space<vmem>> -> memref<128x8xf32, #tpu.memory_space<vmem>>
      %dma_start3A_356 = arith.constant 0 : i32
      %dma_start3A_357 = tpu.memref_slice %arg8[%add3A_341, %dma_start3A_356] : memref<80x128xi32, #tpu.memory_space<vmem>> -> memref<1x128xi32, #tpu.memory_space<vmem>>
      %dma_start3A_358 = tpu.memref_squeeze %dma_start3A_357 : memref<1x128xi32, #tpu.memory_space<vmem>> -> memref<128xi32, #tpu.memory_space<vmem>>
      %dma_start3A_359 = arith.constant 0 : i32
      %dma_start3A_360 = arith.constant 0 : i32
      %dma_start3A_361 = tpu.memref_slice %arg10[%dma_start3A_359, %dma_start3A_360] : memref<10240x8xf32, #tpu.memory_space<vmem_shared>> -> memref<10240x8xf32, #tpu.memory_space<vmem_shared>>
      tpu.enqueue_indirect_dma source(%dma_start3A_355 : memref<128x8xf32, #tpu.memory_space<vmem>>) target(%dma_start3A_361 : memref<10240x8xf32, #tpu.memory_space<vmem_shared>>) offsets(%dma_start3A_358 : memref<128xi32, #tpu.memory_space<vmem>>) semaphore(%arg12 : memref<!tpu.dma_semaphore, #tpu.memory_space<semaphore_mem>>) {add = true}
      %lt3A_362 = arith.constant 4 : i32
      %lt3A_363 = arith.cmpi slt, %scan3A_253, %lt3A_362 : i32
      %convert_element_type3A_364 = arith.extui %lt3A_363 : i1 to i32
      %cond3A_365 = arith.constant 0 : i32
      %cond3A_366 = arith.cmpi ne, %convert_element_type3A_364, %cond3A_365 : i32
      scf.if %cond3A_366 {
        %add3A_715 = arith.constant 16 : i32
        %add3A_716 = arith.addi %add3A_341, %add3A_715 : i32
        %add3A_717 = arith.constant 16 : i32
        %add3A_718 = arith.addi %add3A_341, %add3A_717 : i32
        %dma_start3A_719 = arith.constant 0 : i32
        %dma_start3A_720 = arith.constant 0 : i32
        %dma_start3A_721 = tpu.memref_slice %arg9[%add3A_718, %dma_start3A_719, %dma_start3A_720] : memref<80x128x8xf32, #tpu.memory_space<vmem>> -> memref<1x128x8xf32, #tpu.memory_space<vmem>>
        %dma_start3A_722 = tpu.memref_squeeze %dma_start3A_721 : memref<1x128x8xf32, #tpu.memory_space<vmem>> -> memref<128x8xf32, #tpu.memory_space<vmem>>
        %dma_start3A_723 = arith.constant 0 : i32
        %dma_start3A_724 = tpu.memref_slice %arg7[%add3A_716, %dma_start3A_723] : memref<80x128xi32, #tpu.memory_space<vmem>> -> memref<1x128xi32, #tpu.memory_space<vmem>>
        %dma_start3A_725 = tpu.memref_squeeze %dma_start3A_724 : memref<1x128xi32, #tpu.memory_space<vmem>> -> memref<128xi32, #tpu.memory_space<vmem>>
        %dma_start3A_726 = arith.constant 0 : i32
        %dma_start3A_727 = arith.constant 0 : i32
        %dma_start3A_728 = tpu.memref_slice %arg11[%dma_start3A_726, %dma_start3A_727] : memref<10240x8xf32, #tpu.memory_space<vmem_shared>> -> memref<10240x8xf32, #tpu.memory_space<vmem_shared>>
        tpu.enqueue_indirect_dma source(%dma_start3A_728 : memref<10240x8xf32, #tpu.memory_space<vmem_shared>>) target(%dma_start3A_722 : memref<128x8xf32, #tpu.memory_space<vmem>>) offsets(%dma_start3A_725 : memref<128xi32, #tpu.memory_space<vmem>>) semaphore(%arg16 : memref<!tpu.dma_semaphore, #tpu.memory_space<semaphore_mem>>)
      } else {
      }
      %mul3A_367 = arith.constant 16 : i32
      %mul3A_368 = arith.muli %scan3A_253, %mul3A_367 : i32
      %add3A_369 = arith.constant 4 : i32
      %add3A_370 = arith.addi %mul3A_368, %add3A_369 : i32
      %dma_wait3A_371 = arith.constant 0 : i32
      %dma_wait3A_372 = arith.constant 0 : i32
      %dma_wait3A_373 = tpu.memref_slice %arg9[%add3A_370, %dma_wait3A_371, %dma_wait3A_372] : memref<80x128x8xf32, #tpu.memory_space<vmem>> -> memref<1x128x8xf32, #tpu.memory_space<vmem>>
      %dma_wait3A_374 = tpu.memref_squeeze %dma_wait3A_373 : memref<1x128x8xf32, #tpu.memory_space<vmem>> -> memref<128x8xf32, #tpu.memory_space<vmem>>
      %dma_wait3A_375 = arith.constant 0 : i32
      %dma_wait3A_376 = tpu.memref_slice %arg7[%add3A_370, %dma_wait3A_375] : memref<80x128xi32, #tpu.memory_space<vmem>> -> memref<1x128xi32, #tpu.memory_space<vmem>>
      %dma_wait3A_377 = tpu.memref_squeeze %dma_wait3A_376 : memref<1x128xi32, #tpu.memory_space<vmem>> -> memref<128xi32, #tpu.memory_space<vmem>>
      %dma_wait3A_378 = arith.constant 0 : i32
      %dma_wait3A_379 = arith.constant 0 : i32
      %dma_wait3A_380 = tpu.memref_slice %arg11[%dma_wait3A_378, %dma_wait3A_379] : memref<10240x8xf32, #tpu.memory_space<vmem_shared>> -> memref<10240x8xf32, #tpu.memory_space<vmem_shared>>
      tpu.wait_indirect_dma semaphore(%arg17 : memref<!tpu.dma_semaphore, #tpu.memory_space<semaphore_mem>>) src(%dma_wait3A_380 : memref<10240x8xf32, #tpu.memory_space<vmem_shared>>) dst(%dma_wait3A_374 : memref<128x8xf32, #tpu.memory_space<vmem>>)
      %dma_start3A_381 = arith.constant 0 : i32
      %dma_start3A_382 = arith.constant 0 : i32
      %dma_start3A_383 = tpu.memref_slice %arg9[%add3A_370, %dma_start3A_381, %dma_start3A_382] : memref<80x128x8xf32, #tpu.memory_space<vmem>> -> memref<1x128x8xf32, #tpu.memory_space<vmem>>
      %dma_start3A_384 = tpu.memref_squeeze %dma_start3A_383 : memref<1x128x8xf32, #tpu.memory_space<vmem>> -> memref<128x8xf32, #tpu.memory_space<vmem>>
      %dma_start3A_385 = arith.constant 0 : i32
      %dma_start3A_386 = tpu.memref_slice %arg8[%add3A_370, %dma_start3A_385] : memref<80x128xi32, #tpu.memory_space<vmem>> -> memref<1x128xi32, #tpu.memory_space<vmem>>
      %dma_start3A_387 = tpu.memref_squeeze %dma_start3A_386 : memref<1x128xi32, #tpu.memory_space<vmem>> -> memref<128xi32, #tpu.memory_space<vmem>>
      %dma_start3A_388 = arith.constant 0 : i32
      %dma_start3A_389 = arith.constant 0 : i32
      %dma_start3A_390 = tpu.memref_slice %arg10[%dma_start3A_388, %dma_start3A_389] : memref<10240x8xf32, #tpu.memory_space<vmem_shared>> -> memref<10240x8xf32, #tpu.memory_space<vmem_shared>>
      tpu.enqueue_indirect_dma source(%dma_start3A_384 : memref<128x8xf32, #tpu.memory_space<vmem>>) target(%dma_start3A_390 : memref<10240x8xf32, #tpu.memory_space<vmem_shared>>) offsets(%dma_start3A_387 : memref<128xi32, #tpu.memory_space<vmem>>) semaphore(%arg12 : memref<!tpu.dma_semaphore, #tpu.memory_space<semaphore_mem>>) {add = true}
      %lt3A_391 = arith.constant 4 : i32
      %lt3A_392 = arith.cmpi slt, %scan3A_253, %lt3A_391 : i32
      %convert_element_type3A_393 = arith.extui %lt3A_392 : i1 to i32
      %cond3A_394 = arith.constant 0 : i32
      %cond3A_395 = arith.cmpi ne, %convert_element_type3A_393, %cond3A_394 : i32
      scf.if %cond3A_395 {
        %add3A_715 = arith.constant 16 : i32
        %add3A_716 = arith.addi %add3A_370, %add3A_715 : i32
        %add3A_717 = arith.constant 16 : i32
        %add3A_718 = arith.addi %add3A_370, %add3A_717 : i32
        %dma_start3A_719 = arith.constant 0 : i32
        %dma_start3A_720 = arith.constant 0 : i32
        %dma_start3A_721 = tpu.memref_slice %arg9[%add3A_718, %dma_start3A_719, %dma_start3A_720] : memref<80x128x8xf32, #tpu.memory_space<vmem>> -> memref<1x128x8xf32, #tpu.memory_space<vmem>>
        %dma_start3A_722 = tpu.memref_squeeze %dma_start3A_721 : memref<1x128x8xf32, #tpu.memory_space<vmem>> -> memref<128x8xf32, #tpu.memory_space<vmem>>
        %dma_start3A_723 = arith.constant 0 : i32
        %dma_start3A_724 = tpu.memref_slice %arg7[%add3A_716, %dma_start3A_723] : memref<80x128xi32, #tpu.memory_space<vmem>> -> memref<1x128xi32, #tpu.memory_space<vmem>>
        %dma_start3A_725 = tpu.memref_squeeze %dma_start3A_724 : memref<1x128xi32, #tpu.memory_space<vmem>> -> memref<128xi32, #tpu.memory_space<vmem>>
        %dma_start3A_726 = arith.constant 0 : i32
        %dma_start3A_727 = arith.constant 0 : i32
        %dma_start3A_728 = tpu.memref_slice %arg11[%dma_start3A_726, %dma_start3A_727] : memref<10240x8xf32, #tpu.memory_space<vmem_shared>> -> memref<10240x8xf32, #tpu.memory_space<vmem_shared>>
        tpu.enqueue_indirect_dma source(%dma_start3A_728 : memref<10240x8xf32, #tpu.memory_space<vmem_shared>>) target(%dma_start3A_722 : memref<128x8xf32, #tpu.memory_space<vmem>>) offsets(%dma_start3A_725 : memref<128xi32, #tpu.memory_space<vmem>>) semaphore(%arg17 : memref<!tpu.dma_semaphore, #tpu.memory_space<semaphore_mem>>)
      } else {
      }
      %mul3A_396 = arith.constant 16 : i32
      %mul3A_397 = arith.muli %scan3A_253, %mul3A_396 : i32
      %add3A_398 = arith.constant 5 : i32
      %add3A_399 = arith.addi %mul3A_397, %add3A_398 : i32
      %dma_wait3A_400 = arith.constant 0 : i32
      %dma_wait3A_401 = arith.constant 0 : i32
      %dma_wait3A_402 = tpu.memref_slice %arg9[%add3A_399, %dma_wait3A_400, %dma_wait3A_401] : memref<80x128x8xf32, #tpu.memory_space<vmem>> -> memref<1x128x8xf32, #tpu.memory_space<vmem>>
      %dma_wait3A_403 = tpu.memref_squeeze %dma_wait3A_402 : memref<1x128x8xf32, #tpu.memory_space<vmem>> -> memref<128x8xf32, #tpu.memory_space<vmem>>
      %dma_wait3A_404 = arith.constant 0 : i32
      %dma_wait3A_405 = tpu.memref_slice %arg7[%add3A_399, %dma_wait3A_404] : memref<80x128xi32, #tpu.memory_space<vmem>> -> memref<1x128xi32, #tpu.memory_space<vmem>>
      %dma_wait3A_406 = tpu.memref_squeeze %dma_wait3A_405 : memref<1x128xi32, #tpu.memory_space<vmem>> -> memref<128xi32, #tpu.memory_space<vmem>>
      %dma_wait3A_407 = arith.constant 0 : i32
      %dma_wait3A_408 = arith.constant 0 : i32
      %dma_wait3A_409 = tpu.memref_slice %arg11[%dma_wait3A_407, %dma_wait3A_408] : memref<10240x8xf32, #tpu.memory_space<vmem_shared>> -> memref<10240x8xf32, #tpu.memory_space<vmem_shared>>
      tpu.wait_indirect_dma semaphore(%arg18 : memref<!tpu.dma_semaphore, #tpu.memory_space<semaphore_mem>>) src(%dma_wait3A_409 : memref<10240x8xf32, #tpu.memory_space<vmem_shared>>) dst(%dma_wait3A_403 : memref<128x8xf32, #tpu.memory_space<vmem>>)
      %dma_start3A_410 = arith.constant 0 : i32
      %dma_start3A_411 = arith.constant 0 : i32
      %dma_start3A_412 = tpu.memref_slice %arg9[%add3A_399, %dma_start3A_410, %dma_start3A_411] : memref<80x128x8xf32, #tpu.memory_space<vmem>> -> memref<1x128x8xf32, #tpu.memory_space<vmem>>
      %dma_start3A_413 = tpu.memref_squeeze %dma_start3A_412 : memref<1x128x8xf32, #tpu.memory_space<vmem>> -> memref<128x8xf32, #tpu.memory_space<vmem>>
      %dma_start3A_414 = arith.constant 0 : i32
      %dma_start3A_415 = tpu.memref_slice %arg8[%add3A_399, %dma_start3A_414] : memref<80x128xi32, #tpu.memory_space<vmem>> -> memref<1x128xi32, #tpu.memory_space<vmem>>
      %dma_start3A_416 = tpu.memref_squeeze %dma_start3A_415 : memref<1x128xi32, #tpu.memory_space<vmem>> -> memref<128xi32, #tpu.memory_space<vmem>>
      %dma_start3A_417 = arith.constant 0 : i32
      %dma_start3A_418 = arith.constant 0 : i32
      %dma_start3A_419 = tpu.memref_slice %arg10[%dma_start3A_417, %dma_start3A_418] : memref<10240x8xf32, #tpu.memory_space<vmem_shared>> -> memref<10240x8xf32, #tpu.memory_space<vmem_shared>>
      tpu.enqueue_indirect_dma source(%dma_start3A_413 : memref<128x8xf32, #tpu.memory_space<vmem>>) target(%dma_start3A_419 : memref<10240x8xf32, #tpu.memory_space<vmem_shared>>) offsets(%dma_start3A_416 : memref<128xi32, #tpu.memory_space<vmem>>) semaphore(%arg12 : memref<!tpu.dma_semaphore, #tpu.memory_space<semaphore_mem>>) {add = true}
      %lt3A_420 = arith.constant 4 : i32
      %lt3A_421 = arith.cmpi slt, %scan3A_253, %lt3A_420 : i32
      %convert_element_type3A_422 = arith.extui %lt3A_421 : i1 to i32
      %cond3A_423 = arith.constant 0 : i32
      %cond3A_424 = arith.cmpi ne, %convert_element_type3A_422, %cond3A_423 : i32
      scf.if %cond3A_424 {
        %add3A_715 = arith.constant 16 : i32
        %add3A_716 = arith.addi %add3A_399, %add3A_715 : i32
        %add3A_717 = arith.constant 16 : i32
        %add3A_718 = arith.addi %add3A_399, %add3A_717 : i32
        %dma_start3A_719 = arith.constant 0 : i32
        %dma_start3A_720 = arith.constant 0 : i32
        %dma_start3A_721 = tpu.memref_slice %arg9[%add3A_718, %dma_start3A_719, %dma_start3A_720] : memref<80x128x8xf32, #tpu.memory_space<vmem>> -> memref<1x128x8xf32, #tpu.memory_space<vmem>>
        %dma_start3A_722 = tpu.memref_squeeze %dma_start3A_721 : memref<1x128x8xf32, #tpu.memory_space<vmem>> -> memref<128x8xf32, #tpu.memory_space<vmem>>
        %dma_start3A_723 = arith.constant 0 : i32
        %dma_start3A_724 = tpu.memref_slice %arg7[%add3A_716, %dma_start3A_723] : memref<80x128xi32, #tpu.memory_space<vmem>> -> memref<1x128xi32, #tpu.memory_space<vmem>>
        %dma_start3A_725 = tpu.memref_squeeze %dma_start3A_724 : memref<1x128xi32, #tpu.memory_space<vmem>> -> memref<128xi32, #tpu.memory_space<vmem>>
        %dma_start3A_726 = arith.constant 0 : i32
        %dma_start3A_727 = arith.constant 0 : i32
        %dma_start3A_728 = tpu.memref_slice %arg11[%dma_start3A_726, %dma_start3A_727] : memref<10240x8xf32, #tpu.memory_space<vmem_shared>> -> memref<10240x8xf32, #tpu.memory_space<vmem_shared>>
        tpu.enqueue_indirect_dma source(%dma_start3A_728 : memref<10240x8xf32, #tpu.memory_space<vmem_shared>>) target(%dma_start3A_722 : memref<128x8xf32, #tpu.memory_space<vmem>>) offsets(%dma_start3A_725 : memref<128xi32, #tpu.memory_space<vmem>>) semaphore(%arg18 : memref<!tpu.dma_semaphore, #tpu.memory_space<semaphore_mem>>)
      } else {
      }
      %mul3A_425 = arith.constant 16 : i32
      %mul3A_426 = arith.muli %scan3A_253, %mul3A_425 : i32
      %add3A_427 = arith.constant 6 : i32
      %add3A_428 = arith.addi %mul3A_426, %add3A_427 : i32
      %dma_wait3A_429 = arith.constant 0 : i32
      %dma_wait3A_430 = arith.constant 0 : i32
      %dma_wait3A_431 = tpu.memref_slice %arg9[%add3A_428, %dma_wait3A_429, %dma_wait3A_430] : memref<80x128x8xf32, #tpu.memory_space<vmem>> -> memref<1x128x8xf32, #tpu.memory_space<vmem>>
      %dma_wait3A_432 = tpu.memref_squeeze %dma_wait3A_431 : memref<1x128x8xf32, #tpu.memory_space<vmem>> -> memref<128x8xf32, #tpu.memory_space<vmem>>
      %dma_wait3A_433 = arith.constant 0 : i32
      %dma_wait3A_434 = tpu.memref_slice %arg7[%add3A_428, %dma_wait3A_433] : memref<80x128xi32, #tpu.memory_space<vmem>> -> memref<1x128xi32, #tpu.memory_space<vmem>>
      %dma_wait3A_435 = tpu.memref_squeeze %dma_wait3A_434 : memref<1x128xi32, #tpu.memory_space<vmem>> -> memref<128xi32, #tpu.memory_space<vmem>>
      %dma_wait3A_436 = arith.constant 0 : i32
      %dma_wait3A_437 = arith.constant 0 : i32
      %dma_wait3A_438 = tpu.memref_slice %arg11[%dma_wait3A_436, %dma_wait3A_437] : memref<10240x8xf32, #tpu.memory_space<vmem_shared>> -> memref<10240x8xf32, #tpu.memory_space<vmem_shared>>
      tpu.wait_indirect_dma semaphore(%arg19 : memref<!tpu.dma_semaphore, #tpu.memory_space<semaphore_mem>>) src(%dma_wait3A_438 : memref<10240x8xf32, #tpu.memory_space<vmem_shared>>) dst(%dma_wait3A_432 : memref<128x8xf32, #tpu.memory_space<vmem>>)
      %dma_start3A_439 = arith.constant 0 : i32
      %dma_start3A_440 = arith.constant 0 : i32
      %dma_start3A_441 = tpu.memref_slice %arg9[%add3A_428, %dma_start3A_439, %dma_start3A_440] : memref<80x128x8xf32, #tpu.memory_space<vmem>> -> memref<1x128x8xf32, #tpu.memory_space<vmem>>
      %dma_start3A_442 = tpu.memref_squeeze %dma_start3A_441 : memref<1x128x8xf32, #tpu.memory_space<vmem>> -> memref<128x8xf32, #tpu.memory_space<vmem>>
      %dma_start3A_443 = arith.constant 0 : i32
      %dma_start3A_444 = tpu.memref_slice %arg8[%add3A_428, %dma_start3A_443] : memref<80x128xi32, #tpu.memory_space<vmem>> -> memref<1x128xi32, #tpu.memory_space<vmem>>
      %dma_start3A_445 = tpu.memref_squeeze %dma_start3A_444 : memref<1x128xi32, #tpu.memory_space<vmem>> -> memref<128xi32, #tpu.memory_space<vmem>>
      %dma_start3A_446 = arith.constant 0 : i32
      %dma_start3A_447 = arith.constant 0 : i32
      %dma_start3A_448 = tpu.memref_slice %arg10[%dma_start3A_446, %dma_start3A_447] : memref<10240x8xf32, #tpu.memory_space<vmem_shared>> -> memref<10240x8xf32, #tpu.memory_space<vmem_shared>>
      tpu.enqueue_indirect_dma source(%dma_start3A_442 : memref<128x8xf32, #tpu.memory_space<vmem>>) target(%dma_start3A_448 : memref<10240x8xf32, #tpu.memory_space<vmem_shared>>) offsets(%dma_start3A_445 : memref<128xi32, #tpu.memory_space<vmem>>) semaphore(%arg12 : memref<!tpu.dma_semaphore, #tpu.memory_space<semaphore_mem>>) {add = true}
      %lt3A_449 = arith.constant 4 : i32
      %lt3A_450 = arith.cmpi slt, %scan3A_253, %lt3A_449 : i32
      %convert_element_type3A_451 = arith.extui %lt3A_450 : i1 to i32
      %cond3A_452 = arith.constant 0 : i32
      %cond3A_453 = arith.cmpi ne, %convert_element_type3A_451, %cond3A_452 : i32
      scf.if %cond3A_453 {
        %add3A_715 = arith.constant 16 : i32
        %add3A_716 = arith.addi %add3A_428, %add3A_715 : i32
        %add3A_717 = arith.constant 16 : i32
        %add3A_718 = arith.addi %add3A_428, %add3A_717 : i32
        %dma_start3A_719 = arith.constant 0 : i32
        %dma_start3A_720 = arith.constant 0 : i32
        %dma_start3A_721 = tpu.memref_slice %arg9[%add3A_718, %dma_start3A_719, %dma_start3A_720] : memref<80x128x8xf32, #tpu.memory_space<vmem>> -> memref<1x128x8xf32, #tpu.memory_space<vmem>>
        %dma_start3A_722 = tpu.memref_squeeze %dma_start3A_721 : memref<1x128x8xf32, #tpu.memory_space<vmem>> -> memref<128x8xf32, #tpu.memory_space<vmem>>
        %dma_start3A_723 = arith.constant 0 : i32
        %dma_start3A_724 = tpu.memref_slice %arg7[%add3A_716, %dma_start3A_723] : memref<80x128xi32, #tpu.memory_space<vmem>> -> memref<1x128xi32, #tpu.memory_space<vmem>>
        %dma_start3A_725 = tpu.memref_squeeze %dma_start3A_724 : memref<1x128xi32, #tpu.memory_space<vmem>> -> memref<128xi32, #tpu.memory_space<vmem>>
        %dma_start3A_726 = arith.constant 0 : i32
        %dma_start3A_727 = arith.constant 0 : i32
        %dma_start3A_728 = tpu.memref_slice %arg11[%dma_start3A_726, %dma_start3A_727] : memref<10240x8xf32, #tpu.memory_space<vmem_shared>> -> memref<10240x8xf32, #tpu.memory_space<vmem_shared>>
        tpu.enqueue_indirect_dma source(%dma_start3A_728 : memref<10240x8xf32, #tpu.memory_space<vmem_shared>>) target(%dma_start3A_722 : memref<128x8xf32, #tpu.memory_space<vmem>>) offsets(%dma_start3A_725 : memref<128xi32, #tpu.memory_space<vmem>>) semaphore(%arg19 : memref<!tpu.dma_semaphore, #tpu.memory_space<semaphore_mem>>)
      } else {
      }
      %mul3A_454 = arith.constant 16 : i32
      %mul3A_455 = arith.muli %scan3A_253, %mul3A_454 : i32
      %add3A_456 = arith.constant 7 : i32
      %add3A_457 = arith.addi %mul3A_455, %add3A_456 : i32
      %dma_wait3A_458 = arith.constant 0 : i32
      %dma_wait3A_459 = arith.constant 0 : i32
      %dma_wait3A_460 = tpu.memref_slice %arg9[%add3A_457, %dma_wait3A_458, %dma_wait3A_459] : memref<80x128x8xf32, #tpu.memory_space<vmem>> -> memref<1x128x8xf32, #tpu.memory_space<vmem>>
      %dma_wait3A_461 = tpu.memref_squeeze %dma_wait3A_460 : memref<1x128x8xf32, #tpu.memory_space<vmem>> -> memref<128x8xf32, #tpu.memory_space<vmem>>
      %dma_wait3A_462 = arith.constant 0 : i32
      %dma_wait3A_463 = tpu.memref_slice %arg7[%add3A_457, %dma_wait3A_462] : memref<80x128xi32, #tpu.memory_space<vmem>> -> memref<1x128xi32, #tpu.memory_space<vmem>>
      %dma_wait3A_464 = tpu.memref_squeeze %dma_wait3A_463 : memref<1x128xi32, #tpu.memory_space<vmem>> -> memref<128xi32, #tpu.memory_space<vmem>>
      %dma_wait3A_465 = arith.constant 0 : i32
      %dma_wait3A_466 = arith.constant 0 : i32
      %dma_wait3A_467 = tpu.memref_slice %arg11[%dma_wait3A_465, %dma_wait3A_466] : memref<10240x8xf32, #tpu.memory_space<vmem_shared>> -> memref<10240x8xf32, #tpu.memory_space<vmem_shared>>
      tpu.wait_indirect_dma semaphore(%arg20 : memref<!tpu.dma_semaphore, #tpu.memory_space<semaphore_mem>>) src(%dma_wait3A_467 : memref<10240x8xf32, #tpu.memory_space<vmem_shared>>) dst(%dma_wait3A_461 : memref<128x8xf32, #tpu.memory_space<vmem>>)
      %dma_start3A_468 = arith.constant 0 : i32
      %dma_start3A_469 = arith.constant 0 : i32
      %dma_start3A_470 = tpu.memref_slice %arg9[%add3A_457, %dma_start3A_468, %dma_start3A_469] : memref<80x128x8xf32, #tpu.memory_space<vmem>> -> memref<1x128x8xf32, #tpu.memory_space<vmem>>
      %dma_start3A_471 = tpu.memref_squeeze %dma_start3A_470 : memref<1x128x8xf32, #tpu.memory_space<vmem>> -> memref<128x8xf32, #tpu.memory_space<vmem>>
      %dma_start3A_472 = arith.constant 0 : i32
      %dma_start3A_473 = tpu.memref_slice %arg8[%add3A_457, %dma_start3A_472] : memref<80x128xi32, #tpu.memory_space<vmem>> -> memref<1x128xi32, #tpu.memory_space<vmem>>
      %dma_start3A_474 = tpu.memref_squeeze %dma_start3A_473 : memref<1x128xi32, #tpu.memory_space<vmem>> -> memref<128xi32, #tpu.memory_space<vmem>>
      %dma_start3A_475 = arith.constant 0 : i32
      %dma_start3A_476 = arith.constant 0 : i32
      %dma_start3A_477 = tpu.memref_slice %arg10[%dma_start3A_475, %dma_start3A_476] : memref<10240x8xf32, #tpu.memory_space<vmem_shared>> -> memref<10240x8xf32, #tpu.memory_space<vmem_shared>>
      tpu.enqueue_indirect_dma source(%dma_start3A_471 : memref<128x8xf32, #tpu.memory_space<vmem>>) target(%dma_start3A_477 : memref<10240x8xf32, #tpu.memory_space<vmem_shared>>) offsets(%dma_start3A_474 : memref<128xi32, #tpu.memory_space<vmem>>) semaphore(%arg12 : memref<!tpu.dma_semaphore, #tpu.memory_space<semaphore_mem>>) {add = true}
      %lt3A_478 = arith.constant 4 : i32
      %lt3A_479 = arith.cmpi slt, %scan3A_253, %lt3A_478 : i32
      %convert_element_type3A_480 = arith.extui %lt3A_479 : i1 to i32
      %cond3A_481 = arith.constant 0 : i32
      %cond3A_482 = arith.cmpi ne, %convert_element_type3A_480, %cond3A_481 : i32
      scf.if %cond3A_482 {
        %add3A_715 = arith.constant 16 : i32
        %add3A_716 = arith.addi %add3A_457, %add3A_715 : i32
        %add3A_717 = arith.constant 16 : i32
        %add3A_718 = arith.addi %add3A_457, %add3A_717 : i32
        %dma_start3A_719 = arith.constant 0 : i32
        %dma_start3A_720 = arith.constant 0 : i32
        %dma_start3A_721 = tpu.memref_slice %arg9[%add3A_718, %dma_start3A_719, %dma_start3A_720] : memref<80x128x8xf32, #tpu.memory_space<vmem>> -> memref<1x128x8xf32, #tpu.memory_space<vmem>>
        %dma_start3A_722 = tpu.memref_squeeze %dma_start3A_721 : memref<1x128x8xf32, #tpu.memory_space<vmem>> -> memref<128x8xf32, #tpu.memory_space<vmem>>
        %dma_start3A_723 = arith.constant 0 : i32
        %dma_start3A_724 = tpu.memref_slice %arg7[%add3A_716, %dma_start3A_723] : memref<80x128xi32, #tpu.memory_space<vmem>> -> memref<1x128xi32, #tpu.memory_space<vmem>>
        %dma_start3A_725 = tpu.memref_squeeze %dma_start3A_724 : memref<1x128xi32, #tpu.memory_space<vmem>> -> memref<128xi32, #tpu.memory_space<vmem>>
        %dma_start3A_726 = arith.constant 0 : i32
        %dma_start3A_727 = arith.constant 0 : i32
        %dma_start3A_728 = tpu.memref_slice %arg11[%dma_start3A_726, %dma_start3A_727] : memref<10240x8xf32, #tpu.memory_space<vmem_shared>> -> memref<10240x8xf32, #tpu.memory_space<vmem_shared>>
        tpu.enqueue_indirect_dma source(%dma_start3A_728 : memref<10240x8xf32, #tpu.memory_space<vmem_shared>>) target(%dma_start3A_722 : memref<128x8xf32, #tpu.memory_space<vmem>>) offsets(%dma_start3A_725 : memref<128xi32, #tpu.memory_space<vmem>>) semaphore(%arg20 : memref<!tpu.dma_semaphore, #tpu.memory_space<semaphore_mem>>)
      } else {
      }
      %mul3A_483 = arith.constant 16 : i32
      %mul3A_484 = arith.muli %scan3A_253, %mul3A_483 : i32
      %add3A_485 = arith.constant 8 : i32
      %add3A_486 = arith.addi %mul3A_484, %add3A_485 : i32
      %dma_wait3A_487 = arith.constant 0 : i32
      %dma_wait3A_488 = arith.constant 0 : i32
      %dma_wait3A_489 = tpu.memref_slice %arg9[%add3A_486, %dma_wait3A_487, %dma_wait3A_488] : memref<80x128x8xf32, #tpu.memory_space<vmem>> -> memref<1x128x8xf32, #tpu.memory_space<vmem>>
      %dma_wait3A_490 = tpu.memref_squeeze %dma_wait3A_489 : memref<1x128x8xf32, #tpu.memory_space<vmem>> -> memref<128x8xf32, #tpu.memory_space<vmem>>
      %dma_wait3A_491 = arith.constant 0 : i32
      %dma_wait3A_492 = tpu.memref_slice %arg7[%add3A_486, %dma_wait3A_491] : memref<80x128xi32, #tpu.memory_space<vmem>> -> memref<1x128xi32, #tpu.memory_space<vmem>>
      %dma_wait3A_493 = tpu.memref_squeeze %dma_wait3A_492 : memref<1x128xi32, #tpu.memory_space<vmem>> -> memref<128xi32, #tpu.memory_space<vmem>>
      %dma_wait3A_494 = arith.constant 0 : i32
      %dma_wait3A_495 = arith.constant 0 : i32
      %dma_wait3A_496 = tpu.memref_slice %arg11[%dma_wait3A_494, %dma_wait3A_495] : memref<10240x8xf32, #tpu.memory_space<vmem_shared>> -> memref<10240x8xf32, #tpu.memory_space<vmem_shared>>
      tpu.wait_indirect_dma semaphore(%arg21 : memref<!tpu.dma_semaphore, #tpu.memory_space<semaphore_mem>>) src(%dma_wait3A_496 : memref<10240x8xf32, #tpu.memory_space<vmem_shared>>) dst(%dma_wait3A_490 : memref<128x8xf32, #tpu.memory_space<vmem>>)
      %dma_start3A_497 = arith.constant 0 : i32
      %dma_start3A_498 = arith.constant 0 : i32
      %dma_start3A_499 = tpu.memref_slice %arg9[%add3A_486, %dma_start3A_497, %dma_start3A_498] : memref<80x128x8xf32, #tpu.memory_space<vmem>> -> memref<1x128x8xf32, #tpu.memory_space<vmem>>
      %dma_start3A_500 = tpu.memref_squeeze %dma_start3A_499 : memref<1x128x8xf32, #tpu.memory_space<vmem>> -> memref<128x8xf32, #tpu.memory_space<vmem>>
      %dma_start3A_501 = arith.constant 0 : i32
      %dma_start3A_502 = tpu.memref_slice %arg8[%add3A_486, %dma_start3A_501] : memref<80x128xi32, #tpu.memory_space<vmem>> -> memref<1x128xi32, #tpu.memory_space<vmem>>
      %dma_start3A_503 = tpu.memref_squeeze %dma_start3A_502 : memref<1x128xi32, #tpu.memory_space<vmem>> -> memref<128xi32, #tpu.memory_space<vmem>>
      %dma_start3A_504 = arith.constant 0 : i32
      %dma_start3A_505 = arith.constant 0 : i32
      %dma_start3A_506 = tpu.memref_slice %arg10[%dma_start3A_504, %dma_start3A_505] : memref<10240x8xf32, #tpu.memory_space<vmem_shared>> -> memref<10240x8xf32, #tpu.memory_space<vmem_shared>>
      tpu.enqueue_indirect_dma source(%dma_start3A_500 : memref<128x8xf32, #tpu.memory_space<vmem>>) target(%dma_start3A_506 : memref<10240x8xf32, #tpu.memory_space<vmem_shared>>) offsets(%dma_start3A_503 : memref<128xi32, #tpu.memory_space<vmem>>) semaphore(%arg12 : memref<!tpu.dma_semaphore, #tpu.memory_space<semaphore_mem>>) {add = true}
      %lt3A_507 = arith.constant 4 : i32
      %lt3A_508 = arith.cmpi slt, %scan3A_253, %lt3A_507 : i32
      %convert_element_type3A_509 = arith.extui %lt3A_508 : i1 to i32
      %cond3A_510 = arith.constant 0 : i32
      %cond3A_511 = arith.cmpi ne, %convert_element_type3A_509, %cond3A_510 : i32
      scf.if %cond3A_511 {
        %add3A_715 = arith.constant 16 : i32
        %add3A_716 = arith.addi %add3A_486, %add3A_715 : i32
        %add3A_717 = arith.constant 16 : i32
        %add3A_718 = arith.addi %add3A_486, %add3A_717 : i32
        %dma_start3A_719 = arith.constant 0 : i32
        %dma_start3A_720 = arith.constant 0 : i32
        %dma_start3A_721 = tpu.memref_slice %arg9[%add3A_718, %dma_start3A_719, %dma_start3A_720] : memref<80x128x8xf32, #tpu.memory_space<vmem>> -> memref<1x128x8xf32, #tpu.memory_space<vmem>>
        %dma_start3A_722 = tpu.memref_squeeze %dma_start3A_721 : memref<1x128x8xf32, #tpu.memory_space<vmem>> -> memref<128x8xf32, #tpu.memory_space<vmem>>
        %dma_start3A_723 = arith.constant 0 : i32
        %dma_start3A_724 = tpu.memref_slice %arg7[%add3A_716, %dma_start3A_723] : memref<80x128xi32, #tpu.memory_space<vmem>> -> memref<1x128xi32, #tpu.memory_space<vmem>>
        %dma_start3A_725 = tpu.memref_squeeze %dma_start3A_724 : memref<1x128xi32, #tpu.memory_space<vmem>> -> memref<128xi32, #tpu.memory_space<vmem>>
        %dma_start3A_726 = arith.constant 0 : i32
        %dma_start3A_727 = arith.constant 0 : i32
        %dma_start3A_728 = tpu.memref_slice %arg11[%dma_start3A_726, %dma_start3A_727] : memref<10240x8xf32, #tpu.memory_space<vmem_shared>> -> memref<10240x8xf32, #tpu.memory_space<vmem_shared>>
        tpu.enqueue_indirect_dma source(%dma_start3A_728 : memref<10240x8xf32, #tpu.memory_space<vmem_shared>>) target(%dma_start3A_722 : memref<128x8xf32, #tpu.memory_space<vmem>>) offsets(%dma_start3A_725 : memref<128xi32, #tpu.memory_space<vmem>>) semaphore(%arg21 : memref<!tpu.dma_semaphore, #tpu.memory_space<semaphore_mem>>)
      } else {
      }
      %mul3A_512 = arith.constant 16 : i32
      %mul3A_513 = arith.muli %scan3A_253, %mul3A_512 : i32
      %add3A_514 = arith.constant 9 : i32
      %add3A_515 = arith.addi %mul3A_513, %add3A_514 : i32
      %dma_wait3A_516 = arith.constant 0 : i32
      %dma_wait3A_517 = arith.constant 0 : i32
      %dma_wait3A_518 = tpu.memref_slice %arg9[%add3A_515, %dma_wait3A_516, %dma_wait3A_517] : memref<80x128x8xf32, #tpu.memory_space<vmem>> -> memref<1x128x8xf32, #tpu.memory_space<vmem>>
      %dma_wait3A_519 = tpu.memref_squeeze %dma_wait3A_518 : memref<1x128x8xf32, #tpu.memory_space<vmem>> -> memref<128x8xf32, #tpu.memory_space<vmem>>
      %dma_wait3A_520 = arith.constant 0 : i32
      %dma_wait3A_521 = tpu.memref_slice %arg7[%add3A_515, %dma_wait3A_520] : memref<80x128xi32, #tpu.memory_space<vmem>> -> memref<1x128xi32, #tpu.memory_space<vmem>>
      %dma_wait3A_522 = tpu.memref_squeeze %dma_wait3A_521 : memref<1x128xi32, #tpu.memory_space<vmem>> -> memref<128xi32, #tpu.memory_space<vmem>>
      %dma_wait3A_523 = arith.constant 0 : i32
      %dma_wait3A_524 = arith.constant 0 : i32
      %dma_wait3A_525 = tpu.memref_slice %arg11[%dma_wait3A_523, %dma_wait3A_524] : memref<10240x8xf32, #tpu.memory_space<vmem_shared>> -> memref<10240x8xf32, #tpu.memory_space<vmem_shared>>
      tpu.wait_indirect_dma semaphore(%arg22 : memref<!tpu.dma_semaphore, #tpu.memory_space<semaphore_mem>>) src(%dma_wait3A_525 : memref<10240x8xf32, #tpu.memory_space<vmem_shared>>) dst(%dma_wait3A_519 : memref<128x8xf32, #tpu.memory_space<vmem>>)
      %dma_start3A_526 = arith.constant 0 : i32
      %dma_start3A_527 = arith.constant 0 : i32
      %dma_start3A_528 = tpu.memref_slice %arg9[%add3A_515, %dma_start3A_526, %dma_start3A_527] : memref<80x128x8xf32, #tpu.memory_space<vmem>> -> memref<1x128x8xf32, #tpu.memory_space<vmem>>
      %dma_start3A_529 = tpu.memref_squeeze %dma_start3A_528 : memref<1x128x8xf32, #tpu.memory_space<vmem>> -> memref<128x8xf32, #tpu.memory_space<vmem>>
      %dma_start3A_530 = arith.constant 0 : i32
      %dma_start3A_531 = tpu.memref_slice %arg8[%add3A_515, %dma_start3A_530] : memref<80x128xi32, #tpu.memory_space<vmem>> -> memref<1x128xi32, #tpu.memory_space<vmem>>
      %dma_start3A_532 = tpu.memref_squeeze %dma_start3A_531 : memref<1x128xi32, #tpu.memory_space<vmem>> -> memref<128xi32, #tpu.memory_space<vmem>>
      %dma_start3A_533 = arith.constant 0 : i32
      %dma_start3A_534 = arith.constant 0 : i32
      %dma_start3A_535 = tpu.memref_slice %arg10[%dma_start3A_533, %dma_start3A_534] : memref<10240x8xf32, #tpu.memory_space<vmem_shared>> -> memref<10240x8xf32, #tpu.memory_space<vmem_shared>>
      tpu.enqueue_indirect_dma source(%dma_start3A_529 : memref<128x8xf32, #tpu.memory_space<vmem>>) target(%dma_start3A_535 : memref<10240x8xf32, #tpu.memory_space<vmem_shared>>) offsets(%dma_start3A_532 : memref<128xi32, #tpu.memory_space<vmem>>) semaphore(%arg12 : memref<!tpu.dma_semaphore, #tpu.memory_space<semaphore_mem>>) {add = true}
      %lt3A_536 = arith.constant 4 : i32
      %lt3A_537 = arith.cmpi slt, %scan3A_253, %lt3A_536 : i32
      %convert_element_type3A_538 = arith.extui %lt3A_537 : i1 to i32
      %cond3A_539 = arith.constant 0 : i32
      %cond3A_540 = arith.cmpi ne, %convert_element_type3A_538, %cond3A_539 : i32
      scf.if %cond3A_540 {
        %add3A_715 = arith.constant 16 : i32
        %add3A_716 = arith.addi %add3A_515, %add3A_715 : i32
        %add3A_717 = arith.constant 16 : i32
        %add3A_718 = arith.addi %add3A_515, %add3A_717 : i32
        %dma_start3A_719 = arith.constant 0 : i32
        %dma_start3A_720 = arith.constant 0 : i32
        %dma_start3A_721 = tpu.memref_slice %arg9[%add3A_718, %dma_start3A_719, %dma_start3A_720] : memref<80x128x8xf32, #tpu.memory_space<vmem>> -> memref<1x128x8xf32, #tpu.memory_space<vmem>>
        %dma_start3A_722 = tpu.memref_squeeze %dma_start3A_721 : memref<1x128x8xf32, #tpu.memory_space<vmem>> -> memref<128x8xf32, #tpu.memory_space<vmem>>
        %dma_start3A_723 = arith.constant 0 : i32
        %dma_start3A_724 = tpu.memref_slice %arg7[%add3A_716, %dma_start3A_723] : memref<80x128xi32, #tpu.memory_space<vmem>> -> memref<1x128xi32, #tpu.memory_space<vmem>>
        %dma_start3A_725 = tpu.memref_squeeze %dma_start3A_724 : memref<1x128xi32, #tpu.memory_space<vmem>> -> memref<128xi32, #tpu.memory_space<vmem>>
        %dma_start3A_726 = arith.constant 0 : i32
        %dma_start3A_727 = arith.constant 0 : i32
        %dma_start3A_728 = tpu.memref_slice %arg11[%dma_start3A_726, %dma_start3A_727] : memref<10240x8xf32, #tpu.memory_space<vmem_shared>> -> memref<10240x8xf32, #tpu.memory_space<vmem_shared>>
        tpu.enqueue_indirect_dma source(%dma_start3A_728 : memref<10240x8xf32, #tpu.memory_space<vmem_shared>>) target(%dma_start3A_722 : memref<128x8xf32, #tpu.memory_space<vmem>>) offsets(%dma_start3A_725 : memref<128xi32, #tpu.memory_space<vmem>>) semaphore(%arg22 : memref<!tpu.dma_semaphore, #tpu.memory_space<semaphore_mem>>)
      } else {
      }
      %mul3A_541 = arith.constant 16 : i32
      %mul3A_542 = arith.muli %scan3A_253, %mul3A_541 : i32
      %add3A_543 = arith.constant 10 : i32
      %add3A_544 = arith.addi %mul3A_542, %add3A_543 : i32
      %dma_wait3A_545 = arith.constant 0 : i32
      %dma_wait3A_546 = arith.constant 0 : i32
      %dma_wait3A_547 = tpu.memref_slice %arg9[%add3A_544, %dma_wait3A_545, %dma_wait3A_546] : memref<80x128x8xf32, #tpu.memory_space<vmem>> -> memref<1x128x8xf32, #tpu.memory_space<vmem>>
      %dma_wait3A_548 = tpu.memref_squeeze %dma_wait3A_547 : memref<1x128x8xf32, #tpu.memory_space<vmem>> -> memref<128x8xf32, #tpu.memory_space<vmem>>
      %dma_wait3A_549 = arith.constant 0 : i32
      %dma_wait3A_550 = tpu.memref_slice %arg7[%add3A_544, %dma_wait3A_549] : memref<80x128xi32, #tpu.memory_space<vmem>> -> memref<1x128xi32, #tpu.memory_space<vmem>>
      %dma_wait3A_551 = tpu.memref_squeeze %dma_wait3A_550 : memref<1x128xi32, #tpu.memory_space<vmem>> -> memref<128xi32, #tpu.memory_space<vmem>>
      %dma_wait3A_552 = arith.constant 0 : i32
      %dma_wait3A_553 = arith.constant 0 : i32
      %dma_wait3A_554 = tpu.memref_slice %arg11[%dma_wait3A_552, %dma_wait3A_553] : memref<10240x8xf32, #tpu.memory_space<vmem_shared>> -> memref<10240x8xf32, #tpu.memory_space<vmem_shared>>
      tpu.wait_indirect_dma semaphore(%arg23 : memref<!tpu.dma_semaphore, #tpu.memory_space<semaphore_mem>>) src(%dma_wait3A_554 : memref<10240x8xf32, #tpu.memory_space<vmem_shared>>) dst(%dma_wait3A_548 : memref<128x8xf32, #tpu.memory_space<vmem>>)
      %dma_start3A_555 = arith.constant 0 : i32
      %dma_start3A_556 = arith.constant 0 : i32
      %dma_start3A_557 = tpu.memref_slice %arg9[%add3A_544, %dma_start3A_555, %dma_start3A_556] : memref<80x128x8xf32, #tpu.memory_space<vmem>> -> memref<1x128x8xf32, #tpu.memory_space<vmem>>
      %dma_start3A_558 = tpu.memref_squeeze %dma_start3A_557 : memref<1x128x8xf32, #tpu.memory_space<vmem>> -> memref<128x8xf32, #tpu.memory_space<vmem>>
      %dma_start3A_559 = arith.constant 0 : i32
      %dma_start3A_560 = tpu.memref_slice %arg8[%add3A_544, %dma_start3A_559] : memref<80x128xi32, #tpu.memory_space<vmem>> -> memref<1x128xi32, #tpu.memory_space<vmem>>
      %dma_start3A_561 = tpu.memref_squeeze %dma_start3A_560 : memref<1x128xi32, #tpu.memory_space<vmem>> -> memref<128xi32, #tpu.memory_space<vmem>>
      %dma_start3A_562 = arith.constant 0 : i32
      %dma_start3A_563 = arith.constant 0 : i32
      %dma_start3A_564 = tpu.memref_slice %arg10[%dma_start3A_562, %dma_start3A_563] : memref<10240x8xf32, #tpu.memory_space<vmem_shared>> -> memref<10240x8xf32, #tpu.memory_space<vmem_shared>>
      tpu.enqueue_indirect_dma source(%dma_start3A_558 : memref<128x8xf32, #tpu.memory_space<vmem>>) target(%dma_start3A_564 : memref<10240x8xf32, #tpu.memory_space<vmem_shared>>) offsets(%dma_start3A_561 : memref<128xi32, #tpu.memory_space<vmem>>) semaphore(%arg12 : memref<!tpu.dma_semaphore, #tpu.memory_space<semaphore_mem>>) {add = true}
      %lt3A_565 = arith.constant 4 : i32
      %lt3A_566 = arith.cmpi slt, %scan3A_253, %lt3A_565 : i32
      %convert_element_type3A_567 = arith.extui %lt3A_566 : i1 to i32
      %cond3A_568 = arith.constant 0 : i32
      %cond3A_569 = arith.cmpi ne, %convert_element_type3A_567, %cond3A_568 : i32
      scf.if %cond3A_569 {
        %add3A_715 = arith.constant 16 : i32
        %add3A_716 = arith.addi %add3A_544, %add3A_715 : i32
        %add3A_717 = arith.constant 16 : i32
        %add3A_718 = arith.addi %add3A_544, %add3A_717 : i32
        %dma_start3A_719 = arith.constant 0 : i32
        %dma_start3A_720 = arith.constant 0 : i32
        %dma_start3A_721 = tpu.memref_slice %arg9[%add3A_718, %dma_start3A_719, %dma_start3A_720] : memref<80x128x8xf32, #tpu.memory_space<vmem>> -> memref<1x128x8xf32, #tpu.memory_space<vmem>>
        %dma_start3A_722 = tpu.memref_squeeze %dma_start3A_721 : memref<1x128x8xf32, #tpu.memory_space<vmem>> -> memref<128x8xf32, #tpu.memory_space<vmem>>
        %dma_start3A_723 = arith.constant 0 : i32
        %dma_start3A_724 = tpu.memref_slice %arg7[%add3A_716, %dma_start3A_723] : memref<80x128xi32, #tpu.memory_space<vmem>> -> memref<1x128xi32, #tpu.memory_space<vmem>>
        %dma_start3A_725 = tpu.memref_squeeze %dma_start3A_724 : memref<1x128xi32, #tpu.memory_space<vmem>> -> memref<128xi32, #tpu.memory_space<vmem>>
        %dma_start3A_726 = arith.constant 0 : i32
        %dma_start3A_727 = arith.constant 0 : i32
        %dma_start3A_728 = tpu.memref_slice %arg11[%dma_start3A_726, %dma_start3A_727] : memref<10240x8xf32, #tpu.memory_space<vmem_shared>> -> memref<10240x8xf32, #tpu.memory_space<vmem_shared>>
        tpu.enqueue_indirect_dma source(%dma_start3A_728 : memref<10240x8xf32, #tpu.memory_space<vmem_shared>>) target(%dma_start3A_722 : memref<128x8xf32, #tpu.memory_space<vmem>>) offsets(%dma_start3A_725 : memref<128xi32, #tpu.memory_space<vmem>>) semaphore(%arg23 : memref<!tpu.dma_semaphore, #tpu.memory_space<semaphore_mem>>)
      } else {
      }
      %mul3A_570 = arith.constant 16 : i32
      %mul3A_571 = arith.muli %scan3A_253, %mul3A_570 : i32
      %add3A_572 = arith.constant 11 : i32
      %add3A_573 = arith.addi %mul3A_571, %add3A_572 : i32
      %dma_wait3A_574 = arith.constant 0 : i32
      %dma_wait3A_575 = arith.constant 0 : i32
      %dma_wait3A_576 = tpu.memref_slice %arg9[%add3A_573, %dma_wait3A_574, %dma_wait3A_575] : memref<80x128x8xf32, #tpu.memory_space<vmem>> -> memref<1x128x8xf32, #tpu.memory_space<vmem>>
      %dma_wait3A_577 = tpu.memref_squeeze %dma_wait3A_576 : memref<1x128x8xf32, #tpu.memory_space<vmem>> -> memref<128x8xf32, #tpu.memory_space<vmem>>
      %dma_wait3A_578 = arith.constant 0 : i32
      %dma_wait3A_579 = tpu.memref_slice %arg7[%add3A_573, %dma_wait3A_578] : memref<80x128xi32, #tpu.memory_space<vmem>> -> memref<1x128xi32, #tpu.memory_space<vmem>>
      %dma_wait3A_580 = tpu.memref_squeeze %dma_wait3A_579 : memref<1x128xi32, #tpu.memory_space<vmem>> -> memref<128xi32, #tpu.memory_space<vmem>>
      %dma_wait3A_581 = arith.constant 0 : i32
      %dma_wait3A_582 = arith.constant 0 : i32
      %dma_wait3A_583 = tpu.memref_slice %arg11[%dma_wait3A_581, %dma_wait3A_582] : memref<10240x8xf32, #tpu.memory_space<vmem_shared>> -> memref<10240x8xf32, #tpu.memory_space<vmem_shared>>
      tpu.wait_indirect_dma semaphore(%arg24 : memref<!tpu.dma_semaphore, #tpu.memory_space<semaphore_mem>>) src(%dma_wait3A_583 : memref<10240x8xf32, #tpu.memory_space<vmem_shared>>) dst(%dma_wait3A_577 : memref<128x8xf32, #tpu.memory_space<vmem>>)
      %dma_start3A_584 = arith.constant 0 : i32
      %dma_start3A_585 = arith.constant 0 : i32
      %dma_start3A_586 = tpu.memref_slice %arg9[%add3A_573, %dma_start3A_584, %dma_start3A_585] : memref<80x128x8xf32, #tpu.memory_space<vmem>> -> memref<1x128x8xf32, #tpu.memory_space<vmem>>
      %dma_start3A_587 = tpu.memref_squeeze %dma_start3A_586 : memref<1x128x8xf32, #tpu.memory_space<vmem>> -> memref<128x8xf32, #tpu.memory_space<vmem>>
      %dma_start3A_588 = arith.constant 0 : i32
      %dma_start3A_589 = tpu.memref_slice %arg8[%add3A_573, %dma_start3A_588] : memref<80x128xi32, #tpu.memory_space<vmem>> -> memref<1x128xi32, #tpu.memory_space<vmem>>
      %dma_start3A_590 = tpu.memref_squeeze %dma_start3A_589 : memref<1x128xi32, #tpu.memory_space<vmem>> -> memref<128xi32, #tpu.memory_space<vmem>>
      %dma_start3A_591 = arith.constant 0 : i32
      %dma_start3A_592 = arith.constant 0 : i32
      %dma_start3A_593 = tpu.memref_slice %arg10[%dma_start3A_591, %dma_start3A_592] : memref<10240x8xf32, #tpu.memory_space<vmem_shared>> -> memref<10240x8xf32, #tpu.memory_space<vmem_shared>>
      tpu.enqueue_indirect_dma source(%dma_start3A_587 : memref<128x8xf32, #tpu.memory_space<vmem>>) target(%dma_start3A_593 : memref<10240x8xf32, #tpu.memory_space<vmem_shared>>) offsets(%dma_start3A_590 : memref<128xi32, #tpu.memory_space<vmem>>) semaphore(%arg12 : memref<!tpu.dma_semaphore, #tpu.memory_space<semaphore_mem>>) {add = true}
      %lt3A_594 = arith.constant 4 : i32
      %lt3A_595 = arith.cmpi slt, %scan3A_253, %lt3A_594 : i32
      %convert_element_type3A_596 = arith.extui %lt3A_595 : i1 to i32
      %cond3A_597 = arith.constant 0 : i32
      %cond3A_598 = arith.cmpi ne, %convert_element_type3A_596, %cond3A_597 : i32
      scf.if %cond3A_598 {
        %add3A_715 = arith.constant 16 : i32
        %add3A_716 = arith.addi %add3A_573, %add3A_715 : i32
        %add3A_717 = arith.constant 16 : i32
        %add3A_718 = arith.addi %add3A_573, %add3A_717 : i32
        %dma_start3A_719 = arith.constant 0 : i32
        %dma_start3A_720 = arith.constant 0 : i32
        %dma_start3A_721 = tpu.memref_slice %arg9[%add3A_718, %dma_start3A_719, %dma_start3A_720] : memref<80x128x8xf32, #tpu.memory_space<vmem>> -> memref<1x128x8xf32, #tpu.memory_space<vmem>>
        %dma_start3A_722 = tpu.memref_squeeze %dma_start3A_721 : memref<1x128x8xf32, #tpu.memory_space<vmem>> -> memref<128x8xf32, #tpu.memory_space<vmem>>
        %dma_start3A_723 = arith.constant 0 : i32
        %dma_start3A_724 = tpu.memref_slice %arg7[%add3A_716, %dma_start3A_723] : memref<80x128xi32, #tpu.memory_space<vmem>> -> memref<1x128xi32, #tpu.memory_space<vmem>>
        %dma_start3A_725 = tpu.memref_squeeze %dma_start3A_724 : memref<1x128xi32, #tpu.memory_space<vmem>> -> memref<128xi32, #tpu.memory_space<vmem>>
        %dma_start3A_726 = arith.constant 0 : i32
        %dma_start3A_727 = arith.constant 0 : i32
        %dma_start3A_728 = tpu.memref_slice %arg11[%dma_start3A_726, %dma_start3A_727] : memref<10240x8xf32, #tpu.memory_space<vmem_shared>> -> memref<10240x8xf32, #tpu.memory_space<vmem_shared>>
        tpu.enqueue_indirect_dma source(%dma_start3A_728 : memref<10240x8xf32, #tpu.memory_space<vmem_shared>>) target(%dma_start3A_722 : memref<128x8xf32, #tpu.memory_space<vmem>>) offsets(%dma_start3A_725 : memref<128xi32, #tpu.memory_space<vmem>>) semaphore(%arg24 : memref<!tpu.dma_semaphore, #tpu.memory_space<semaphore_mem>>)
      } else {
      }
      %mul3A_599 = arith.constant 16 : i32
      %mul3A_600 = arith.muli %scan3A_253, %mul3A_599 : i32
      %add3A_601 = arith.constant 12 : i32
      %add3A_602 = arith.addi %mul3A_600, %add3A_601 : i32
      %dma_wait3A_603 = arith.constant 0 : i32
      %dma_wait3A_604 = arith.constant 0 : i32
      %dma_wait3A_605 = tpu.memref_slice %arg9[%add3A_602, %dma_wait3A_603, %dma_wait3A_604] : memref<80x128x8xf32, #tpu.memory_space<vmem>> -> memref<1x128x8xf32, #tpu.memory_space<vmem>>
      %dma_wait3A_606 = tpu.memref_squeeze %dma_wait3A_605 : memref<1x128x8xf32, #tpu.memory_space<vmem>> -> memref<128x8xf32, #tpu.memory_space<vmem>>
      %dma_wait3A_607 = arith.constant 0 : i32
      %dma_wait3A_608 = tpu.memref_slice %arg7[%add3A_602, %dma_wait3A_607] : memref<80x128xi32, #tpu.memory_space<vmem>> -> memref<1x128xi32, #tpu.memory_space<vmem>>
      %dma_wait3A_609 = tpu.memref_squeeze %dma_wait3A_608 : memref<1x128xi32, #tpu.memory_space<vmem>> -> memref<128xi32, #tpu.memory_space<vmem>>
      %dma_wait3A_610 = arith.constant 0 : i32
      %dma_wait3A_611 = arith.constant 0 : i32
      %dma_wait3A_612 = tpu.memref_slice %arg11[%dma_wait3A_610, %dma_wait3A_611] : memref<10240x8xf32, #tpu.memory_space<vmem_shared>> -> memref<10240x8xf32, #tpu.memory_space<vmem_shared>>
      tpu.wait_indirect_dma semaphore(%arg25 : memref<!tpu.dma_semaphore, #tpu.memory_space<semaphore_mem>>) src(%dma_wait3A_612 : memref<10240x8xf32, #tpu.memory_space<vmem_shared>>) dst(%dma_wait3A_606 : memref<128x8xf32, #tpu.memory_space<vmem>>)
      %dma_start3A_613 = arith.constant 0 : i32
      %dma_start3A_614 = arith.constant 0 : i32
      %dma_start3A_615 = tpu.memref_slice %arg9[%add3A_602, %dma_start3A_613, %dma_start3A_614] : memref<80x128x8xf32, #tpu.memory_space<vmem>> -> memref<1x128x8xf32, #tpu.memory_space<vmem>>
      %dma_start3A_616 = tpu.memref_squeeze %dma_start3A_615 : memref<1x128x8xf32, #tpu.memory_space<vmem>> -> memref<128x8xf32, #tpu.memory_space<vmem>>
      %dma_start3A_617 = arith.constant 0 : i32
      %dma_start3A_618 = tpu.memref_slice %arg8[%add3A_602, %dma_start3A_617] : memref<80x128xi32, #tpu.memory_space<vmem>> -> memref<1x128xi32, #tpu.memory_space<vmem>>
      %dma_start3A_619 = tpu.memref_squeeze %dma_start3A_618 : memref<1x128xi32, #tpu.memory_space<vmem>> -> memref<128xi32, #tpu.memory_space<vmem>>
      %dma_start3A_620 = arith.constant 0 : i32
      %dma_start3A_621 = arith.constant 0 : i32
      %dma_start3A_622 = tpu.memref_slice %arg10[%dma_start3A_620, %dma_start3A_621] : memref<10240x8xf32, #tpu.memory_space<vmem_shared>> -> memref<10240x8xf32, #tpu.memory_space<vmem_shared>>
      tpu.enqueue_indirect_dma source(%dma_start3A_616 : memref<128x8xf32, #tpu.memory_space<vmem>>) target(%dma_start3A_622 : memref<10240x8xf32, #tpu.memory_space<vmem_shared>>) offsets(%dma_start3A_619 : memref<128xi32, #tpu.memory_space<vmem>>) semaphore(%arg12 : memref<!tpu.dma_semaphore, #tpu.memory_space<semaphore_mem>>) {add = true}
      %lt3A_623 = arith.constant 4 : i32
      %lt3A_624 = arith.cmpi slt, %scan3A_253, %lt3A_623 : i32
      %convert_element_type3A_625 = arith.extui %lt3A_624 : i1 to i32
      %cond3A_626 = arith.constant 0 : i32
      %cond3A_627 = arith.cmpi ne, %convert_element_type3A_625, %cond3A_626 : i32
      scf.if %cond3A_627 {
        %add3A_715 = arith.constant 16 : i32
        %add3A_716 = arith.addi %add3A_602, %add3A_715 : i32
        %add3A_717 = arith.constant 16 : i32
        %add3A_718 = arith.addi %add3A_602, %add3A_717 : i32
        %dma_start3A_719 = arith.constant 0 : i32
        %dma_start3A_720 = arith.constant 0 : i32
        %dma_start3A_721 = tpu.memref_slice %arg9[%add3A_718, %dma_start3A_719, %dma_start3A_720] : memref<80x128x8xf32, #tpu.memory_space<vmem>> -> memref<1x128x8xf32, #tpu.memory_space<vmem>>
        %dma_start3A_722 = tpu.memref_squeeze %dma_start3A_721 : memref<1x128x8xf32, #tpu.memory_space<vmem>> -> memref<128x8xf32, #tpu.memory_space<vmem>>
        %dma_start3A_723 = arith.constant 0 : i32
        %dma_start3A_724 = tpu.memref_slice %arg7[%add3A_716, %dma_start3A_723] : memref<80x128xi32, #tpu.memory_space<vmem>> -> memref<1x128xi32, #tpu.memory_space<vmem>>
        %dma_start3A_725 = tpu.memref_squeeze %dma_start3A_724 : memref<1x128xi32, #tpu.memory_space<vmem>> -> memref<128xi32, #tpu.memory_space<vmem>>
        %dma_start3A_726 = arith.constant 0 : i32
        %dma_start3A_727 = arith.constant 0 : i32
        %dma_start3A_728 = tpu.memref_slice %arg11[%dma_start3A_726, %dma_start3A_727] : memref<10240x8xf32, #tpu.memory_space<vmem_shared>> -> memref<10240x8xf32, #tpu.memory_space<vmem_shared>>
        tpu.enqueue_indirect_dma source(%dma_start3A_728 : memref<10240x8xf32, #tpu.memory_space<vmem_shared>>) target(%dma_start3A_722 : memref<128x8xf32, #tpu.memory_space<vmem>>) offsets(%dma_start3A_725 : memref<128xi32, #tpu.memory_space<vmem>>) semaphore(%arg25 : memref<!tpu.dma_semaphore, #tpu.memory_space<semaphore_mem>>)
      } else {
      }
      %mul3A_628 = arith.constant 16 : i32
      %mul3A_629 = arith.muli %scan3A_253, %mul3A_628 : i32
      %add3A_630 = arith.constant 13 : i32
      %add3A_631 = arith.addi %mul3A_629, %add3A_630 : i32
      %dma_wait3A_632 = arith.constant 0 : i32
      %dma_wait3A_633 = arith.constant 0 : i32
      %dma_wait3A_634 = tpu.memref_slice %arg9[%add3A_631, %dma_wait3A_632, %dma_wait3A_633] : memref<80x128x8xf32, #tpu.memory_space<vmem>> -> memref<1x128x8xf32, #tpu.memory_space<vmem>>
      %dma_wait3A_635 = tpu.memref_squeeze %dma_wait3A_634 : memref<1x128x8xf32, #tpu.memory_space<vmem>> -> memref<128x8xf32, #tpu.memory_space<vmem>>
      %dma_wait3A_636 = arith.constant 0 : i32
      %dma_wait3A_637 = tpu.memref_slice %arg7[%add3A_631, %dma_wait3A_636] : memref<80x128xi32, #tpu.memory_space<vmem>> -> memref<1x128xi32, #tpu.memory_space<vmem>>
      %dma_wait3A_638 = tpu.memref_squeeze %dma_wait3A_637 : memref<1x128xi32, #tpu.memory_space<vmem>> -> memref<128xi32, #tpu.memory_space<vmem>>
      %dma_wait3A_639 = arith.constant 0 : i32
      %dma_wait3A_640 = arith.constant 0 : i32
      %dma_wait3A_641 = tpu.memref_slice %arg11[%dma_wait3A_639, %dma_wait3A_640] : memref<10240x8xf32, #tpu.memory_space<vmem_shared>> -> memref<10240x8xf32, #tpu.memory_space<vmem_shared>>
      tpu.wait_indirect_dma semaphore(%arg26 : memref<!tpu.dma_semaphore, #tpu.memory_space<semaphore_mem>>) src(%dma_wait3A_641 : memref<10240x8xf32, #tpu.memory_space<vmem_shared>>) dst(%dma_wait3A_635 : memref<128x8xf32, #tpu.memory_space<vmem>>)
      %dma_start3A_642 = arith.constant 0 : i32
      %dma_start3A_643 = arith.constant 0 : i32
      %dma_start3A_644 = tpu.memref_slice %arg9[%add3A_631, %dma_start3A_642, %dma_start3A_643] : memref<80x128x8xf32, #tpu.memory_space<vmem>> -> memref<1x128x8xf32, #tpu.memory_space<vmem>>
      %dma_start3A_645 = tpu.memref_squeeze %dma_start3A_644 : memref<1x128x8xf32, #tpu.memory_space<vmem>> -> memref<128x8xf32, #tpu.memory_space<vmem>>
      %dma_start3A_646 = arith.constant 0 : i32
      %dma_start3A_647 = tpu.memref_slice %arg8[%add3A_631, %dma_start3A_646] : memref<80x128xi32, #tpu.memory_space<vmem>> -> memref<1x128xi32, #tpu.memory_space<vmem>>
      %dma_start3A_648 = tpu.memref_squeeze %dma_start3A_647 : memref<1x128xi32, #tpu.memory_space<vmem>> -> memref<128xi32, #tpu.memory_space<vmem>>
      %dma_start3A_649 = arith.constant 0 : i32
      %dma_start3A_650 = arith.constant 0 : i32
      %dma_start3A_651 = tpu.memref_slice %arg10[%dma_start3A_649, %dma_start3A_650] : memref<10240x8xf32, #tpu.memory_space<vmem_shared>> -> memref<10240x8xf32, #tpu.memory_space<vmem_shared>>
      tpu.enqueue_indirect_dma source(%dma_start3A_645 : memref<128x8xf32, #tpu.memory_space<vmem>>) target(%dma_start3A_651 : memref<10240x8xf32, #tpu.memory_space<vmem_shared>>) offsets(%dma_start3A_648 : memref<128xi32, #tpu.memory_space<vmem>>) semaphore(%arg12 : memref<!tpu.dma_semaphore, #tpu.memory_space<semaphore_mem>>) {add = true}
      %lt3A_652 = arith.constant 4 : i32
      %lt3A_653 = arith.cmpi slt, %scan3A_253, %lt3A_652 : i32
      %convert_element_type3A_654 = arith.extui %lt3A_653 : i1 to i32
      %cond3A_655 = arith.constant 0 : i32
      %cond3A_656 = arith.cmpi ne, %convert_element_type3A_654, %cond3A_655 : i32
      scf.if %cond3A_656 {
        %add3A_715 = arith.constant 16 : i32
        %add3A_716 = arith.addi %add3A_631, %add3A_715 : i32
        %add3A_717 = arith.constant 16 : i32
        %add3A_718 = arith.addi %add3A_631, %add3A_717 : i32
        %dma_start3A_719 = arith.constant 0 : i32
        %dma_start3A_720 = arith.constant 0 : i32
        %dma_start3A_721 = tpu.memref_slice %arg9[%add3A_718, %dma_start3A_719, %dma_start3A_720] : memref<80x128x8xf32, #tpu.memory_space<vmem>> -> memref<1x128x8xf32, #tpu.memory_space<vmem>>
        %dma_start3A_722 = tpu.memref_squeeze %dma_start3A_721 : memref<1x128x8xf32, #tpu.memory_space<vmem>> -> memref<128x8xf32, #tpu.memory_space<vmem>>
        %dma_start3A_723 = arith.constant 0 : i32
        %dma_start3A_724 = tpu.memref_slice %arg7[%add3A_716, %dma_start3A_723] : memref<80x128xi32, #tpu.memory_space<vmem>> -> memref<1x128xi32, #tpu.memory_space<vmem>>
        %dma_start3A_725 = tpu.memref_squeeze %dma_start3A_724 : memref<1x128xi32, #tpu.memory_space<vmem>> -> memref<128xi32, #tpu.memory_space<vmem>>
        %dma_start3A_726 = arith.constant 0 : i32
        %dma_start3A_727 = arith.constant 0 : i32
        %dma_start3A_728 = tpu.memref_slice %arg11[%dma_start3A_726, %dma_start3A_727] : memref<10240x8xf32, #tpu.memory_space<vmem_shared>> -> memref<10240x8xf32, #tpu.memory_space<vmem_shared>>
        tpu.enqueue_indirect_dma source(%dma_start3A_728 : memref<10240x8xf32, #tpu.memory_space<vmem_shared>>) target(%dma_start3A_722 : memref<128x8xf32, #tpu.memory_space<vmem>>) offsets(%dma_start3A_725 : memref<128xi32, #tpu.memory_space<vmem>>) semaphore(%arg26 : memref<!tpu.dma_semaphore, #tpu.memory_space<semaphore_mem>>)
      } else {
      }
      %mul3A_657 = arith.constant 16 : i32
      %mul3A_658 = arith.muli %scan3A_253, %mul3A_657 : i32
      %add3A_659 = arith.constant 14 : i32
      %add3A_660 = arith.addi %mul3A_658, %add3A_659 : i32
      %dma_wait3A_661 = arith.constant 0 : i32
      %dma_wait3A_662 = arith.constant 0 : i32
      %dma_wait3A_663 = tpu.memref_slice %arg9[%add3A_660, %dma_wait3A_661, %dma_wait3A_662] : memref<80x128x8xf32, #tpu.memory_space<vmem>> -> memref<1x128x8xf32, #tpu.memory_space<vmem>>
      %dma_wait3A_664 = tpu.memref_squeeze %dma_wait3A_663 : memref<1x128x8xf32, #tpu.memory_space<vmem>> -> memref<128x8xf32, #tpu.memory_space<vmem>>
      %dma_wait3A_665 = arith.constant 0 : i32
      %dma_wait3A_666 = tpu.memref_slice %arg7[%add3A_660, %dma_wait3A_665] : memref<80x128xi32, #tpu.memory_space<vmem>> -> memref<1x128xi32, #tpu.memory_space<vmem>>
      %dma_wait3A_667 = tpu.memref_squeeze %dma_wait3A_666 : memref<1x128xi32, #tpu.memory_space<vmem>> -> memref<128xi32, #tpu.memory_space<vmem>>
      %dma_wait3A_668 = arith.constant 0 : i32
      %dma_wait3A_669 = arith.constant 0 : i32
      %dma_wait3A_670 = tpu.memref_slice %arg11[%dma_wait3A_668, %dma_wait3A_669] : memref<10240x8xf32, #tpu.memory_space<vmem_shared>> -> memref<10240x8xf32, #tpu.memory_space<vmem_shared>>
      tpu.wait_indirect_dma semaphore(%arg27 : memref<!tpu.dma_semaphore, #tpu.memory_space<semaphore_mem>>) src(%dma_wait3A_670 : memref<10240x8xf32, #tpu.memory_space<vmem_shared>>) dst(%dma_wait3A_664 : memref<128x8xf32, #tpu.memory_space<vmem>>)
      %dma_start3A_671 = arith.constant 0 : i32
      %dma_start3A_672 = arith.constant 0 : i32
      %dma_start3A_673 = tpu.memref_slice %arg9[%add3A_660, %dma_start3A_671, %dma_start3A_672] : memref<80x128x8xf32, #tpu.memory_space<vmem>> -> memref<1x128x8xf32, #tpu.memory_space<vmem>>
      %dma_start3A_674 = tpu.memref_squeeze %dma_start3A_673 : memref<1x128x8xf32, #tpu.memory_space<vmem>> -> memref<128x8xf32, #tpu.memory_space<vmem>>
      %dma_start3A_675 = arith.constant 0 : i32
      %dma_start3A_676 = tpu.memref_slice %arg8[%add3A_660, %dma_start3A_675] : memref<80x128xi32, #tpu.memory_space<vmem>> -> memref<1x128xi32, #tpu.memory_space<vmem>>
      %dma_start3A_677 = tpu.memref_squeeze %dma_start3A_676 : memref<1x128xi32, #tpu.memory_space<vmem>> -> memref<128xi32, #tpu.memory_space<vmem>>
      %dma_start3A_678 = arith.constant 0 : i32
      %dma_start3A_679 = arith.constant 0 : i32
      %dma_start3A_680 = tpu.memref_slice %arg10[%dma_start3A_678, %dma_start3A_679] : memref<10240x8xf32, #tpu.memory_space<vmem_shared>> -> memref<10240x8xf32, #tpu.memory_space<vmem_shared>>
      tpu.enqueue_indirect_dma source(%dma_start3A_674 : memref<128x8xf32, #tpu.memory_space<vmem>>) target(%dma_start3A_680 : memref<10240x8xf32, #tpu.memory_space<vmem_shared>>) offsets(%dma_start3A_677 : memref<128xi32, #tpu.memory_space<vmem>>) semaphore(%arg12 : memref<!tpu.dma_semaphore, #tpu.memory_space<semaphore_mem>>) {add = true}
      %lt3A_681 = arith.constant 4 : i32
      %lt3A_682 = arith.cmpi slt, %scan3A_253, %lt3A_681 : i32
      %convert_element_type3A_683 = arith.extui %lt3A_682 : i1 to i32
      %cond3A_684 = arith.constant 0 : i32
      %cond3A_685 = arith.cmpi ne, %convert_element_type3A_683, %cond3A_684 : i32
      scf.if %cond3A_685 {
        %add3A_715 = arith.constant 16 : i32
        %add3A_716 = arith.addi %add3A_660, %add3A_715 : i32
        %add3A_717 = arith.constant 16 : i32
        %add3A_718 = arith.addi %add3A_660, %add3A_717 : i32
        %dma_start3A_719 = arith.constant 0 : i32
        %dma_start3A_720 = arith.constant 0 : i32
        %dma_start3A_721 = tpu.memref_slice %arg9[%add3A_718, %dma_start3A_719, %dma_start3A_720] : memref<80x128x8xf32, #tpu.memory_space<vmem>> -> memref<1x128x8xf32, #tpu.memory_space<vmem>>
        %dma_start3A_722 = tpu.memref_squeeze %dma_start3A_721 : memref<1x128x8xf32, #tpu.memory_space<vmem>> -> memref<128x8xf32, #tpu.memory_space<vmem>>
        %dma_start3A_723 = arith.constant 0 : i32
        %dma_start3A_724 = tpu.memref_slice %arg7[%add3A_716, %dma_start3A_723] : memref<80x128xi32, #tpu.memory_space<vmem>> -> memref<1x128xi32, #tpu.memory_space<vmem>>
        %dma_start3A_725 = tpu.memref_squeeze %dma_start3A_724 : memref<1x128xi32, #tpu.memory_space<vmem>> -> memref<128xi32, #tpu.memory_space<vmem>>
        %dma_start3A_726 = arith.constant 0 : i32
        %dma_start3A_727 = arith.constant 0 : i32
        %dma_start3A_728 = tpu.memref_slice %arg11[%dma_start3A_726, %dma_start3A_727] : memref<10240x8xf32, #tpu.memory_space<vmem_shared>> -> memref<10240x8xf32, #tpu.memory_space<vmem_shared>>
        tpu.enqueue_indirect_dma source(%dma_start3A_728 : memref<10240x8xf32, #tpu.memory_space<vmem_shared>>) target(%dma_start3A_722 : memref<128x8xf32, #tpu.memory_space<vmem>>) offsets(%dma_start3A_725 : memref<128xi32, #tpu.memory_space<vmem>>) semaphore(%arg27 : memref<!tpu.dma_semaphore, #tpu.memory_space<semaphore_mem>>)
      } else {
      }
      %mul3A_686 = arith.constant 16 : i32
      %mul3A_687 = arith.muli %scan3A_253, %mul3A_686 : i32
      %add3A_688 = arith.constant 15 : i32
      %add3A_689 = arith.addi %mul3A_687, %add3A_688 : i32
      %dma_wait3A_690 = arith.constant 0 : i32
      %dma_wait3A_691 = arith.constant 0 : i32
      %dma_wait3A_692 = tpu.memref_slice %arg9[%add3A_689, %dma_wait3A_690, %dma_wait3A_691] : memref<80x128x8xf32, #tpu.memory_space<vmem>> -> memref<1x128x8xf32, #tpu.memory_space<vmem>>
      %dma_wait3A_693 = tpu.memref_squeeze %dma_wait3A_692 : memref<1x128x8xf32, #tpu.memory_space<vmem>> -> memref<128x8xf32, #tpu.memory_space<vmem>>
      %dma_wait3A_694 = arith.constant 0 : i32
      %dma_wait3A_695 = tpu.memref_slice %arg7[%add3A_689, %dma_wait3A_694] : memref<80x128xi32, #tpu.memory_space<vmem>> -> memref<1x128xi32, #tpu.memory_space<vmem>>
      %dma_wait3A_696 = tpu.memref_squeeze %dma_wait3A_695 : memref<1x128xi32, #tpu.memory_space<vmem>> -> memref<128xi32, #tpu.memory_space<vmem>>
      %dma_wait3A_697 = arith.constant 0 : i32
      %dma_wait3A_698 = arith.constant 0 : i32
      %dma_wait3A_699 = tpu.memref_slice %arg11[%dma_wait3A_697, %dma_wait3A_698] : memref<10240x8xf32, #tpu.memory_space<vmem_shared>> -> memref<10240x8xf32, #tpu.memory_space<vmem_shared>>
      tpu.wait_indirect_dma semaphore(%arg28 : memref<!tpu.dma_semaphore, #tpu.memory_space<semaphore_mem>>) src(%dma_wait3A_699 : memref<10240x8xf32, #tpu.memory_space<vmem_shared>>) dst(%dma_wait3A_693 : memref<128x8xf32, #tpu.memory_space<vmem>>)
      %dma_start3A_700 = arith.constant 0 : i32
      %dma_start3A_701 = arith.constant 0 : i32
      %dma_start3A_702 = tpu.memref_slice %arg9[%add3A_689, %dma_start3A_700, %dma_start3A_701] : memref<80x128x8xf32, #tpu.memory_space<vmem>> -> memref<1x128x8xf32, #tpu.memory_space<vmem>>
      %dma_start3A_703 = tpu.memref_squeeze %dma_start3A_702 : memref<1x128x8xf32, #tpu.memory_space<vmem>> -> memref<128x8xf32, #tpu.memory_space<vmem>>
      %dma_start3A_704 = arith.constant 0 : i32
      %dma_start3A_705 = tpu.memref_slice %arg8[%add3A_689, %dma_start3A_704] : memref<80x128xi32, #tpu.memory_space<vmem>> -> memref<1x128xi32, #tpu.memory_space<vmem>>
      %dma_start3A_706 = tpu.memref_squeeze %dma_start3A_705 : memref<1x128xi32, #tpu.memory_space<vmem>> -> memref<128xi32, #tpu.memory_space<vmem>>
      %dma_start3A_707 = arith.constant 0 : i32
      %dma_start3A_708 = arith.constant 0 : i32
      %dma_start3A_709 = tpu.memref_slice %arg10[%dma_start3A_707, %dma_start3A_708] : memref<10240x8xf32, #tpu.memory_space<vmem_shared>> -> memref<10240x8xf32, #tpu.memory_space<vmem_shared>>
      tpu.enqueue_indirect_dma source(%dma_start3A_703 : memref<128x8xf32, #tpu.memory_space<vmem>>) target(%dma_start3A_709 : memref<10240x8xf32, #tpu.memory_space<vmem_shared>>) offsets(%dma_start3A_706 : memref<128xi32, #tpu.memory_space<vmem>>) semaphore(%arg12 : memref<!tpu.dma_semaphore, #tpu.memory_space<semaphore_mem>>) {add = true}
      %lt3A_710 = arith.constant 4 : i32
      %lt3A_711 = arith.cmpi slt, %scan3A_253, %lt3A_710 : i32
      %convert_element_type3A_712 = arith.extui %lt3A_711 : i1 to i32
      %cond3A_713 = arith.constant 0 : i32
      %cond3A_714 = arith.cmpi ne, %convert_element_type3A_712, %cond3A_713 : i32
      scf.if %cond3A_714 {
        %add3A_715 = arith.constant 16 : i32
        %add3A_716 = arith.addi %add3A_689, %add3A_715 : i32
        %add3A_717 = arith.constant 16 : i32
        %add3A_718 = arith.addi %add3A_689, %add3A_717 : i32
        %dma_start3A_719 = arith.constant 0 : i32
        %dma_start3A_720 = arith.constant 0 : i32
        %dma_start3A_721 = tpu.memref_slice %arg9[%add3A_718, %dma_start3A_719, %dma_start3A_720] : memref<80x128x8xf32, #tpu.memory_space<vmem>> -> memref<1x128x8xf32, #tpu.memory_space<vmem>>
        %dma_start3A_722 = tpu.memref_squeeze %dma_start3A_721 : memref<1x128x8xf32, #tpu.memory_space<vmem>> -> memref<128x8xf32, #tpu.memory_space<vmem>>
        %dma_start3A_723 = arith.constant 0 : i32
        %dma_start3A_724 = tpu.memref_slice %arg7[%add3A_716, %dma_start3A_723] : memref<80x128xi32, #tpu.memory_space<vmem>> -> memref<1x128xi32, #tpu.memory_space<vmem>>
        %dma_start3A_725 = tpu.memref_squeeze %dma_start3A_724 : memref<1x128xi32, #tpu.memory_space<vmem>> -> memref<128xi32, #tpu.memory_space<vmem>>
        %dma_start3A_726 = arith.constant 0 : i32
        %dma_start3A_727 = arith.constant 0 : i32
        %dma_start3A_728 = tpu.memref_slice %arg11[%dma_start3A_726, %dma_start3A_727] : memref<10240x8xf32, #tpu.memory_space<vmem_shared>> -> memref<10240x8xf32, #tpu.memory_space<vmem_shared>>
        tpu.enqueue_indirect_dma source(%dma_start3A_728 : memref<10240x8xf32, #tpu.memory_space<vmem_shared>>) target(%dma_start3A_722 : memref<128x8xf32, #tpu.memory_space<vmem>>) offsets(%dma_start3A_725 : memref<128xi32, #tpu.memory_space<vmem>>) semaphore(%arg28 : memref<!tpu.dma_semaphore, #tpu.memory_space<semaphore_mem>>)
      } else {
      }
    }
    %scan3A_245 = arith.constant 5 : i32
    %scan3A_246 = arith.constant 0 : i32
    %scan3A_247 = arith.constant 0 : i32
    %scan3A_248 = arith.constant 80 : i32
    %scan3A_249 = arith.addi %scan3A_247, %scan3A_248 : i32
    %scan3A_250 = arith.constant 1 : i32
    scf.for %scan3A_253 = %scan3A_247 to %scan3A_249 step %scan3A_250  : i32 {
      %dma_wait3A_254 = arith.constant 0 : i32
      %dma_wait3A_255 = arith.constant 0 : i32
      %dma_wait3A_256 = tpu.memref_slice %arg9[%scan3A_253, %dma_wait3A_254, %dma_wait3A_255] : memref<80x128x8xf32, #tpu.memory_space<vmem>> -> memref<1x128x8xf32, #tpu.memory_space<vmem>>
      %dma_wait3A_257 = tpu.memref_squeeze %dma_wait3A_256 : memref<1x128x8xf32, #tpu.memory_space<vmem>> -> memref<128x8xf32, #tpu.memory_space<vmem>>
      %dma_wait3A_258 = arith.constant 0 : i32
      %dma_wait3A_259 = tpu.memref_slice %arg8[%scan3A_253, %dma_wait3A_258] : memref<80x128xi32, #tpu.memory_space<vmem>> -> memref<1x128xi32, #tpu.memory_space<vmem>>
      %dma_wait3A_260 = tpu.memref_squeeze %dma_wait3A_259 : memref<1x128xi32, #tpu.memory_space<vmem>> -> memref<128xi32, #tpu.memory_space<vmem>>
      %dma_wait3A_261 = arith.constant 0 : i32
      %dma_wait3A_262 = arith.constant 0 : i32
      %dma_wait3A_263 = tpu.memref_slice %arg10[%dma_wait3A_261, %dma_wait3A_262] : memref<10240x8xf32, #tpu.memory_space<vmem_shared>> -> memref<10240x8xf32, #tpu.memory_space<vmem_shared>>
      tpu.wait_indirect_dma semaphore(%arg12 : memref<!tpu.dma_semaphore, #tpu.memory_space<semaphore_mem>>) src(%dma_wait3A_257 : memref<128x8xf32, #tpu.memory_space<vmem>>) dst(%dma_wait3A_263 : memref<10240x8xf32, #tpu.memory_space<vmem_shared>>)
    }
    %scan3A_251 = arith.constant 80 : i32
    %barrier3A_252 = arith.constant 0 : index
    tpu.barrier barrier_id(%barrier3A_252)
    "tpu.region"() ({
      %run_scoped3A = tpu.sem_alloc : memref<!tpu.dma_semaphore, #tpu.memory_space<semaphore_mem>>
      %dma_start3A_253 = arith.constant 0 : i32
      %dma_start3A_254 = tpu.memref_slice %arg6[%arg0, %mul3A_2, %dma_start3A_253] : memref<2x10240x8xf32, #tpu.memory_space<hbm>> -> memref<1x640x8xf32, #tpu.memory_space<hbm>>
      %dma_start3A_255 = tpu.memref_squeeze %dma_start3A_254 : memref<1x640x8xf32, #tpu.memory_space<hbm>> -> memref<640x8xf32, #tpu.memory_space<hbm>>
      %dma_start3A_256 = arith.constant 0 : i32
      %dma_start3A_257 = tpu.memref_slice %arg10[%mul3A_2, %dma_start3A_256] : memref<10240x8xf32, #tpu.memory_space<vmem_shared>> -> memref<640x8xf32, #tpu.memory_space<vmem_shared>>
      tpu.enqueue_dma source(%dma_start3A_257 : memref<640x8xf32, #tpu.memory_space<vmem_shared>>) target(%dma_start3A_255 : memref<640x8xf32, #tpu.memory_space<hbm>>) target_semaphore(%run_scoped3A : memref<!tpu.dma_semaphore, #tpu.memory_space<semaphore_mem>>)
      %dma_wait3A_258 = arith.constant 0 : i32
      %dma_wait3A_259 = tpu.memref_slice %arg6[%arg0, %mul3A_2, %dma_wait3A_258] : memref<2x10240x8xf32, #tpu.memory_space<hbm>> -> memref<1x640x8xf32, #tpu.memory_space<hbm>>
      %dma_wait3A_260 = tpu.memref_squeeze %dma_wait3A_259 : memref<1x640x8xf32, #tpu.memory_space<hbm>> -> memref<640x8xf32, #tpu.memory_space<hbm>>
      %dma_wait3A_261 = arith.constant 0 : i32
      %dma_wait3A_262 = tpu.memref_slice %arg10[%mul3A_2, %dma_wait3A_261] : memref<10240x8xf32, #tpu.memory_space<vmem_shared>> -> memref<640x8xf32, #tpu.memory_space<vmem_shared>>
      tpu.wait_dma2 semaphore(%run_scoped3A : memref<!tpu.dma_semaphore, #tpu.memory_space<semaphore_mem>>) src(%dma_wait3A_262 : memref<640x8xf32, #tpu.memory_space<vmem_shared>>) dst(%dma_wait3A_260 : memref<640x8xf32, #tpu.memory_space<hbm>>)
      tpu.yield
    }) : () -> ()
    return
  }
}

#map = affine_map<(d0, d1) -> (0, 0, 0)>
#map1 = affine_map<(d0, d1) -> (0, 0)>
module attributes {stable_mosaic.version = 14 : i64} {
  func.func @_message_pass(%arg0: i32, %arg1: i32, %arg2: memref<32x80x128xi32, #tpu.memory_space<hbm>>, %arg3: memref<32x80x128xi32, #tpu.memory_space<hbm>>, %arg4: memref<10240x8xf32, #tpu.memory_space<hbm>>, %arg5: memref<10240x8xf32, #tpu.memory_space<hbm>>, %arg6: memref<2x10240x8xf32, #tpu.memory_space<hbm>>, %arg7: memref<80x128xi32, #tpu.memory_space<vmem>>, %arg8: memref<80x128xi32, #tpu.memory_space<vmem>>, %arg9: memref<80x128x8xf32, #tpu.memory_space<vmem>>, %arg10: memref<10240x8xf32, #tpu.memory_space<vmem_shared>>, %arg11: memref<10240x8xf32, #tpu.memory_space<vmem_shared>>, %arg12: memref<!tpu.dma_semaphore, #tpu.memory_space<semaphore_mem>>, %arg13: memref<!tpu.dma_semaphore, #tpu.memory_space<semaphore_mem>>, %arg14: memref<!tpu.dma_semaphore, #tpu.memory_space<semaphore_mem>>, %arg15: memref<!tpu.dma_semaphore, #tpu.memory_space<semaphore_mem>>, %arg16: memref<!tpu.dma_semaphore, #tpu.memory_space<semaphore_mem>>, %arg17: memref<!tpu.dma_semaphore, #tpu.memory_space<semaphore_mem>>, %arg18: memref<!tpu.dma_semaphore, #tpu.memory_space<semaphore_mem>>, %arg19: memref<!tpu.dma_semaphore, #tpu.memory_space<semaphore_mem>>, %arg20: memref<!tpu.dma_semaphore, #tpu.memory_space<semaphore_mem>>, %arg21: memref<!tpu.dma_semaphore, #tpu.memory_space<semaphore_mem>>, %arg22: memref<!tpu.dma_semaphore, #tpu.memory_space<semaphore_mem>>, %arg23: memref<!tpu.dma_semaphore, #tpu.memory_space<semaphore_mem>>, %arg24: memref<!tpu.dma_semaphore, #tpu.memory_space<semaphore_mem>>, %arg25: memref<!tpu.dma_semaphore, #tpu.memory_space<semaphore_mem>>, %arg26: memref<!tpu.dma_semaphore, #tpu.memory_space<semaphore_mem>>, %arg27: memref<!tpu.dma_semaphore, #tpu.memory_space<semaphore_mem>>, %arg28: memref<!tpu.dma_semaphore, #tpu.memory_space<semaphore_mem>>) attributes {dimension_semantics = [#tpu.dimension_semantics<core_parallel>, #tpu.dimension_semantics<subcore_parallel>], iteration_bounds = array<i64: 2, 16>, scalar_prefetch = 0 : i64, scratch_operands = 22 : i64, tpu.core_type = #tpu.core_type<sc_vector_subcore>, window_params = [{transform_indices = #map}, {transform_indices = #map}, {transform_indices = #map1}, {transform_indices = #map1}, {transform_indices = #map}]} {
    %mul3A = arith.constant 16 : i32
    %mul3A_0 = arith.muli %arg0, %mul3A : i32
    %add3A = arith.addi %mul3A_0, %arg1 : i32
    %mul3A_1 = arith.constant 640 : i32
    %mul3A_2 = arith.muli %arg1, %mul3A_1 : i32
    %dma_start3A = arith.constant 0 : i32
    %dma_start3A_3 = arith.constant 0 : i32
    %dma_start3A_4 = tpu.memref_slice %arg2[%add3A, %dma_start3A, %dma_start3A_3] : memref<32x80x128xi32, #tpu.memory_space<hbm>> -> memref<1x80x128xi32, #tpu.memory_space<hbm>>
    %dma_start3A_5 = tpu.memref_squeeze %dma_start3A_4 : memref<1x80x128xi32, #tpu.memory_space<hbm>> -> memref<80x128xi32, #tpu.memory_space<hbm>>
    %dma_start3A_6 = arith.constant 0 : i32
    %dma_start3A_7 = arith.constant 0 : i32
    %dma_start3A_8 = tpu.memref_slice %arg2[%add3A, %dma_start3A_6, %dma_start3A_7] : memref<32x80x128xi32, #tpu.memory_space<hbm>> -> memref<1x80x128xi32, #tpu.memory_space<hbm>>
    %dma_start3A_9 = tpu.memref_squeeze %dma_start3A_8 : memref<1x80x128xi32, #tpu.memory_space<hbm>> -> memref<80x128xi32, #tpu.memory_space<hbm>>
    tpu.enqueue_dma source(%dma_start3A_9 : memref<80x128xi32, #tpu.memory_space<hbm>>) target(%arg7 : memref<80x128xi32, #tpu.memory_space<vmem>>) target_semaphore(%arg12 : memref<!tpu.dma_semaphore, #tpu.memory_space<semaphore_mem>>)
    %dma_start3A_10 = arith.constant 0 : i32
    %dma_start3A_11 = arith.constant 0 : i32
    %dma_start3A_12 = tpu.memref_slice %arg3[%add3A, %dma_start3A_10, %dma_start3A_11] : memref<32x80x128xi32, #tpu.memory_space<hbm>> -> memref<1x80x128xi32, #tpu.memory_space<hbm>>
    %dma_start3A_13 = tpu.memref_squeeze %dma_start3A_12 : memref<1x80x128xi32, #tpu.memory_space<hbm>> -> memref<80x128xi32, #tpu.memory_space<hbm>>
    %dma_start3A_14 = arith.constant 0 : i32
    %dma_start3A_15 = arith.constant 0 : i32
    %dma_start3A_16 = tpu.memref_slice %arg3[%add3A, %dma_start3A_14, %dma_start3A_15] : memref<32x80x128xi32, #tpu.memory_space<hbm>> -> memref<1x80x128xi32, #tpu.memory_space<hbm>>
    %dma_start3A_17 = tpu.memref_squeeze %dma_start3A_16 : memref<1x80x128xi32, #tpu.memory_space<hbm>> -> memref<80x128xi32, #tpu.memory_space<hbm>>
    tpu.enqueue_dma source(%dma_start3A_17 : memref<80x128xi32, #tpu.memory_space<hbm>>) target(%arg8 : memref<80x128xi32, #tpu.memory_space<vmem>>) target_semaphore(%arg12 : memref<!tpu.dma_semaphore, #tpu.memory_space<semaphore_mem>>)
    %dma_start3A_18 = arith.constant 0 : i32
    %dma_start3A_19 = tpu.memref_slice %arg11[%mul3A_2, %dma_start3A_18] : memref<10240x8xf32, #tpu.memory_space<vmem_shared>> -> memref<640x8xf32, #tpu.memory_space<vmem_shared>>
    %dma_start3A_20 = arith.constant 0 : i32
    %dma_start3A_21 = tpu.memref_slice %arg4[%mul3A_2, %dma_start3A_20] : memref<10240x8xf32, #tpu.memory_space<hbm>> -> memref<640x8xf32, #tpu.memory_space<hbm>>
    tpu.enqueue_dma source(%dma_start3A_21 : memref<640x8xf32, #tpu.memory_space<hbm>>) target(%dma_start3A_19 : memref<640x8xf32, #tpu.memory_space<vmem_shared>>) target_semaphore(%arg12 : memref<!tpu.dma_semaphore, #tpu.memory_space<semaphore_mem>>)
    %dma_start3A_22 = arith.constant 0 : i32
    %dma_start3A_23 = tpu.memref_slice %arg10[%mul3A_2, %dma_start3A_22] : memref<10240x8xf32, #tpu.memory_space<vmem_shared>> -> memref<640x8xf32, #tpu.memory_space<vmem_shared>>
    %dma_start3A_24 = arith.constant 0 : i32
    %dma_start3A_25 = tpu.memref_slice %arg5[%mul3A_2, %dma_start3A_24] : memref<10240x8xf32, #tpu.memory_space<hbm>> -> memref<640x8xf32, #tpu.memory_space<hbm>>
    tpu.enqueue_dma source(%dma_start3A_25 : memref<640x8xf32, #tpu.memory_space<hbm>>) target(%dma_start3A_23 : memref<640x8xf32, #tpu.memory_space<vmem_shared>>) target_semaphore(%arg12 : memref<!tpu.dma_semaphore, #tpu.memory_space<semaphore_mem>>)
    %dma_wait3A = arith.constant 0 : i32
    %dma_wait3A_26 = arith.constant 0 : i32
    %dma_wait3A_27 = tpu.memref_slice %arg2[%add3A, %dma_wait3A, %dma_wait3A_26] : memref<32x80x128xi32, #tpu.memory_space<hbm>> -> memref<1x80x128xi32, #tpu.memory_space<hbm>>
    %dma_wait3A_28 = tpu.memref_squeeze %dma_wait3A_27 : memref<1x80x128xi32, #tpu.memory_space<hbm>> -> memref<80x128xi32, #tpu.memory_space<hbm>>
    %dma_wait3A_29 = arith.constant 0 : i32
    %dma_wait3A_30 = arith.constant 0 : i32
    %dma_wait3A_31 = tpu.memref_slice %arg2[%add3A, %dma_wait3A_29, %dma_wait3A_30] : memref<32x80x128xi32, #tpu.memory_space<hbm>> -> memref<1x80x128xi32, #tpu.memory_space<hbm>>
    %dma_wait3A_32 = tpu.memref_squeeze %dma_wait3A_31 : memref<1x80x128xi32, #tpu.memory_space<hbm>> -> memref<80x128xi32, #tpu.memory_space<hbm>>
    tpu.wait_dma2 semaphore(%arg12 : memref<!tpu.dma_semaphore, #tpu.memory_space<semaphore_mem>>) src(%dma_wait3A_32 : memref<80x128xi32, #tpu.memory_space<hbm>>) dst(%arg7 : memref<80x128xi32, #tpu.memory_space<vmem>>)
    %dma_wait3A_33 = arith.constant 0 : i32
    %dma_wait3A_34 = arith.constant 0 : i32
    %dma_wait3A_35 = tpu.memref_slice %arg3[%add3A, %dma_wait3A_33, %dma_wait3A_34] : memref<32x80x128xi32, #tpu.memory_space<hbm>> -> memref<1x80x128xi32, #tpu.memory_space<hbm>>
    %dma_wait3A_36 = tpu.memref_squeeze %dma_wait3A_35 : memref<1x80x128xi32, #tpu.memory_space<hbm>> -> memref<80x128xi32, #tpu.memory_space<hbm>>
    %dma_wait3A_37 = arith.constant 0 : i32
    %dma_wait3A_38 = arith.constant 0 : i32
    %dma_wait3A_39 = tpu.memref_slice %arg3[%add3A, %dma_wait3A_37, %dma_wait3A_38] : memref<32x80x128xi32, #tpu.memory_space<hbm>> -> memref<1x80x128xi32, #tpu.memory_space<hbm>>
    %dma_wait3A_40 = tpu.memref_squeeze %dma_wait3A_39 : memref<1x80x128xi32, #tpu.memory_space<hbm>> -> memref<80x128xi32, #tpu.memory_space<hbm>>
    tpu.wait_dma2 semaphore(%arg12 : memref<!tpu.dma_semaphore, #tpu.memory_space<semaphore_mem>>) src(%dma_wait3A_40 : memref<80x128xi32, #tpu.memory_space<hbm>>) dst(%arg8 : memref<80x128xi32, #tpu.memory_space<vmem>>)
    %dma_wait3A_41 = arith.constant 0 : i32
    %dma_wait3A_42 = tpu.memref_slice %arg11[%mul3A_2, %dma_wait3A_41] : memref<10240x8xf32, #tpu.memory_space<vmem_shared>> -> memref<640x8xf32, #tpu.memory_space<vmem_shared>>
    %dma_wait3A_43 = arith.constant 0 : i32
    %dma_wait3A_44 = tpu.memref_slice %arg4[%mul3A_2, %dma_wait3A_43] : memref<10240x8xf32, #tpu.memory_space<hbm>> -> memref<640x8xf32, #tpu.memory_space<hbm>>
    tpu.wait_dma2 semaphore(%arg12 : memref<!tpu.dma_semaphore, #tpu.memory_space<semaphore_mem>>) src(%dma_wait3A_44 : memref<640x8xf32, #tpu.memory_space<hbm>>) dst(%dma_wait3A_42 : memref<640x8xf32, #tpu.memory_space<vmem_shared>>)
    %dma_wait3A_45 = arith.constant 0 : i32
    %dma_wait3A_46 = tpu.memref_slice %arg10[%mul3A_2, %dma_wait3A_45] : memref<10240x8xf32, #tpu.memory_space<vmem_shared>> -> memref<640x8xf32, #tpu.memory_space<vmem_shared>>
    %dma_wait3A_47 = arith.constant 0 : i32
    %dma_wait3A_48 = tpu.memref_slice %arg5[%mul3A_2, %dma_wait3A_47] : memref<10240x8xf32, #tpu.memory_space<hbm>> -> memref<640x8xf32, #tpu.memory_space<hbm>>
    tpu.wait_dma2 semaphore(%arg12 : memref<!tpu.dma_semaphore, #tpu.memory_space<semaphore_mem>>) src(%dma_wait3A_48 : memref<640x8xf32, #tpu.memory_space<hbm>>) dst(%dma_wait3A_46 : memref<640x8xf32, #tpu.memory_space<vmem_shared>>)
    %barrier3A = arith.constant 0 : index
    tpu.barrier barrier_id(%barrier3A)
    %dma_start3A_49 = arith.constant 0 : i32
    %dma_start3A_50 = arith.constant 0 : i32
    %dma_start3A_51 = arith.constant 0 : i32
    %dma_start3A_52 = arith.constant 0 : i32
    %dma_start3A_53 = tpu.memref_slice %arg9[%dma_start3A_50, %dma_start3A_51, %dma_start3A_52] : memref<80x128x8xf32, #tpu.memory_space<vmem>> -> memref<1x128x8xf32, #tpu.memory_space<vmem>>
    %dma_start3A_54 = tpu.memref_squeeze %dma_start3A_53 : memref<1x128x8xf32, #tpu.memory_space<vmem>> -> memref<128x8xf32, #tpu.memory_space<vmem>>
    %dma_start3A_55 = arith.constant 0 : i32
    %dma_start3A_56 = tpu.memref_slice %arg7[%dma_start3A_49, %dma_start3A_55] : memref<80x128xi32, #tpu.memory_space<vmem>> -> memref<1x128xi32, #tpu.memory_space<vmem>>
    %dma_start3A_57 = tpu.memref_squeeze %dma_start3A_56 : memref<1x128xi32, #tpu.memory_space<vmem>> -> memref<128xi32, #tpu.memory_space<vmem>>
    %dma_start3A_58 = arith.constant 0 : i32
    %dma_start3A_59 = arith.constant 0 : i32
    %dma_start3A_60 = tpu.memref_slice %arg11[%dma_start3A_58, %dma_start3A_59] : memref<10240x8xf32, #tpu.memory_space<vmem_shared>> -> memref<10240x8xf32, #tpu.memory_space<vmem_shared>>
    tpu.enqueue_indirect_dma source(%dma_start3A_60 : memref<10240x8xf32, #tpu.memory_space<vmem_shared>>) target(%dma_start3A_54 : memref<128x8xf32, #tpu.memory_space<vmem>>) offsets(%dma_start3A_57 : memref<128xi32, #tpu.memory_space<vmem>>) semaphore(%arg13 : memref<!tpu.dma_semaphore, #tpu.memory_space<semaphore_mem>>)
    %dma_start3A_61 = arith.constant 1 : i32
    %dma_start3A_62 = arith.constant 1 : i32
    %dma_start3A_63 = arith.constant 0 : i32
    %dma_start3A_64 = arith.constant 0 : i32
    %dma_start3A_65 = tpu.memref_slice %arg9[%dma_start3A_62, %dma_start3A_63, %dma_start3A_64] : memref<80x128x8xf32, #tpu.memory_space<vmem>> -> memref<1x128x8xf32, #tpu.memory_space<vmem>>
    %dma_start3A_66 = tpu.memref_squeeze %dma_start3A_65 : memref<1x128x8xf32, #tpu.memory_space<vmem>> -> memref<128x8xf32, #tpu.memory_space<vmem>>
    %dma_start3A_67 = arith.constant 0 : i32
    %dma_start3A_68 = tpu.memref_slice %arg7[%dma_start3A_61, %dma_start3A_67] : memref<80x128xi32, #tpu.memory_space<vmem>> -> memref<1x128xi32, #tpu.memory_space<vmem>>
    %dma_start3A_69 = tpu.memref_squeeze %dma_start3A_68 : memref<1x128xi32, #tpu.memory_space<vmem>> -> memref<128xi32, #tpu.memory_space<vmem>>
    %dma_start3A_70 = arith.constant 0 : i32
    %dma_start3A_71 = arith.constant 0 : i32
    %dma_start3A_72 = tpu.memref_slice %arg11[%dma_start3A_70, %dma_start3A_71] : memref<10240x8xf32, #tpu.memory_space<vmem_shared>> -> memref<10240x8xf32, #tpu.memory_space<vmem_shared>>
    tpu.enqueue_indirect_dma source(%dma_start3A_72 : memref<10240x8xf32, #tpu.memory_space<vmem_shared>>) target(%dma_start3A_66 : memref<128x8xf32, #tpu.memory_space<vmem>>) offsets(%dma_start3A_69 : memref<128xi32, #tpu.memory_space<vmem>>) semaphore(%arg14 : memref<!tpu.dma_semaphore, #tpu.memory_space<semaphore_mem>>)
    %dma_start3A_73 = arith.constant 2 : i32
    %dma_start3A_74 = arith.constant 2 : i32
    %dma_start3A_75 = arith.constant 0 : i32
    %dma_start3A_76 = arith.constant 0 : i32
    %dma_start3A_77 = tpu.memref_slice %arg9[%dma_start3A_74, %dma_start3A_75, %dma_start3A_76] : memref<80x128x8xf32, #tpu.memory_space<vmem>> -> memref<1x128x8xf32, #tpu.memory_space<vmem>>
    %dma_start3A_78 = tpu.memref_squeeze %dma_start3A_77 : memref<1x128x8xf32, #tpu.memory_space<vmem>> -> memref<128x8xf32, #tpu.memory_space<vmem>>
    %dma_start3A_79 = arith.constant 0 : i32
    %dma_start3A_80 = tpu.memref_slice %arg7[%dma_start3A_73, %dma_start3A_79] : memref<80x128xi32, #tpu.memory_space<vmem>> -> memref<1x128xi32, #tpu.memory_space<vmem>>
    %dma_start3A_81 = tpu.memref_squeeze %dma_start3A_80 : memref<1x128xi32, #tpu.memory_space<vmem>> -> memref<128xi32, #tpu.memory_space<vmem>>
    %dma_start3A_82 = arith.constant 0 : i32
    %dma_start3A_83 = arith.constant 0 : i32
    %dma_start3A_84 = tpu.memref_slice %arg11[%dma_start3A_82, %dma_start3A_83] : memref<10240x8xf32, #tpu.memory_space<vmem_shared>> -> memref<10240x8xf32, #tpu.memory_space<vmem_shared>>
    tpu.enqueue_indirect_dma source(%dma_start3A_84 : memref<10240x8xf32, #tpu.memory_space<vmem_shared>>) target(%dma_start3A_78 : memref<128x8xf32, #tpu.memory_space<vmem>>) offsets(%dma_start3A_81 : memref<128xi32, #tpu.memory_space<vmem>>) semaphore(%arg15 : memref<!tpu.dma_semaphore, #tpu.memory_space<semaphore_mem>>)
    %dma_start3A_85 = arith.constant 3 : i32
    %dma_start3A_86 = arith.constant 3 : i32
    %dma_start3A_87 = arith.constant 0 : i32
    %dma_start3A_88 = arith.constant 0 : i32
    %dma_start3A_89 = tpu.memref_slice %arg9[%dma_start3A_86, %dma_start3A_87, %dma_start3A_88] : memref<80x128x8xf32, #tpu.memory_space<vmem>> -> memref<1x128x8xf32, #tpu.memory_space<vmem>>
    %dma_start3A_90 = tpu.memref_squeeze %dma_start3A_89 : memref<1x128x8xf32, #tpu.memory_space<vmem>> -> memref<128x8xf32, #tpu.memory_space<vmem>>
    %dma_start3A_91 = arith.constant 0 : i32
    %dma_start3A_92 = tpu.memref_slice %arg7[%dma_start3A_85, %dma_start3A_91] : memref<80x128xi32, #tpu.memory_space<vmem>> -> memref<1x128xi32, #tpu.memory_space<vmem>>
    %dma_start3A_93 = tpu.memref_squeeze %dma_start3A_92 : memref<1x128xi32, #tpu.memory_space<vmem>> -> memref<128xi32, #tpu.memory_space<vmem>>
    %dma_start3A_94 = arith.constant 0 : i32
    %dma_start3A_95 = arith.constant 0 : i32
    %dma_start3A_96 = tpu.memref_slice %arg11[%dma_start3A_94, %dma_start3A_95] : memref<10240x8xf32, #tpu.memory_space<vmem_shared>> -> memref<10240x8xf32, #tpu.memory_space<vmem_shared>>
    tpu.enqueue_indirect_dma source(%dma_start3A_96 : memref<10240x8xf32, #tpu.memory_space<vmem_shared>>) target(%dma_start3A_90 : memref<128x8xf32, #tpu.memory_space<vmem>>) offsets(%dma_start3A_93 : memref<128xi32, #tpu.memory_space<vmem>>) semaphore(%arg16 : memref<!tpu.dma_semaphore, #tpu.memory_space<semaphore_mem>>)
    %dma_start3A_97 = arith.constant 4 : i32
    %dma_start3A_98 = arith.constant 4 : i32
    %dma_start3A_99 = arith.constant 0 : i32
    %dma_start3A_100 = arith.constant 0 : i32
    %dma_start3A_101 = tpu.memref_slice %arg9[%dma_start3A_98, %dma_start3A_99, %dma_start3A_100] : memref<80x128x8xf32, #tpu.memory_space<vmem>> -> memref<1x128x8xf32, #tpu.memory_space<vmem>>
    %dma_start3A_102 = tpu.memref_squeeze %dma_start3A_101 : memref<1x128x8xf32, #tpu.memory_space<vmem>> -> memref<128x8xf32, #tpu.memory_space<vmem>>
    %dma_start3A_103 = arith.constant 0 : i32
    %dma_start3A_104 = tpu.memref_slice %arg7[%dma_start3A_97, %dma_start3A_103] : memref<80x128xi32, #tpu.memory_space<vmem>> -> memref<1x128xi32, #tpu.memory_space<vmem>>
    %dma_start3A_105 = tpu.memref_squeeze %dma_start3A_104 : memref<1x128xi32, #tpu.memory_space<vmem>> -> memref<128xi32, #tpu.memory_space<vmem>>
    %dma_start3A_106 = arith.constant 0 : i32
    %dma_start3A_107 = arith.constant 0 : i32
    %dma_start3A_108 = tpu.memref_slice %arg11[%dma_start3A_106, %dma_start3A_107] : memref<10240x8xf32, #tpu.memory_space<vmem_shared>> -> memref<10240x8xf32, #tpu.memory_space<vmem_shared>>
    tpu.enqueue_indirect_dma source(%dma_start3A_108 : memref<10240x8xf32, #tpu.memory_space<vmem_shared>>) target(%dma_start3A_102 : memref<128x8xf32, #tpu.memory_space<vmem>>) offsets(%dma_start3A_105 : memref<128xi32, #tpu.memory_space<vmem>>) semaphore(%arg17 : memref<!tpu.dma_semaphore, #tpu.memory_space<semaphore_mem>>)
    %dma_start3A_109 = arith.constant 5 : i32
    %dma_start3A_110 = arith.constant 5 : i32
    %dma_start3A_111 = arith.constant 0 : i32
    %dma_start3A_112 = arith.constant 0 : i32
    %dma_start3A_113 = tpu.memref_slice %arg9[%dma_start3A_110, %dma_start3A_111, %dma_start3A_112] : memref<80x128x8xf32, #tpu.memory_space<vmem>> -> memref<1x128x8xf32, #tpu.memory_space<vmem>>
    %dma_start3A_114 = tpu.memref_squeeze %dma_start3A_113 : memref<1x128x8xf32, #tpu.memory_space<vmem>> -> memref<128x8xf32, #tpu.memory_space<vmem>>
    %dma_start3A_115 = arith.constant 0 : i32
    %dma_start3A_116 = tpu.memref_slice %arg7[%dma_start3A_109, %dma_start3A_115] : memref<80x128xi32, #tpu.memory_space<vmem>> -> memref<1x128xi32, #tpu.memory_space<vmem>>
    %dma_start3A_117 = tpu.memref_squeeze %dma_start3A_116 : memref<1x128xi32, #tpu.memory_space<vmem>> -> memref<128xi32, #tpu.memory_space<vmem>>
    %dma_start3A_118 = arith.constant 0 : i32
    %dma_start3A_119 = arith.constant 0 : i32
    %dma_start3A_120 = tpu.memref_slice %arg11[%dma_start3A_118, %dma_start3A_119] : memref<10240x8xf32, #tpu.memory_space<vmem_shared>> -> memref<10240x8xf32, #tpu.memory_space<vmem_shared>>
    tpu.enqueue_indirect_dma source(%dma_start3A_120 : memref<10240x8xf32, #tpu.memory_space<vmem_shared>>) target(%dma_start3A_114 : memref<128x8xf32, #tpu.memory_space<vmem>>) offsets(%dma_start3A_117 : memref<128xi32, #tpu.memory_space<vmem>>) semaphore(%arg18 : memref<!tpu.dma_semaphore, #tpu.memory_space<semaphore_mem>>)
    %dma_start3A_121 = arith.constant 6 : i32
    %dma_start3A_122 = arith.constant 6 : i32
    %dma_start3A_123 = arith.constant 0 : i32
    %dma_start3A_124 = arith.constant 0 : i32
    %dma_start3A_125 = tpu.memref_slice %arg9[%dma_start3A_122, %dma_start3A_123, %dma_start3A_124] : memref<80x128x8xf32, #tpu.memory_space<vmem>> -> memref<1x128x8xf32, #tpu.memory_space<vmem>>
    %dma_start3A_126 = tpu.memref_squeeze %dma_start3A_125 : memref<1x128x8xf32, #tpu.memory_space<vmem>> -> memref<128x8xf32, #tpu.memory_space<vmem>>
    %dma_start3A_127 = arith.constant 0 : i32
    %dma_start3A_128 = tpu.memref_slice %arg7[%dma_start3A_121, %dma_start3A_127] : memref<80x128xi32, #tpu.memory_space<vmem>> -> memref<1x128xi32, #tpu.memory_space<vmem>>
    %dma_start3A_129 = tpu.memref_squeeze %dma_start3A_128 : memref<1x128xi32, #tpu.memory_space<vmem>> -> memref<128xi32, #tpu.memory_space<vmem>>
    %dma_start3A_130 = arith.constant 0 : i32
    %dma_start3A_131 = arith.constant 0 : i32
    %dma_start3A_132 = tpu.memref_slice %arg11[%dma_start3A_130, %dma_start3A_131] : memref<10240x8xf32, #tpu.memory_space<vmem_shared>> -> memref<10240x8xf32, #tpu.memory_space<vmem_shared>>
    tpu.enqueue_indirect_dma source(%dma_start3A_132 : memref<10240x8xf32, #tpu.memory_space<vmem_shared>>) target(%dma_start3A_126 : memref<128x8xf32, #tpu.memory_space<vmem>>) offsets(%dma_start3A_129 : memref<128xi32, #tpu.memory_space<vmem>>) semaphore(%arg19 : memref<!tpu.dma_semaphore, #tpu.memory_space<semaphore_mem>>)
    %dma_start3A_133 = arith.constant 7 : i32
    %dma_start3A_134 = arith.constant 7 : i32
    %dma_start3A_135 = arith.constant 0 : i32
    %dma_start3A_136 = arith.constant 0 : i32
    %dma_start3A_137 = tpu.memref_slice %arg9[%dma_start3A_134, %dma_start3A_135, %dma_start3A_136] : memref<80x128x8xf32, #tpu.memory_space<vmem>> -> memref<1x128x8xf32, #tpu.memory_space<vmem>>
    %dma_start3A_138 = tpu.memref_squeeze %dma_start3A_137 : memref<1x128x8xf32, #tpu.memory_space<vmem>> -> memref<128x8xf32, #tpu.memory_space<vmem>>
    %dma_start3A_139 = arith.constant 0 : i32
    %dma_start3A_140 = tpu.memref_slice %arg7[%dma_start3A_133, %dma_start3A_139] : memref<80x128xi32, #tpu.memory_space<vmem>> -> memref<1x128xi32, #tpu.memory_space<vmem>>
    %dma_start3A_141 = tpu.memref_squeeze %dma_start3A_140 : memref<1x128xi32, #tpu.memory_space<vmem>> -> memref<128xi32, #tpu.memory_space<vmem>>
    %dma_start3A_142 = arith.constant 0 : i32
    %dma_start3A_143 = arith.constant 0 : i32
    %dma_start3A_144 = tpu.memref_slice %arg11[%dma_start3A_142, %dma_start3A_143] : memref<10240x8xf32, #tpu.memory_space<vmem_shared>> -> memref<10240x8xf32, #tpu.memory_space<vmem_shared>>
    tpu.enqueue_indirect_dma source(%dma_start3A_144 : memref<10240x8xf32, #tpu.memory_space<vmem_shared>>) target(%dma_start3A_138 : memref<128x8xf32, #tpu.memory_space<vmem>>) offsets(%dma_start3A_141 : memref<128xi32, #tpu.memory_space<vmem>>) semaphore(%arg20 : memref<!tpu.dma_semaphore, #tpu.memory_space<semaphore_mem>>)
    %dma_start3A_145 = arith.constant 8 : i32
    %dma_start3A_146 = arith.constant 8 : i32
    %dma_start3A_147 = arith.constant 0 : i32
    %dma_start3A_148 = arith.constant 0 : i32
    %dma_start3A_149 = tpu.memref_slice %arg9[%dma_start3A_146, %dma_start3A_147, %dma_start3A_148] : memref<80x128x8xf32, #tpu.memory_space<vmem>> -> memref<1x128x8xf32, #tpu.memory_space<vmem>>
    %dma_start3A_150 = tpu.memref_squeeze %dma_start3A_149 : memref<1x128x8xf32, #tpu.memory_space<vmem>> -> memref<128x8xf32, #tpu.memory_space<vmem>>
    %dma_start3A_151 = arith.constant 0 : i32
    %dma_start3A_152 = tpu.memref_slice %arg7[%dma_start3A_145, %dma_start3A_151] : memref<80x128xi32, #tpu.memory_space<vmem>> -> memref<1x128xi32, #tpu.memory_space<vmem>>
    %dma_start3A_153 = tpu.memref_squeeze %dma_start3A_152 : memref<1x128xi32, #tpu.memory_space<vmem>> -> memref<128xi32, #tpu.memory_space<vmem>>
    %dma_start3A_154 = arith.constant 0 : i32
    %dma_start3A_155 = arith.constant 0 : i32
    %dma_start3A_156 = tpu.memref_slice %arg11[%dma_start3A_154, %dma_start3A_155] : memref<10240x8xf32, #tpu.memory_space<vmem_shared>> -> memref<10240x8xf32, #tpu.memory_space<vmem_shared>>
    tpu.enqueue_indirect_dma source(%dma_start3A_156 : memref<10240x8xf32, #tpu.memory_space<vmem_shared>>) target(%dma_start3A_150 : memref<128x8xf32, #tpu.memory_space<vmem>>) offsets(%dma_start3A_153 : memref<128xi32, #tpu.memory_space<vmem>>) semaphore(%arg21 : memref<!tpu.dma_semaphore, #tpu.memory_space<semaphore_mem>>)
    %dma_start3A_157 = arith.constant 9 : i32
    %dma_start3A_158 = arith.constant 9 : i32
    %dma_start3A_159 = arith.constant 0 : i32
    %dma_start3A_160 = arith.constant 0 : i32
    %dma_start3A_161 = tpu.memref_slice %arg9[%dma_start3A_158, %dma_start3A_159, %dma_start3A_160] : memref<80x128x8xf32, #tpu.memory_space<vmem>> -> memref<1x128x8xf32, #tpu.memory_space<vmem>>
    %dma_start3A_162 = tpu.memref_squeeze %dma_start3A_161 : memref<1x128x8xf32, #tpu.memory_space<vmem>> -> memref<128x8xf32, #tpu.memory_space<vmem>>
    %dma_start3A_163 = arith.constant 0 : i32
    %dma_start3A_164 = tpu.memref_slice %arg7[%dma_start3A_157, %dma_start3A_163] : memref<80x128xi32, #tpu.memory_space<vmem>> -> memref<1x128xi32, #tpu.memory_space<vmem>>
    %dma_start3A_165 = tpu.memref_squeeze %dma_start3A_164 : memref<1x128xi32, #tpu.memory_space<vmem>> -> memref<128xi32, #tpu.memory_space<vmem>>
    %dma_start3A_166 = arith.constant 0 : i32
    %dma_start3A_167 = arith.constant 0 : i32
    %dma_start3A_168 = tpu.memref_slice %arg11[%dma_start3A_166, %dma_start3A_167] : memref<10240x8xf32, #tpu.memory_space<vmem_shared>> -> memref<10240x8xf32, #tpu.memory_space<vmem_shared>>
    tpu.enqueue_indirect_dma source(%dma_start3A_168 : memref<10240x8xf32, #tpu.memory_space<vmem_shared>>) target(%dma_start3A_162 : memref<128x8xf32, #tpu.memory_space<vmem>>) offsets(%dma_start3A_165 : memref<128xi32, #tpu.memory_space<vmem>>) semaphore(%arg22 : memref<!tpu.dma_semaphore, #tpu.memory_space<semaphore_mem>>)
    %dma_start3A_169 = arith.constant 10 : i32
    %dma_start3A_170 = arith.constant 10 : i32
    %dma_start3A_171 = arith.constant 0 : i32
    %dma_start3A_172 = arith.constant 0 : i32
    %dma_start3A_173 = tpu.memref_slice %arg9[%dma_start3A_170, %dma_start3A_171, %dma_start3A_172] : memref<80x128x8xf32, #tpu.memory_space<vmem>> -> memref<1x128x8xf32, #tpu.memory_space<vmem>>
    %dma_start3A_174 = tpu.memref_squeeze %dma_start3A_173 : memref<1x128x8xf32, #tpu.memory_space<vmem>> -> memref<128x8xf32, #tpu.memory_space<vmem>>
    %dma_start3A_175 = arith.constant 0 : i32
    %dma_start3A_176 = tpu.memref_slice %arg7[%dma_start3A_169, %dma_start3A_175] : memref<80x128xi32, #tpu.memory_space<vmem>> -> memref<1x128xi32, #tpu.memory_space<vmem>>
    %dma_start3A_177 = tpu.memref_squeeze %dma_start3A_176 : memref<1x128xi32, #tpu.memory_space<vmem>> -> memref<128xi32, #tpu.memory_space<vmem>>
    %dma_start3A_178 = arith.constant 0 : i32
    %dma_start3A_179 = arith.constant 0 : i32
    %dma_start3A_180 = tpu.memref_slice %arg11[%dma_start3A_178, %dma_start3A_179] : memref<10240x8xf32, #tpu.memory_space<vmem_shared>> -> memref<10240x8xf32, #tpu.memory_space<vmem_shared>>
    tpu.enqueue_indirect_dma source(%dma_start3A_180 : memref<10240x8xf32, #tpu.memory_space<vmem_shared>>) target(%dma_start3A_174 : memref<128x8xf32, #tpu.memory_space<vmem>>) offsets(%dma_start3A_177 : memref<128xi32, #tpu.memory_space<vmem>>) semaphore(%arg23 : memref<!tpu.dma_semaphore, #tpu.memory_space<semaphore_mem>>)
    %dma_start3A_181 = arith.constant 11 : i32
    %dma_start3A_182 = arith.constant 11 : i32
    %dma_start3A_183 = arith.constant 0 : i32
    %dma_start3A_184 = arith.constant 0 : i32
    %dma_start3A_185 = tpu.memref_slice %arg9[%dma_start3A_182, %dma_start3A_183, %dma_start3A_184] : memref<80x128x8xf32, #tpu.memory_space<vmem>> -> memref<1x128x8xf32, #tpu.memory_space<vmem>>
    %dma_start3A_186 = tpu.memref_squeeze %dma_start3A_185 : memref<1x128x8xf32, #tpu.memory_space<vmem>> -> memref<128x8xf32, #tpu.memory_space<vmem>>
    %dma_start3A_187 = arith.constant 0 : i32
    %dma_start3A_188 = tpu.memref_slice %arg7[%dma_start3A_181, %dma_start3A_187] : memref<80x128xi32, #tpu.memory_space<vmem>> -> memref<1x128xi32, #tpu.memory_space<vmem>>
    %dma_start3A_189 = tpu.memref_squeeze %dma_start3A_188 : memref<1x128xi32, #tpu.memory_space<vmem>> -> memref<128xi32, #tpu.memory_space<vmem>>
    %dma_start3A_190 = arith.constant 0 : i32
    %dma_start3A_191 = arith.constant 0 : i32
    %dma_start3A_192 = tpu.memref_slice %arg11[%dma_start3A_190, %dma_start3A_191] : memref<10240x8xf32, #tpu.memory_space<vmem_shared>> -> memref<10240x8xf32, #tpu.memory_space<vmem_shared>>
    tpu.enqueue_indirect_dma source(%dma_start3A_192 : memref<10240x8xf32, #tpu.memory_space<vmem_shared>>) target(%dma_start3A_186 : memref<128x8xf32, #tpu.memory_space<vmem>>) offsets(%dma_start3A_189 : memref<128xi32, #tpu.memory_space<vmem>>) semaphore(%arg24 : memref<!tpu.dma_semaphore, #tpu.memory_space<semaphore_mem>>)
    %dma_start3A_193 = arith.constant 12 : i32
    %dma_start3A_194 = arith.constant 12 : i32
    %dma_start3A_195 = arith.constant 0 : i32
    %dma_start3A_196 = arith.constant 0 : i32
    %dma_start3A_197 = tpu.memref_slice %arg9[%dma_start3A_194, %dma_start3A_195, %dma_start3A_196] : memref<80x128x8xf32, #tpu.memory_space<vmem>> -> memref<1x128x8xf32, #tpu.memory_space<vmem>>
    %dma_start3A_198 = tpu.memref_squeeze %dma_start3A_197 : memref<1x128x8xf32, #tpu.memory_space<vmem>> -> memref<128x8xf32, #tpu.memory_space<vmem>>
    %dma_start3A_199 = arith.constant 0 : i32
    %dma_start3A_200 = tpu.memref_slice %arg7[%dma_start3A_193, %dma_start3A_199] : memref<80x128xi32, #tpu.memory_space<vmem>> -> memref<1x128xi32, #tpu.memory_space<vmem>>
    %dma_start3A_201 = tpu.memref_squeeze %dma_start3A_200 : memref<1x128xi32, #tpu.memory_space<vmem>> -> memref<128xi32, #tpu.memory_space<vmem>>
    %dma_start3A_202 = arith.constant 0 : i32
    %dma_start3A_203 = arith.constant 0 : i32
    %dma_start3A_204 = tpu.memref_slice %arg11[%dma_start3A_202, %dma_start3A_203] : memref<10240x8xf32, #tpu.memory_space<vmem_shared>> -> memref<10240x8xf32, #tpu.memory_space<vmem_shared>>
    tpu.enqueue_indirect_dma source(%dma_start3A_204 : memref<10240x8xf32, #tpu.memory_space<vmem_shared>>) target(%dma_start3A_198 : memref<128x8xf32, #tpu.memory_space<vmem>>) offsets(%dma_start3A_201 : memref<128xi32, #tpu.memory_space<vmem>>) semaphore(%arg25 : memref<!tpu.dma_semaphore, #tpu.memory_space<semaphore_mem>>)
    %dma_start3A_205 = arith.constant 13 : i32
    %dma_start3A_206 = arith.constant 13 : i32
    %dma_start3A_207 = arith.constant 0 : i32
    %dma_start3A_208 = arith.constant 0 : i32
    %dma_start3A_209 = tpu.memref_slice %arg9[%dma_start3A_206, %dma_start3A_207, %dma_start3A_208] : memref<80x128x8xf32, #tpu.memory_space<vmem>> -> memref<1x128x8xf32, #tpu.memory_space<vmem>>
    %dma_start3A_210 = tpu.memref_squeeze %dma_start3A_209 : memref<1x128x8xf32, #tpu.memory_space<vmem>> -> memref<128x8xf32, #tpu.memory_space<vmem>>
    %dma_start3A_211 = arith.constant 0 : i32
    %dma_start3A_212 = tpu.memref_slice %arg7[%dma_start3A_205, %dma_start3A_211] : memref<80x128xi32, #tpu.memory_space<vmem>> -> memref<1x128xi32, #tpu.memory_space<vmem>>
    %dma_start3A_213 = tpu.memref_squeeze %dma_start3A_212 : memref<1x128xi32, #tpu.memory_space<vmem>> -> memref<128xi32, #tpu.memory_space<vmem>>
    %dma_start3A_214 = arith.constant 0 : i32
    %dma_start3A_215 = arith.constant 0 : i32
    %dma_start3A_216 = tpu.memref_slice %arg11[%dma_start3A_214, %dma_start3A_215] : memref<10240x8xf32, #tpu.memory_space<vmem_shared>> -> memref<10240x8xf32, #tpu.memory_space<vmem_shared>>
    tpu.enqueue_indirect_dma source(%dma_start3A_216 : memref<10240x8xf32, #tpu.memory_space<vmem_shared>>) target(%dma_start3A_210 : memref<128x8xf32, #tpu.memory_space<vmem>>) offsets(%dma_start3A_213 : memref<128xi32, #tpu.memory_space<vmem>>) semaphore(%arg26 : memref<!tpu.dma_semaphore, #tpu.memory_space<semaphore_mem>>)
    %dma_start3A_217 = arith.constant 14 : i32
    %dma_start3A_218 = arith.constant 14 : i32
    %dma_start3A_219 = arith.constant 0 : i32
    %dma_start3A_220 = arith.constant 0 : i32
    %dma_start3A_221 = tpu.memref_slice %arg9[%dma_start3A_218, %dma_start3A_219, %dma_start3A_220] : memref<80x128x8xf32, #tpu.memory_space<vmem>> -> memref<1x128x8xf32, #tpu.memory_space<vmem>>
    %dma_start3A_222 = tpu.memref_squeeze %dma_start3A_221 : memref<1x128x8xf32, #tpu.memory_space<vmem>> -> memref<128x8xf32, #tpu.memory_space<vmem>>
    %dma_start3A_223 = arith.constant 0 : i32
    %dma_start3A_224 = tpu.memref_slice %arg7[%dma_start3A_217, %dma_start3A_223] : memref<80x128xi32, #tpu.memory_space<vmem>> -> memref<1x128xi32, #tpu.memory_space<vmem>>
    %dma_start3A_225 = tpu.memref_squeeze %dma_start3A_224 : memref<1x128xi32, #tpu.memory_space<vmem>> -> memref<128xi32, #tpu.memory_space<vmem>>
    %dma_start3A_226 = arith.constant 0 : i32
    %dma_start3A_227 = arith.constant 0 : i32
    %dma_start3A_228 = tpu.memref_slice %arg11[%dma_start3A_226, %dma_start3A_227] : memref<10240x8xf32, #tpu.memory_space<vmem_shared>> -> memref<10240x8xf32, #tpu.memory_space<vmem_shared>>
    tpu.enqueue_indirect_dma source(%dma_start3A_228 : memref<10240x8xf32, #tpu.memory_space<vmem_shared>>) target(%dma_start3A_222 : memref<128x8xf32, #tpu.memory_space<vmem>>) offsets(%dma_start3A_225 : memref<128xi32, #tpu.memory_space<vmem>>) semaphore(%arg27 : memref<!tpu.dma_semaphore, #tpu.memory_space<semaphore_mem>>)
    %dma_start3A_229 = arith.constant 15 : i32
    %dma_start3A_230 = arith.constant 15 : i32
    %dma_start3A_231 = arith.constant 0 : i32
    %dma_start3A_232 = arith.constant 0 : i32
    %dma_start3A_233 = tpu.memref_slice %arg9[%dma_start3A_230, %dma_start3A_231, %dma_start3A_232] : memref<80x128x8xf32, #tpu.memory_space<vmem>> -> memref<1x128x8xf32, #tpu.memory_space<vmem>>
    %dma_start3A_234 = tpu.memref_squeeze %dma_start3A_233 : memref<1x128x8xf32, #tpu.memory_space<vmem>> -> memref<128x8xf32, #tpu.memory_space<vmem>>
    %dma_start3A_235 = arith.constant 0 : i32
    %dma_start3A_236 = tpu.memref_slice %arg7[%dma_start3A_229, %dma_start3A_235] : memref<80x128xi32, #tpu.memory_space<vmem>> -> memref<1x128xi32, #tpu.memory_space<vmem>>
    %dma_start3A_237 = tpu.memref_squeeze %dma_start3A_236 : memref<1x128xi32, #tpu.memory_space<vmem>> -> memref<128xi32, #tpu.memory_space<vmem>>
    %dma_start3A_238 = arith.constant 0 : i32
    %dma_start3A_239 = arith.constant 0 : i32
    %dma_start3A_240 = tpu.memref_slice %arg11[%dma_start3A_238, %dma_start3A_239] : memref<10240x8xf32, #tpu.memory_space<vmem_shared>> -> memref<10240x8xf32, #tpu.memory_space<vmem_shared>>
    tpu.enqueue_indirect_dma source(%dma_start3A_240 : memref<10240x8xf32, #tpu.memory_space<vmem_shared>>) target(%dma_start3A_234 : memref<128x8xf32, #tpu.memory_space<vmem>>) offsets(%dma_start3A_237 : memref<128xi32, #tpu.memory_space<vmem>>) semaphore(%arg28 : memref<!tpu.dma_semaphore, #tpu.memory_space<semaphore_mem>>)
    %scan3A = arith.constant 0 : i32
    %scan3A_241 = arith.constant 0 : i32
    %scan3A_242 = arith.constant 5 : i32
    %scan3A_243 = arith.addi %scan3A_241, %scan3A_242 : i32
    %scan3A_244 = arith.constant 1 : i32
    scf.for %scan3A_253 = %scan3A_241 to %scan3A_243 step %scan3A_244  : i32 {
      %mul3A_254 = arith.constant 16 : i32
      %mul3A_255 = arith.muli %scan3A_253, %mul3A_254 : i32
      %add3A_256 = arith.constant 0 : i32
      %add3A_257 = arith.addi %mul3A_255, %add3A_256 : i32
      %dma_wait3A_258 = arith.constant 0 : i32
      %dma_wait3A_259 = arith.constant 0 : i32
      %dma_wait3A_260 = tpu.memref_slice %arg9[%add3A_257, %dma_wait3A_258, %dma_wait3A_259] : memref<80x128x8xf32, #tpu.memory_space<vmem>> -> memref<1x128x8xf32, #tpu.memory_space<vmem>>
      %dma_wait3A_261 = tpu.memref_squeeze %dma_wait3A_260 : memref<1x128x8xf32, #tpu.memory_space<vmem>> -> memref<128x8xf32, #tpu.memory_space<vmem>>
      %dma_wait3A_262 = arith.constant 0 : i32
      %dma_wait3A_263 = tpu.memref_slice %arg7[%add3A_257, %dma_wait3A_262] : memref<80x128xi32, #tpu.memory_space<vmem>> -> memref<1x128xi32, #tpu.memory_space<vmem>>
      %dma_wait3A_264 = tpu.memref_squeeze %dma_wait3A_263 : memref<1x128xi32, #tpu.memory_space<vmem>> -> memref<128xi32, #tpu.memory_space<vmem>>
      %dma_wait3A_265 = arith.constant 0 : i32
      %dma_wait3A_266 = arith.constant 0 : i32
      %dma_wait3A_267 = tpu.memref_slice %arg11[%dma_wait3A_265, %dma_wait3A_266] : memref<10240x8xf32, #tpu.memory_space<vmem_shared>> -> memref<10240x8xf32, #tpu.memory_space<vmem_shared>>
      tpu.wait_indirect_dma semaphore(%arg13 : memref<!tpu.dma_semaphore, #tpu.memory_space<semaphore_mem>>) src(%dma_wait3A_267 : memref<10240x8xf32, #tpu.memory_space<vmem_shared>>) dst(%dma_wait3A_261 : memref<128x8xf32, #tpu.memory_space<vmem>>)
      %dma_start3A_268 = arith.constant 0 : i32
      %dma_start3A_269 = arith.constant 0 : i32
      %dma_start3A_270 = tpu.memref_slice %arg9[%add3A_257, %dma_start3A_268, %dma_start3A_269] : memref<80x128x8xf32, #tpu.memory_space<vmem>> -> memref<1x128x8xf32, #tpu.memory_space<vmem>>
      %dma_start3A_271 = tpu.memref_squeeze %dma_start3A_270 : memref<1x128x8xf32, #tpu.memory_space<vmem>> -> memref<128x8xf32, #tpu.memory_space<vmem>>
      %dma_start3A_272 = arith.constant 0 : i32
      %dma_start3A_273 = tpu.memref_slice %arg8[%add3A_257, %dma_start3A_272] : memref<80x128xi32, #tpu.memory_space<vmem>> -> memref<1x128xi32, #tpu.memory_space<vmem>>
      %dma_start3A_274 = tpu.memref_squeeze %dma_start3A_273 : memref<1x128xi32, #tpu.memory_space<vmem>> -> memref<128xi32, #tpu.memory_space<vmem>>
      %dma_start3A_275 = arith.constant 0 : i32
      %dma_start3A_276 = arith.constant 0 : i32
      %dma_start3A_277 = tpu.memref_slice %arg10[%dma_start3A_275, %dma_start3A_276] : memref<10240x8xf32, #tpu.memory_space<vmem_shared>> -> memref<10240x8xf32, #tpu.memory_space<vmem_shared>>
      tpu.enqueue_indirect_dma source(%dma_start3A_271 : memref<128x8xf32, #tpu.memory_space<vmem>>) target(%dma_start3A_277 : memref<10240x8xf32, #tpu.memory_space<vmem_shared>>) offsets(%dma_start3A_274 : memref<128xi32, #tpu.memory_space<vmem>>) semaphore(%arg12 : memref<!tpu.dma_semaphore, #tpu.memory_space<semaphore_mem>>) {add = true}
      %lt3A = arith.constant 4 : i32
      %lt3A_278 = arith.cmpi slt, %scan3A_253, %lt3A : i32
      %convert_element_type3A = arith.extui %lt3A_278 : i1 to i32
      %cond3A = arith.constant 0 : i32
      %cond3A_279 = arith.cmpi ne, %convert_element_type3A, %cond3A : i32
      scf.if %cond3A_279 {
        %add3A_715 = arith.constant 16 : i32
        %add3A_716 = arith.addi %add3A_257, %add3A_715 : i32
        %add3A_717 = arith.constant 16 : i32
        %add3A_718 = arith.addi %add3A_257, %add3A_717 : i32
        %dma_start3A_719 = arith.constant 0 : i32
        %dma_start3A_720 = arith.constant 0 : i32
        %dma_start3A_721 = tpu.memref_slice %arg9[%add3A_718, %dma_start3A_719, %dma_start3A_720] : memref<80x128x8xf32, #tpu.memory_space<vmem>> -> memref<1x128x8xf32, #tpu.memory_space<vmem>>
        %dma_start3A_722 = tpu.memref_squeeze %dma_start3A_721 : memref<1x128x8xf32, #tpu.memory_space<vmem>> -> memref<128x8xf32, #tpu.memory_space<vmem>>
        %dma_start3A_723 = arith.constant 0 : i32
        %dma_start3A_724 = tpu.memref_slice %arg7[%add3A_716, %dma_start3A_723] : memref<80x128xi32, #tpu.memory_space<vmem>> -> memref<1x128xi32, #tpu.memory_space<vmem>>
        %dma_start3A_725 = tpu.memref_squeeze %dma_start3A_724 : memref<1x128xi32, #tpu.memory_space<vmem>> -> memref<128xi32, #tpu.memory_space<vmem>>
        %dma_start3A_726 = arith.constant 0 : i32
        %dma_start3A_727 = arith.constant 0 : i32
        %dma_start3A_728 = tpu.memref_slice %arg11[%dma_start3A_726, %dma_start3A_727] : memref<10240x8xf32, #tpu.memory_space<vmem_shared>> -> memref<10240x8xf32, #tpu.memory_space<vmem_shared>>
        tpu.enqueue_indirect_dma source(%dma_start3A_728 : memref<10240x8xf32, #tpu.memory_space<vmem_shared>>) target(%dma_start3A_722 : memref<128x8xf32, #tpu.memory_space<vmem>>) offsets(%dma_start3A_725 : memref<128xi32, #tpu.memory_space<vmem>>) semaphore(%arg13 : memref<!tpu.dma_semaphore, #tpu.memory_space<semaphore_mem>>)
      } else {
      }
      %mul3A_280 = arith.constant 16 : i32
      %mul3A_281 = arith.muli %scan3A_253, %mul3A_280 : i32
      %add3A_282 = arith.constant 1 : i32
      %add3A_283 = arith.addi %mul3A_281, %add3A_282 : i32
      %dma_wait3A_284 = arith.constant 0 : i32
      %dma_wait3A_285 = arith.constant 0 : i32
      %dma_wait3A_286 = tpu.memref_slice %arg9[%add3A_283, %dma_wait3A_284, %dma_wait3A_285] : memref<80x128x8xf32, #tpu.memory_space<vmem>> -> memref<1x128x8xf32, #tpu.memory_space<vmem>>
      %dma_wait3A_287 = tpu.memref_squeeze %dma_wait3A_286 : memref<1x128x8xf32, #tpu.memory_space<vmem>> -> memref<128x8xf32, #tpu.memory_space<vmem>>
      %dma_wait3A_288 = arith.constant 0 : i32
      %dma_wait3A_289 = tpu.memref_slice %arg7[%add3A_283, %dma_wait3A_288] : memref<80x128xi32, #tpu.memory_space<vmem>> -> memref<1x128xi32, #tpu.memory_space<vmem>>
      %dma_wait3A_290 = tpu.memref_squeeze %dma_wait3A_289 : memref<1x128xi32, #tpu.memory_space<vmem>> -> memref<128xi32, #tpu.memory_space<vmem>>
      %dma_wait3A_291 = arith.constant 0 : i32
      %dma_wait3A_292 = arith.constant 0 : i32
      %dma_wait3A_293 = tpu.memref_slice %arg11[%dma_wait3A_291, %dma_wait3A_292] : memref<10240x8xf32, #tpu.memory_space<vmem_shared>> -> memref<10240x8xf32, #tpu.memory_space<vmem_shared>>
      tpu.wait_indirect_dma semaphore(%arg14 : memref<!tpu.dma_semaphore, #tpu.memory_space<semaphore_mem>>) src(%dma_wait3A_293 : memref<10240x8xf32, #tpu.memory_space<vmem_shared>>) dst(%dma_wait3A_287 : memref<128x8xf32, #tpu.memory_space<vmem>>)
      %dma_start3A_294 = arith.constant 0 : i32
      %dma_start3A_295 = arith.constant 0 : i32
      %dma_start3A_296 = tpu.memref_slice %arg9[%add3A_283, %dma_start3A_294, %dma_start3A_295] : memref<80x128x8xf32, #tpu.memory_space<vmem>> -> memref<1x128x8xf32, #tpu.memory_space<vmem>>
      %dma_start3A_297 = tpu.memref_squeeze %dma_start3A_296 : memref<1x128x8xf32, #tpu.memory_space<vmem>> -> memref<128x8xf32, #tpu.memory_space<vmem>>
      %dma_start3A_298 = arith.constant 0 : i32
      %dma_start3A_299 = tpu.memref_slice %arg8[%add3A_283, %dma_start3A_298] : memref<80x128xi32, #tpu.memory_space<vmem>> -> memref<1x128xi32, #tpu.memory_space<vmem>>
      %dma_start3A_300 = tpu.memref_squeeze %dma_start3A_299 : memref<1x128xi32, #tpu.memory_space<vmem>> -> memref<128xi32, #tpu.memory_space<vmem>>
      %dma_start3A_301 = arith.constant 0 : i32
      %dma_start3A_302 = arith.constant 0 : i32
      %dma_start3A_303 = tpu.memref_slice %arg10[%dma_start3A_301, %dma_start3A_302] : memref<10240x8xf32, #tpu.memory_space<vmem_shared>> -> memref<10240x8xf32, #tpu.memory_space<vmem_shared>>
      tpu.enqueue_indirect_dma source(%dma_start3A_297 : memref<128x8xf32, #tpu.memory_space<vmem>>) target(%dma_start3A_303 : memref<10240x8xf32, #tpu.memory_space<vmem_shared>>) offsets(%dma_start3A_300 : memref<128xi32, #tpu.memory_space<vmem>>) semaphore(%arg12 : memref<!tpu.dma_semaphore, #tpu.memory_space<semaphore_mem>>) {add = true}
      %lt3A_304 = arith.constant 4 : i32
      %lt3A_305 = arith.cmpi slt, %scan3A_253, %lt3A_304 : i32
      %convert_element_type3A_306 = arith.extui %lt3A_305 : i1 to i32
      %cond3A_307 = arith.constant 0 : i32
      %cond3A_308 = arith.cmpi ne, %convert_element_type3A_306, %cond3A_307 : i32
      scf.if %cond3A_308 {
        %add3A_715 = arith.constant 16 : i32
        %add3A_716 = arith.addi %add3A_283, %add3A_715 : i32
        %add3A_717 = arith.constant 16 : i32
        %add3A_718 = arith.addi %add3A_283, %add3A_717 : i32
        %dma_start3A_719 = arith.constant 0 : i32
        %dma_start3A_720 = arith.constant 0 : i32
        %dma_start3A_721 = tpu.memref_slice %arg9[%add3A_718, %dma_start3A_719, %dma_start3A_720] : memref<80x128x8xf32, #tpu.memory_space<vmem>> -> memref<1x128x8xf32, #tpu.memory_space<vmem>>
        %dma_start3A_722 = tpu.memref_squeeze %dma_start3A_721 : memref<1x128x8xf32, #tpu.memory_space<vmem>> -> memref<128x8xf32, #tpu.memory_space<vmem>>
        %dma_start3A_723 = arith.constant 0 : i32
        %dma_start3A_724 = tpu.memref_slice %arg7[%add3A_716, %dma_start3A_723] : memref<80x128xi32, #tpu.memory_space<vmem>> -> memref<1x128xi32, #tpu.memory_space<vmem>>
        %dma_start3A_725 = tpu.memref_squeeze %dma_start3A_724 : memref<1x128xi32, #tpu.memory_space<vmem>> -> memref<128xi32, #tpu.memory_space<vmem>>
        %dma_start3A_726 = arith.constant 0 : i32
        %dma_start3A_727 = arith.constant 0 : i32
        %dma_start3A_728 = tpu.memref_slice %arg11[%dma_start3A_726, %dma_start3A_727] : memref<10240x8xf32, #tpu.memory_space<vmem_shared>> -> memref<10240x8xf32, #tpu.memory_space<vmem_shared>>
        tpu.enqueue_indirect_dma source(%dma_start3A_728 : memref<10240x8xf32, #tpu.memory_space<vmem_shared>>) target(%dma_start3A_722 : memref<128x8xf32, #tpu.memory_space<vmem>>) offsets(%dma_start3A_725 : memref<128xi32, #tpu.memory_space<vmem>>) semaphore(%arg14 : memref<!tpu.dma_semaphore, #tpu.memory_space<semaphore_mem>>)
      } else {
      }
      %mul3A_309 = arith.constant 16 : i32
      %mul3A_310 = arith.muli %scan3A_253, %mul3A_309 : i32
      %add3A_311 = arith.constant 2 : i32
      %add3A_312 = arith.addi %mul3A_310, %add3A_311 : i32
      %dma_wait3A_313 = arith.constant 0 : i32
      %dma_wait3A_314 = arith.constant 0 : i32
      %dma_wait3A_315 = tpu.memref_slice %arg9[%add3A_312, %dma_wait3A_313, %dma_wait3A_314] : memref<80x128x8xf32, #tpu.memory_space<vmem>> -> memref<1x128x8xf32, #tpu.memory_space<vmem>>
      %dma_wait3A_316 = tpu.memref_squeeze %dma_wait3A_315 : memref<1x128x8xf32, #tpu.memory_space<vmem>> -> memref<128x8xf32, #tpu.memory_space<vmem>>
      %dma_wait3A_317 = arith.constant 0 : i32
      %dma_wait3A_318 = tpu.memref_slice %arg7[%add3A_312, %dma_wait3A_317] : memref<80x128xi32, #tpu.memory_space<vmem>> -> memref<1x128xi32, #tpu.memory_space<vmem>>
      %dma_wait3A_319 = tpu.memref_squeeze %dma_wait3A_318 : memref<1x128xi32, #tpu.memory_space<vmem>> -> memref<128xi32, #tpu.memory_space<vmem>>
      %dma_wait3A_320 = arith.constant 0 : i32
      %dma_wait3A_321 = arith.constant 0 : i32
      %dma_wait3A_322 = tpu.memref_slice %arg11[%dma_wait3A_320, %dma_wait3A_321] : memref<10240x8xf32, #tpu.memory_space<vmem_shared>> -> memref<10240x8xf32, #tpu.memory_space<vmem_shared>>
      tpu.wait_indirect_dma semaphore(%arg15 : memref<!tpu.dma_semaphore, #tpu.memory_space<semaphore_mem>>) src(%dma_wait3A_322 : memref<10240x8xf32, #tpu.memory_space<vmem_shared>>) dst(%dma_wait3A_316 : memref<128x8xf32, #tpu.memory_space<vmem>>)
      %dma_start3A_323 = arith.constant 0 : i32
      %dma_start3A_324 = arith.constant 0 : i32
      %dma_start3A_325 = tpu.memref_slice %arg9[%add3A_312, %dma_start3A_323, %dma_start3A_324] : memref<80x128x8xf32, #tpu.memory_space<vmem>> -> memref<1x128x8xf32, #tpu.memory_space<vmem>>
      %dma_start3A_326 = tpu.memref_squeeze %dma_start3A_325 : memref<1x128x8xf32, #tpu.memory_space<vmem>> -> memref<128x8xf32, #tpu.memory_space<vmem>>
      %dma_start3A_327 = arith.constant 0 : i32
      %dma_start3A_328 = tpu.memref_slice %arg8[%add3A_312, %dma_start3A_327] : memref<80x128xi32, #tpu.memory_space<vmem>> -> memref<1x128xi32, #tpu.memory_space<vmem>>
      %dma_start3A_329 = tpu.memref_squeeze %dma_start3A_328 : memref<1x128xi32, #tpu.memory_space<vmem>> -> memref<128xi32, #tpu.memory_space<vmem>>
      %dma_start3A_330 = arith.constant 0 : i32
      %dma_start3A_331 = arith.constant 0 : i32
      %dma_start3A_332 = tpu.memref_slice %arg10[%dma_start3A_330, %dma_start3A_331] : memref<10240x8xf32, #tpu.memory_space<vmem_shared>> -> memref<10240x8xf32, #tpu.memory_space<vmem_shared>>
      tpu.enqueue_indirect_dma source(%dma_start3A_326 : memref<128x8xf32, #tpu.memory_space<vmem>>) target(%dma_start3A_332 : memref<10240x8xf32, #tpu.memory_space<vmem_shared>>) offsets(%dma_start3A_329 : memref<128xi32, #tpu.memory_space<vmem>>) semaphore(%arg12 : memref<!tpu.dma_semaphore, #tpu.memory_space<semaphore_mem>>) {add = true}
      %lt3A_333 = arith.constant 4 : i32
      %lt3A_334 = arith.cmpi slt, %scan3A_253, %lt3A_333 : i32
      %convert_element_type3A_335 = arith.extui %lt3A_334 : i1 to i32
      %cond3A_336 = arith.constant 0 : i32
      %cond3A_337 = arith.cmpi ne, %convert_element_type3A_335, %cond3A_336 : i32
      scf.if %cond3A_337 {
        %add3A_715 = arith.constant 16 : i32
        %add3A_716 = arith.addi %add3A_312, %add3A_715 : i32
        %add3A_717 = arith.constant 16 : i32
        %add3A_718 = arith.addi %add3A_312, %add3A_717 : i32
        %dma_start3A_719 = arith.constant 0 : i32
        %dma_start3A_720 = arith.constant 0 : i32
        %dma_start3A_721 = tpu.memref_slice %arg9[%add3A_718, %dma_start3A_719, %dma_start3A_720] : memref<80x128x8xf32, #tpu.memory_space<vmem>> -> memref<1x128x8xf32, #tpu.memory_space<vmem>>
        %dma_start3A_722 = tpu.memref_squeeze %dma_start3A_721 : memref<1x128x8xf32, #tpu.memory_space<vmem>> -> memref<128x8xf32, #tpu.memory_space<vmem>>
        %dma_start3A_723 = arith.constant 0 : i32
        %dma_start3A_724 = tpu.memref_slice %arg7[%add3A_716, %dma_start3A_723] : memref<80x128xi32, #tpu.memory_space<vmem>> -> memref<1x128xi32, #tpu.memory_space<vmem>>
        %dma_start3A_725 = tpu.memref_squeeze %dma_start3A_724 : memref<1x128xi32, #tpu.memory_space<vmem>> -> memref<128xi32, #tpu.memory_space<vmem>>
        %dma_start3A_726 = arith.constant 0 : i32
        %dma_start3A_727 = arith.constant 0 : i32
        %dma_start3A_728 = tpu.memref_slice %arg11[%dma_start3A_726, %dma_start3A_727] : memref<10240x8xf32, #tpu.memory_space<vmem_shared>> -> memref<10240x8xf32, #tpu.memory_space<vmem_shared>>
        tpu.enqueue_indirect_dma source(%dma_start3A_728 : memref<10240x8xf32, #tpu.memory_space<vmem_shared>>) target(%dma_start3A_722 : memref<128x8xf32, #tpu.memory_space<vmem>>) offsets(%dma_start3A_725 : memref<128xi32, #tpu.memory_space<vmem>>) semaphore(%arg15 : memref<!tpu.dma_semaphore, #tpu.memory_space<semaphore_mem>>)
      } else {
      }
      %mul3A_338 = arith.constant 16 : i32
      %mul3A_339 = arith.muli %scan3A_253, %mul3A_338 : i32
      %add3A_340 = arith.constant 3 : i32
      %add3A_341 = arith.addi %mul3A_339, %add3A_340 : i32
      %dma_wait3A_342 = arith.constant 0 : i32
      %dma_wait3A_343 = arith.constant 0 : i32
      %dma_wait3A_344 = tpu.memref_slice %arg9[%add3A_341, %dma_wait3A_342, %dma_wait3A_343] : memref<80x128x8xf32, #tpu.memory_space<vmem>> -> memref<1x128x8xf32, #tpu.memory_space<vmem>>
      %dma_wait3A_345 = tpu.memref_squeeze %dma_wait3A_344 : memref<1x128x8xf32, #tpu.memory_space<vmem>> -> memref<128x8xf32, #tpu.memory_space<vmem>>
      %dma_wait3A_346 = arith.constant 0 : i32
      %dma_wait3A_347 = tpu.memref_slice %arg7[%add3A_341, %dma_wait3A_346] : memref<80x128xi32, #tpu.memory_space<vmem>> -> memref<1x128xi32, #tpu.memory_space<vmem>>
      %dma_wait3A_348 = tpu.memref_squeeze %dma_wait3A_347 : memref<1x128xi32, #tpu.memory_space<vmem>> -> memref<128xi32, #tpu.memory_space<vmem>>
      %dma_wait3A_349 = arith.constant 0 : i32
      %dma_wait3A_350 = arith.constant 0 : i32
      %dma_wait3A_351 = tpu.memref_slice %arg11[%dma_wait3A_349, %dma_wait3A_350] : memref<10240x8xf32, #tpu.memory_space<vmem_shared>> -> memref<10240x8xf32, #tpu.memory_space<vmem_shared>>
      tpu.wait_indirect_dma semaphore(%arg16 : memref<!tpu.dma_semaphore, #tpu.memory_space<semaphore_mem>>) src(%dma_wait3A_351 : memref<10240x8xf32, #tpu.memory_space<vmem_shared>>) dst(%dma_wait3A_345 : memref<128x8xf32, #tpu.memory_space<vmem>>)
      %dma_start3A_352 = arith.constant 0 : i32
      %dma_start3A_353 = arith.constant 0 : i32
      %dma_start3A_354 = tpu.memref_slice %arg9[%add3A_341, %dma_start3A_352, %dma_start3A_353] : memref<80x128x8xf32, #tpu.memory_space<vmem>> -> memref<1x128x8xf32, #tpu.memory_space<vmem>>
      %dma_start3A_355 = tpu.memref_squeeze %dma_start3A_354 : memref<1x128x8xf32, #tpu.memory_space<vmem>> -> memref<128x8xf32, #tpu.memory_space<vmem>>
      %dma_start3A_356 = arith.constant 0 : i32
      %dma_start3A_357 = tpu.memref_slice %arg8[%add3A_341, %dma_start3A_356] : memref<80x128xi32, #tpu.memory_space<vmem>> -> memref<1x128xi32, #tpu.memory_space<vmem>>
      %dma_start3A_358 = tpu.memref_squeeze %dma_start3A_357 : memref<1x128xi32, #tpu.memory_space<vmem>> -> memref<128xi32, #tpu.memory_space<vmem>>
      %dma_start3A_359 = arith.constant 0 : i32
      %dma_start3A_360 = arith.constant 0 : i32
      %dma_start3A_361 = tpu.memref_slice %arg10[%dma_start3A_359, %dma_start3A_360] : memref<10240x8xf32, #tpu.memory_space<vmem_shared>> -> memref<10240x8xf32, #tpu.memory_space<vmem_shared>>
      tpu.enqueue_indirect_dma source(%dma_start3A_355 : memref<128x8xf32, #tpu.memory_space<vmem>>) target(%dma_start3A_361 : memref<10240x8xf32, #tpu.memory_space<vmem_shared>>) offsets(%dma_start3A_358 : memref<128xi32, #tpu.memory_space<vmem>>) semaphore(%arg12 : memref<!tpu.dma_semaphore, #tpu.memory_space<semaphore_mem>>) {add = true}
      %lt3A_362 = arith.constant 4 : i32
      %lt3A_363 = arith.cmpi slt, %scan3A_253, %lt3A_362 : i32
      %convert_element_type3A_364 = arith.extui %lt3A_363 : i1 to i32
      %cond3A_365 = arith.constant 0 : i32
      %cond3A_366 = arith.cmpi ne, %convert_element_type3A_364, %cond3A_365 : i32
      scf.if %cond3A_366 {
        %add3A_715 = arith.constant 16 : i32
        %add3A_716 = arith.addi %add3A_341, %add3A_715 : i32
        %add3A_717 = arith.constant 16 : i32
        %add3A_718 = arith.addi %add3A_341, %add3A_717 : i32
        %dma_start3A_719 = arith.constant 0 : i32
        %dma_start3A_720 = arith.constant 0 : i32
        %dma_start3A_721 = tpu.memref_slice %arg9[%add3A_718, %dma_start3A_719, %dma_start3A_720] : memref<80x128x8xf32, #tpu.memory_space<vmem>> -> memref<1x128x8xf32, #tpu.memory_space<vmem>>
        %dma_start3A_722 = tpu.memref_squeeze %dma_start3A_721 : memref<1x128x8xf32, #tpu.memory_space<vmem>> -> memref<128x8xf32, #tpu.memory_space<vmem>>
        %dma_start3A_723 = arith.constant 0 : i32
        %dma_start3A_724 = tpu.memref_slice %arg7[%add3A_716, %dma_start3A_723] : memref<80x128xi32, #tpu.memory_space<vmem>> -> memref<1x128xi32, #tpu.memory_space<vmem>>
        %dma_start3A_725 = tpu.memref_squeeze %dma_start3A_724 : memref<1x128xi32, #tpu.memory_space<vmem>> -> memref<128xi32, #tpu.memory_space<vmem>>
        %dma_start3A_726 = arith.constant 0 : i32
        %dma_start3A_727 = arith.constant 0 : i32
        %dma_start3A_728 = tpu.memref_slice %arg11[%dma_start3A_726, %dma_start3A_727] : memref<10240x8xf32, #tpu.memory_space<vmem_shared>> -> memref<10240x8xf32, #tpu.memory_space<vmem_shared>>
        tpu.enqueue_indirect_dma source(%dma_start3A_728 : memref<10240x8xf32, #tpu.memory_space<vmem_shared>>) target(%dma_start3A_722 : memref<128x8xf32, #tpu.memory_space<vmem>>) offsets(%dma_start3A_725 : memref<128xi32, #tpu.memory_space<vmem>>) semaphore(%arg16 : memref<!tpu.dma_semaphore, #tpu.memory_space<semaphore_mem>>)
      } else {
      }
      %mul3A_367 = arith.constant 16 : i32
      %mul3A_368 = arith.muli %scan3A_253, %mul3A_367 : i32
      %add3A_369 = arith.constant 4 : i32
      %add3A_370 = arith.addi %mul3A_368, %add3A_369 : i32
      %dma_wait3A_371 = arith.constant 0 : i32
      %dma_wait3A_372 = arith.constant 0 : i32
      %dma_wait3A_373 = tpu.memref_slice %arg9[%add3A_370, %dma_wait3A_371, %dma_wait3A_372] : memref<80x128x8xf32, #tpu.memory_space<vmem>> -> memref<1x128x8xf32, #tpu.memory_space<vmem>>
      %dma_wait3A_374 = tpu.memref_squeeze %dma_wait3A_373 : memref<1x128x8xf32, #tpu.memory_space<vmem>> -> memref<128x8xf32, #tpu.memory_space<vmem>>
      %dma_wait3A_375 = arith.constant 0 : i32
      %dma_wait3A_376 = tpu.memref_slice %arg7[%add3A_370, %dma_wait3A_375] : memref<80x128xi32, #tpu.memory_space<vmem>> -> memref<1x128xi32, #tpu.memory_space<vmem>>
      %dma_wait3A_377 = tpu.memref_squeeze %dma_wait3A_376 : memref<1x128xi32, #tpu.memory_space<vmem>> -> memref<128xi32, #tpu.memory_space<vmem>>
      %dma_wait3A_378 = arith.constant 0 : i32
      %dma_wait3A_379 = arith.constant 0 : i32
      %dma_wait3A_380 = tpu.memref_slice %arg11[%dma_wait3A_378, %dma_wait3A_379] : memref<10240x8xf32, #tpu.memory_space<vmem_shared>> -> memref<10240x8xf32, #tpu.memory_space<vmem_shared>>
      tpu.wait_indirect_dma semaphore(%arg17 : memref<!tpu.dma_semaphore, #tpu.memory_space<semaphore_mem>>) src(%dma_wait3A_380 : memref<10240x8xf32, #tpu.memory_space<vmem_shared>>) dst(%dma_wait3A_374 : memref<128x8xf32, #tpu.memory_space<vmem>>)
      %dma_start3A_381 = arith.constant 0 : i32
      %dma_start3A_382 = arith.constant 0 : i32
      %dma_start3A_383 = tpu.memref_slice %arg9[%add3A_370, %dma_start3A_381, %dma_start3A_382] : memref<80x128x8xf32, #tpu.memory_space<vmem>> -> memref<1x128x8xf32, #tpu.memory_space<vmem>>
      %dma_start3A_384 = tpu.memref_squeeze %dma_start3A_383 : memref<1x128x8xf32, #tpu.memory_space<vmem>> -> memref<128x8xf32, #tpu.memory_space<vmem>>
      %dma_start3A_385 = arith.constant 0 : i32
      %dma_start3A_386 = tpu.memref_slice %arg8[%add3A_370, %dma_start3A_385] : memref<80x128xi32, #tpu.memory_space<vmem>> -> memref<1x128xi32, #tpu.memory_space<vmem>>
      %dma_start3A_387 = tpu.memref_squeeze %dma_start3A_386 : memref<1x128xi32, #tpu.memory_space<vmem>> -> memref<128xi32, #tpu.memory_space<vmem>>
      %dma_start3A_388 = arith.constant 0 : i32
      %dma_start3A_389 = arith.constant 0 : i32
      %dma_start3A_390 = tpu.memref_slice %arg10[%dma_start3A_388, %dma_start3A_389] : memref<10240x8xf32, #tpu.memory_space<vmem_shared>> -> memref<10240x8xf32, #tpu.memory_space<vmem_shared>>
      tpu.enqueue_indirect_dma source(%dma_start3A_384 : memref<128x8xf32, #tpu.memory_space<vmem>>) target(%dma_start3A_390 : memref<10240x8xf32, #tpu.memory_space<vmem_shared>>) offsets(%dma_start3A_387 : memref<128xi32, #tpu.memory_space<vmem>>) semaphore(%arg12 : memref<!tpu.dma_semaphore, #tpu.memory_space<semaphore_mem>>) {add = true}
      %lt3A_391 = arith.constant 4 : i32
      %lt3A_392 = arith.cmpi slt, %scan3A_253, %lt3A_391 : i32
      %convert_element_type3A_393 = arith.extui %lt3A_392 : i1 to i32
      %cond3A_394 = arith.constant 0 : i32
      %cond3A_395 = arith.cmpi ne, %convert_element_type3A_393, %cond3A_394 : i32
      scf.if %cond3A_395 {
        %add3A_715 = arith.constant 16 : i32
        %add3A_716 = arith.addi %add3A_370, %add3A_715 : i32
        %add3A_717 = arith.constant 16 : i32
        %add3A_718 = arith.addi %add3A_370, %add3A_717 : i32
        %dma_start3A_719 = arith.constant 0 : i32
        %dma_start3A_720 = arith.constant 0 : i32
        %dma_start3A_721 = tpu.memref_slice %arg9[%add3A_718, %dma_start3A_719, %dma_start3A_720] : memref<80x128x8xf32, #tpu.memory_space<vmem>> -> memref<1x128x8xf32, #tpu.memory_space<vmem>>
        %dma_start3A_722 = tpu.memref_squeeze %dma_start3A_721 : memref<1x128x8xf32, #tpu.memory_space<vmem>> -> memref<128x8xf32, #tpu.memory_space<vmem>>
        %dma_start3A_723 = arith.constant 0 : i32
        %dma_start3A_724 = tpu.memref_slice %arg7[%add3A_716, %dma_start3A_723] : memref<80x128xi32, #tpu.memory_space<vmem>> -> memref<1x128xi32, #tpu.memory_space<vmem>>
        %dma_start3A_725 = tpu.memref_squeeze %dma_start3A_724 : memref<1x128xi32, #tpu.memory_space<vmem>> -> memref<128xi32, #tpu.memory_space<vmem>>
        %dma_start3A_726 = arith.constant 0 : i32
        %dma_start3A_727 = arith.constant 0 : i32
        %dma_start3A_728 = tpu.memref_slice %arg11[%dma_start3A_726, %dma_start3A_727] : memref<10240x8xf32, #tpu.memory_space<vmem_shared>> -> memref<10240x8xf32, #tpu.memory_space<vmem_shared>>
        tpu.enqueue_indirect_dma source(%dma_start3A_728 : memref<10240x8xf32, #tpu.memory_space<vmem_shared>>) target(%dma_start3A_722 : memref<128x8xf32, #tpu.memory_space<vmem>>) offsets(%dma_start3A_725 : memref<128xi32, #tpu.memory_space<vmem>>) semaphore(%arg17 : memref<!tpu.dma_semaphore, #tpu.memory_space<semaphore_mem>>)
      } else {
      }
      %mul3A_396 = arith.constant 16 : i32
      %mul3A_397 = arith.muli %scan3A_253, %mul3A_396 : i32
      %add3A_398 = arith.constant 5 : i32
      %add3A_399 = arith.addi %mul3A_397, %add3A_398 : i32
      %dma_wait3A_400 = arith.constant 0 : i32
      %dma_wait3A_401 = arith.constant 0 : i32
      %dma_wait3A_402 = tpu.memref_slice %arg9[%add3A_399, %dma_wait3A_400, %dma_wait3A_401] : memref<80x128x8xf32, #tpu.memory_space<vmem>> -> memref<1x128x8xf32, #tpu.memory_space<vmem>>
      %dma_wait3A_403 = tpu.memref_squeeze %dma_wait3A_402 : memref<1x128x8xf32, #tpu.memory_space<vmem>> -> memref<128x8xf32, #tpu.memory_space<vmem>>
      %dma_wait3A_404 = arith.constant 0 : i32
      %dma_wait3A_405 = tpu.memref_slice %arg7[%add3A_399, %dma_wait3A_404] : memref<80x128xi32, #tpu.memory_space<vmem>> -> memref<1x128xi32, #tpu.memory_space<vmem>>
      %dma_wait3A_406 = tpu.memref_squeeze %dma_wait3A_405 : memref<1x128xi32, #tpu.memory_space<vmem>> -> memref<128xi32, #tpu.memory_space<vmem>>
      %dma_wait3A_407 = arith.constant 0 : i32
      %dma_wait3A_408 = arith.constant 0 : i32
      %dma_wait3A_409 = tpu.memref_slice %arg11[%dma_wait3A_407, %dma_wait3A_408] : memref<10240x8xf32, #tpu.memory_space<vmem_shared>> -> memref<10240x8xf32, #tpu.memory_space<vmem_shared>>
      tpu.wait_indirect_dma semaphore(%arg18 : memref<!tpu.dma_semaphore, #tpu.memory_space<semaphore_mem>>) src(%dma_wait3A_409 : memref<10240x8xf32, #tpu.memory_space<vmem_shared>>) dst(%dma_wait3A_403 : memref<128x8xf32, #tpu.memory_space<vmem>>)
      %dma_start3A_410 = arith.constant 0 : i32
      %dma_start3A_411 = arith.constant 0 : i32
      %dma_start3A_412 = tpu.memref_slice %arg9[%add3A_399, %dma_start3A_410, %dma_start3A_411] : memref<80x128x8xf32, #tpu.memory_space<vmem>> -> memref<1x128x8xf32, #tpu.memory_space<vmem>>
      %dma_start3A_413 = tpu.memref_squeeze %dma_start3A_412 : memref<1x128x8xf32, #tpu.memory_space<vmem>> -> memref<128x8xf32, #tpu.memory_space<vmem>>
      %dma_start3A_414 = arith.constant 0 : i32
      %dma_start3A_415 = tpu.memref_slice %arg8[%add3A_399, %dma_start3A_414] : memref<80x128xi32, #tpu.memory_space<vmem>> -> memref<1x128xi32, #tpu.memory_space<vmem>>
      %dma_start3A_416 = tpu.memref_squeeze %dma_start3A_415 : memref<1x128xi32, #tpu.memory_space<vmem>> -> memref<128xi32, #tpu.memory_space<vmem>>
      %dma_start3A_417 = arith.constant 0 : i32
      %dma_start3A_418 = arith.constant 0 : i32
      %dma_start3A_419 = tpu.memref_slice %arg10[%dma_start3A_417, %dma_start3A_418] : memref<10240x8xf32, #tpu.memory_space<vmem_shared>> -> memref<10240x8xf32, #tpu.memory_space<vmem_shared>>
      tpu.enqueue_indirect_dma source(%dma_start3A_413 : memref<128x8xf32, #tpu.memory_space<vmem>>) target(%dma_start3A_419 : memref<10240x8xf32, #tpu.memory_space<vmem_shared>>) offsets(%dma_start3A_416 : memref<128xi32, #tpu.memory_space<vmem>>) semaphore(%arg12 : memref<!tpu.dma_semaphore, #tpu.memory_space<semaphore_mem>>) {add = true}
      %lt3A_420 = arith.constant 4 : i32
      %lt3A_421 = arith.cmpi slt, %scan3A_253, %lt3A_420 : i32
      %convert_element_type3A_422 = arith.extui %lt3A_421 : i1 to i32
      %cond3A_423 = arith.constant 0 : i32
      %cond3A_424 = arith.cmpi ne, %convert_element_type3A_422, %cond3A_423 : i32
      scf.if %cond3A_424 {
        %add3A_715 = arith.constant 16 : i32
        %add3A_716 = arith.addi %add3A_399, %add3A_715 : i32
        %add3A_717 = arith.constant 16 : i32
        %add3A_718 = arith.addi %add3A_399, %add3A_717 : i32
        %dma_start3A_719 = arith.constant 0 : i32
        %dma_start3A_720 = arith.constant 0 : i32
        %dma_start3A_721 = tpu.memref_slice %arg9[%add3A_718, %dma_start3A_719, %dma_start3A_720] : memref<80x128x8xf32, #tpu.memory_space<vmem>> -> memref<1x128x8xf32, #tpu.memory_space<vmem>>
        %dma_start3A_722 = tpu.memref_squeeze %dma_start3A_721 : memref<1x128x8xf32, #tpu.memory_space<vmem>> -> memref<128x8xf32, #tpu.memory_space<vmem>>
        %dma_start3A_723 = arith.constant 0 : i32
        %dma_start3A_724 = tpu.memref_slice %arg7[%add3A_716, %dma_start3A_723] : memref<80x128xi32, #tpu.memory_space<vmem>> -> memref<1x128xi32, #tpu.memory_space<vmem>>
        %dma_start3A_725 = tpu.memref_squeeze %dma_start3A_724 : memref<1x128xi32, #tpu.memory_space<vmem>> -> memref<128xi32, #tpu.memory_space<vmem>>
        %dma_start3A_726 = arith.constant 0 : i32
        %dma_start3A_727 = arith.constant 0 : i32
        %dma_start3A_728 = tpu.memref_slice %arg11[%dma_start3A_726, %dma_start3A_727] : memref<10240x8xf32, #tpu.memory_space<vmem_shared>> -> memref<10240x8xf32, #tpu.memory_space<vmem_shared>>
        tpu.enqueue_indirect_dma source(%dma_start3A_728 : memref<10240x8xf32, #tpu.memory_space<vmem_shared>>) target(%dma_start3A_722 : memref<128x8xf32, #tpu.memory_space<vmem>>) offsets(%dma_start3A_725 : memref<128xi32, #tpu.memory_space<vmem>>) semaphore(%arg18 : memref<!tpu.dma_semaphore, #tpu.memory_space<semaphore_mem>>)
      } else {
      }
      %mul3A_425 = arith.constant 16 : i32
      %mul3A_426 = arith.muli %scan3A_253, %mul3A_425 : i32
      %add3A_427 = arith.constant 6 : i32
      %add3A_428 = arith.addi %mul3A_426, %add3A_427 : i32
      %dma_wait3A_429 = arith.constant 0 : i32
      %dma_wait3A_430 = arith.constant 0 : i32
      %dma_wait3A_431 = tpu.memref_slice %arg9[%add3A_428, %dma_wait3A_429, %dma_wait3A_430] : memref<80x128x8xf32, #tpu.memory_space<vmem>> -> memref<1x128x8xf32, #tpu.memory_space<vmem>>
      %dma_wait3A_432 = tpu.memref_squeeze %dma_wait3A_431 : memref<1x128x8xf32, #tpu.memory_space<vmem>> -> memref<128x8xf32, #tpu.memory_space<vmem>>
      %dma_wait3A_433 = arith.constant 0 : i32
      %dma_wait3A_434 = tpu.memref_slice %arg7[%add3A_428, %dma_wait3A_433] : memref<80x128xi32, #tpu.memory_space<vmem>> -> memref<1x128xi32, #tpu.memory_space<vmem>>
      %dma_wait3A_435 = tpu.memref_squeeze %dma_wait3A_434 : memref<1x128xi32, #tpu.memory_space<vmem>> -> memref<128xi32, #tpu.memory_space<vmem>>
      %dma_wait3A_436 = arith.constant 0 : i32
      %dma_wait3A_437 = arith.constant 0 : i32
      %dma_wait3A_438 = tpu.memref_slice %arg11[%dma_wait3A_436, %dma_wait3A_437] : memref<10240x8xf32, #tpu.memory_space<vmem_shared>> -> memref<10240x8xf32, #tpu.memory_space<vmem_shared>>
      tpu.wait_indirect_dma semaphore(%arg19 : memref<!tpu.dma_semaphore, #tpu.memory_space<semaphore_mem>>) src(%dma_wait3A_438 : memref<10240x8xf32, #tpu.memory_space<vmem_shared>>) dst(%dma_wait3A_432 : memref<128x8xf32, #tpu.memory_space<vmem>>)
      %dma_start3A_439 = arith.constant 0 : i32
      %dma_start3A_440 = arith.constant 0 : i32
      %dma_start3A_441 = tpu.memref_slice %arg9[%add3A_428, %dma_start3A_439, %dma_start3A_440] : memref<80x128x8xf32, #tpu.memory_space<vmem>> -> memref<1x128x8xf32, #tpu.memory_space<vmem>>
      %dma_start3A_442 = tpu.memref_squeeze %dma_start3A_441 : memref<1x128x8xf32, #tpu.memory_space<vmem>> -> memref<128x8xf32, #tpu.memory_space<vmem>>
      %dma_start3A_443 = arith.constant 0 : i32
      %dma_start3A_444 = tpu.memref_slice %arg8[%add3A_428, %dma_start3A_443] : memref<80x128xi32, #tpu.memory_space<vmem>> -> memref<1x128xi32, #tpu.memory_space<vmem>>
      %dma_start3A_445 = tpu.memref_squeeze %dma_start3A_444 : memref<1x128xi32, #tpu.memory_space<vmem>> -> memref<128xi32, #tpu.memory_space<vmem>>
      %dma_start3A_446 = arith.constant 0 : i32
      %dma_start3A_447 = arith.constant 0 : i32
      %dma_start3A_448 = tpu.memref_slice %arg10[%dma_start3A_446, %dma_start3A_447] : memref<10240x8xf32, #tpu.memory_space<vmem_shared>> -> memref<10240x8xf32, #tpu.memory_space<vmem_shared>>
      tpu.enqueue_indirect_dma source(%dma_start3A_442 : memref<128x8xf32, #tpu.memory_space<vmem>>) target(%dma_start3A_448 : memref<10240x8xf32, #tpu.memory_space<vmem_shared>>) offsets(%dma_start3A_445 : memref<128xi32, #tpu.memory_space<vmem>>) semaphore(%arg12 : memref<!tpu.dma_semaphore, #tpu.memory_space<semaphore_mem>>) {add = true}
      %lt3A_449 = arith.constant 4 : i32
      %lt3A_450 = arith.cmpi slt, %scan3A_253, %lt3A_449 : i32
      %convert_element_type3A_451 = arith.extui %lt3A_450 : i1 to i32
      %cond3A_452 = arith.constant 0 : i32
      %cond3A_453 = arith.cmpi ne, %convert_element_type3A_451, %cond3A_452 : i32
      scf.if %cond3A_453 {
        %add3A_715 = arith.constant 16 : i32
        %add3A_716 = arith.addi %add3A_428, %add3A_715 : i32
        %add3A_717 = arith.constant 16 : i32
        %add3A_718 = arith.addi %add3A_428, %add3A_717 : i32
        %dma_start3A_719 = arith.constant 0 : i32
        %dma_start3A_720 = arith.constant 0 : i32
        %dma_start3A_721 = tpu.memref_slice %arg9[%add3A_718, %dma_start3A_719, %dma_start3A_720] : memref<80x128x8xf32, #tpu.memory_space<vmem>> -> memref<1x128x8xf32, #tpu.memory_space<vmem>>
        %dma_start3A_722 = tpu.memref_squeeze %dma_start3A_721 : memref<1x128x8xf32, #tpu.memory_space<vmem>> -> memref<128x8xf32, #tpu.memory_space<vmem>>
        %dma_start3A_723 = arith.constant 0 : i32
        %dma_start3A_724 = tpu.memref_slice %arg7[%add3A_716, %dma_start3A_723] : memref<80x128xi32, #tpu.memory_space<vmem>> -> memref<1x128xi32, #tpu.memory_space<vmem>>
        %dma_start3A_725 = tpu.memref_squeeze %dma_start3A_724 : memref<1x128xi32, #tpu.memory_space<vmem>> -> memref<128xi32, #tpu.memory_space<vmem>>
        %dma_start3A_726 = arith.constant 0 : i32
        %dma_start3A_727 = arith.constant 0 : i32
        %dma_start3A_728 = tpu.memref_slice %arg11[%dma_start3A_726, %dma_start3A_727] : memref<10240x8xf32, #tpu.memory_space<vmem_shared>> -> memref<10240x8xf32, #tpu.memory_space<vmem_shared>>
        tpu.enqueue_indirect_dma source(%dma_start3A_728 : memref<10240x8xf32, #tpu.memory_space<vmem_shared>>) target(%dma_start3A_722 : memref<128x8xf32, #tpu.memory_space<vmem>>) offsets(%dma_start3A_725 : memref<128xi32, #tpu.memory_space<vmem>>) semaphore(%arg19 : memref<!tpu.dma_semaphore, #tpu.memory_space<semaphore_mem>>)
      } else {
      }
      %mul3A_454 = arith.constant 16 : i32
      %mul3A_455 = arith.muli %scan3A_253, %mul3A_454 : i32
      %add3A_456 = arith.constant 7 : i32
      %add3A_457 = arith.addi %mul3A_455, %add3A_456 : i32
      %dma_wait3A_458 = arith.constant 0 : i32
      %dma_wait3A_459 = arith.constant 0 : i32
      %dma_wait3A_460 = tpu.memref_slice %arg9[%add3A_457, %dma_wait3A_458, %dma_wait3A_459] : memref<80x128x8xf32, #tpu.memory_space<vmem>> -> memref<1x128x8xf32, #tpu.memory_space<vmem>>
      %dma_wait3A_461 = tpu.memref_squeeze %dma_wait3A_460 : memref<1x128x8xf32, #tpu.memory_space<vmem>> -> memref<128x8xf32, #tpu.memory_space<vmem>>
      %dma_wait3A_462 = arith.constant 0 : i32
      %dma_wait3A_463 = tpu.memref_slice %arg7[%add3A_457, %dma_wait3A_462] : memref<80x128xi32, #tpu.memory_space<vmem>> -> memref<1x128xi32, #tpu.memory_space<vmem>>
      %dma_wait3A_464 = tpu.memref_squeeze %dma_wait3A_463 : memref<1x128xi32, #tpu.memory_space<vmem>> -> memref<128xi32, #tpu.memory_space<vmem>>
      %dma_wait3A_465 = arith.constant 0 : i32
      %dma_wait3A_466 = arith.constant 0 : i32
      %dma_wait3A_467 = tpu.memref_slice %arg11[%dma_wait3A_465, %dma_wait3A_466] : memref<10240x8xf32, #tpu.memory_space<vmem_shared>> -> memref<10240x8xf32, #tpu.memory_space<vmem_shared>>
      tpu.wait_indirect_dma semaphore(%arg20 : memref<!tpu.dma_semaphore, #tpu.memory_space<semaphore_mem>>) src(%dma_wait3A_467 : memref<10240x8xf32, #tpu.memory_space<vmem_shared>>) dst(%dma_wait3A_461 : memref<128x8xf32, #tpu.memory_space<vmem>>)
      %dma_start3A_468 = arith.constant 0 : i32
      %dma_start3A_469 = arith.constant 0 : i32
      %dma_start3A_470 = tpu.memref_slice %arg9[%add3A_457, %dma_start3A_468, %dma_start3A_469] : memref<80x128x8xf32, #tpu.memory_space<vmem>> -> memref<1x128x8xf32, #tpu.memory_space<vmem>>
      %dma_start3A_471 = tpu.memref_squeeze %dma_start3A_470 : memref<1x128x8xf32, #tpu.memory_space<vmem>> -> memref<128x8xf32, #tpu.memory_space<vmem>>
      %dma_start3A_472 = arith.constant 0 : i32
      %dma_start3A_473 = tpu.memref_slice %arg8[%add3A_457, %dma_start3A_472] : memref<80x128xi32, #tpu.memory_space<vmem>> -> memref<1x128xi32, #tpu.memory_space<vmem>>
      %dma_start3A_474 = tpu.memref_squeeze %dma_start3A_473 : memref<1x128xi32, #tpu.memory_space<vmem>> -> memref<128xi32, #tpu.memory_space<vmem>>
      %dma_start3A_475 = arith.constant 0 : i32
      %dma_start3A_476 = arith.constant 0 : i32
      %dma_start3A_477 = tpu.memref_slice %arg10[%dma_start3A_475, %dma_start3A_476] : memref<10240x8xf32, #tpu.memory_space<vmem_shared>> -> memref<10240x8xf32, #tpu.memory_space<vmem_shared>>
      tpu.enqueue_indirect_dma source(%dma_start3A_471 : memref<128x8xf32, #tpu.memory_space<vmem>>) target(%dma_start3A_477 : memref<10240x8xf32, #tpu.memory_space<vmem_shared>>) offsets(%dma_start3A_474 : memref<128xi32, #tpu.memory_space<vmem>>) semaphore(%arg12 : memref<!tpu.dma_semaphore, #tpu.memory_space<semaphore_mem>>) {add = true}
      %lt3A_478 = arith.constant 4 : i32
      %lt3A_479 = arith.cmpi slt, %scan3A_253, %lt3A_478 : i32
      %convert_element_type3A_480 = arith.extui %lt3A_479 : i1 to i32
      %cond3A_481 = arith.constant 0 : i32
      %cond3A_482 = arith.cmpi ne, %convert_element_type3A_480, %cond3A_481 : i32
      scf.if %cond3A_482 {
        %add3A_715 = arith.constant 16 : i32
        %add3A_716 = arith.addi %add3A_457, %add3A_715 : i32
        %add3A_717 = arith.constant 16 : i32
        %add3A_718 = arith.addi %add3A_457, %add3A_717 : i32
        %dma_start3A_719 = arith.constant 0 : i32
        %dma_start3A_720 = arith.constant 0 : i32
        %dma_start3A_721 = tpu.memref_slice %arg9[%add3A_718, %dma_start3A_719, %dma_start3A_720] : memref<80x128x8xf32, #tpu.memory_space<vmem>> -> memref<1x128x8xf32, #tpu.memory_space<vmem>>
        %dma_start3A_722 = tpu.memref_squeeze %dma_start3A_721 : memref<1x128x8xf32, #tpu.memory_space<vmem>> -> memref<128x8xf32, #tpu.memory_space<vmem>>
        %dma_start3A_723 = arith.constant 0 : i32
        %dma_start3A_724 = tpu.memref_slice %arg7[%add3A_716, %dma_start3A_723] : memref<80x128xi32, #tpu.memory_space<vmem>> -> memref<1x128xi32, #tpu.memory_space<vmem>>
        %dma_start3A_725 = tpu.memref_squeeze %dma_start3A_724 : memref<1x128xi32, #tpu.memory_space<vmem>> -> memref<128xi32, #tpu.memory_space<vmem>>
        %dma_start3A_726 = arith.constant 0 : i32
        %dma_start3A_727 = arith.constant 0 : i32
        %dma_start3A_728 = tpu.memref_slice %arg11[%dma_start3A_726, %dma_start3A_727] : memref<10240x8xf32, #tpu.memory_space<vmem_shared>> -> memref<10240x8xf32, #tpu.memory_space<vmem_shared>>
        tpu.enqueue_indirect_dma source(%dma_start3A_728 : memref<10240x8xf32, #tpu.memory_space<vmem_shared>>) target(%dma_start3A_722 : memref<128x8xf32, #tpu.memory_space<vmem>>) offsets(%dma_start3A_725 : memref<128xi32, #tpu.memory_space<vmem>>) semaphore(%arg20 : memref<!tpu.dma_semaphore, #tpu.memory_space<semaphore_mem>>)
      } else {
      }
      %mul3A_483 = arith.constant 16 : i32
      %mul3A_484 = arith.muli %scan3A_253, %mul3A_483 : i32
      %add3A_485 = arith.constant 8 : i32
      %add3A_486 = arith.addi %mul3A_484, %add3A_485 : i32
      %dma_wait3A_487 = arith.constant 0 : i32
      %dma_wait3A_488 = arith.constant 0 : i32
      %dma_wait3A_489 = tpu.memref_slice %arg9[%add3A_486, %dma_wait3A_487, %dma_wait3A_488] : memref<80x128x8xf32, #tpu.memory_space<vmem>> -> memref<1x128x8xf32, #tpu.memory_space<vmem>>
      %dma_wait3A_490 = tpu.memref_squeeze %dma_wait3A_489 : memref<1x128x8xf32, #tpu.memory_space<vmem>> -> memref<128x8xf32, #tpu.memory_space<vmem>>
      %dma_wait3A_491 = arith.constant 0 : i32
      %dma_wait3A_492 = tpu.memref_slice %arg7[%add3A_486, %dma_wait3A_491] : memref<80x128xi32, #tpu.memory_space<vmem>> -> memref<1x128xi32, #tpu.memory_space<vmem>>
      %dma_wait3A_493 = tpu.memref_squeeze %dma_wait3A_492 : memref<1x128xi32, #tpu.memory_space<vmem>> -> memref<128xi32, #tpu.memory_space<vmem>>
      %dma_wait3A_494 = arith.constant 0 : i32
      %dma_wait3A_495 = arith.constant 0 : i32
      %dma_wait3A_496 = tpu.memref_slice %arg11[%dma_wait3A_494, %dma_wait3A_495] : memref<10240x8xf32, #tpu.memory_space<vmem_shared>> -> memref<10240x8xf32, #tpu.memory_space<vmem_shared>>
      tpu.wait_indirect_dma semaphore(%arg21 : memref<!tpu.dma_semaphore, #tpu.memory_space<semaphore_mem>>) src(%dma_wait3A_496 : memref<10240x8xf32, #tpu.memory_space<vmem_shared>>) dst(%dma_wait3A_490 : memref<128x8xf32, #tpu.memory_space<vmem>>)
      %dma_start3A_497 = arith.constant 0 : i32
      %dma_start3A_498 = arith.constant 0 : i32
      %dma_start3A_499 = tpu.memref_slice %arg9[%add3A_486, %dma_start3A_497, %dma_start3A_498] : memref<80x128x8xf32, #tpu.memory_space<vmem>> -> memref<1x128x8xf32, #tpu.memory_space<vmem>>
      %dma_start3A_500 = tpu.memref_squeeze %dma_start3A_499 : memref<1x128x8xf32, #tpu.memory_space<vmem>> -> memref<128x8xf32, #tpu.memory_space<vmem>>
      %dma_start3A_501 = arith.constant 0 : i32
      %dma_start3A_502 = tpu.memref_slice %arg8[%add3A_486, %dma_start3A_501] : memref<80x128xi32, #tpu.memory_space<vmem>> -> memref<1x128xi32, #tpu.memory_space<vmem>>
      %dma_start3A_503 = tpu.memref_squeeze %dma_start3A_502 : memref<1x128xi32, #tpu.memory_space<vmem>> -> memref<128xi32, #tpu.memory_space<vmem>>
      %dma_start3A_504 = arith.constant 0 : i32
      %dma_start3A_505 = arith.constant 0 : i32
      %dma_start3A_506 = tpu.memref_slice %arg10[%dma_start3A_504, %dma_start3A_505] : memref<10240x8xf32, #tpu.memory_space<vmem_shared>> -> memref<10240x8xf32, #tpu.memory_space<vmem_shared>>
      tpu.enqueue_indirect_dma source(%dma_start3A_500 : memref<128x8xf32, #tpu.memory_space<vmem>>) target(%dma_start3A_506 : memref<10240x8xf32, #tpu.memory_space<vmem_shared>>) offsets(%dma_start3A_503 : memref<128xi32, #tpu.memory_space<vmem>>) semaphore(%arg12 : memref<!tpu.dma_semaphore, #tpu.memory_space<semaphore_mem>>) {add = true}
      %lt3A_507 = arith.constant 4 : i32
      %lt3A_508 = arith.cmpi slt, %scan3A_253, %lt3A_507 : i32
      %convert_element_type3A_509 = arith.extui %lt3A_508 : i1 to i32
      %cond3A_510 = arith.constant 0 : i32
      %cond3A_511 = arith.cmpi ne, %convert_element_type3A_509, %cond3A_510 : i32
      scf.if %cond3A_511 {
        %add3A_715 = arith.constant 16 : i32
        %add3A_716 = arith.addi %add3A_486, %add3A_715 : i32
        %add3A_717 = arith.constant 16 : i32
        %add3A_718 = arith.addi %add3A_486, %add3A_717 : i32
        %dma_start3A_719 = arith.constant 0 : i32
        %dma_start3A_720 = arith.constant 0 : i32
        %dma_start3A_721 = tpu.memref_slice %arg9[%add3A_718, %dma_start3A_719, %dma_start3A_720] : memref<80x128x8xf32, #tpu.memory_space<vmem>> -> memref<1x128x8xf32, #tpu.memory_space<vmem>>
        %dma_start3A_722 = tpu.memref_squeeze %dma_start3A_721 : memref<1x128x8xf32, #tpu.memory_space<vmem>> -> memref<128x8xf32, #tpu.memory_space<vmem>>
        %dma_start3A_723 = arith.constant 0 : i32
        %dma_start3A_724 = tpu.memref_slice %arg7[%add3A_716, %dma_start3A_723] : memref<80x128xi32, #tpu.memory_space<vmem>> -> memref<1x128xi32, #tpu.memory_space<vmem>>
        %dma_start3A_725 = tpu.memref_squeeze %dma_start3A_724 : memref<1x128xi32, #tpu.memory_space<vmem>> -> memref<128xi32, #tpu.memory_space<vmem>>
        %dma_start3A_726 = arith.constant 0 : i32
        %dma_start3A_727 = arith.constant 0 : i32
        %dma_start3A_728 = tpu.memref_slice %arg11[%dma_start3A_726, %dma_start3A_727] : memref<10240x8xf32, #tpu.memory_space<vmem_shared>> -> memref<10240x8xf32, #tpu.memory_space<vmem_shared>>
        tpu.enqueue_indirect_dma source(%dma_start3A_728 : memref<10240x8xf32, #tpu.memory_space<vmem_shared>>) target(%dma_start3A_722 : memref<128x8xf32, #tpu.memory_space<vmem>>) offsets(%dma_start3A_725 : memref<128xi32, #tpu.memory_space<vmem>>) semaphore(%arg21 : memref<!tpu.dma_semaphore, #tpu.memory_space<semaphore_mem>>)
      } else {
      }
      %mul3A_512 = arith.constant 16 : i32
      %mul3A_513 = arith.muli %scan3A_253, %mul3A_512 : i32
      %add3A_514 = arith.constant 9 : i32
      %add3A_515 = arith.addi %mul3A_513, %add3A_514 : i32
      %dma_wait3A_516 = arith.constant 0 : i32
      %dma_wait3A_517 = arith.constant 0 : i32
      %dma_wait3A_518 = tpu.memref_slice %arg9[%add3A_515, %dma_wait3A_516, %dma_wait3A_517] : memref<80x128x8xf32, #tpu.memory_space<vmem>> -> memref<1x128x8xf32, #tpu.memory_space<vmem>>
      %dma_wait3A_519 = tpu.memref_squeeze %dma_wait3A_518 : memref<1x128x8xf32, #tpu.memory_space<vmem>> -> memref<128x8xf32, #tpu.memory_space<vmem>>
      %dma_wait3A_520 = arith.constant 0 : i32
      %dma_wait3A_521 = tpu.memref_slice %arg7[%add3A_515, %dma_wait3A_520] : memref<80x128xi32, #tpu.memory_space<vmem>> -> memref<1x128xi32, #tpu.memory_space<vmem>>
      %dma_wait3A_522 = tpu.memref_squeeze %dma_wait3A_521 : memref<1x128xi32, #tpu.memory_space<vmem>> -> memref<128xi32, #tpu.memory_space<vmem>>
      %dma_wait3A_523 = arith.constant 0 : i32
      %dma_wait3A_524 = arith.constant 0 : i32
      %dma_wait3A_525 = tpu.memref_slice %arg11[%dma_wait3A_523, %dma_wait3A_524] : memref<10240x8xf32, #tpu.memory_space<vmem_shared>> -> memref<10240x8xf32, #tpu.memory_space<vmem_shared>>
      tpu.wait_indirect_dma semaphore(%arg22 : memref<!tpu.dma_semaphore, #tpu.memory_space<semaphore_mem>>) src(%dma_wait3A_525 : memref<10240x8xf32, #tpu.memory_space<vmem_shared>>) dst(%dma_wait3A_519 : memref<128x8xf32, #tpu.memory_space<vmem>>)
      %dma_start3A_526 = arith.constant 0 : i32
      %dma_start3A_527 = arith.constant 0 : i32
      %dma_start3A_528 = tpu.memref_slice %arg9[%add3A_515, %dma_start3A_526, %dma_start3A_527] : memref<80x128x8xf32, #tpu.memory_space<vmem>> -> memref<1x128x8xf32, #tpu.memory_space<vmem>>
      %dma_start3A_529 = tpu.memref_squeeze %dma_start3A_528 : memref<1x128x8xf32, #tpu.memory_space<vmem>> -> memref<128x8xf32, #tpu.memory_space<vmem>>
      %dma_start3A_530 = arith.constant 0 : i32
      %dma_start3A_531 = tpu.memref_slice %arg8[%add3A_515, %dma_start3A_530] : memref<80x128xi32, #tpu.memory_space<vmem>> -> memref<1x128xi32, #tpu.memory_space<vmem>>
      %dma_start3A_532 = tpu.memref_squeeze %dma_start3A_531 : memref<1x128xi32, #tpu.memory_space<vmem>> -> memref<128xi32, #tpu.memory_space<vmem>>
      %dma_start3A_533 = arith.constant 0 : i32
      %dma_start3A_534 = arith.constant 0 : i32
      %dma_start3A_535 = tpu.memref_slice %arg10[%dma_start3A_533, %dma_start3A_534] : memref<10240x8xf32, #tpu.memory_space<vmem_shared>> -> memref<10240x8xf32, #tpu.memory_space<vmem_shared>>
      tpu.enqueue_indirect_dma source(%dma_start3A_529 : memref<128x8xf32, #tpu.memory_space<vmem>>) target(%dma_start3A_535 : memref<10240x8xf32, #tpu.memory_space<vmem_shared>>) offsets(%dma_start3A_532 : memref<128xi32, #tpu.memory_space<vmem>>) semaphore(%arg12 : memref<!tpu.dma_semaphore, #tpu.memory_space<semaphore_mem>>) {add = true}
      %lt3A_536 = arith.constant 4 : i32
      %lt3A_537 = arith.cmpi slt, %scan3A_253, %lt3A_536 : i32
      %convert_element_type3A_538 = arith.extui %lt3A_537 : i1 to i32
      %cond3A_539 = arith.constant 0 : i32
      %cond3A_540 = arith.cmpi ne, %convert_element_type3A_538, %cond3A_539 : i32
      scf.if %cond3A_540 {
        %add3A_715 = arith.constant 16 : i32
        %add3A_716 = arith.addi %add3A_515, %add3A_715 : i32
        %add3A_717 = arith.constant 16 : i32
        %add3A_718 = arith.addi %add3A_515, %add3A_717 : i32
        %dma_start3A_719 = arith.constant 0 : i32
        %dma_start3A_720 = arith.constant 0 : i32
        %dma_start3A_721 = tpu.memref_slice %arg9[%add3A_718, %dma_start3A_719, %dma_start3A_720] : memref<80x128x8xf32, #tpu.memory_space<vmem>> -> memref<1x128x8xf32, #tpu.memory_space<vmem>>
        %dma_start3A_722 = tpu.memref_squeeze %dma_start3A_721 : memref<1x128x8xf32, #tpu.memory_space<vmem>> -> memref<128x8xf32, #tpu.memory_space<vmem>>
        %dma_start3A_723 = arith.constant 0 : i32
        %dma_start3A_724 = tpu.memref_slice %arg7[%add3A_716, %dma_start3A_723] : memref<80x128xi32, #tpu.memory_space<vmem>> -> memref<1x128xi32, #tpu.memory_space<vmem>>
        %dma_start3A_725 = tpu.memref_squeeze %dma_start3A_724 : memref<1x128xi32, #tpu.memory_space<vmem>> -> memref<128xi32, #tpu.memory_space<vmem>>
        %dma_start3A_726 = arith.constant 0 : i32
        %dma_start3A_727 = arith.constant 0 : i32
        %dma_start3A_728 = tpu.memref_slice %arg11[%dma_start3A_726, %dma_start3A_727] : memref<10240x8xf32, #tpu.memory_space<vmem_shared>> -> memref<10240x8xf32, #tpu.memory_space<vmem_shared>>
        tpu.enqueue_indirect_dma source(%dma_start3A_728 : memref<10240x8xf32, #tpu.memory_space<vmem_shared>>) target(%dma_start3A_722 : memref<128x8xf32, #tpu.memory_space<vmem>>) offsets(%dma_start3A_725 : memref<128xi32, #tpu.memory_space<vmem>>) semaphore(%arg22 : memref<!tpu.dma_semaphore, #tpu.memory_space<semaphore_mem>>)
      } else {
      }
      %mul3A_541 = arith.constant 16 : i32
      %mul3A_542 = arith.muli %scan3A_253, %mul3A_541 : i32
      %add3A_543 = arith.constant 10 : i32
      %add3A_544 = arith.addi %mul3A_542, %add3A_543 : i32
      %dma_wait3A_545 = arith.constant 0 : i32
      %dma_wait3A_546 = arith.constant 0 : i32
      %dma_wait3A_547 = tpu.memref_slice %arg9[%add3A_544, %dma_wait3A_545, %dma_wait3A_546] : memref<80x128x8xf32, #tpu.memory_space<vmem>> -> memref<1x128x8xf32, #tpu.memory_space<vmem>>
      %dma_wait3A_548 = tpu.memref_squeeze %dma_wait3A_547 : memref<1x128x8xf32, #tpu.memory_space<vmem>> -> memref<128x8xf32, #tpu.memory_space<vmem>>
      %dma_wait3A_549 = arith.constant 0 : i32
      %dma_wait3A_550 = tpu.memref_slice %arg7[%add3A_544, %dma_wait3A_549] : memref<80x128xi32, #tpu.memory_space<vmem>> -> memref<1x128xi32, #tpu.memory_space<vmem>>
      %dma_wait3A_551 = tpu.memref_squeeze %dma_wait3A_550 : memref<1x128xi32, #tpu.memory_space<vmem>> -> memref<128xi32, #tpu.memory_space<vmem>>
      %dma_wait3A_552 = arith.constant 0 : i32
      %dma_wait3A_553 = arith.constant 0 : i32
      %dma_wait3A_554 = tpu.memref_slice %arg11[%dma_wait3A_552, %dma_wait3A_553] : memref<10240x8xf32, #tpu.memory_space<vmem_shared>> -> memref<10240x8xf32, #tpu.memory_space<vmem_shared>>
      tpu.wait_indirect_dma semaphore(%arg23 : memref<!tpu.dma_semaphore, #tpu.memory_space<semaphore_mem>>) src(%dma_wait3A_554 : memref<10240x8xf32, #tpu.memory_space<vmem_shared>>) dst(%dma_wait3A_548 : memref<128x8xf32, #tpu.memory_space<vmem>>)
      %dma_start3A_555 = arith.constant 0 : i32
      %dma_start3A_556 = arith.constant 0 : i32
      %dma_start3A_557 = tpu.memref_slice %arg9[%add3A_544, %dma_start3A_555, %dma_start3A_556] : memref<80x128x8xf32, #tpu.memory_space<vmem>> -> memref<1x128x8xf32, #tpu.memory_space<vmem>>
      %dma_start3A_558 = tpu.memref_squeeze %dma_start3A_557 : memref<1x128x8xf32, #tpu.memory_space<vmem>> -> memref<128x8xf32, #tpu.memory_space<vmem>>
      %dma_start3A_559 = arith.constant 0 : i32
      %dma_start3A_560 = tpu.memref_slice %arg8[%add3A_544, %dma_start3A_559] : memref<80x128xi32, #tpu.memory_space<vmem>> -> memref<1x128xi32, #tpu.memory_space<vmem>>
      %dma_start3A_561 = tpu.memref_squeeze %dma_start3A_560 : memref<1x128xi32, #tpu.memory_space<vmem>> -> memref<128xi32, #tpu.memory_space<vmem>>
      %dma_start3A_562 = arith.constant 0 : i32
      %dma_start3A_563 = arith.constant 0 : i32
      %dma_start3A_564 = tpu.memref_slice %arg10[%dma_start3A_562, %dma_start3A_563] : memref<10240x8xf32, #tpu.memory_space<vmem_shared>> -> memref<10240x8xf32, #tpu.memory_space<vmem_shared>>
      tpu.enqueue_indirect_dma source(%dma_start3A_558 : memref<128x8xf32, #tpu.memory_space<vmem>>) target(%dma_start3A_564 : memref<10240x8xf32, #tpu.memory_space<vmem_shared>>) offsets(%dma_start3A_561 : memref<128xi32, #tpu.memory_space<vmem>>) semaphore(%arg12 : memref<!tpu.dma_semaphore, #tpu.memory_space<semaphore_mem>>) {add = true}
      %lt3A_565 = arith.constant 4 : i32
      %lt3A_566 = arith.cmpi slt, %scan3A_253, %lt3A_565 : i32
      %convert_element_type3A_567 = arith.extui %lt3A_566 : i1 to i32
      %cond3A_568 = arith.constant 0 : i32
      %cond3A_569 = arith.cmpi ne, %convert_element_type3A_567, %cond3A_568 : i32
      scf.if %cond3A_569 {
        %add3A_715 = arith.constant 16 : i32
        %add3A_716 = arith.addi %add3A_544, %add3A_715 : i32
        %add3A_717 = arith.constant 16 : i32
        %add3A_718 = arith.addi %add3A_544, %add3A_717 : i32
        %dma_start3A_719 = arith.constant 0 : i32
        %dma_start3A_720 = arith.constant 0 : i32
        %dma_start3A_721 = tpu.memref_slice %arg9[%add3A_718, %dma_start3A_719, %dma_start3A_720] : memref<80x128x8xf32, #tpu.memory_space<vmem>> -> memref<1x128x8xf32, #tpu.memory_space<vmem>>
        %dma_start3A_722 = tpu.memref_squeeze %dma_start3A_721 : memref<1x128x8xf32, #tpu.memory_space<vmem>> -> memref<128x8xf32, #tpu.memory_space<vmem>>
        %dma_start3A_723 = arith.constant 0 : i32
        %dma_start3A_724 = tpu.memref_slice %arg7[%add3A_716, %dma_start3A_723] : memref<80x128xi32, #tpu.memory_space<vmem>> -> memref<1x128xi32, #tpu.memory_space<vmem>>
        %dma_start3A_725 = tpu.memref_squeeze %dma_start3A_724 : memref<1x128xi32, #tpu.memory_space<vmem>> -> memref<128xi32, #tpu.memory_space<vmem>>
        %dma_start3A_726 = arith.constant 0 : i32
        %dma_start3A_727 = arith.constant 0 : i32
        %dma_start3A_728 = tpu.memref_slice %arg11[%dma_start3A_726, %dma_start3A_727] : memref<10240x8xf32, #tpu.memory_space<vmem_shared>> -> memref<10240x8xf32, #tpu.memory_space<vmem_shared>>
        tpu.enqueue_indirect_dma source(%dma_start3A_728 : memref<10240x8xf32, #tpu.memory_space<vmem_shared>>) target(%dma_start3A_722 : memref<128x8xf32, #tpu.memory_space<vmem>>) offsets(%dma_start3A_725 : memref<128xi32, #tpu.memory_space<vmem>>) semaphore(%arg23 : memref<!tpu.dma_semaphore, #tpu.memory_space<semaphore_mem>>)
      } else {
      }
      %mul3A_570 = arith.constant 16 : i32
      %mul3A_571 = arith.muli %scan3A_253, %mul3A_570 : i32
      %add3A_572 = arith.constant 11 : i32
      %add3A_573 = arith.addi %mul3A_571, %add3A_572 : i32
      %dma_wait3A_574 = arith.constant 0 : i32
      %dma_wait3A_575 = arith.constant 0 : i32
      %dma_wait3A_576 = tpu.memref_slice %arg9[%add3A_573, %dma_wait3A_574, %dma_wait3A_575] : memref<80x128x8xf32, #tpu.memory_space<vmem>> -> memref<1x128x8xf32, #tpu.memory_space<vmem>>
      %dma_wait3A_577 = tpu.memref_squeeze %dma_wait3A_576 : memref<1x128x8xf32, #tpu.memory_space<vmem>> -> memref<128x8xf32, #tpu.memory_space<vmem>>
      %dma_wait3A_578 = arith.constant 0 : i32
      %dma_wait3A_579 = tpu.memref_slice %arg7[%add3A_573, %dma_wait3A_578] : memref<80x128xi32, #tpu.memory_space<vmem>> -> memref<1x128xi32, #tpu.memory_space<vmem>>
      %dma_wait3A_580 = tpu.memref_squeeze %dma_wait3A_579 : memref<1x128xi32, #tpu.memory_space<vmem>> -> memref<128xi32, #tpu.memory_space<vmem>>
      %dma_wait3A_581 = arith.constant 0 : i32
      %dma_wait3A_582 = arith.constant 0 : i32
      %dma_wait3A_583 = tpu.memref_slice %arg11[%dma_wait3A_581, %dma_wait3A_582] : memref<10240x8xf32, #tpu.memory_space<vmem_shared>> -> memref<10240x8xf32, #tpu.memory_space<vmem_shared>>
      tpu.wait_indirect_dma semaphore(%arg24 : memref<!tpu.dma_semaphore, #tpu.memory_space<semaphore_mem>>) src(%dma_wait3A_583 : memref<10240x8xf32, #tpu.memory_space<vmem_shared>>) dst(%dma_wait3A_577 : memref<128x8xf32, #tpu.memory_space<vmem>>)
      %dma_start3A_584 = arith.constant 0 : i32
      %dma_start3A_585 = arith.constant 0 : i32
      %dma_start3A_586 = tpu.memref_slice %arg9[%add3A_573, %dma_start3A_584, %dma_start3A_585] : memref<80x128x8xf32, #tpu.memory_space<vmem>> -> memref<1x128x8xf32, #tpu.memory_space<vmem>>
      %dma_start3A_587 = tpu.memref_squeeze %dma_start3A_586 : memref<1x128x8xf32, #tpu.memory_space<vmem>> -> memref<128x8xf32, #tpu.memory_space<vmem>>
      %dma_start3A_588 = arith.constant 0 : i32
      %dma_start3A_589 = tpu.memref_slice %arg8[%add3A_573, %dma_start3A_588] : memref<80x128xi32, #tpu.memory_space<vmem>> -> memref<1x128xi32, #tpu.memory_space<vmem>>
      %dma_start3A_590 = tpu.memref_squeeze %dma_start3A_589 : memref<1x128xi32, #tpu.memory_space<vmem>> -> memref<128xi32, #tpu.memory_space<vmem>>
      %dma_start3A_591 = arith.constant 0 : i32
      %dma_start3A_592 = arith.constant 0 : i32
      %dma_start3A_593 = tpu.memref_slice %arg10[%dma_start3A_591, %dma_start3A_592] : memref<10240x8xf32, #tpu.memory_space<vmem_shared>> -> memref<10240x8xf32, #tpu.memory_space<vmem_shared>>
      tpu.enqueue_indirect_dma source(%dma_start3A_587 : memref<128x8xf32, #tpu.memory_space<vmem>>) target(%dma_start3A_593 : memref<10240x8xf32, #tpu.memory_space<vmem_shared>>) offsets(%dma_start3A_590 : memref<128xi32, #tpu.memory_space<vmem>>) semaphore(%arg12 : memref<!tpu.dma_semaphore, #tpu.memory_space<semaphore_mem>>) {add = true}
      %lt3A_594 = arith.constant 4 : i32
      %lt3A_595 = arith.cmpi slt, %scan3A_253, %lt3A_594 : i32
      %convert_element_type3A_596 = arith.extui %lt3A_595 : i1 to i32
      %cond3A_597 = arith.constant 0 : i32
      %cond3A_598 = arith.cmpi ne, %convert_element_type3A_596, %cond3A_597 : i32
      scf.if %cond3A_598 {
        %add3A_715 = arith.constant 16 : i32
        %add3A_716 = arith.addi %add3A_573, %add3A_715 : i32
        %add3A_717 = arith.constant 16 : i32
        %add3A_718 = arith.addi %add3A_573, %add3A_717 : i32
        %dma_start3A_719 = arith.constant 0 : i32
        %dma_start3A_720 = arith.constant 0 : i32
        %dma_start3A_721 = tpu.memref_slice %arg9[%add3A_718, %dma_start3A_719, %dma_start3A_720] : memref<80x128x8xf32, #tpu.memory_space<vmem>> -> memref<1x128x8xf32, #tpu.memory_space<vmem>>
        %dma_start3A_722 = tpu.memref_squeeze %dma_start3A_721 : memref<1x128x8xf32, #tpu.memory_space<vmem>> -> memref<128x8xf32, #tpu.memory_space<vmem>>
        %dma_start3A_723 = arith.constant 0 : i32
        %dma_start3A_724 = tpu.memref_slice %arg7[%add3A_716, %dma_start3A_723] : memref<80x128xi32, #tpu.memory_space<vmem>> -> memref<1x128xi32, #tpu.memory_space<vmem>>
        %dma_start3A_725 = tpu.memref_squeeze %dma_start3A_724 : memref<1x128xi32, #tpu.memory_space<vmem>> -> memref<128xi32, #tpu.memory_space<vmem>>
        %dma_start3A_726 = arith.constant 0 : i32
        %dma_start3A_727 = arith.constant 0 : i32
        %dma_start3A_728 = tpu.memref_slice %arg11[%dma_start3A_726, %dma_start3A_727] : memref<10240x8xf32, #tpu.memory_space<vmem_shared>> -> memref<10240x8xf32, #tpu.memory_space<vmem_shared>>
        tpu.enqueue_indirect_dma source(%dma_start3A_728 : memref<10240x8xf32, #tpu.memory_space<vmem_shared>>) target(%dma_start3A_722 : memref<128x8xf32, #tpu.memory_space<vmem>>) offsets(%dma_start3A_725 : memref<128xi32, #tpu.memory_space<vmem>>) semaphore(%arg24 : memref<!tpu.dma_semaphore, #tpu.memory_space<semaphore_mem>>)
      } else {
      }
      %mul3A_599 = arith.constant 16 : i32
      %mul3A_600 = arith.muli %scan3A_253, %mul3A_599 : i32
      %add3A_601 = arith.constant 12 : i32
      %add3A_602 = arith.addi %mul3A_600, %add3A_601 : i32
      %dma_wait3A_603 = arith.constant 0 : i32
      %dma_wait3A_604 = arith.constant 0 : i32
      %dma_wait3A_605 = tpu.memref_slice %arg9[%add3A_602, %dma_wait3A_603, %dma_wait3A_604] : memref<80x128x8xf32, #tpu.memory_space<vmem>> -> memref<1x128x8xf32, #tpu.memory_space<vmem>>
      %dma_wait3A_606 = tpu.memref_squeeze %dma_wait3A_605 : memref<1x128x8xf32, #tpu.memory_space<vmem>> -> memref<128x8xf32, #tpu.memory_space<vmem>>
      %dma_wait3A_607 = arith.constant 0 : i32
      %dma_wait3A_608 = tpu.memref_slice %arg7[%add3A_602, %dma_wait3A_607] : memref<80x128xi32, #tpu.memory_space<vmem>> -> memref<1x128xi32, #tpu.memory_space<vmem>>
      %dma_wait3A_609 = tpu.memref_squeeze %dma_wait3A_608 : memref<1x128xi32, #tpu.memory_space<vmem>> -> memref<128xi32, #tpu.memory_space<vmem>>
      %dma_wait3A_610 = arith.constant 0 : i32
      %dma_wait3A_611 = arith.constant 0 : i32
      %dma_wait3A_612 = tpu.memref_slice %arg11[%dma_wait3A_610, %dma_wait3A_611] : memref<10240x8xf32, #tpu.memory_space<vmem_shared>> -> memref<10240x8xf32, #tpu.memory_space<vmem_shared>>
      tpu.wait_indirect_dma semaphore(%arg25 : memref<!tpu.dma_semaphore, #tpu.memory_space<semaphore_mem>>) src(%dma_wait3A_612 : memref<10240x8xf32, #tpu.memory_space<vmem_shared>>) dst(%dma_wait3A_606 : memref<128x8xf32, #tpu.memory_space<vmem>>)
      %dma_start3A_613 = arith.constant 0 : i32
      %dma_start3A_614 = arith.constant 0 : i32
      %dma_start3A_615 = tpu.memref_slice %arg9[%add3A_602, %dma_start3A_613, %dma_start3A_614] : memref<80x128x8xf32, #tpu.memory_space<vmem>> -> memref<1x128x8xf32, #tpu.memory_space<vmem>>
      %dma_start3A_616 = tpu.memref_squeeze %dma_start3A_615 : memref<1x128x8xf32, #tpu.memory_space<vmem>> -> memref<128x8xf32, #tpu.memory_space<vmem>>
      %dma_start3A_617 = arith.constant 0 : i32
      %dma_start3A_618 = tpu.memref_slice %arg8[%add3A_602, %dma_start3A_617] : memref<80x128xi32, #tpu.memory_space<vmem>> -> memref<1x128xi32, #tpu.memory_space<vmem>>
      %dma_start3A_619 = tpu.memref_squeeze %dma_start3A_618 : memref<1x128xi32, #tpu.memory_space<vmem>> -> memref<128xi32, #tpu.memory_space<vmem>>
      %dma_start3A_620 = arith.constant 0 : i32
      %dma_start3A_621 = arith.constant 0 : i32
      %dma_start3A_622 = tpu.memref_slice %arg10[%dma_start3A_620, %dma_start3A_621] : memref<10240x8xf32, #tpu.memory_space<vmem_shared>> -> memref<10240x8xf32, #tpu.memory_space<vmem_shared>>
      tpu.enqueue_indirect_dma source(%dma_start3A_616 : memref<128x8xf32, #tpu.memory_space<vmem>>) target(%dma_start3A_622 : memref<10240x8xf32, #tpu.memory_space<vmem_shared>>) offsets(%dma_start3A_619 : memref<128xi32, #tpu.memory_space<vmem>>) semaphore(%arg12 : memref<!tpu.dma_semaphore, #tpu.memory_space<semaphore_mem>>) {add = true}
      %lt3A_623 = arith.constant 4 : i32
      %lt3A_624 = arith.cmpi slt, %scan3A_253, %lt3A_623 : i32
      %convert_element_type3A_625 = arith.extui %lt3A_624 : i1 to i32
      %cond3A_626 = arith.constant 0 : i32
      %cond3A_627 = arith.cmpi ne, %convert_element_type3A_625, %cond3A_626 : i32
      scf.if %cond3A_627 {
        %add3A_715 = arith.constant 16 : i32
        %add3A_716 = arith.addi %add3A_602, %add3A_715 : i32
        %add3A_717 = arith.constant 16 : i32
        %add3A_718 = arith.addi %add3A_602, %add3A_717 : i32
        %dma_start3A_719 = arith.constant 0 : i32
        %dma_start3A_720 = arith.constant 0 : i32
        %dma_start3A_721 = tpu.memref_slice %arg9[%add3A_718, %dma_start3A_719, %dma_start3A_720] : memref<80x128x8xf32, #tpu.memory_space<vmem>> -> memref<1x128x8xf32, #tpu.memory_space<vmem>>
        %dma_start3A_722 = tpu.memref_squeeze %dma_start3A_721 : memref<1x128x8xf32, #tpu.memory_space<vmem>> -> memref<128x8xf32, #tpu.memory_space<vmem>>
        %dma_start3A_723 = arith.constant 0 : i32
        %dma_start3A_724 = tpu.memref_slice %arg7[%add3A_716, %dma_start3A_723] : memref<80x128xi32, #tpu.memory_space<vmem>> -> memref<1x128xi32, #tpu.memory_space<vmem>>
        %dma_start3A_725 = tpu.memref_squeeze %dma_start3A_724 : memref<1x128xi32, #tpu.memory_space<vmem>> -> memref<128xi32, #tpu.memory_space<vmem>>
        %dma_start3A_726 = arith.constant 0 : i32
        %dma_start3A_727 = arith.constant 0 : i32
        %dma_start3A_728 = tpu.memref_slice %arg11[%dma_start3A_726, %dma_start3A_727] : memref<10240x8xf32, #tpu.memory_space<vmem_shared>> -> memref<10240x8xf32, #tpu.memory_space<vmem_shared>>
        tpu.enqueue_indirect_dma source(%dma_start3A_728 : memref<10240x8xf32, #tpu.memory_space<vmem_shared>>) target(%dma_start3A_722 : memref<128x8xf32, #tpu.memory_space<vmem>>) offsets(%dma_start3A_725 : memref<128xi32, #tpu.memory_space<vmem>>) semaphore(%arg25 : memref<!tpu.dma_semaphore, #tpu.memory_space<semaphore_mem>>)
      } else {
      }
      %mul3A_628 = arith.constant 16 : i32
      %mul3A_629 = arith.muli %scan3A_253, %mul3A_628 : i32
      %add3A_630 = arith.constant 13 : i32
      %add3A_631 = arith.addi %mul3A_629, %add3A_630 : i32
      %dma_wait3A_632 = arith.constant 0 : i32
      %dma_wait3A_633 = arith.constant 0 : i32
      %dma_wait3A_634 = tpu.memref_slice %arg9[%add3A_631, %dma_wait3A_632, %dma_wait3A_633] : memref<80x128x8xf32, #tpu.memory_space<vmem>> -> memref<1x128x8xf32, #tpu.memory_space<vmem>>
      %dma_wait3A_635 = tpu.memref_squeeze %dma_wait3A_634 : memref<1x128x8xf32, #tpu.memory_space<vmem>> -> memref<128x8xf32, #tpu.memory_space<vmem>>
      %dma_wait3A_636 = arith.constant 0 : i32
      %dma_wait3A_637 = tpu.memref_slice %arg7[%add3A_631, %dma_wait3A_636] : memref<80x128xi32, #tpu.memory_space<vmem>> -> memref<1x128xi32, #tpu.memory_space<vmem>>
      %dma_wait3A_638 = tpu.memref_squeeze %dma_wait3A_637 : memref<1x128xi32, #tpu.memory_space<vmem>> -> memref<128xi32, #tpu.memory_space<vmem>>
      %dma_wait3A_639 = arith.constant 0 : i32
      %dma_wait3A_640 = arith.constant 0 : i32
      %dma_wait3A_641 = tpu.memref_slice %arg11[%dma_wait3A_639, %dma_wait3A_640] : memref<10240x8xf32, #tpu.memory_space<vmem_shared>> -> memref<10240x8xf32, #tpu.memory_space<vmem_shared>>
      tpu.wait_indirect_dma semaphore(%arg26 : memref<!tpu.dma_semaphore, #tpu.memory_space<semaphore_mem>>) src(%dma_wait3A_641 : memref<10240x8xf32, #tpu.memory_space<vmem_shared>>) dst(%dma_wait3A_635 : memref<128x8xf32, #tpu.memory_space<vmem>>)
      %dma_start3A_642 = arith.constant 0 : i32
      %dma_start3A_643 = arith.constant 0 : i32
      %dma_start3A_644 = tpu.memref_slice %arg9[%add3A_631, %dma_start3A_642, %dma_start3A_643] : memref<80x128x8xf32, #tpu.memory_space<vmem>> -> memref<1x128x8xf32, #tpu.memory_space<vmem>>
      %dma_start3A_645 = tpu.memref_squeeze %dma_start3A_644 : memref<1x128x8xf32, #tpu.memory_space<vmem>> -> memref<128x8xf32, #tpu.memory_space<vmem>>
      %dma_start3A_646 = arith.constant 0 : i32
      %dma_start3A_647 = tpu.memref_slice %arg8[%add3A_631, %dma_start3A_646] : memref<80x128xi32, #tpu.memory_space<vmem>> -> memref<1x128xi32, #tpu.memory_space<vmem>>
      %dma_start3A_648 = tpu.memref_squeeze %dma_start3A_647 : memref<1x128xi32, #tpu.memory_space<vmem>> -> memref<128xi32, #tpu.memory_space<vmem>>
      %dma_start3A_649 = arith.constant 0 : i32
      %dma_start3A_650 = arith.constant 0 : i32
      %dma_start3A_651 = tpu.memref_slice %arg10[%dma_start3A_649, %dma_start3A_650] : memref<10240x8xf32, #tpu.memory_space<vmem_shared>> -> memref<10240x8xf32, #tpu.memory_space<vmem_shared>>
      tpu.enqueue_indirect_dma source(%dma_start3A_645 : memref<128x8xf32, #tpu.memory_space<vmem>>) target(%dma_start3A_651 : memref<10240x8xf32, #tpu.memory_space<vmem_shared>>) offsets(%dma_start3A_648 : memref<128xi32, #tpu.memory_space<vmem>>) semaphore(%arg12 : memref<!tpu.dma_semaphore, #tpu.memory_space<semaphore_mem>>) {add = true}
      %lt3A_652 = arith.constant 4 : i32
      %lt3A_653 = arith.cmpi slt, %scan3A_253, %lt3A_652 : i32
      %convert_element_type3A_654 = arith.extui %lt3A_653 : i1 to i32
      %cond3A_655 = arith.constant 0 : i32
      %cond3A_656 = arith.cmpi ne, %convert_element_type3A_654, %cond3A_655 : i32
      scf.if %cond3A_656 {
        %add3A_715 = arith.constant 16 : i32
        %add3A_716 = arith.addi %add3A_631, %add3A_715 : i32
        %add3A_717 = arith.constant 16 : i32
        %add3A_718 = arith.addi %add3A_631, %add3A_717 : i32
        %dma_start3A_719 = arith.constant 0 : i32
        %dma_start3A_720 = arith.constant 0 : i32
        %dma_start3A_721 = tpu.memref_slice %arg9[%add3A_718, %dma_start3A_719, %dma_start3A_720] : memref<80x128x8xf32, #tpu.memory_space<vmem>> -> memref<1x128x8xf32, #tpu.memory_space<vmem>>
        %dma_start3A_722 = tpu.memref_squeeze %dma_start3A_721 : memref<1x128x8xf32, #tpu.memory_space<vmem>> -> memref<128x8xf32, #tpu.memory_space<vmem>>
        %dma_start3A_723 = arith.constant 0 : i32
        %dma_start3A_724 = tpu.memref_slice %arg7[%add3A_716, %dma_start3A_723] : memref<80x128xi32, #tpu.memory_space<vmem>> -> memref<1x128xi32, #tpu.memory_space<vmem>>
        %dma_start3A_725 = tpu.memref_squeeze %dma_start3A_724 : memref<1x128xi32, #tpu.memory_space<vmem>> -> memref<128xi32, #tpu.memory_space<vmem>>
        %dma_start3A_726 = arith.constant 0 : i32
        %dma_start3A_727 = arith.constant 0 : i32
        %dma_start3A_728 = tpu.memref_slice %arg11[%dma_start3A_726, %dma_start3A_727] : memref<10240x8xf32, #tpu.memory_space<vmem_shared>> -> memref<10240x8xf32, #tpu.memory_space<vmem_shared>>
        tpu.enqueue_indirect_dma source(%dma_start3A_728 : memref<10240x8xf32, #tpu.memory_space<vmem_shared>>) target(%dma_start3A_722 : memref<128x8xf32, #tpu.memory_space<vmem>>) offsets(%dma_start3A_725 : memref<128xi32, #tpu.memory_space<vmem>>) semaphore(%arg26 : memref<!tpu.dma_semaphore, #tpu.memory_space<semaphore_mem>>)
      } else {
      }
      %mul3A_657 = arith.constant 16 : i32
      %mul3A_658 = arith.muli %scan3A_253, %mul3A_657 : i32
      %add3A_659 = arith.constant 14 : i32
      %add3A_660 = arith.addi %mul3A_658, %add3A_659 : i32
      %dma_wait3A_661 = arith.constant 0 : i32
      %dma_wait3A_662 = arith.constant 0 : i32
      %dma_wait3A_663 = tpu.memref_slice %arg9[%add3A_660, %dma_wait3A_661, %dma_wait3A_662] : memref<80x128x8xf32, #tpu.memory_space<vmem>> -> memref<1x128x8xf32, #tpu.memory_space<vmem>>
      %dma_wait3A_664 = tpu.memref_squeeze %dma_wait3A_663 : memref<1x128x8xf32, #tpu.memory_space<vmem>> -> memref<128x8xf32, #tpu.memory_space<vmem>>
      %dma_wait3A_665 = arith.constant 0 : i32
      %dma_wait3A_666 = tpu.memref_slice %arg7[%add3A_660, %dma_wait3A_665] : memref<80x128xi32, #tpu.memory_space<vmem>> -> memref<1x128xi32, #tpu.memory_space<vmem>>
      %dma_wait3A_667 = tpu.memref_squeeze %dma_wait3A_666 : memref<1x128xi32, #tpu.memory_space<vmem>> -> memref<128xi32, #tpu.memory_space<vmem>>
      %dma_wait3A_668 = arith.constant 0 : i32
      %dma_wait3A_669 = arith.constant 0 : i32
      %dma_wait3A_670 = tpu.memref_slice %arg11[%dma_wait3A_668, %dma_wait3A_669] : memref<10240x8xf32, #tpu.memory_space<vmem_shared>> -> memref<10240x8xf32, #tpu.memory_space<vmem_shared>>
      tpu.wait_indirect_dma semaphore(%arg27 : memref<!tpu.dma_semaphore, #tpu.memory_space<semaphore_mem>>) src(%dma_wait3A_670 : memref<10240x8xf32, #tpu.memory_space<vmem_shared>>) dst(%dma_wait3A_664 : memref<128x8xf32, #tpu.memory_space<vmem>>)
      %dma_start3A_671 = arith.constant 0 : i32
      %dma_start3A_672 = arith.constant 0 : i32
      %dma_start3A_673 = tpu.memref_slice %arg9[%add3A_660, %dma_start3A_671, %dma_start3A_672] : memref<80x128x8xf32, #tpu.memory_space<vmem>> -> memref<1x128x8xf32, #tpu.memory_space<vmem>>
      %dma_start3A_674 = tpu.memref_squeeze %dma_start3A_673 : memref<1x128x8xf32, #tpu.memory_space<vmem>> -> memref<128x8xf32, #tpu.memory_space<vmem>>
      %dma_start3A_675 = arith.constant 0 : i32
      %dma_start3A_676 = tpu.memref_slice %arg8[%add3A_660, %dma_start3A_675] : memref<80x128xi32, #tpu.memory_space<vmem>> -> memref<1x128xi32, #tpu.memory_space<vmem>>
      %dma_start3A_677 = tpu.memref_squeeze %dma_start3A_676 : memref<1x128xi32, #tpu.memory_space<vmem>> -> memref<128xi32, #tpu.memory_space<vmem>>
      %dma_start3A_678 = arith.constant 0 : i32
      %dma_start3A_679 = arith.constant 0 : i32
      %dma_start3A_680 = tpu.memref_slice %arg10[%dma_start3A_678, %dma_start3A_679] : memref<10240x8xf32, #tpu.memory_space<vmem_shared>> -> memref<10240x8xf32, #tpu.memory_space<vmem_shared>>
      tpu.enqueue_indirect_dma source(%dma_start3A_674 : memref<128x8xf32, #tpu.memory_space<vmem>>) target(%dma_start3A_680 : memref<10240x8xf32, #tpu.memory_space<vmem_shared>>) offsets(%dma_start3A_677 : memref<128xi32, #tpu.memory_space<vmem>>) semaphore(%arg12 : memref<!tpu.dma_semaphore, #tpu.memory_space<semaphore_mem>>) {add = true}
      %lt3A_681 = arith.constant 4 : i32
      %lt3A_682 = arith.cmpi slt, %scan3A_253, %lt3A_681 : i32
      %convert_element_type3A_683 = arith.extui %lt3A_682 : i1 to i32
      %cond3A_684 = arith.constant 0 : i32
      %cond3A_685 = arith.cmpi ne, %convert_element_type3A_683, %cond3A_684 : i32
      scf.if %cond3A_685 {
        %add3A_715 = arith.constant 16 : i32
        %add3A_716 = arith.addi %add3A_660, %add3A_715 : i32
        %add3A_717 = arith.constant 16 : i32
        %add3A_718 = arith.addi %add3A_660, %add3A_717 : i32
        %dma_start3A_719 = arith.constant 0 : i32
        %dma_start3A_720 = arith.constant 0 : i32
        %dma_start3A_721 = tpu.memref_slice %arg9[%add3A_718, %dma_start3A_719, %dma_start3A_720] : memref<80x128x8xf32, #tpu.memory_space<vmem>> -> memref<1x128x8xf32, #tpu.memory_space<vmem>>
        %dma_start3A_722 = tpu.memref_squeeze %dma_start3A_721 : memref<1x128x8xf32, #tpu.memory_space<vmem>> -> memref<128x8xf32, #tpu.memory_space<vmem>>
        %dma_start3A_723 = arith.constant 0 : i32
        %dma_start3A_724 = tpu.memref_slice %arg7[%add3A_716, %dma_start3A_723] : memref<80x128xi32, #tpu.memory_space<vmem>> -> memref<1x128xi32, #tpu.memory_space<vmem>>
        %dma_start3A_725 = tpu.memref_squeeze %dma_start3A_724 : memref<1x128xi32, #tpu.memory_space<vmem>> -> memref<128xi32, #tpu.memory_space<vmem>>
        %dma_start3A_726 = arith.constant 0 : i32
        %dma_start3A_727 = arith.constant 0 : i32
        %dma_start3A_728 = tpu.memref_slice %arg11[%dma_start3A_726, %dma_start3A_727] : memref<10240x8xf32, #tpu.memory_space<vmem_shared>> -> memref<10240x8xf32, #tpu.memory_space<vmem_shared>>
        tpu.enqueue_indirect_dma source(%dma_start3A_728 : memref<10240x8xf32, #tpu.memory_space<vmem_shared>>) target(%dma_start3A_722 : memref<128x8xf32, #tpu.memory_space<vmem>>) offsets(%dma_start3A_725 : memref<128xi32, #tpu.memory_space<vmem>>) semaphore(%arg27 : memref<!tpu.dma_semaphore, #tpu.memory_space<semaphore_mem>>)
      } else {
      }
      %mul3A_686 = arith.constant 16 : i32
      %mul3A_687 = arith.muli %scan3A_253, %mul3A_686 : i32
      %add3A_688 = arith.constant 15 : i32
      %add3A_689 = arith.addi %mul3A_687, %add3A_688 : i32
      %dma_wait3A_690 = arith.constant 0 : i32
      %dma_wait3A_691 = arith.constant 0 : i32
      %dma_wait3A_692 = tpu.memref_slice %arg9[%add3A_689, %dma_wait3A_690, %dma_wait3A_691] : memref<80x128x8xf32, #tpu.memory_space<vmem>> -> memref<1x128x8xf32, #tpu.memory_space<vmem>>
      %dma_wait3A_693 = tpu.memref_squeeze %dma_wait3A_692 : memref<1x128x8xf32, #tpu.memory_space<vmem>> -> memref<128x8xf32, #tpu.memory_space<vmem>>
      %dma_wait3A_694 = arith.constant 0 : i32
      %dma_wait3A_695 = tpu.memref_slice %arg7[%add3A_689, %dma_wait3A_694] : memref<80x128xi32, #tpu.memory_space<vmem>> -> memref<1x128xi32, #tpu.memory_space<vmem>>
      %dma_wait3A_696 = tpu.memref_squeeze %dma_wait3A_695 : memref<1x128xi32, #tpu.memory_space<vmem>> -> memref<128xi32, #tpu.memory_space<vmem>>
      %dma_wait3A_697 = arith.constant 0 : i32
      %dma_wait3A_698 = arith.constant 0 : i32
      %dma_wait3A_699 = tpu.memref_slice %arg11[%dma_wait3A_697, %dma_wait3A_698] : memref<10240x8xf32, #tpu.memory_space<vmem_shared>> -> memref<10240x8xf32, #tpu.memory_space<vmem_shared>>
      tpu.wait_indirect_dma semaphore(%arg28 : memref<!tpu.dma_semaphore, #tpu.memory_space<semaphore_mem>>) src(%dma_wait3A_699 : memref<10240x8xf32, #tpu.memory_space<vmem_shared>>) dst(%dma_wait3A_693 : memref<128x8xf32, #tpu.memory_space<vmem>>)
      %dma_start3A_700 = arith.constant 0 : i32
      %dma_start3A_701 = arith.constant 0 : i32
      %dma_start3A_702 = tpu.memref_slice %arg9[%add3A_689, %dma_start3A_700, %dma_start3A_701] : memref<80x128x8xf32, #tpu.memory_space<vmem>> -> memref<1x128x8xf32, #tpu.memory_space<vmem>>
      %dma_start3A_703 = tpu.memref_squeeze %dma_start3A_702 : memref<1x128x8xf32, #tpu.memory_space<vmem>> -> memref<128x8xf32, #tpu.memory_space<vmem>>
      %dma_start3A_704 = arith.constant 0 : i32
      %dma_start3A_705 = tpu.memref_slice %arg8[%add3A_689, %dma_start3A_704] : memref<80x128xi32, #tpu.memory_space<vmem>> -> memref<1x128xi32, #tpu.memory_space<vmem>>
      %dma_start3A_706 = tpu.memref_squeeze %dma_start3A_705 : memref<1x128xi32, #tpu.memory_space<vmem>> -> memref<128xi32, #tpu.memory_space<vmem>>
      %dma_start3A_707 = arith.constant 0 : i32
      %dma_start3A_708 = arith.constant 0 : i32
      %dma_start3A_709 = tpu.memref_slice %arg10[%dma_start3A_707, %dma_start3A_708] : memref<10240x8xf32, #tpu.memory_space<vmem_shared>> -> memref<10240x8xf32, #tpu.memory_space<vmem_shared>>
      tpu.enqueue_indirect_dma source(%dma_start3A_703 : memref<128x8xf32, #tpu.memory_space<vmem>>) target(%dma_start3A_709 : memref<10240x8xf32, #tpu.memory_space<vmem_shared>>) offsets(%dma_start3A_706 : memref<128xi32, #tpu.memory_space<vmem>>) semaphore(%arg12 : memref<!tpu.dma_semaphore, #tpu.memory_space<semaphore_mem>>) {add = true}
      %lt3A_710 = arith.constant 4 : i32
      %lt3A_711 = arith.cmpi slt, %scan3A_253, %lt3A_710 : i32
      %convert_element_type3A_712 = arith.extui %lt3A_711 : i1 to i32
      %cond3A_713 = arith.constant 0 : i32
      %cond3A_714 = arith.cmpi ne, %convert_element_type3A_712, %cond3A_713 : i32
      scf.if %cond3A_714 {
        %add3A_715 = arith.constant 16 : i32
        %add3A_716 = arith.addi %add3A_689, %add3A_715 : i32
        %add3A_717 = arith.constant 16 : i32
        %add3A_718 = arith.addi %add3A_689, %add3A_717 : i32
        %dma_start3A_719 = arith.constant 0 : i32
        %dma_start3A_720 = arith.constant 0 : i32
        %dma_start3A_721 = tpu.memref_slice %arg9[%add3A_718, %dma_start3A_719, %dma_start3A_720] : memref<80x128x8xf32, #tpu.memory_space<vmem>> -> memref<1x128x8xf32, #tpu.memory_space<vmem>>
        %dma_start3A_722 = tpu.memref_squeeze %dma_start3A_721 : memref<1x128x8xf32, #tpu.memory_space<vmem>> -> memref<128x8xf32, #tpu.memory_space<vmem>>
        %dma_start3A_723 = arith.constant 0 : i32
        %dma_start3A_724 = tpu.memref_slice %arg7[%add3A_716, %dma_start3A_723] : memref<80x128xi32, #tpu.memory_space<vmem>> -> memref<1x128xi32, #tpu.memory_space<vmem>>
        %dma_start3A_725 = tpu.memref_squeeze %dma_start3A_724 : memref<1x128xi32, #tpu.memory_space<vmem>> -> memref<128xi32, #tpu.memory_space<vmem>>
        %dma_start3A_726 = arith.constant 0 : i32
        %dma_start3A_727 = arith.constant 0 : i32
        %dma_start3A_728 = tpu.memref_slice %arg11[%dma_start3A_726, %dma_start3A_727] : memref<10240x8xf32, #tpu.memory_space<vmem_shared>> -> memref<10240x8xf32, #tpu.memory_space<vmem_shared>>
        tpu.enqueue_indirect_dma source(%dma_start3A_728 : memref<10240x8xf32, #tpu.memory_space<vmem_shared>>) target(%dma_start3A_722 : memref<128x8xf32, #tpu.memory_space<vmem>>) offsets(%dma_start3A_725 : memref<128xi32, #tpu.memory_space<vmem>>) semaphore(%arg28 : memref<!tpu.dma_semaphore, #tpu.memory_space<semaphore_mem>>)
      } else {
      }
    }
    %scan3A_245 = arith.constant 5 : i32
    %scan3A_246 = arith.constant 0 : i32
    %scan3A_247 = arith.constant 0 : i32
    %scan3A_248 = arith.constant 80 : i32
    %scan3A_249 = arith.addi %scan3A_247, %scan3A_248 : i32
    %scan3A_250 = arith.constant 1 : i32
    scf.for %scan3A_253 = %scan3A_247 to %scan3A_249 step %scan3A_250  : i32 {
      %dma_wait3A_254 = arith.constant 0 : i32
      %dma_wait3A_255 = arith.constant 0 : i32
      %dma_wait3A_256 = tpu.memref_slice %arg9[%scan3A_253, %dma_wait3A_254, %dma_wait3A_255] : memref<80x128x8xf32, #tpu.memory_space<vmem>> -> memref<1x128x8xf32, #tpu.memory_space<vmem>>
      %dma_wait3A_257 = tpu.memref_squeeze %dma_wait3A_256 : memref<1x128x8xf32, #tpu.memory_space<vmem>> -> memref<128x8xf32, #tpu.memory_space<vmem>>
      %dma_wait3A_258 = arith.constant 0 : i32
      %dma_wait3A_259 = tpu.memref_slice %arg8[%scan3A_253, %dma_wait3A_258] : memref<80x128xi32, #tpu.memory_space<vmem>> -> memref<1x128xi32, #tpu.memory_space<vmem>>
      %dma_wait3A_260 = tpu.memref_squeeze %dma_wait3A_259 : memref<1x128xi32, #tpu.memory_space<vmem>> -> memref<128xi32, #tpu.memory_space<vmem>>
      %dma_wait3A_261 = arith.constant 0 : i32
      %dma_wait3A_262 = arith.constant 0 : i32
      %dma_wait3A_263 = tpu.memref_slice %arg10[%dma_wait3A_261, %dma_wait3A_262] : memref<10240x8xf32, #tpu.memory_space<vmem_shared>> -> memref<10240x8xf32, #tpu.memory_space<vmem_shared>>
      tpu.wait_indirect_dma semaphore(%arg12 : memref<!tpu.dma_semaphore, #tpu.memory_space<semaphore_mem>>) src(%dma_wait3A_257 : memref<128x8xf32, #tpu.memory_space<vmem>>) dst(%dma_wait3A_263 : memref<10240x8xf32, #tpu.memory_space<vmem_shared>>)
    }
    %scan3A_251 = arith.constant 80 : i32
    %barrier3A_252 = arith.constant 0 : index
    tpu.barrier barrier_id(%barrier3A_252)
    "tpu.region"() ({
      %run_scoped3A = tpu.sem_alloc : memref<!tpu.dma_semaphore, #tpu.memory_space<semaphore_mem>>
      %dma_start3A_253 = arith.constant 0 : i32
      %dma_start3A_254 = tpu.memref_slice %arg6[%arg0, %mul3A_2, %dma_start3A_253] : memref<2x10240x8xf32, #tpu.memory_space<hbm>> -> memref<1x640x8xf32, #tpu.memory_space<hbm>>
      %dma_start3A_255 = tpu.memref_squeeze %dma_start3A_254 : memref<1x640x8xf32, #tpu.memory_space<hbm>> -> memref<640x8xf32, #tpu.memory_space<hbm>>
      %dma_start3A_256 = arith.constant 0 : i32
      %dma_start3A_257 = tpu.memref_slice %arg10[%mul3A_2, %dma_start3A_256] : memref<10240x8xf32, #tpu.memory_space<vmem_shared>> -> memref<640x8xf32, #tpu.memory_space<vmem_shared>>
      tpu.enqueue_dma source(%dma_start3A_257 : memref<640x8xf32, #tpu.memory_space<vmem_shared>>) target(%dma_start3A_255 : memref<640x8xf32, #tpu.memory_space<hbm>>) target_semaphore(%run_scoped3A : memref<!tpu.dma_semaphore, #tpu.memory_space<semaphore_mem>>)
      %dma_wait3A_258 = arith.constant 0 : i32
      %dma_wait3A_259 = tpu.memref_slice %arg6[%arg0, %mul3A_2, %dma_wait3A_258] : memref<2x10240x8xf32, #tpu.memory_space<hbm>> -> memref<1x640x8xf32, #tpu.memory_space<hbm>>
      %dma_wait3A_260 = tpu.memref_squeeze %dma_wait3A_259 : memref<1x640x8xf32, #tpu.memory_space<hbm>> -> memref<640x8xf32, #tpu.memory_space<hbm>>
      %dma_wait3A_261 = arith.constant 0 : i32
      %dma_wait3A_262 = tpu.memref_slice %arg10[%mul3A_2, %dma_wait3A_261] : memref<10240x8xf32, #tpu.memory_space<vmem_shared>> -> memref<640x8xf32, #tpu.memory_space<vmem_shared>>
      tpu.wait_dma2 semaphore(%run_scoped3A : memref<!tpu.dma_semaphore, #tpu.memory_space<semaphore_mem>>) src(%dma_wait3A_262 : memref<640x8xf32, #tpu.memory_space<vmem_shared>>) dst(%dma_wait3A_260 : memref<640x8xf32, #tpu.memory_space<hbm>>)
      tpu.yield
    }) : () -> ()
    return
  }
}

module attributes {stable_mosaic.version = 14 : i64} {
  func.func @_y1_body(%arg0: i32, %arg1: memref<2x2048xf32, #tpu.memory_space<vmem>>, %arg2: memref<2048x128xf32, #tpu.memory_space<vmem>>, %arg3: memref<128x8xf32, #tpu.memory_space<vmem>>, %arg4: memref<2048x8xf32, #tpu.memory_space<vmem>>) attributes {dimension_semantics = [#tpu.dimension_semantics<arbitrary>], iteration_bounds = array<i64: 5>, scalar_prefetch = 0 : i64, scratch_operands = 0 : i64, tpu.core_type = #tpu.core_type<tc>, window_params = [{transform_indices = @transform_0, window_bounds = array<i64: 2, 2048>}, {transform_indices = @transform_1, window_bounds = array<i64: 2048, 128>}, {pipeline_mode = #tpu.pipeline_mode<synchronous>, transform_indices = @transform_2, window_bounds = array<i64: 128, 8>}, {transform_indices = @transform_3, window_bounds = array<i64: 2048, 8>}]} {
    %get3A = arith.constant 0 : index
    %get3A_0 = arith.constant 0 : index
    %get3A_1 = vector.load %arg1[%get3A, %get3A_0] : memref<2x2048xf32, #tpu.memory_space<vmem>>, vector<1x2048xf32>
    %get3A_2 = vector.shape_cast %get3A_1 : vector<1x2048xf32> to vector<2048xf32>
    %get3A_3 = arith.constant 1 : index
    %get3A_4 = arith.constant 0 : index
    %get3A_5 = vector.load %arg1[%get3A_3, %get3A_4] : memref<2x2048xf32, #tpu.memory_space<vmem>>, vector<1x2048xf32>
    %get3A_6 = vector.shape_cast %get3A_5 : vector<1x2048xf32> to vector<2048xf32>
    %add3A = arith.addf %get3A_2, %get3A_6 : vector<2048xf32>
    %add3A_7 = arith.constant 1.000000e+00 : f32
    %add3A_8 = vector.broadcast %add3A_7 : f32 to vector<2048xf32>
    %add3A_9 = arith.addf %add3A, %add3A_8 : vector<2048xf32>
    %rsqrt3A = math.rsqrt %add3A_9 : vector<2048xf32>
    %get3A_10 = arith.constant 0 : index
    %get3A_11 = arith.constant 0 : index
    %get3A_12 = vector.load %arg2[%get3A_10, %get3A_11] : memref<2048x128xf32, #tpu.memory_space<vmem>>, vector<2048x128xf32>
    %get3A_13 = arith.constant 0 : index
    %get3A_14 = arith.constant 0 : index
    %get3A_15 = vector.load %arg3[%get3A_13, %get3A_14] : memref<128x8xf32, #tpu.memory_space<vmem>>, vector<128x8xf32>
    %dot_general3A = arith.constant dense<0.000000e+00> : vector<2048x8xf32>
    %dot_general3A_16 = tpu.matmul %get3A_12, %get3A_15, %dot_general3A {dimension_numbers = #tpu.dot_dimension_numbers<[1], [0], [0], [1], [0, 0, 1, 1], [], []>, transpose_lhs_hint = false} : vector<2048x128xf32>, vector<128x8xf32>, vector<2048x8xf32> -> vector<2048x8xf32>
    %broadcast_in_dim3A = vector.shape_cast %rsqrt3A : vector<2048xf32> to vector<2048x1xf32>
    %mul3A = vector.broadcast %broadcast_in_dim3A : vector<2048x1xf32> to vector<2048x8xf32>
    %mul3A_17 = arith.mulf %mul3A, %dot_general3A_16 : vector<2048x8xf32>
    %swap3A = arith.constant 0 : index
    %swap3A_18 = arith.constant 0 : index
    %swap3A_19 = vector.load %arg4[%swap3A, %swap3A_18] : memref<2048x8xf32, #tpu.memory_space<vmem>>, vector<2048x8xf32>
    tpu.vector_store %arg4[%swap3A, %swap3A_18], %mul3A_17 {strides = array<i32>} : memref<2048x8xf32, #tpu.memory_space<vmem>>, vector<2048x8xf32>,
    return
  }
  func.func @transform_0(%arg0: i32) -> (i32, i32) {
    %c0_i32 = arith.constant 0 : i32
    %c0_i32_0 = arith.constant 0 : i32
    return %c0_i32, %arg0 : i32, i32
  }
  func.func @transform_1(%arg0: i32) -> (i32, i32) {
    %c0_i32 = arith.constant 0 : i32
    %c0_i32_0 = arith.constant 0 : i32
    return %arg0, %c0_i32 : i32, i32
  }
  func.func @transform_2(%arg0: i32) -> (i32, i32) {
    %c0_i32 = arith.constant 0 : i32
    %c0_i32_0 = arith.constant 0 : i32
    %c0_i32_1 = arith.constant 0 : i32
    return %c0_i32, %c0_i32_0 : i32, i32
  }
  func.func @transform_3(%arg0: i32) -> (i32, i32) {
    %c0_i32 = arith.constant 0 : i32
    %c0_i32_0 = arith.constant 0 : i32
    return %arg0, %c0_i32 : i32, i32
  }
}

module attributes {stable_mosaic.version = 14 : i64} {
  func.func @_layer1_body(%arg0: i32, %arg1: memref<2x2048xf32, #tpu.memory_space<vmem>>, %arg2: memref<2x2048x8xf32, #tpu.memory_space<vmem>>, %arg3: memref<2048x8xf32, #tpu.memory_space<vmem>>, %arg4: memref<1x8xf32, #tpu.memory_space<vmem>>, %arg5: memref<8x8xf32, #tpu.memory_space<vmem>>, %arg6: memref<2048x8xf32, #tpu.memory_space<vmem>>) attributes {dimension_semantics = [#tpu.dimension_semantics<arbitrary>], iteration_bounds = array<i64: 5>, scalar_prefetch = 0 : i64, scratch_operands = 0 : i64, tpu.core_type = #tpu.core_type<tc>, window_params = [{transform_indices = @transform_0, window_bounds = array<i64: 2, 2048>}, {transform_indices = @transform_1, window_bounds = array<i64: 2, 2048, 8>}, {transform_indices = @transform_2, window_bounds = array<i64: 2048, 8>}, {pipeline_mode = #tpu.pipeline_mode<synchronous>, transform_indices = @transform_3, window_bounds = array<i64: 1, 8>}, {pipeline_mode = #tpu.pipeline_mode<synchronous>, transform_indices = @transform_4, window_bounds = array<i64: 8, 8>}, {transform_indices = @transform_5, window_bounds = array<i64: 2048, 8>}]} {
    %get3A = arith.constant 0 : index
    %get3A_0 = arith.constant 0 : index
    %get3A_1 = vector.load %arg1[%get3A, %get3A_0] : memref<2x2048xf32, #tpu.memory_space<vmem>>, vector<1x2048xf32>
    %get3A_2 = vector.shape_cast %get3A_1 : vector<1x2048xf32> to vector<2048xf32>
    %get3A_3 = arith.constant 1 : index
    %get3A_4 = arith.constant 0 : index
    %get3A_5 = vector.load %arg1[%get3A_3, %get3A_4] : memref<2x2048xf32, #tpu.memory_space<vmem>>, vector<1x2048xf32>
    %get3A_6 = vector.shape_cast %get3A_5 : vector<1x2048xf32> to vector<2048xf32>
    %add3A = arith.addf %get3A_2, %get3A_6 : vector<2048xf32>
    %add3A_7 = arith.constant 1.000000e+00 : f32
    %add3A_8 = vector.broadcast %add3A_7 : f32 to vector<2048xf32>
    %add3A_9 = arith.addf %add3A, %add3A_8 : vector<2048xf32>
    %rsqrt3A = math.rsqrt %add3A_9 : vector<2048xf32>
    %get3A_10 = arith.constant 0 : index
    %get3A_11 = arith.constant 0 : index
    %get3A_12 = arith.constant 0 : index
    %get3A_13 = vector.load %arg2[%get3A_10, %get3A_11, %get3A_12] : memref<2x2048x8xf32, #tpu.memory_space<vmem>>, vector<1x2048x8xf32>
    %get3A_14 = vector.shape_cast %get3A_13 : vector<1x2048x8xf32> to vector<2048x8xf32>
    %get3A_15 = arith.constant 1 : index
    %get3A_16 = arith.constant 0 : index
    %get3A_17 = arith.constant 0 : index
    %get3A_18 = vector.load %arg2[%get3A_15, %get3A_16, %get3A_17] : memref<2x2048x8xf32, #tpu.memory_space<vmem>>, vector<1x2048x8xf32>
    %get3A_19 = vector.shape_cast %get3A_18 : vector<1x2048x8xf32> to vector<2048x8xf32>
    %add3A_20 = arith.addf %get3A_14, %get3A_19 : vector<2048x8xf32>
    %get3A_21 = arith.constant 0 : index
    %get3A_22 = arith.constant 0 : index
    %get3A_23 = vector.load %arg3[%get3A_21, %get3A_22] : memref<2048x8xf32, #tpu.memory_space<vmem>>, vector<2048x8xf32>
    %add3A_24 = arith.addf %add3A_20, %get3A_23 : vector<2048x8xf32>
    %broadcast_in_dim3A = vector.shape_cast %rsqrt3A : vector<2048xf32> to vector<2048x1xf32>
    %mul3A = vector.broadcast %broadcast_in_dim3A : vector<2048x1xf32> to vector<2048x8xf32>
    %mul3A_25 = arith.mulf %mul3A, %add3A_24 : vector<2048x8xf32>
    %get3A_26 = arith.constant 0 : index
    %get3A_27 = arith.constant 0 : index
    %get3A_28 = vector.load %arg4[%get3A_26, %get3A_27] : memref<1x8xf32, #tpu.memory_space<vmem>>, vector<1x8xf32>
    %add3A_29 = vector.broadcast %get3A_28 : vector<1x8xf32> to vector<2048x8xf32>
    %add3A_30 = arith.addf %mul3A_25, %add3A_29 : vector<2048x8xf32>
    %max3A = arith.constant 0.000000e+00 : f32
    %max3A_31 = vector.broadcast %max3A : f32 to vector<2048x8xf32>
    %max3A_32 = arith.maximumf %add3A_30, %max3A_31 : vector<2048x8xf32>
    %broadcast_in_dim3A_33 = vector.shape_cast %rsqrt3A : vector<2048xf32> to vector<2048x1xf32>
    %get3A_34 = arith.constant 0 : index
    %get3A_35 = arith.constant 0 : index
    %get3A_36 = vector.load %arg5[%get3A_34, %get3A_35] : memref<8x8xf32, #tpu.memory_space<vmem>>, vector<8x8xf32>
    %dot_general3A = arith.constant dense<0.000000e+00> : vector<2048x8xf32>
    %dot_general3A_37 = tpu.matmul %max3A_32, %get3A_36, %dot_general3A {dimension_numbers = #tpu.dot_dimension_numbers<[1], [0], [0], [1], [0, 0, 1, 1], [], []>, transpose_lhs_hint = false} : vector<2048x8xf32>, vector<8x8xf32>, vector<2048x8xf32> -> vector<2048x8xf32>
    %mul3A_38 = vector.broadcast %broadcast_in_dim3A_33 : vector<2048x1xf32> to vector<2048x8xf32>
    %mul3A_39 = arith.mulf %mul3A_38, %dot_general3A_37 : vector<2048x8xf32>
    %swap3A = arith.constant 0 : index
    %swap3A_40 = arith.constant 0 : index
    %swap3A_41 = vector.load %arg6[%swap3A, %swap3A_40] : memref<2048x8xf32, #tpu.memory_space<vmem>>, vector<2048x8xf32>
    tpu.vector_store %arg6[%swap3A, %swap3A_40], %mul3A_39 {strides = array<i32>} : memref<2048x8xf32, #tpu.memory_space<vmem>>, vector<2048x8xf32>,
    return
  }
  func.func @transform_0(%arg0: i32) -> (i32, i32) {
    %c0_i32 = arith.constant 0 : i32
    %c0_i32_0 = arith.constant 0 : i32
    return %c0_i32, %arg0 : i32, i32
  }
  func.func @transform_1(%arg0: i32) -> (i32, i32, i32) {
    %c0_i32 = arith.constant 0 : i32
    %c0_i32_0 = arith.constant 0 : i32
    %c0_i32_1 = arith.constant 0 : i32
    return %c0_i32, %arg0, %c0_i32_0 : i32, i32, i32
  }
  func.func @transform_2(%arg0: i32) -> (i32, i32) {
    %c0_i32 = arith.constant 0 : i32
    %c0_i32_0 = arith.constant 0 : i32
    return %arg0, %c0_i32 : i32, i32
  }
  func.func @transform_3(%arg0: i32) -> (i32, i32) {
    %c0_i32 = arith.constant 0 : i32
    %c0_i32_0 = arith.constant 0 : i32
    %c0_i32_1 = arith.constant 0 : i32
    return %c0_i32, %c0_i32_0 : i32, i32
  }
  func.func @transform_4(%arg0: i32) -> (i32, i32) {
    %c0_i32 = arith.constant 0 : i32
    %c0_i32_0 = arith.constant 0 : i32
    %c0_i32_1 = arith.constant 0 : i32
    return %c0_i32, %c0_i32_0 : i32, i32
  }
  func.func @transform_5(%arg0: i32) -> (i32, i32) {
    %c0_i32 = arith.constant 0 : i32
    %c0_i32_0 = arith.constant 0 : i32
    return %arg0, %c0_i32 : i32, i32
  }
}

module attributes {stable_mosaic.version = 14 : i64} {
  func.func @_layer2_body(%arg0: i32, %arg1: memref<2x2048xf32, #tpu.memory_space<vmem>>, %arg2: memref<2x2048x8xf32, #tpu.memory_space<vmem>>, %arg3: memref<2048x8xf32, #tpu.memory_space<vmem>>, %arg4: memref<1x8xf32, #tpu.memory_space<vmem>>, %arg5: memref<2048x8xf32, #tpu.memory_space<vmem>>) attributes {dimension_semantics = [#tpu.dimension_semantics<arbitrary>], iteration_bounds = array<i64: 5>, scalar_prefetch = 0 : i64, scratch_operands = 0 : i64, tpu.core_type = #tpu.core_type<tc>, window_params = [{transform_indices = @transform_0, window_bounds = array<i64: 2, 2048>}, {transform_indices = @transform_1, window_bounds = array<i64: 2, 2048, 8>}, {transform_indices = @transform_2, window_bounds = array<i64: 2048, 8>}, {pipeline_mode = #tpu.pipeline_mode<synchronous>, transform_indices = @transform_3, window_bounds = array<i64: 1, 8>}, {transform_indices = @transform_4, window_bounds = array<i64: 2048, 8>}]} {
    %get3A = arith.constant 0 : index
    %get3A_0 = arith.constant 0 : index
    %get3A_1 = vector.load %arg1[%get3A, %get3A_0] : memref<2x2048xf32, #tpu.memory_space<vmem>>, vector<1x2048xf32>
    %get3A_2 = vector.shape_cast %get3A_1 : vector<1x2048xf32> to vector<2048xf32>
    %get3A_3 = arith.constant 1 : index
    %get3A_4 = arith.constant 0 : index
    %get3A_5 = vector.load %arg1[%get3A_3, %get3A_4] : memref<2x2048xf32, #tpu.memory_space<vmem>>, vector<1x2048xf32>
    %get3A_6 = vector.shape_cast %get3A_5 : vector<1x2048xf32> to vector<2048xf32>
    %add3A = arith.addf %get3A_2, %get3A_6 : vector<2048xf32>
    %add3A_7 = arith.constant 1.000000e+00 : f32
    %add3A_8 = vector.broadcast %add3A_7 : f32 to vector<2048xf32>
    %add3A_9 = arith.addf %add3A, %add3A_8 : vector<2048xf32>
    %rsqrt3A = math.rsqrt %add3A_9 : vector<2048xf32>
    %get3A_10 = arith.constant 0 : index
    %get3A_11 = arith.constant 0 : index
    %get3A_12 = arith.constant 0 : index
    %get3A_13 = vector.load %arg2[%get3A_10, %get3A_11, %get3A_12] : memref<2x2048x8xf32, #tpu.memory_space<vmem>>, vector<1x2048x8xf32>
    %get3A_14 = vector.shape_cast %get3A_13 : vector<1x2048x8xf32> to vector<2048x8xf32>
    %get3A_15 = arith.constant 1 : index
    %get3A_16 = arith.constant 0 : index
    %get3A_17 = arith.constant 0 : index
    %get3A_18 = vector.load %arg2[%get3A_15, %get3A_16, %get3A_17] : memref<2x2048x8xf32, #tpu.memory_space<vmem>>, vector<1x2048x8xf32>
    %get3A_19 = vector.shape_cast %get3A_18 : vector<1x2048x8xf32> to vector<2048x8xf32>
    %add3A_20 = arith.addf %get3A_14, %get3A_19 : vector<2048x8xf32>
    %get3A_21 = arith.constant 0 : index
    %get3A_22 = arith.constant 0 : index
    %get3A_23 = vector.load %arg3[%get3A_21, %get3A_22] : memref<2048x8xf32, #tpu.memory_space<vmem>>, vector<2048x8xf32>
    %add3A_24 = arith.addf %add3A_20, %get3A_23 : vector<2048x8xf32>
    %broadcast_in_dim3A = vector.shape_cast %rsqrt3A : vector<2048xf32> to vector<2048x1xf32>
    %mul3A = vector.broadcast %broadcast_in_dim3A : vector<2048x1xf32> to vector<2048x8xf32>
    %mul3A_25 = arith.mulf %mul3A, %add3A_24 : vector<2048x8xf32>
    %get3A_26 = arith.constant 0 : index
    %get3A_27 = arith.constant 0 : index
    %get3A_28 = vector.load %arg4[%get3A_26, %get3A_27] : memref<1x8xf32, #tpu.memory_space<vmem>>, vector<1x8xf32>
    %add3A_29 = vector.broadcast %get3A_28 : vector<1x8xf32> to vector<2048x8xf32>
    %add3A_30 = arith.addf %mul3A_25, %add3A_29 : vector<2048x8xf32>
    %swap3A = arith.constant 0 : index
    %swap3A_31 = arith.constant 0 : index
    %swap3A_32 = vector.load %arg5[%swap3A, %swap3A_31] : memref<2048x8xf32, #tpu.memory_space<vmem>>, vector<2048x8xf32>
    tpu.vector_store %arg5[%swap3A, %swap3A_31], %add3A_30 {strides = array<i32>} : memref<2048x8xf32, #tpu.memory_space<vmem>>, vector<2048x8xf32>,
    return
  }
  func.func @transform_0(%arg0: i32) -> (i32, i32) {
    %c0_i32 = arith.constant 0 : i32
    %c0_i32_0 = arith.constant 0 : i32
    return %c0_i32, %arg0 : i32, i32
  }
  func.func @transform_1(%arg0: i32) -> (i32, i32, i32) {
    %c0_i32 = arith.constant 0 : i32
    %c0_i32_0 = arith.constant 0 : i32
    %c0_i32_1 = arith.constant 0 : i32
    return %c0_i32, %arg0, %c0_i32_0 : i32, i32, i32
  }
  func.func @transform_2(%arg0: i32) -> (i32, i32) {
    %c0_i32 = arith.constant 0 : i32
    %c0_i32_0 = arith.constant 0 : i32
    return %arg0, %c0_i32 : i32, i32
  }
  func.func @transform_3(%arg0: i32) -> (i32, i32) {
    %c0_i32 = arith.constant 0 : i32
    %c0_i32_0 = arith.constant 0 : i32
    %c0_i32_1 = arith.constant 0 : i32
    return %c0_i32, %c0_i32_0 : i32, i32
  }
  func.func @transform_4(%arg0: i32) -> (i32, i32) {
    %c0_i32 = arith.constant 0 : i32
    %c0_i32_0 = arith.constant 0 : i32
    return %arg0, %c0_i32 : i32, i32
  }
}

</mosaic_0001>

<sc_bundles>
// kernel: kernel.11.cloned.1.call-start
scs
__scs_entry_jumppad:
0x0: {  	(pc) =	sbr.rel $0x88, $3  }
0x1: {  	(tag) =	ssettag $0x0;
	lr =	simm.s32 $0x1  }
0x2: {  	[smem:$0x3F9B] =	sst lr;
	_ =	strace $0xD0000000  }
0x3: {  	_ = 	snop  }
0x4: {  	_ = 	snop  }
0x5: {  	_ = 	snop  }
0x6: {  	_ = 	snop  }
0x7: {  	_ = 	snop  }
__scs_overlays_trampoline_lowered:
0x8: {  	[smem:$0x3FAA] =	sst s0  }
0x9: {  	[smem:$0x3FAB] =	sst s1  }
0xa: {  	[smem:$0x3FAC] =	sst s2  }
0xb: {  	[smem:$0x3FAD] =	sst s3  }
0xc: {  	[smem:$0x3FAE] =	sst s4  }
0xd: {  	[smem:$0x3FAF] =	sst s5  }
0xe: {  	[smem:$0x3FB0] =	sst s6  }
0xf: {  	[smem:$0x3FB1] =	sst s7  }
0x10: {  	[smem:$0x3FB2] =	sst s8  }
0x11: {  	[smem:$0x3FB3] =	sst s9;
	s0 =	simm.s32 @!p0 $0x0  }
0x12: {  	s1 =	sld [smem:$0x3F99];
	s0 =	simm.s32 @p0 $0x1  }
0x13: {  	[smem:$0x3FB4] =	sst s0;
	s0 =	simm.s32 @!p1 $0x0  }
0x14: {  	s2 =	sld [smem:$0x3F98];
	s0 =	simm.s32 @p1 $0x1  }
0x15: {  	[smem:$0x3FB5] =	sst s0;
	s0 =	simm.s32 @!p2 $0x0  }
0x16: {  	s3 =	sld [smem:$0x3FDB];
	s0 =	simm.s32 @p2 $0x1  }
0x17: {  	s4 =	simm.s32 $0x1BF5;
	[smem:$0x3FB7] =	sst s0  }
0x18: {  	s0 =	sld [smem:$0x3F9A];
	_ =	swait.ge [sflag:s4], $0x0  }
0x19: {  	s7 =	sld [smem:$0x3F9B]  }
0x1a: {  	s8 =	sadd.s32 $0xFFFFE003, lr  }
0x1b: {  	s9 =	sadd.s32 $0xFFFFFEF7, lr;
	s5 =	simm.s32 $0xFFFFFFFF;
	p2 =	slt.u32 s8, $0xFFFFF086  }
0x1c: {  	p1 =	slt.u32 s9, $0xF7A;
	s5 =	simm.s32 @!p2 $0x0  }
0x1d: {  	s5 =	simm.s32 @p1 $0x1;
	p0 =	seq.s32 s7, s2  }
0x1e: {  	s7 =	smul.u32 @!p0 $0xF7A, s2;
	p2 =	seq.s32 @!p0 s5, $0x0  }
0x1f: {  	s9 =	smul.u32 $0xF7A, s1;
	s8 =	simm.s32 @!p0 $0x1BF5;
	p2 =	por !p2, p0  }
0x20: {  	[sflag:s8] =	ssyncset.s32 @!p0 $0xFFFFF086;
	s6 =	sadd.s32 @!p0 s3, s7;
	s7 =	simm.s32 @!p0 $0x108  }
0x21: {  	s3 =	sadd.s32 s3, s9;
	s6 =	sadd.s32 @!p0 $0x88, s6;
	s7 =	simm.s32 @p2 $0x1082  }
0x22: {  	[simem:s7], [sflag:s8] =	dma.local @!p0 [hbm:s6], $0xF7A  }
0x23: {  	s9 =	sor.u32 $0xD0000000, s2;
	s6 =	simm.s32 $0x108;
	_ =	swait.ge @!p0 [sflag:s8], $0x0  }
0x24: {  	s3 =	sadd.s32 $0x88, s3;
	s6 =	simm.s32 @!p1 $0x1082;
	[sflag:s4] =	ssyncset.s32 $0xFFFFF086  }
0x25: {  	[simem:s6], [sflag:s4] =	dma.local [hbm:s3], $0xF7A  }
0x26: {  	[smem:$0x3F9B] =	sst s1;
	(tag) =	ssettag s2;
	_ =	strace s9  }
0x27: {  	s1 =	sld [smem:$0x3FAB]  }
0x28: {  	s2 =	sld [smem:$0x3FAC]  }
0x29: {  	s4 =	sld [smem:$0x3FAE]  }
0x2a: {  	p0 =	seq.s32 s5, $0x0;
	s5 =	sld [smem:$0x3FAF]  }
0x2b: {  	s6 =	sld [smem:$0x3FB0]  }
0x2c: {  	s7 =	sld [smem:$0x3FB1]  }
0x2d: {  	s3 =	simm.s32 $0x108;
	s8 =	sld [smem:$0x3FB2]  }
0x2e: {  	s3 =	simm.s32 @!p0 $0x1082;
	s9 =	sld [smem:$0x3FB3]  }
0x2f: {  	lr =	sadd.s32 s0, s3;
	s0 =	sld [smem:$0x3FAA]  }
0x30: {  	s3 =	sld [smem:$0x3FAD]  }
0x31: {  	[smem:$0x3FB6] =	sst s10  }
0x32: {  	s10 =	sld [smem:$0x3FB4];
	_ =	sdelay $0x3  }
0x33: {  	p0 =	seq.s32 s10, $0x1;
	s10 =	sld [smem:$0x3FB6];
	_ =	sdelay $0x3  }
0x34: {  	[smem:$0x3FB6] =	sst s10  }
0x35: {  	s10 =	sld [smem:$0x3FB5];
	_ =	sdelay $0x3  }
0x36: {  	p1 =	seq.s32 s10, $0x1;
	s10 =	sld [smem:$0x3FB6];
	_ =	sdelay $0x3  }
0x37: {  	[smem:$0x3FB6] =	sst s10  }
0x38: {  	s10 =	sld [smem:$0x3FB7]  }
0x39: {  	_ = 	snop;
	(pc) =	sbr.ind lr, $3  }
0x3a: {  	_ = 	snop  }
0x3b: {  	_ = 	snop  }
0x3c: {  	p2 =	seq.s32 s10, $0x1;
	s10 =	sld [smem:$0x3FB6]  }
0x3d: {  	_ =	shalt  }
0x3e: {  	_ =	shalt  }
0x3f: {  	_ =	shalt  }
0x40: {  	_ =	shalt  }
0x41: {  	_ =	shalt  }
0x42: {  	_ =	shalt  }
0x43: {  	_ =	shalt  }
0x44: {  	_ =	shalt  }
0x45: {  	_ =	shalt  }
0x46: {  	_ =	shalt  }
0x47: {  	_ =	shalt  }
0x48: {  	_ =	shalt  }
0x49: {  	_ =	shalt  }
0x4a: {  	_ =	shalt  }
0x4b: {  	_ =	shalt  }
0x4c: {  	_ =	shalt  }
0x4d: {  	_ =	shalt  }
0x4e: {  	_ =	shalt  }
0x4f: {  	_ =	shalt  }
0x50: {  	_ =	shalt  }
0x51: {  	_ =	shalt  }
0x52: {  	_ =	shalt  }
0x53: {  	_ =	shalt  }
0x54: {  	_ =	shalt  }
0x55: {  	_ =	shalt  }
0x56: {  	_ =	shalt  }
0x57: {  	_ =	shalt  }
0x58: {  	_ =	shalt  }
0x59: {  	_ =	shalt  }
0x5a: {  	_ =	shalt  }
0x5b: {  	_ =	shalt  }
0x5c: {  	_ =	shalt  }
0x5d: {  	_ =	shalt  }
0x5e: {  	_ =	shalt  }
0x5f: {  	_ =	shalt  }
0x60: {  	_ =	shalt  }
0x61: {  	_ =	shalt  }
0x62: {  	_ =	shalt  }
0x63: {  	_ =	shalt  }
0x64: {  	_ =	shalt  }
0x65: {  	_ =	shalt  }
0x66: {  	_ =	shalt  }
0x67: {  	_ =	shalt  }
0x68: {  	_ =	shalt  }
0x69: {  	_ =	shalt  }
0x6a: {  	_ =	shalt  }
0x6b: {  	_ =	shalt  }
0x6c: {  	_ =	shalt  }
0x6d: {  	_ =	shalt  }
0x6e: {  	_ =	shalt  }
0x6f: {  	_ =	shalt  }
0x70: {  	_ =	shalt  }
0x71: {  	_ =	shalt  }
0x72: {  	_ =	shalt  }
0x73: {  	_ =	shalt  }
0x74: {  	_ =	shalt  }
0x75: {  	_ =	shalt  }
0x76: {  	_ =	shalt  }
0x77: {  	_ =	shalt  }
0x78: {  	_ =	shalt  }
0x79: {  	_ =	shalt  }
0x7a: {  	_ =	shalt  }
0x7b: {  	_ =	shalt  }
0x7c: {  	_ =	shalt  }
0x7d: {  	_ =	shalt  }
0x7e: {  	_ =	shalt  }
0x7f: {  	_ =	shalt  }
0x80: {  	_ =	shalt  }
0x81: {  	_ =	shalt  }
0x82: {  	_ =	shalt  }
0x83: {  	_ =	shalt  }
0x84: {  	_ =	shalt  }
0x85: {  	_ =	shalt  }
0x86: {  	_ =	shalt  }
0x87: {  	_ =	shalt  }
.Lfunc_end0:
.L_simem_size_0:
called_computation.1_lowered:
.L_overlay_start_0:
0x88: {  	s2 =	sld [smem:$0x3FD9]  }
0x89: {  	s3 =	sld [smem:$0x3FFE];
	_ =	sdelay $0x1  }
0x8a: {  	s1 =	srdreg.scid  }
0x8b: {  	s0 =	sand.u32 $0x1, s1  }
0x8c: {  	s16 =	sshll.u32 s0, $0xA;
	s2 =	sadd.s32 s3, s2  }
0x8d: {  	s2 =	sadd.s32 s2, s16  }
0x8e: {  	[smem:$0x3FC2] =	sst s2  }
0x8f: {  	_ = 	snop  }
0x90: {  	(tm) =	ssettm $0x1  }
0x91: {  	s17 =	sld [smem:$0x3FFB];
	_ =	sdelay $0x3  }
0x92: {  	_ =	strace s17  }
0x93: {  	s2 =	sld [smem:$0x3FFC];
	_ =	sdelay $0x3  }
0x94: {  	_ =	strace s2  }
0x95: {  	s2 =	sld [smem:$0x3FFD];
	_ =	sdelay $0x3  }
0x96: {  	_ =	strace s2  }
0x97: {  	_ =	strace $0x8FFFFFFF  }
0x98: {  	s18 =	sld [smem:$0x3FDB];
	_ =	sdelay $0x1  }
0x99: {  	s19 =	simm.s32 $_scs_section_size  }
0x9a: {  	s4 =	simm.s32 $_size__tile_overlayer_lowered;
	s5 =	simm.s32 $_tile_overlayer_lowered  }
0x9b: {  	s22 =	simm.s32 $0x1BFF;
	s21 =	sshll.u32 s5, $0x1;
	s2 =	sadd.s32 s19, s18  }
0x9c: {  	s6 =	simm.s32 $0x0;
	s20 =	sshll.u32 s4, $0x1;
	s4 =	sadd.s32 s21, s2  }
0x9d: {  	[timem:s6], [sflag:s22] =	dma.local [hbm:s4], s20  }
0x9e: {  	_ =	swait.ge [sflag:s22], s20  }
0x9f: {  	s3 =	ssub.s32 $0x0, s20;
	[sflag:s22] =	ssyncset.done $0x0  }
0xa0: {  	[sflag:s22] =	ssyncadd.s32 s3;
	_ =	sdelay $0x1  }
0xa1: {  	s23 =	simm.s32 $0x1B8B  }
0xa2: {  	_ =	swait.ge [sflag:s23], $0x1  }
0xa3: {  	[sflag:s23] =	ssyncset.done $0x0  }
0xa4: {  	s25 =	simm.s32 $0x1B8E;
	s24 =	sld [smem:$0x3FFE];
	[sflag:s23] =	ssyncadd.s32 $0xFFFFFFFF  }
0xa5: {  	s26 =	simm.s32 $execute0_lowered;
	[smem:$0x3FD2] =	sst s25  }
0xa6: {  	s4 =	sshll.u32 s26, $0x1;
	_ =	strace $0x80000049;
	[dreg:$0x1] =	wrdreg $0xFFFFFFFF  }
0xa7: {  	s28 =	simm.s32 $_size_execute0_lowered;
	s2 =	sadd.s32 s2, s4;
	[dreg:$0x0] =	wrdreg $0x0  }
0xa8: {  	s4 =	sshll.u32 s28, $0x1;
	[dreg:$0x2] =	wrdreg s2  }
0xa9: {  	[dreg:$0x3] =	wrdreg s4  }
0xaa: {  	[dreg:$0x4] =	wrdreg $0xC0  }
0xab: {  	_ =	task [dreg:s6], $0x5FFFF  }
0xac: {  	[dreg:$0x1] =	wrdreg $0xFFFFFFFF  }
0xad: {  	[dreg:$0x0] =	wrdreg $0x60  }
0xae: {  	[dreg:$0x2] =	wrdreg s24  }
0xaf: {  	[dreg:$0x3] =	wrdreg $0x1A4000  }
0xb0: {  	[dreg:$0x4] =	wrdreg $0x190000  }
0xb1: {  	[dreg:$0x5] =	wrdreg $0x9  }
0xb2: {  	_ =	task.clear_ibuf [dreg:s6], $0x6FFFF;
	_ =	strace $0x90000049  }
0xb3: {  	s29 =	simm.s32 $0x9;
	_ =	strace $0x8000004B  }
0xb4: {  	_ =	swait.ge [sflag:s29], $0x1  }
0xb5: {  	[sflag:s29] =	ssyncadd.s32 $0xFFFFFFFF  }
0xb6: {  	_ =	strace $0x9000004B  }
0xb7: {  	_ =	sfence  }
0xb8: {  	s30 =	sld [smem:$0x0];
	_ =	sdelay $0x2  }
0xb9: {  	s31 =	sshll.u32 s1, $0xD;
	s1 =	sshrl.u32 s1, $0x2  }
0xba: {  	s3 =	sand.u32 $0x4000, s31;
	s1 =	sadd.s32 s1, s30  }
0xbb: {  	s0 =	sor.u32 s3, s0;
	s1 =	sshll.u32 s1, $0x11  }
0xbc: {  	s0 =	sor.u32 s1, s0  }
0xbd: {  	s0 =	sadd.s32 $0x8F2B, s0  }
0xbe: {  	[sflag:s0] =	ssyncadd.remote.s32 $0x1  }
0xbf: {  	_ =	sfence.sel $0xFFFF  }
0xc0: {  	[dreg:$0x0] =	wrdreg $0xFFFFFFFF;
	(pc) =	sbr.abs _section_cstart, $3  }
0xc1: {  	[dreg:$0x1] =	wrdreg $0xFFFFFFFF  }
0xc2: {  	_ =	task.clear_ibuf [dreg:s6], $0x2FFFF;
	_ =	strace $0x9FFFFFFF  }
0xc3: {  	(tm) =	ssettm $0x7FFFFFFF  }
tec
execute0_lowered:
.L_overlay_start_1:
0x0: {  	(tag) =	ssettag $0x1  }
0x1: {  	s0 =	srdreg.scid  }
0x2: {  	s1 =	rddreg [dreg:$0x0];
	s9 =	stileid.u32  }
0x3: {  	s2 =	rddreg [dreg:$0x1];
	s16 =	simm.s32 $0x1;
	s17 =	simm.s32 $0x80  }
0x4: {  	s18 =	simm.s32 $0x8;
	s19 =	simm.s32 $0xA;
	s20 =	simm.s32 $0xC  }
0x5: {  	s21 =	simm.s32 $0xE;
	s22 =	simm.s32 $0x10;
	s23 =	simm.s32 $0x11  }
0x6: {  	s26 =	simm.s32 $0x12;
	s0 =	sand.u32 $0x1, s0;
	s10 =	smul.u32 $0x1400, s9  }
0x7: {  	s28 =	simm.s32 $0x0;
	s3 =	sshll.u32 s0, $0x4;
	s6 =	smul.u32 $0x14000, s0  }
0x8: {  	s0 =	ssub.s32 $0x2, s0;
	s4 =	sor.u32 s9, s3;
	s3 =	rddreg [dreg:$0x2]  }
0x9: {  	s7 =	sshrl.u32 s10, $0x3;
	s8 =	sshrl.u32 s0, $0x1;
	s30 =	sadd.s32 s10, s2  }
0xa: {  	s5 =	smul.u32 $0x500, s4;
	s4 =	simm.s32 $0x0;
	s6 =	sadd.s32 s10, s6  }
0xb: {  	s11 =	sadd.s32 s7, s1;
	s0 =	ssub.s32 s0, s8;
	s7 =	sshll.u32 s9, $0x6  }
0xc: {  	s13 =	sadd.s32 s10, s3;
	s14 =	sshrl.u32 s30, $0x3;
	[smem:$0x7FF] =	sst s4  }
0xd: {  	s6 =	sshrl.u32 s6, $0x3;
	s31 =	sadd.s32 $0x15A00, s11;
	s9 =	sor.u32 $0x1C01, s7  }
0xe: {  	s10 =	sadd.s32 $0x18200, s11;
	s12 =	smax.u32 s0, $0x1;
	s15 =	sshrl.u32 s13, $0x3  }
0xf: {  	s0 =	simm.s32 $0x4;
	s13 =	simm.s32 $0x6;
	s5 =	sadd.s32 s5, s1  }
0x10: {  	_ =	strace $0x8000004A;
	[dreg:$0x6] =	wrdreg s31;
	s29 =	sadd.s32 $0xBA00, s5  }
0x11: {  	s1 =	sadd.s32 s6, s1;
	s5 =	sadd.s32 $0x1200, s5;
	[dreg:$0x4] =	wrdreg s29  }
0x12: {  	s11 =	sadd.s32 $0x1AA00, s1;
	s1 =	simm.s32 $0x2;
	[dreg:$0x5] =	wrdreg s5  }
.LBB2_1:
0x13: {  	s5 =	rddreg [dreg:$0x4]  }
0x14: {  	s25 =	rddreg [dreg:$0x5]  }
0x15: {  	[tilespmem:s4], [sflag:$0x1] =	stream.linear.gather [hbm4b:s5+s4], $0x2800, $0x38;
	[tilespmem:$0x1B800] =	vst v63  }
0x16: {  	s6 =	simm.s32 $0x2800;
	s31 =	rddreg [dreg:$0x6]  }
0x17: {  	[tilespmem:s6], [sflag:$0x1] =	stream.linear.gather [hbm4b:s25+s4], $0x2800, $0x38;
	[tilespmem:$0x1B800] =	vst v63  }
0x18: {  	[spmem:s14], [sflag:s9] =	dma.local [hbm:s31], $0x280  }
0x19: {  	[spmem:s15], [sflag:s9] =	dma.local [hbm:s10], $0x280  }
0x1a: {  	_ =	swait.ge [sflag:s16], $0x2800  }
0x1b: {  	[sflag:s16] =	ssyncset.done $0x0  }
0x1c: {  	[sflag:s16] =	ssyncadd.s32 $0xFFFFD800  }
0x1d: {  	_ =	swait.ge [sflag:s16], $0x2800  }
0x1e: {  	[sflag:s16] =	ssyncset.done $0x0  }
0x1f: {  	[sflag:s16] =	ssyncadd.s32 $0xFFFFD800  }
0x20: {  	_ =	swait.ge [sflag:s16], $0x280  }
0x21: {  	[sflag:s16] =	ssyncset.done $0x0  }
0x22: {  	[sflag:s16] =	ssyncadd.s32 $0xFFFFFD80  }
0x23: {  	_ =	swait.ge [sflag:s16], $0x280  }
0x24: {  	[sflag:s16] =	ssyncset.done $0x0  }
0x25: {  	[sflag:s16] =	ssyncadd.s32 $0xFFFFFD80  }
0x26: {  	s29 =	simm.s32 $0x5000;
	[bflag:$0x0] =	sbarrier.arrive $0xFFFF  }
0x27: {  	[tilespmem:s29], [sflag:$0x2] =	stream.indirect.gather [spmem:s2], $0x8, s4, s17, $0xb8;
	[tilespmem:$0x1B800] =	vst v63  }
0x28: {  	s6 =	simm.s32 $0x5400  }
0x29: {  	[tilespmem:s6], [sflag:$0x3] =	stream.indirect.gather [spmem:s2], $0x8, s17, s17, $0xb8;
	[tilespmem:$0x1B800] =	vst v63  }
0x2a: {  	s8 =	simm.s32 $0x100;
	s24 =	simm.s32 $0x5800  }
0x2b: {  	[tilespmem:s24], [sflag:$0x4] =	stream.indirect.gather [spmem:s2], $0x8, s8, s17, $0xb8;
	[tilespmem:$0x1B800] =	vst v63  }
0x2c: {  	s25 =	simm.s32 $0x180;
	s31 =	simm.s32 $0x5C00  }
0x2d: {  	[tilespmem:s31], [sflag:$0x5] =	stream.indirect.gather [spmem:s2], $0x8, s25, s17, $0xb8;
	[tilespmem:$0x1B800] =	vst v63  }
0x2e: {  	s8 =	simm.s32 $0x200;
	s24 =	simm.s32 $0x6000  }
0x2f: {  	[tilespmem:s24], [sflag:$0x6] =	stream.indirect.gather [spmem:s2], $0x8, s8, s17, $0xb8;
	[tilespmem:$0x1B800] =	vst v63  }
0x30: {  	s25 =	simm.s32 $0x280;
	s31 =	simm.s32 $0x6400  }
0x31: {  	[tilespmem:s31], [sflag:$0x7] =	stream.indirect.gather [spmem:s2], $0x8, s25, s17, $0xb8;
	[tilespmem:$0x1B800] =	vst v63  }
0x32: {  	s8 =	simm.s32 $0x300;
	s24 =	simm.s32 $0x6800  }
0x33: {  	[tilespmem:s24], [sflag:$0x8] =	stream.indirect.gather [spmem:s2], $0x8, s8, s17, $0xb8;
	[tilespmem:$0x1B800] =	vst v63  }
0x34: {  	s25 =	simm.s32 $0x380;
	s31 =	simm.s32 $0x6C00  }
0x35: {  	[tilespmem:s31], [sflag:$0x9] =	stream.indirect.gather [spmem:s2], $0x8, s25, s17, $0xb8;
	[tilespmem:$0x1B800] =	vst v63  }
0x36: {  	s8 =	simm.s32 $0x400;
	s24 =	simm.s32 $0x7000  }
0x37: {  	[tilespmem:s24], [sflag:$0xA] =	stream.indirect.gather [spmem:s2], $0x8, s8, s17, $0xb8;
	[tilespmem:$0x1B800] =	vst v63  }
0x38: {  	s25 =	simm.s32 $0x480;
	s31 =	simm.s32 $0x7400  }
0x39: {  	[tilespmem:s31], [sflag:$0xB] =	stream.indirect.gather [spmem:s2], $0x8, s25, s17, $0xb8;
	[tilespmem:$0x1B800] =	vst v63  }
0x3a: {  	s8 =	simm.s32 $0x500;
	s24 =	simm.s32 $0x7800  }
0x3b: {  	[tilespmem:s24], [sflag:$0xC] =	stream.indirect.gather [spmem:s2], $0x8, s8, s17, $0xb8;
	[tilespmem:$0x1B800] =	vst v63  }
0x3c: {  	s25 =	simm.s32 $0x580;
	s31 =	simm.s32 $0x7C00  }
0x3d: {  	[tilespmem:s31], [sflag:$0xD] =	stream.indirect.gather [spmem:s2], $0x8, s25, s17, $0xb8;
	[tilespmem:$0x1B800] =	vst v63  }
0x3e: {  	s8 =	simm.s32 $0x600;
	s24 =	simm.s32 $0x8000  }
0x3f: {  	[tilespmem:s24], [sflag:$0xE] =	stream.indirect.gather [spmem:s2], $0x8, s8, s17, $0xb8;
	[tilespmem:$0x1B800] =	vst v63  }
0x40: {  	s25 =	simm.s32 $0x680;
	s31 =	simm.s32 $0x8400  }
0x41: {  	[tilespmem:s31], [sflag:$0xF] =	stream.indirect.gather [spmem:s2], $0x8, s25, s17, $0xb8;
	[tilespmem:$0x1B800] =	vst v63  }
0x42: {  	s8 =	simm.s32 $0x700;
	s24 =	simm.s32 $0x8800  }
0x43: {  	[tilespmem:s24], [sflag:$0x10] =	stream.indirect.gather [spmem:s2], $0x8, s8, s17, $0xb8;
	[tilespmem:$0x1B800] =	vst v63  }
0x44: {  	s30 =	simm.s32 $0x0;
	s25 =	simm.s32 $0x780;
	s31 =	simm.s32 $0x8C00  }
0x45: {  	[tilespmem:s31], [sflag:$0x11] =	stream.indirect.gather [spmem:s2], $0x8, s25, s17, $0xb8;
	[tilespmem:$0x1B800] =	vst v63  }
.LBB2_2:
0x46: {  	_ =	swait.ge [sflag:s1], $0x400  }
0x47: {  	s31 =	sshra.s32 s30, $0x2;
	[sflag:s1] =	ssyncset.done $0x0  }
0x48: {  	p0 =	seq.s32 s30, $0x8000;
	s5 =	sadd.s32 $0x2800, s31;
	[sflag:s1] =	ssyncadd.s32 $0xFFFFFC00  }
0x49: {  	[spmem:s3] =	stream.indirect.scatter.add.f32 [tilespmem:s29], [sflag:$0x1], $0x8, s5, s17, $0xb8;
	[tilespmem:$0x1B800] =	vst v63  }
0x4a: {  	s5 =	simm.s32 @p0 $0x3  }
0x4b: {  	_ =	swait.ge @p0 [sflag:s5], $0x400  }
0x4c: {  	s24 =	simm.s32 @p0 $0x4880;
	[sflag:s5] =	ssyncset.done @p0 $0x0  }
0x4d: {  	s25 =	simm.s32 @p0 $0x15400;
	[sflag:s5] =	ssyncadd.s32 @p0 $0xFFFFFC00;
	s5 =	simm.s32 @p0 $0x80  }
0x4e: {  	[spmem:s3] =	stream.indirect.scatter.add.f32 @p0 [tilespmem:s25], [sflag:$0x1], $0x8, s24, s5, $0xb8;
	[tilespmem:$0x1B800] =	vst v63  }
0x4f: {  	s24 =	sshra.s32 @!p0 s30, $0x2  }
0x50: {  	s6 =	sadd.s32 @!p0 $0x4000, s29;
	s25 =	simm.s32 @!p0 $0x80;
	s8 =	sadd.s32 @!p0 $0x800, s24  }
0x51: {  	[tilespmem:s6], [sflag:$0x2] =	stream.indirect.gather @!p0 [spmem:s2], $0x8, s8, s25, $0xb8;
	[tilespmem:$0x1B800] =	vst v63  }
0x52: {  	s6 =	simm.s32 @!p0 $0x3  }
0x53: {  	_ =	swait.ge @!p0 [sflag:s6], $0x400  }
0x54: {  	[sflag:s6] =	ssyncset.done @!p0 $0x0  }
0x55: {  	s8 =	sadd.s32 @!p0 $0x400, s29;
	[sflag:s6] =	ssyncadd.s32 @!p0 $0xFFFFFC00;
	s6 =	sadd.s32 @!p0 $0x2880, s24  }
0x56: {  	[spmem:s3] =	stream.indirect.scatter.add.f32 @!p0 [tilespmem:s8], [sflag:$0x1], $0x8, s6, s25, $0xb8;
	[tilespmem:$0x1B800] =	vst v63  }
0x57: {  	s6 =	sadd.s32 @!p0 $0x4400, s29;
	s8 =	sadd.s32 @!p0 $0x880, s24  }
0x58: {  	[tilespmem:s6], [sflag:$0x3] =	stream.indirect.gather @!p0 [spmem:s2], $0x8, s8, s25, $0xb8;
	[tilespmem:$0x1B800] =	vst v63  }
0x59: {  	_ =	swait.ge [sflag:s0], $0x400  }
0x5a: {  	[sflag:s0] =	ssyncset.done $0x0  }
0x5b: {  	s6 =	sadd.s32 $0x800, s29;
	s8 =	sadd.s32 $0x2900, s31;
	[sflag:s0] =	ssyncadd.s32 $0xFFFFFC00  }
0x5c: {  	[spmem:s3] =	stream.indirect.scatter.add.f32 [tilespmem:s6], [sflag:$0x1], $0x8, s8, s17, $0xb8;
	[tilespmem:$0x1B800] =	vst v63  }
0x5d: {  	s6 =	simm.s32 @p0 $0x5  }
0x5e: {  	_ =	swait.ge @p0 [sflag:s6], $0x400  }
0x5f: {  	[sflag:s6] =	ssyncset.done @p0 $0x0  }
0x60: {  	s8 =	simm.s32 @p0 $0x15C00;
	[sflag:s6] =	ssyncadd.s32 @p0 $0xFFFFFC00;
	s6 =	simm.s32 @p0 $0x4980  }
0x61: {  	[spmem:s3] =	stream.indirect.scatter.add.f32 @p0 [tilespmem:s8], [sflag:$0x1], $0x8, s6, s5, $0xb8;
	[tilespmem:$0x1B800] =	vst v63  }
0x62: {  	s6 =	sadd.s32 @!p0 $0x4800, s29;
	s8 =	sadd.s32 @!p0 $0x900, s24  }
0x63: {  	[tilespmem:s6], [sflag:$0x4] =	stream.indirect.gather @!p0 [spmem:s2], $0x8, s8, s25, $0xb8;
	[tilespmem:$0x1B800] =	vst v63  }
0x64: {  	s6 =	simm.s32 @!p0 $0x5  }
0x65: {  	_ =	swait.ge @!p0 [sflag:s6], $0x400  }
0x66: {  	[sflag:s6] =	ssyncset.done @!p0 $0x0  }
0x67: {  	s8 =	sadd.s32 @!p0 $0xC00, s29;
	[sflag:s6] =	ssyncadd.s32 @!p0 $0xFFFFFC00;
	s6 =	sadd.s32 @!p0 $0x2980, s24  }
0x68: {  	[spmem:s3] =	stream.indirect.scatter.add.f32 @!p0 [tilespmem:s8], [sflag:$0x1], $0x8, s6, s25, $0xb8;
	[tilespmem:$0x1B800] =	vst v63  }
0x69: {  	s6 =	sadd.s32 @!p0 $0x4C00, s29;
	s8 =	sadd.s32 @!p0 $0x980, s24  }
0x6a: {  	[tilespmem:s6], [sflag:$0x5] =	stream.indirect.gather @!p0 [spmem:s2], $0x8, s8, s25, $0xb8;
	[tilespmem:$0x1B800] =	vst v63  }
0x6b: {  	_ =	swait.ge [sflag:s13], $0x400  }
0x6c: {  	[sflag:s13] =	ssyncset.done $0x0  }
0x6d: {  	s6 =	sadd.s32 $0x1000, s29;
	s8 =	sadd.s32 $0x2A00, s31;
	[sflag:s13] =	ssyncadd.s32 $0xFFFFFC00  }
0x6e: {  	[spmem:s3] =	stream.indirect.scatter.add.f32 [tilespmem:s6], [sflag:$0x1], $0x8, s8, s17, $0xb8;
	[tilespmem:$0x1B800] =	vst v63  }
0x6f: {  	s6 =	simm.s32 @p0 $0x7  }
0x70: {  	_ =	swait.ge @p0 [sflag:s6], $0x400  }
0x71: {  	[sflag:s6] =	ssyncset.done @p0 $0x0  }
0x72: {  	s8 =	simm.s32 @p0 $0x16400;
	[sflag:s6] =	ssyncadd.s32 @p0 $0xFFFFFC00;
	s6 =	simm.s32 @p0 $0x4A80  }
0x73: {  	[spmem:s3] =	stream.indirect.scatter.add.f32 @p0 [tilespmem:s8], [sflag:$0x1], $0x8, s6, s5, $0xb8;
	[tilespmem:$0x1B800] =	vst v63  }
0x74: {  	s6 =	sadd.s32 @!p0 $0x5000, s29;
	s8 =	sadd.s32 @!p0 $0xA00, s24  }
0x75: {  	[tilespmem:s6], [sflag:$0x6] =	stream.indirect.gather @!p0 [spmem:s2], $0x8, s8, s25, $0xb8;
	[tilespmem:$0x1B800] =	vst v63  }
0x76: {  	s6 =	simm.s32 @!p0 $0x7  }
0x77: {  	_ =	swait.ge @!p0 [sflag:s6], $0x400  }
0x78: {  	[sflag:s6] =	ssyncset.done @!p0 $0x0  }
0x79: {  	s8 =	sadd.s32 @!p0 $0x1400, s29;
	[sflag:s6] =	ssyncadd.s32 @!p0 $0xFFFFFC00;
	s6 =	sadd.s32 @!p0 $0x2A80, s24  }
0x7a: {  	[spmem:s3] =	stream.indirect.scatter.add.f32 @!p0 [tilespmem:s8], [sflag:$0x1], $0x8, s6, s25, $0xb8;
	[tilespmem:$0x1B800] =	vst v63  }
0x7b: {  	s6 =	sadd.s32 @!p0 $0x5400, s29;
	s8 =	sadd.s32 @!p0 $0xA80, s24  }
0x7c: {  	[tilespmem:s6], [sflag:$0x7] =	stream.indirect.gather @!p0 [spmem:s2], $0x8, s8, s25, $0xb8;
	[tilespmem:$0x1B800] =	vst v63  }
0x7d: {  	_ =	swait.ge [sflag:s18], $0x400  }
0x7e: {  	[sflag:s18] =	ssyncset.done $0x0  }
0x7f: {  	s6 =	sadd.s32 $0x1800, s29;
	s8 =	sadd.s32 $0x2B00, s31;
	[sflag:s18] =	ssyncadd.s32 $0xFFFFFC00  }
0x80: {  	[spmem:s3] =	stream.indirect.scatter.add.f32 [tilespmem:s6], [sflag:$0x1], $0x8, s8, s17, $0xb8;
	[tilespmem:$0x1B800] =	vst v63  }
0x81: {  	s6 =	simm.s32 @p0 $0x9  }
0x82: {  	_ =	swait.ge @p0 [sflag:s6], $0x400  }
0x83: {  	[sflag:s6] =	ssyncset.done @p0 $0x0  }
0x84: {  	s8 =	simm.s32 @p0 $0x16C00;
	[sflag:s6] =	ssyncadd.s32 @p0 $0xFFFFFC00;
	s6 =	simm.s32 @p0 $0x4B80  }
0x85: {  	[spmem:s3] =	stream.indirect.scatter.add.f32 @p0 [tilespmem:s8], [sflag:$0x1], $0x8, s6, s5, $0xb8;
	[tilespmem:$0x1B800] =	vst v63  }
0x86: {  	s6 =	sadd.s32 @!p0 $0x5800, s29;
	s8 =	sadd.s32 @!p0 $0xB00, s24  }
0x87: {  	[tilespmem:s6], [sflag:$0x8] =	stream.indirect.gather @!p0 [spmem:s2], $0x8, s8, s25, $0xb8;
	[tilespmem:$0x1B800] =	vst v63  }
0x88: {  	s6 =	simm.s32 @!p0 $0x9  }
0x89: {  	_ =	swait.ge @!p0 [sflag:s6], $0x400  }
0x8a: {  	[sflag:s6] =	ssyncset.done @!p0 $0x0  }
0x8b: {  	s8 =	sadd.s32 @!p0 $0x1C00, s29;
	[sflag:s6] =	ssyncadd.s32 @!p0 $0xFFFFFC00;
	s6 =	sadd.s32 @!p0 $0x2B80, s24  }
0x8c: {  	[spmem:s3] =	stream.indirect.scatter.add.f32 @!p0 [tilespmem:s8], [sflag:$0x1], $0x8, s6, s25, $0xb8;
	[tilespmem:$0x1B800] =	vst v63  }
0x8d: {  	s6 =	sadd.s32 @!p0 $0x5C00, s29;
	s8 =	sadd.s32 @!p0 $0xB80, s24  }
0x8e: {  	[tilespmem:s6], [sflag:$0x9] =	stream.indirect.gather @!p0 [spmem:s2], $0x8, s8, s25, $0xb8;
	[tilespmem:$0x1B800] =	vst v63  }
0x8f: {  	_ =	swait.ge [sflag:s19], $0x400  }
0x90: {  	[sflag:s19] =	ssyncset.done $0x0  }
0x91: {  	s6 =	sadd.s32 $0x2000, s29;
	s8 =	sadd.s32 $0x2C00, s31;
	[sflag:s19] =	ssyncadd.s32 $0xFFFFFC00  }
0x92: {  	[spmem:s3] =	stream.indirect.scatter.add.f32 [tilespmem:s6], [sflag:$0x1], $0x8, s8, s17, $0xb8;
	[tilespmem:$0x1B800] =	vst v63  }
0x93: {  	s6 =	simm.s32 @p0 $0xB  }
0x94: {  	_ =	swait.ge @p0 [sflag:s6], $0x400  }
0x95: {  	[sflag:s6] =	ssyncset.done @p0 $0x0  }
0x96: {  	s8 =	simm.s32 @p0 $0x17400;
	[sflag:s6] =	ssyncadd.s32 @p0 $0xFFFFFC00;
	s6 =	simm.s32 @p0 $0x4C80  }
0x97: {  	[spmem:s3] =	stream.indirect.scatter.add.f32 @p0 [tilespmem:s8], [sflag:$0x1], $0x8, s6, s5, $0xb8;
	[tilespmem:$0x1B800] =	vst v63  }
0x98: {  	s6 =	sadd.s32 @!p0 $0x6000, s29;
	s8 =	sadd.s32 @!p0 $0xC00, s24  }
0x99: {  	[tilespmem:s6], [sflag:$0xA] =	stream.indirect.gather @!p0 [spmem:s2], $0x8, s8, s25, $0xb8;
	[tilespmem:$0x1B800] =	vst v63  }
0x9a: {  	s6 =	simm.s32 @!p0 $0xB  }
0x9b: {  	_ =	swait.ge @!p0 [sflag:s6], $0x400  }
0x9c: {  	[sflag:s6] =	ssyncset.done @!p0 $0x0  }
0x9d: {  	s8 =	sadd.s32 @!p0 $0x2400, s29;
	[sflag:s6] =	ssyncadd.s32 @!p0 $0xFFFFFC00;
	s6 =	sadd.s32 @!p0 $0x2C80, s24  }
0x9e: {  	[spmem:s3] =	stream.indirect.scatter.add.f32 @!p0 [tilespmem:s8], [sflag:$0x1], $0x8, s6, s25, $0xb8;
	[tilespmem:$0x1B800] =	vst v63  }
0x9f: {  	s6 =	sadd.s32 @!p0 $0x6400, s29;
	s8 =	sadd.s32 @!p0 $0xC80, s24  }
0xa0: {  	[tilespmem:s6], [sflag:$0xB] =	stream.indirect.gather @!p0 [spmem:s2], $0x8, s8, s25, $0xb8;
	[tilespmem:$0x1B800] =	vst v63  }
0xa1: {  	_ =	swait.ge [sflag:s20], $0x400  }
0xa2: {  	[sflag:s20] =	ssyncset.done $0x0  }
0xa3: {  	s6 =	sadd.s32 $0x2800, s29;
	s8 =	sadd.s32 $0x2D00, s31;
	[sflag:s20] =	ssyncadd.s32 $0xFFFFFC00  }
0xa4: {  	[spmem:s3] =	stream.indirect.scatter.add.f32 [tilespmem:s6], [sflag:$0x1], $0x8, s8, s17, $0xb8;
	[tilespmem:$0x1B800] =	vst v63  }
0xa5: {  	s6 =	simm.s32 @p0 $0xD  }
0xa6: {  	_ =	swait.ge @p0 [sflag:s6], $0x400  }
0xa7: {  	[sflag:s6] =	ssyncset.done @p0 $0x0  }
0xa8: {  	s8 =	simm.s32 @p0 $0x17C00;
	[sflag:s6] =	ssyncadd.s32 @p0 $0xFFFFFC00;
	s6 =	simm.s32 @p0 $0x4D80  }
0xa9: {  	[spmem:s3] =	stream.indirect.scatter.add.f32 @p0 [tilespmem:s8], [sflag:$0x1], $0x8, s6, s5, $0xb8;
	[tilespmem:$0x1B800] =	vst v63  }
0xaa: {  	s6 =	sadd.s32 @!p0 $0x6800, s29;
	s8 =	sadd.s32 @!p0 $0xD00, s24  }
0xab: {  	[tilespmem:s6], [sflag:$0xC] =	stream.indirect.gather @!p0 [spmem:s2], $0x8, s8, s25, $0xb8;
	[tilespmem:$0x1B800] =	vst v63  }
0xac: {  	s6 =	simm.s32 @!p0 $0xD  }
0xad: {  	_ =	swait.ge @!p0 [sflag:s6], $0x400  }
0xae: {  	[sflag:s6] =	ssyncset.done @!p0 $0x0  }
0xaf: {  	s8 =	sadd.s32 @!p0 $0x2C00, s29;
	[sflag:s6] =	ssyncadd.s32 @!p0 $0xFFFFFC00;
	s6 =	sadd.s32 @!p0 $0x2D80, s24  }
0xb0: {  	[spmem:s3] =	stream.indirect.scatter.add.f32 @!p0 [tilespmem:s8], [sflag:$0x1], $0x8, s6, s25, $0xb8;
	[tilespmem:$0x1B800] =	vst v63  }
0xb1: {  	s6 =	sadd.s32 @!p0 $0x6C00, s29;
	s8 =	sadd.s32 @!p0 $0xD80, s24  }
0xb2: {  	[tilespmem:s6], [sflag:$0xD] =	stream.indirect.gather @!p0 [spmem:s2], $0x8, s8, s25, $0xb8;
	[tilespmem:$0x1B800] =	vst v63  }
0xb3: {  	_ =	swait.ge [sflag:s21], $0x400  }
0xb4: {  	[sflag:s21] =	ssyncset.done $0x0  }
0xb5: {  	s6 =	sadd.s32 $0x3000, s29;
	s8 =	sadd.s32 $0x2E00, s31;
	[sflag:s21] =	ssyncadd.s32 $0xFFFFFC00  }
0xb6: {  	[spmem:s3] =	stream.indirect.scatter.add.f32 [tilespmem:s6], [sflag:$0x1], $0x8, s8, s17, $0xb8;
	[tilespmem:$0x1B800] =	vst v63  }
0xb7: {  	s6 =	simm.s32 @p0 $0xF  }
0xb8: {  	_ =	swait.ge @p0 [sflag:s6], $0x400  }
0xb9: {  	[sflag:s6] =	ssyncset.done @p0 $0x0  }
0xba: {  	s8 =	simm.s32 @p0 $0x18400;
	[sflag:s6] =	ssyncadd.s32 @p0 $0xFFFFFC00;
	s6 =	simm.s32 @p0 $0x4E80  }
0xbb: {  	[spmem:s3] =	stream.indirect.scatter.add.f32 @p0 [tilespmem:s8], [sflag:$0x1], $0x8, s6, s5, $0xb8;
	[tilespmem:$0x1B800] =	vst v63  }
0xbc: {  	s5 =	sadd.s32 @!p0 $0x7000, s29;
	s6 =	sadd.s32 @!p0 $0xE00, s24  }
0xbd: {  	[tilespmem:s5], [sflag:$0xE] =	stream.indirect.gather @!p0 [spmem:s2], $0x8, s6, s25, $0xb8;
	[tilespmem:$0x1B800] =	vst v63  }
0xbe: {  	s5 =	simm.s32 @!p0 $0xF  }
0xbf: {  	_ =	swait.ge @!p0 [sflag:s5], $0x400  }
0xc0: {  	[sflag:s5] =	ssyncset.done @!p0 $0x0  }
0xc1: {  	s6 =	sadd.s32 @!p0 $0x3400, s29;
	[sflag:s5] =	ssyncadd.s32 @!p0 $0xFFFFFC00;
	s5 =	sadd.s32 @!p0 $0x2E80, s24  }
0xc2: {  	[spmem:s3] =	stream.indirect.scatter.add.f32 @!p0 [tilespmem:s6], [sflag:$0x1], $0x8, s5, s25, $0xb8;
	[tilespmem:$0x1B800] =	vst v63  }
0xc3: {  	s5 =	sadd.s32 @!p0 $0x7400, s29;
	s6 =	sadd.s32 @!p0 $0xE80, s24  }
0xc4: {  	[tilespmem:s5], [sflag:$0xF] =	stream.indirect.gather @!p0 [spmem:s2], $0x8, s6, s25, $0xb8;
	[tilespmem:$0x1B800] =	vst v63  }
.Ltmp0:
0xc5: {  	_ = 	snop;
	(pc) =	sbr.rel @p0 .LBB2_4-.Ltmp0, $4  }
0xc6: {  	_ =	swait.ge [sflag:s22], $0x400  }
0xc7: {  	[sflag:s22] =	ssyncset.done $0x0  }
0xc8: {  	s24 =	sadd.s32 $0x3800, s29;
	s25 =	sadd.s32 $0x2F00, s31;
	[sflag:s22] =	ssyncadd.s32 $0xFFFFFC00  }
0xc9: {  	[spmem:s3] =	stream.indirect.scatter.add.f32 [tilespmem:s24], [sflag:$0x1], $0x8, s25, s17, $0xb8;
	[tilespmem:$0x1B800] =	vst v63  }
0xca: {  	s5 =	sadd.s32 $0x7800, s29;
	s6 =	sadd.s32 $0xF00, s31  }
0xcb: {  	[tilespmem:s5], [sflag:$0x10] =	stream.indirect.gather [spmem:s2], $0x8, s6, s17, $0xb8;
	[tilespmem:$0x1B800] =	vst v63  }
0xcc: {  	_ =	swait.ge [sflag:s23], $0x400  }
.Ltmp1:
0xcd: {  	s8 =	sadd.s32 $0x3C00, s29;
	[sflag:s23] =	ssyncset.done $0x0;
	(pc) =	sbr.rel .LBB2_2-.Ltmp1, $4  }
0xce: {  	s24 =	sadd.s32 $0x2F80, s31;
	s25 =	sadd.s32 $0x7C00, s29;
	[sflag:s23] =	ssyncadd.s32 $0xFFFFFC00  }
0xcf: {  	[spmem:s3] =	stream.indirect.scatter.add.f32 [tilespmem:s8], [sflag:$0x1], $0x8, s24, s17, $0xb8;
	[tilespmem:$0x1B800] =	vst v63  }
0xd0: {  	s31 =	sadd.s32 $0xF80, s31;
	s30 =	sadd.s32 $0x2000, s30;
	s29 =	sadd.s32 $0x4000, s29  }
0xd1: {  	[tilespmem:s25], [sflag:$0x11] =	stream.indirect.gather [spmem:s2], $0x8, s31, s17, $0xb8;
	[tilespmem:$0x1B800] =	vst v63  }
.LBB2_4:
0xd2: {  	_ =	swait.ge [sflag:s23], $0x400  }
0xd3: {  	[sflag:s23] =	ssyncset.done $0x0  }
0xd4: {  	s5 =	simm.s32 $0x4F80;
	s6 =	simm.s32 $0x18C00;
	[sflag:s23] =	ssyncadd.s32 $0xFFFFFC00  }
0xd5: {  	[spmem:s3] =	stream.indirect.scatter.add.f32 [tilespmem:s6], [sflag:$0x1], $0x8, s5, s17, $0xb8;
	[tilespmem:$0x1B800] =	vst v63  }
0xd6: {  	_ =	swait.ge [sflag:s16], $0x400  }
0xd7: {  	s5 =	simm.s32 $0x4F;
	[sflag:s16] =	ssyncset.done $0x0  }
.LBB2_5:
0xd8: {  	p0 =	sne.s32 s5, $0x1;
	s5 =	sadd.s32 $0xFFFFFFFF, s5;
	[sflag:s16] =	ssyncadd.s32 $0xFFFFFC00  }
.Ltmp2:
0xd9: {  	(pc) =	sbr.rel @p0 .LBB2_5-.Ltmp2, $3  }
0xda: {  	_ =	sdelay $0x1  }
0xdb: {  	_ =	swait.ge [sflag:s16], $0x400  }
0xdc: {  	[sflag:s16] =	ssyncset.done $0x0  }
0xdd: {  	s28 =	sadd.s32 $0x1, s28  }
0xde: {  	[sflag:s16] =	ssyncadd.s32 $0xFFFFFC00;
	p0 =	sne.s32 s28, s12  }
.Ltmp3:
0xdf: {  	s5 =	sor.u32 $0x1C12, s7;
	[bflag:$0x0] =	sbarrier.arrive $0xFFFF;
	(pc) =	sbr.rel @p0 .LBB2_1-.Ltmp3, $4  }
0xe0: {  	[hbm:s11], [sflag:s5] =	dma.local [spmem:s15], $0x280  }
0xe1: {  	_ =	swait.ge [sflag:s26], $0x280  }
0xe2: {  	[sflag:s26] =	ssyncset.done $0x0  }
0xe3: {  	[sflag:s26] =	ssyncadd.s32 $0xFFFFFD80  }
0xe4: {  	_ =	sfence.sel $0x180000  }
0xe5: {  	[bflag:$0x0] =	sbarrier.arrive $0xFFFF  }
0xe6: {  	_ =	strace $0x9000004A  }
0xe7: {  	s0 =	stileid.u32;
	[bflag:$0x2] =	sbarrier.arrive $0xFFFF  }
0xe8: {  	p0 =	sne.s32 s0, $0x0;
	s0 =	rddreg [dreg:$0x3]  }
0xe9: {  	s0 =	sadd.s32 @!p0 $0x100000, s0  }
0xea: {  	[sflag:s0] =	ssyncadd.tile.s32 @!p0 $0x1;
	_ =	shalt  }
.Lfunc_end2:
_tile_overlayer_lowered:
.L_overlay_start_2:
0xeb: {  	(tag) =	ssettag $0x2  }
0xec: {  	s0 =	rddreg [dreg:$0x0];
	s2 =	stileid.u32  }
0xed: {  	s1 =	rddreg [dreg:$0x1];
	p0 =	sne.s32 s2, $0x0  }
0xee: {  	s3 =	rddreg [dreg:$0x2];
	[bflag:$0x3] =	sbarrier.arrive $0xFFFF;
	s2 =	simm.s32 @!p0 $0x1C12  }
0xef: {  	[timem:s3], [sflag:s2] =	dma.local @!p0 [hbm:s0], s1  }
0xf0: {  	s0 =	simm.s32 @!p0 $0x12  }
0xf1: {  	_ =	swait.ge @!p0 [sflag:s0], s1  }
0xf2: {  	s1 =	ssub.s32 @!p0 $0x0, s1;
	[sflag:s0] =	ssyncset.done @!p0 $0x0  }
0xf3: {  	[sflag:s0] =	ssyncadd.s32 @!p0 s1  }
0xf4: {  	[bflag:$0x3] =	sbarrier.arrive $0xFFFF  }
0xf5: {  	_ =	shalt  }

// kernel: kernel.14.cloned.1.call-start
scs
__scs_entry_jumppad:
0x0: {  	(pc) =	sbr.rel $0x88, $3  }
0x1: {  	(tag) =	ssettag $0x0;
	lr =	simm.s32 $0x1  }
0x2: {  	[smem:$0x3F9B] =	sst lr;
	_ =	strace $0xD0000000  }
0x3: {  	_ = 	snop  }
0x4: {  	_ = 	snop  }
0x5: {  	_ = 	snop  }
0x6: {  	_ = 	snop  }
0x7: {  	_ = 	snop  }
__scs_overlays_trampoline_lowered:
0x8: {  	[smem:$0x3FAA] =	sst s0  }
0x9: {  	[smem:$0x3FAB] =	sst s1  }
0xa: {  	[smem:$0x3FAC] =	sst s2  }
0xb: {  	[smem:$0x3FAD] =	sst s3  }
0xc: {  	[smem:$0x3FAE] =	sst s4  }
0xd: {  	[smem:$0x3FAF] =	sst s5  }
0xe: {  	[smem:$0x3FB0] =	sst s6  }
0xf: {  	[smem:$0x3FB1] =	sst s7  }
0x10: {  	[smem:$0x3FB2] =	sst s8  }
0x11: {  	[smem:$0x3FB3] =	sst s9;
	s0 =	simm.s32 @!p0 $0x0  }
0x12: {  	s1 =	sld [smem:$0x3F99];
	s0 =	simm.s32 @p0 $0x1  }
0x13: {  	[smem:$0x3FB4] =	sst s0;
	s0 =	simm.s32 @!p1 $0x0  }
0x14: {  	s2 =	sld [smem:$0x3F98];
	s0 =	simm.s32 @p1 $0x1  }
0x15: {  	[smem:$0x3FB5] =	sst s0;
	s0 =	simm.s32 @!p2 $0x0  }
0x16: {  	s3 =	sld [smem:$0x3FDB];
	s0 =	simm.s32 @p2 $0x1  }
0x17: {  	s4 =	simm.s32 $0x1BF5;
	[smem:$0x3FB7] =	sst s0  }
0x18: {  	s0 =	sld [smem:$0x3F9A];
	_ =	swait.ge [sflag:s4], $0x0  }
0x19: {  	s7 =	sld [smem:$0x3F9B]  }
0x1a: {  	s8 =	sadd.s32 $0xFFFFE003, lr  }
0x1b: {  	s9 =	sadd.s32 $0xFFFFFEF7, lr;
	s5 =	simm.s32 $0xFFFFFFFF;
	p2 =	slt.u32 s8, $0xFFFFF086  }
0x1c: {  	p1 =	slt.u32 s9, $0xF7A;
	s5 =	simm.s32 @!p2 $0x0  }
0x1d: {  	s5 =	simm.s32 @p1 $0x1;
	p0 =	seq.s32 s7, s2  }
0x1e: {  	s7 =	smul.u32 @!p0 $0xF7A, s2;
	p2 =	seq.s32 @!p0 s5, $0x0  }
0x1f: {  	s9 =	smul.u32 $0xF7A, s1;
	s8 =	simm.s32 @!p0 $0x1BF5;
	p2 =	por !p2, p0  }
0x20: {  	[sflag:s8] =	ssyncset.s32 @!p0 $0xFFFFF086;
	s6 =	sadd.s32 @!p0 s3, s7;
	s7 =	simm.s32 @!p0 $0x108  }
0x21: {  	s3 =	sadd.s32 s3, s9;
	s6 =	sadd.s32 @!p0 $0x88, s6;
	s7 =	simm.s32 @p2 $0x1082  }
0x22: {  	[simem:s7], [sflag:s8] =	dma.local @!p0 [hbm:s6], $0xF7A  }
0x23: {  	s9 =	sor.u32 $0xD0000000, s2;
	s6 =	simm.s32 $0x108;
	_ =	swait.ge @!p0 [sflag:s8], $0x0  }
0x24: {  	s3 =	sadd.s32 $0x88, s3;
	s6 =	simm.s32 @!p1 $0x1082;
	[sflag:s4] =	ssyncset.s32 $0xFFFFF086  }
0x25: {  	[simem:s6], [sflag:s4] =	dma.local [hbm:s3], $0xF7A  }
0x26: {  	[smem:$0x3F9B] =	sst s1;
	(tag) =	ssettag s2;
	_ =	strace s9  }
0x27: {  	s1 =	sld [smem:$0x3FAB]  }
0x28: {  	s2 =	sld [smem:$0x3FAC]  }
0x29: {  	s4 =	sld [smem:$0x3FAE]  }
0x2a: {  	p0 =	seq.s32 s5, $0x0;
	s5 =	sld [smem:$0x3FAF]  }
0x2b: {  	s6 =	sld [smem:$0x3FB0]  }
0x2c: {  	s7 =	sld [smem:$0x3FB1]  }
0x2d: {  	s3 =	simm.s32 $0x108;
	s8 =	sld [smem:$0x3FB2]  }
0x2e: {  	s3 =	simm.s32 @!p0 $0x1082;
	s9 =	sld [smem:$0x3FB3]  }
0x2f: {  	lr =	sadd.s32 s0, s3;
	s0 =	sld [smem:$0x3FAA]  }
0x30: {  	s3 =	sld [smem:$0x3FAD]  }
0x31: {  	[smem:$0x3FB6] =	sst s10  }
0x32: {  	s10 =	sld [smem:$0x3FB4];
	_ =	sdelay $0x3  }
0x33: {  	p0 =	seq.s32 s10, $0x1;
	s10 =	sld [smem:$0x3FB6];
	_ =	sdelay $0x3  }
0x34: {  	[smem:$0x3FB6] =	sst s10  }
0x35: {  	s10 =	sld [smem:$0x3FB5];
	_ =	sdelay $0x3  }
0x36: {  	p1 =	seq.s32 s10, $0x1;
	s10 =	sld [smem:$0x3FB6];
	_ =	sdelay $0x3  }
0x37: {  	[smem:$0x3FB6] =	sst s10  }
0x38: {  	s10 =	sld [smem:$0x3FB7]  }
0x39: {  	_ = 	snop;
	(pc) =	sbr.ind lr, $3  }
0x3a: {  	_ = 	snop  }
0x3b: {  	_ = 	snop  }
0x3c: {  	p2 =	seq.s32 s10, $0x1;
	s10 =	sld [smem:$0x3FB6]  }
0x3d: {  	_ =	shalt  }
0x3e: {  	_ =	shalt  }
0x3f: {  	_ =	shalt  }
0x40: {  	_ =	shalt  }
0x41: {  	_ =	shalt  }
0x42: {  	_ =	shalt  }
0x43: {  	_ =	shalt  }
0x44: {  	_ =	shalt  }
0x45: {  	_ =	shalt  }
0x46: {  	_ =	shalt  }
0x47: {  	_ =	shalt  }
0x48: {  	_ =	shalt  }
0x49: {  	_ =	shalt  }
0x4a: {  	_ =	shalt  }
0x4b: {  	_ =	shalt  }
0x4c: {  	_ =	shalt  }
0x4d: {  	_ =	shalt  }
0x4e: {  	_ =	shalt  }
0x4f: {  	_ =	shalt  }
0x50: {  	_ =	shalt  }
0x51: {  	_ =	shalt  }
0x52: {  	_ =	shalt  }
0x53: {  	_ =	shalt  }
0x54: {  	_ =	shalt  }
0x55: {  	_ =	shalt  }
0x56: {  	_ =	shalt  }
0x57: {  	_ =	shalt  }
0x58: {  	_ =	shalt  }
0x59: {  	_ =	shalt  }
0x5a: {  	_ =	shalt  }
0x5b: {  	_ =	shalt  }
0x5c: {  	_ =	shalt  }
0x5d: {  	_ =	shalt  }
0x5e: {  	_ =	shalt  }
0x5f: {  	_ =	shalt  }
0x60: {  	_ =	shalt  }
0x61: {  	_ =	shalt  }
0x62: {  	_ =	shalt  }
0x63: {  	_ =	shalt  }
0x64: {  	_ =	shalt  }
0x65: {  	_ =	shalt  }
0x66: {  	_ =	shalt  }
0x67: {  	_ =	shalt  }
0x68: {  	_ =	shalt  }
0x69: {  	_ =	shalt  }
0x6a: {  	_ =	shalt  }
0x6b: {  	_ =	shalt  }
0x6c: {  	_ =	shalt  }
0x6d: {  	_ =	shalt  }
0x6e: {  	_ =	shalt  }
0x6f: {  	_ =	shalt  }
0x70: {  	_ =	shalt  }
0x71: {  	_ =	shalt  }
0x72: {  	_ =	shalt  }
0x73: {  	_ =	shalt  }
0x74: {  	_ =	shalt  }
0x75: {  	_ =	shalt  }
0x76: {  	_ =	shalt  }
0x77: {  	_ =	shalt  }
0x78: {  	_ =	shalt  }
0x79: {  	_ =	shalt  }
0x7a: {  	_ =	shalt  }
0x7b: {  	_ =	shalt  }
0x7c: {  	_ =	shalt  }
0x7d: {  	_ =	shalt  }
0x7e: {  	_ =	shalt  }
0x7f: {  	_ =	shalt  }
0x80: {  	_ =	shalt  }
0x81: {  	_ =	shalt  }
0x82: {  	_ =	shalt  }
0x83: {  	_ =	shalt  }
0x84: {  	_ =	shalt  }
0x85: {  	_ =	shalt  }
0x86: {  	_ =	shalt  }
0x87: {  	_ =	shalt  }
.Lfunc_end0:
.L_simem_size_0:
called_computation.2_lowered:
.L_overlay_start_0:
0x88: {  	s2 =	sld [smem:$0x3FD9]  }
0x89: {  	s3 =	sld [smem:$0x3FFE];
	_ =	sdelay $0x1  }
0x8a: {  	s1 =	srdreg.scid  }
0x8b: {  	s0 =	sand.u32 $0x1, s1  }
0x8c: {  	s16 =	sshll.u32 s0, $0xA;
	s2 =	sadd.s32 s3, s2  }
0x8d: {  	s2 =	sadd.s32 s2, s16  }
0x8e: {  	[smem:$0x3FC2] =	sst s2  }
0x8f: {  	_ = 	snop  }
0x90: {  	(tm) =	ssettm $0x1  }
0x91: {  	s17 =	sld [smem:$0x3FFB];
	_ =	sdelay $0x3  }
0x92: {  	_ =	strace s17  }
0x93: {  	s2 =	sld [smem:$0x3FFC];
	_ =	sdelay $0x3  }
0x94: {  	_ =	strace s2  }
0x95: {  	s2 =	sld [smem:$0x3FFD];
	_ =	sdelay $0x3  }
0x96: {  	_ =	strace s2  }
0x97: {  	_ =	strace $0x8FFFFFFF  }
0x98: {  	s18 =	sld [smem:$0x3FDB];
	_ =	sdelay $0x1  }
0x99: {  	s19 =	simm.s32 $_scs_section_size  }
0x9a: {  	s4 =	simm.s32 $_size__tile_overlayer_lowered;
	s5 =	simm.s32 $_tile_overlayer_lowered  }
0x9b: {  	s22 =	simm.s32 $0x1BFF;
	s21 =	sshll.u32 s5, $0x1;
	s2 =	sadd.s32 s19, s18  }
0x9c: {  	s6 =	simm.s32 $0x0;
	s20 =	sshll.u32 s4, $0x1;
	s4 =	sadd.s32 s21, s2  }
0x9d: {  	[timem:s6], [sflag:s22] =	dma.local [hbm:s4], s20  }
0x9e: {  	_ =	swait.ge [sflag:s22], s20  }
0x9f: {  	s3 =	ssub.s32 $0x0, s20;
	[sflag:s22] =	ssyncset.done $0x0  }
0xa0: {  	[sflag:s22] =	ssyncadd.s32 s3;
	_ =	sdelay $0x1  }
0xa1: {  	s23 =	simm.s32 $0x1B8B  }
0xa2: {  	_ =	swait.ge [sflag:s23], $0x1  }
0xa3: {  	[sflag:s23] =	ssyncset.done $0x0  }
0xa4: {  	s25 =	simm.s32 $0x1B8E;
	s24 =	sld [smem:$0x3FFE];
	[sflag:s23] =	ssyncadd.s32 $0xFFFFFFFF  }
0xa5: {  	s26 =	simm.s32 $execute0_lowered;
	[smem:$0x3FD2] =	sst s25  }
0xa6: {  	s4 =	sshll.u32 s26, $0x1;
	_ =	strace $0x8000004C;
	[dreg:$0x1] =	wrdreg $0xFFFFFFFF  }
0xa7: {  	s28 =	simm.s32 $_size_execute0_lowered;
	s2 =	sadd.s32 s2, s4;
	[dreg:$0x0] =	wrdreg $0x0  }
0xa8: {  	s4 =	sshll.u32 s28, $0x1;
	[dreg:$0x2] =	wrdreg s2  }
0xa9: {  	[dreg:$0x3] =	wrdreg s4  }
0xaa: {  	[dreg:$0x4] =	wrdreg $0xC0  }
0xab: {  	_ =	task [dreg:s6], $0x5FFFF  }
0xac: {  	[dreg:$0x1] =	wrdreg $0xFFFFFFFF  }
0xad: {  	[dreg:$0x0] =	wrdreg $0x60  }
0xae: {  	[dreg:$0x2] =	wrdreg s24  }
0xaf: {  	[dreg:$0x3] =	wrdreg $0x1A4000  }
0xb0: {  	[dreg:$0x4] =	wrdreg $0x190000  }
0xb1: {  	[dreg:$0x5] =	wrdreg $0x9  }
0xb2: {  	_ =	task.clear_ibuf [dreg:s6], $0x6FFFF;
	_ =	strace $0x9000004C  }
0xb3: {  	s29 =	simm.s32 $0x9;
	_ =	strace $0x8000004E  }
0xb4: {  	_ =	swait.ge [sflag:s29], $0x1  }
0xb5: {  	[sflag:s29] =	ssyncadd.s32 $0xFFFFFFFF  }
0xb6: {  	_ =	strace $0x9000004E  }
0xb7: {  	_ =	sfence  }
0xb8: {  	s30 =	sld [smem:$0x0];
	_ =	sdelay $0x2  }
0xb9: {  	s31 =	sshll.u32 s1, $0xD;
	s1 =	sshrl.u32 s1, $0x2  }
0xba: {  	s3 =	sand.u32 $0x4000, s31;
	s1 =	sadd.s32 s1, s30  }
0xbb: {  	s0 =	sor.u32 s3, s0;
	s1 =	sshll.u32 s1, $0x11  }
0xbc: {  	s0 =	sor.u32 s1, s0  }
0xbd: {  	s0 =	sadd.s32 $0x8F2B, s0  }
0xbe: {  	[sflag:s0] =	ssyncadd.remote.s32 $0x1  }
0xbf: {  	_ =	sfence.sel $0xFFFF  }
0xc0: {  	[dreg:$0x0] =	wrdreg $0xFFFFFFFF;
	(pc) =	sbr.abs _section_cstart, $3  }
0xc1: {  	[dreg:$0x1] =	wrdreg $0xFFFFFFFF  }
0xc2: {  	_ =	task.clear_ibuf [dreg:s6], $0x2FFFF;
	_ =	strace $0x9FFFFFFF  }
0xc3: {  	(tm) =	ssettm $0x7FFFFFFF  }
tec
execute0_lowered:
.L_overlay_start_1:
0x0: {  	(tag) =	ssettag $0x1  }
0x1: {  	s0 =	srdreg.scid  }
0x2: {  	s1 =	rddreg [dreg:$0x0];
	s9 =	stileid.u32  }
0x3: {  	s2 =	rddreg [dreg:$0x1];
	s16 =	simm.s32 $0x1;
	s17 =	simm.s32 $0x80  }
0x4: {  	s18 =	simm.s32 $0x8;
	s19 =	simm.s32 $0xA;
	s20 =	simm.s32 $0xC  }
0x5: {  	s21 =	simm.s32 $0xE;
	s22 =	simm.s32 $0x10;
	s23 =	simm.s32 $0x11  }
0x6: {  	s26 =	simm.s32 $0x12;
	s0 =	sand.u32 $0x1, s0;
	s10 =	smul.u32 $0x1400, s9  }
0x7: {  	s28 =	simm.s32 $0x0;
	s3 =	sshll.u32 s0, $0x4;
	s6 =	smul.u32 $0x14000, s0  }
0x8: {  	s0 =	ssub.s32 $0x2, s0;
	s4 =	sor.u32 s9, s3;
	s3 =	rddreg [dreg:$0x2]  }
0x9: {  	s7 =	sshrl.u32 s10, $0x3;
	s8 =	sshrl.u32 s0, $0x1;
	s30 =	sadd.s32 s10, s2  }
0xa: {  	s5 =	smul.u32 $0x500, s4;
	s4 =	simm.s32 $0x0;
	s6 =	sadd.s32 s10, s6  }
0xb: {  	s11 =	sadd.s32 s7, s1;
	s0 =	ssub.s32 s0, s8;
	s7 =	sshll.u32 s9, $0x6  }
0xc: {  	s13 =	sadd.s32 s10, s3;
	s14 =	sshrl.u32 s30, $0x3;
	[smem:$0x7FF] =	sst s4  }
0xd: {  	s6 =	sshrl.u32 s6, $0x3;
	s31 =	sadd.s32 $0x15A00, s11;
	s9 =	sor.u32 $0x1C01, s7  }
0xe: {  	s10 =	sadd.s32 $0x18200, s11;
	s12 =	smax.u32 s0, $0x1;
	s15 =	sshrl.u32 s13, $0x3  }
0xf: {  	s0 =	simm.s32 $0x4;
	s13 =	simm.s32 $0x6;
	s5 =	sadd.s32 s5, s1  }
0x10: {  	_ =	strace $0x8000004D;
	[dreg:$0x6] =	wrdreg s31;
	s29 =	sadd.s32 $0xBA00, s5  }
0x11: {  	s1 =	sadd.s32 s6, s1;
	s5 =	sadd.s32 $0x1200, s5;
	[dreg:$0x4] =	wrdreg s29  }
0x12: {  	s11 =	sadd.s32 $0x1AA00, s1;
	s1 =	simm.s32 $0x2;
	[dreg:$0x5] =	wrdreg s5  }
.LBB2_1:
0x13: {  	s5 =	rddreg [dreg:$0x4]  }
0x14: {  	s25 =	rddreg [dreg:$0x5]  }
0x15: {  	[tilespmem:s4], [sflag:$0x1] =	stream.linear.gather [hbm4b:s5+s4], $0x2800, $0x38;
	[tilespmem:$0x1B800] =	vst v63  }
0x16: {  	s6 =	simm.s32 $0x2800;
	s31 =	rddreg [dreg:$0x6]  }
0x17: {  	[tilespmem:s6], [sflag:$0x1] =	stream.linear.gather [hbm4b:s25+s4], $0x2800, $0x38;
	[tilespmem:$0x1B800] =	vst v63  }
0x18: {  	[spmem:s14], [sflag:s9] =	dma.local [hbm:s31], $0x280  }
0x19: {  	[spmem:s15], [sflag:s9] =	dma.local [hbm:s10], $0x280  }
0x1a: {  	_ =	swait.ge [sflag:s16], $0x2800  }
0x1b: {  	[sflag:s16] =	ssyncset.done $0x0  }
0x1c: {  	[sflag:s16] =	ssyncadd.s32 $0xFFFFD800  }
0x1d: {  	_ =	swait.ge [sflag:s16], $0x2800  }
0x1e: {  	[sflag:s16] =	ssyncset.done $0x0  }
0x1f: {  	[sflag:s16] =	ssyncadd.s32 $0xFFFFD800  }
0x20: {  	_ =	swait.ge [sflag:s16], $0x280  }
0x21: {  	[sflag:s16] =	ssyncset.done $0x0  }
0x22: {  	[sflag:s16] =	ssyncadd.s32 $0xFFFFFD80  }
0x23: {  	_ =	swait.ge [sflag:s16], $0x280  }
0x24: {  	[sflag:s16] =	ssyncset.done $0x0  }
0x25: {  	[sflag:s16] =	ssyncadd.s32 $0xFFFFFD80  }
0x26: {  	s29 =	simm.s32 $0x5000;
	[bflag:$0x0] =	sbarrier.arrive $0xFFFF  }
0x27: {  	[tilespmem:s29], [sflag:$0x2] =	stream.indirect.gather [spmem:s2], $0x8, s4, s17, $0xb8;
	[tilespmem:$0x1B800] =	vst v63  }
0x28: {  	s6 =	simm.s32 $0x5400  }
0x29: {  	[tilespmem:s6], [sflag:$0x3] =	stream.indirect.gather [spmem:s2], $0x8, s17, s17, $0xb8;
	[tilespmem:$0x1B800] =	vst v63  }
0x2a: {  	s8 =	simm.s32 $0x100;
	s24 =	simm.s32 $0x5800  }
0x2b: {  	[tilespmem:s24], [sflag:$0x4] =	stream.indirect.gather [spmem:s2], $0x8, s8, s17, $0xb8;
	[tilespmem:$0x1B800] =	vst v63  }
0x2c: {  	s25 =	simm.s32 $0x180;
	s31 =	simm.s32 $0x5C00  }
0x2d: {  	[tilespmem:s31], [sflag:$0x5] =	stream.indirect.gather [spmem:s2], $0x8, s25, s17, $0xb8;
	[tilespmem:$0x1B800] =	vst v63  }
0x2e: {  	s8 =	simm.s32 $0x200;
	s24 =	simm.s32 $0x6000  }
0x2f: {  	[tilespmem:s24], [sflag:$0x6] =	stream.indirect.gather [spmem:s2], $0x8, s8, s17, $0xb8;
	[tilespmem:$0x1B800] =	vst v63  }
0x30: {  	s25 =	simm.s32 $0x280;
	s31 =	simm.s32 $0x6400  }
0x31: {  	[tilespmem:s31], [sflag:$0x7] =	stream.indirect.gather [spmem:s2], $0x8, s25, s17, $0xb8;
	[tilespmem:$0x1B800] =	vst v63  }
0x32: {  	s8 =	simm.s32 $0x300;
	s24 =	simm.s32 $0x6800  }
0x33: {  	[tilespmem:s24], [sflag:$0x8] =	stream.indirect.gather [spmem:s2], $0x8, s8, s17, $0xb8;
	[tilespmem:$0x1B800] =	vst v63  }
0x34: {  	s25 =	simm.s32 $0x380;
	s31 =	simm.s32 $0x6C00  }
0x35: {  	[tilespmem:s31], [sflag:$0x9] =	stream.indirect.gather [spmem:s2], $0x8, s25, s17, $0xb8;
	[tilespmem:$0x1B800] =	vst v63  }
0x36: {  	s8 =	simm.s32 $0x400;
	s24 =	simm.s32 $0x7000  }
0x37: {  	[tilespmem:s24], [sflag:$0xA] =	stream.indirect.gather [spmem:s2], $0x8, s8, s17, $0xb8;
	[tilespmem:$0x1B800] =	vst v63  }
0x38: {  	s25 =	simm.s32 $0x480;
	s31 =	simm.s32 $0x7400  }
0x39: {  	[tilespmem:s31], [sflag:$0xB] =	stream.indirect.gather [spmem:s2], $0x8, s25, s17, $0xb8;
	[tilespmem:$0x1B800] =	vst v63  }
0x3a: {  	s8 =	simm.s32 $0x500;
	s24 =	simm.s32 $0x7800  }
0x3b: {  	[tilespmem:s24], [sflag:$0xC] =	stream.indirect.gather [spmem:s2], $0x8, s8, s17, $0xb8;
	[tilespmem:$0x1B800] =	vst v63  }
0x3c: {  	s25 =	simm.s32 $0x580;
	s31 =	simm.s32 $0x7C00  }
0x3d: {  	[tilespmem:s31], [sflag:$0xD] =	stream.indirect.gather [spmem:s2], $0x8, s25, s17, $0xb8;
	[tilespmem:$0x1B800] =	vst v63  }
0x3e: {  	s8 =	simm.s32 $0x600;
	s24 =	simm.s32 $0x8000  }
0x3f: {  	[tilespmem:s24], [sflag:$0xE] =	stream.indirect.gather [spmem:s2], $0x8, s8, s17, $0xb8;
	[tilespmem:$0x1B800] =	vst v63  }
0x40: {  	s25 =	simm.s32 $0x680;
	s31 =	simm.s32 $0x8400  }
0x41: {  	[tilespmem:s31], [sflag:$0xF] =	stream.indirect.gather [spmem:s2], $0x8, s25, s17, $0xb8;
	[tilespmem:$0x1B800] =	vst v63  }
0x42: {  	s8 =	simm.s32 $0x700;
	s24 =	simm.s32 $0x8800  }
0x43: {  	[tilespmem:s24], [sflag:$0x10] =	stream.indirect.gather [spmem:s2], $0x8, s8, s17, $0xb8;
	[tilespmem:$0x1B800] =	vst v63  }
0x44: {  	s30 =	simm.s32 $0x0;
	s25 =	simm.s32 $0x780;
	s31 =	simm.s32 $0x8C00  }
0x45: {  	[tilespmem:s31], [sflag:$0x11] =	stream.indirect.gather [spmem:s2], $0x8, s25, s17, $0xb8;
	[tilespmem:$0x1B800] =	vst v63  }
.LBB2_2:
0x46: {  	_ =	swait.ge [sflag:s1], $0x400  }
0x47: {  	s31 =	sshra.s32 s30, $0x2;
	[sflag:s1] =	ssyncset.done $0x0  }
0x48: {  	p0 =	seq.s32 s30, $0x8000;
	s5 =	sadd.s32 $0x2800, s31;
	[sflag:s1] =	ssyncadd.s32 $0xFFFFFC00  }
0x49: {  	[spmem:s3] =	stream.indirect.scatter.add.f32 [tilespmem:s29], [sflag:$0x1], $0x8, s5, s17, $0xb8;
	[tilespmem:$0x1B800] =	vst v63  }
0x4a: {  	s5 =	simm.s32 @p0 $0x3  }
0x4b: {  	_ =	swait.ge @p0 [sflag:s5], $0x400  }
0x4c: {  	s24 =	simm.s32 @p0 $0x4880;
	[sflag:s5] =	ssyncset.done @p0 $0x0  }
0x4d: {  	s25 =	simm.s32 @p0 $0x15400;
	[sflag:s5] =	ssyncadd.s32 @p0 $0xFFFFFC00;
	s5 =	simm.s32 @p0 $0x80  }
0x4e: {  	[spmem:s3] =	stream.indirect.scatter.add.f32 @p0 [tilespmem:s25], [sflag:$0x1], $0x8, s24, s5, $0xb8;
	[tilespmem:$0x1B800] =	vst v63  }
0x4f: {  	s24 =	sshra.s32 @!p0 s30, $0x2  }
0x50: {  	s6 =	sadd.s32 @!p0 $0x4000, s29;
	s25 =	simm.s32 @!p0 $0x80;
	s8 =	sadd.s32 @!p0 $0x800, s24  }
0x51: {  	[tilespmem:s6], [sflag:$0x2] =	stream.indirect.gather @!p0 [spmem:s2], $0x8, s8, s25, $0xb8;
	[tilespmem:$0x1B800] =	vst v63  }
0x52: {  	s6 =	simm.s32 @!p0 $0x3  }
0x53: {  	_ =	swait.ge @!p0 [sflag:s6], $0x400  }
0x54: {  	[sflag:s6] =	ssyncset.done @!p0 $0x0  }
0x55: {  	s8 =	sadd.s32 @!p0 $0x400, s29;
	[sflag:s6] =	ssyncadd.s32 @!p0 $0xFFFFFC00;
	s6 =	sadd.s32 @!p0 $0x2880, s24  }
0x56: {  	[spmem:s3] =	stream.indirect.scatter.add.f32 @!p0 [tilespmem:s8], [sflag:$0x1], $0x8, s6, s25, $0xb8;
	[tilespmem:$0x1B800] =	vst v63  }
0x57: {  	s6 =	sadd.s32 @!p0 $0x4400, s29;
	s8 =	sadd.s32 @!p0 $0x880, s24  }
0x58: {  	[tilespmem:s6], [sflag:$0x3] =	stream.indirect.gather @!p0 [spmem:s2], $0x8, s8, s25, $0xb8;
	[tilespmem:$0x1B800] =	vst v63  }
0x59: {  	_ =	swait.ge [sflag:s0], $0x400  }
0x5a: {  	[sflag:s0] =	ssyncset.done $0x0  }
0x5b: {  	s6 =	sadd.s32 $0x800, s29;
	s8 =	sadd.s32 $0x2900, s31;
	[sflag:s0] =	ssyncadd.s32 $0xFFFFFC00  }
0x5c: {  	[spmem:s3] =	stream.indirect.scatter.add.f32 [tilespmem:s6], [sflag:$0x1], $0x8, s8, s17, $0xb8;
	[tilespmem:$0x1B800] =	vst v63  }
0x5d: {  	s6 =	simm.s32 @p0 $0x5  }
0x5e: {  	_ =	swait.ge @p0 [sflag:s6], $0x400  }
0x5f: {  	[sflag:s6] =	ssyncset.done @p0 $0x0  }
0x60: {  	s8 =	simm.s32 @p0 $0x15C00;
	[sflag:s6] =	ssyncadd.s32 @p0 $0xFFFFFC00;
	s6 =	simm.s32 @p0 $0x4980  }
0x61: {  	[spmem:s3] =	stream.indirect.scatter.add.f32 @p0 [tilespmem:s8], [sflag:$0x1], $0x8, s6, s5, $0xb8;
	[tilespmem:$0x1B800] =	vst v63  }
0x62: {  	s6 =	sadd.s32 @!p0 $0x4800, s29;
	s8 =	sadd.s32 @!p0 $0x900, s24  }
0x63: {  	[tilespmem:s6], [sflag:$0x4] =	stream.indirect.gather @!p0 [spmem:s2], $0x8, s8, s25, $0xb8;
	[tilespmem:$0x1B800] =	vst v63  }
0x64: {  	s6 =	simm.s32 @!p0 $0x5  }
0x65: {  	_ =	swait.ge @!p0 [sflag:s6], $0x400  }
0x66: {  	[sflag:s6] =	ssyncset.done @!p0 $0x0  }
0x67: {  	s8 =	sadd.s32 @!p0 $0xC00, s29;
	[sflag:s6] =	ssyncadd.s32 @!p0 $0xFFFFFC00;
	s6 =	sadd.s32 @!p0 $0x2980, s24  }
0x68: {  	[spmem:s3] =	stream.indirect.scatter.add.f32 @!p0 [tilespmem:s8], [sflag:$0x1], $0x8, s6, s25, $0xb8;
	[tilespmem:$0x1B800] =	vst v63  }
0x69: {  	s6 =	sadd.s32 @!p0 $0x4C00, s29;
	s8 =	sadd.s32 @!p0 $0x980, s24  }
0x6a: {  	[tilespmem:s6], [sflag:$0x5] =	stream.indirect.gather @!p0 [spmem:s2], $0x8, s8, s25, $0xb8;
	[tilespmem:$0x1B800] =	vst v63  }
0x6b: {  	_ =	swait.ge [sflag:s13], $0x400  }
0x6c: {  	[sflag:s13] =	ssyncset.done $0x0  }
0x6d: {  	s6 =	sadd.s32 $0x1000, s29;
	s8 =	sadd.s32 $0x2A00, s31;
	[sflag:s13] =	ssyncadd.s32 $0xFFFFFC00  }
0x6e: {  	[spmem:s3] =	stream.indirect.scatter.add.f32 [tilespmem:s6], [sflag:$0x1], $0x8, s8, s17, $0xb8;
	[tilespmem:$0x1B800] =	vst v63  }
0x6f: {  	s6 =	simm.s32 @p0 $0x7  }
0x70: {  	_ =	swait.ge @p0 [sflag:s6], $0x400  }
0x71: {  	[sflag:s6] =	ssyncset.done @p0 $0x0  }
0x72: {  	s8 =	simm.s32 @p0 $0x16400;
	[sflag:s6] =	ssyncadd.s32 @p0 $0xFFFFFC00;
	s6 =	simm.s32 @p0 $0x4A80  }
0x73: {  	[spmem:s3] =	stream.indirect.scatter.add.f32 @p0 [tilespmem:s8], [sflag:$0x1], $0x8, s6, s5, $0xb8;
	[tilespmem:$0x1B800] =	vst v63  }
0x74: {  	s6 =	sadd.s32 @!p0 $0x5000, s29;
	s8 =	sadd.s32 @!p0 $0xA00, s24  }
0x75: {  	[tilespmem:s6], [sflag:$0x6] =	stream.indirect.gather @!p0 [spmem:s2], $0x8, s8, s25, $0xb8;
	[tilespmem:$0x1B800] =	vst v63  }
0x76: {  	s6 =	simm.s32 @!p0 $0x7  }
0x77: {  	_ =	swait.ge @!p0 [sflag:s6], $0x400  }
0x78: {  	[sflag:s6] =	ssyncset.done @!p0 $0x0  }
0x79: {  	s8 =	sadd.s32 @!p0 $0x1400, s29;
	[sflag:s6] =	ssyncadd.s32 @!p0 $0xFFFFFC00;
	s6 =	sadd.s32 @!p0 $0x2A80, s24  }
0x7a: {  	[spmem:s3] =	stream.indirect.scatter.add.f32 @!p0 [tilespmem:s8], [sflag:$0x1], $0x8, s6, s25, $0xb8;
	[tilespmem:$0x1B800] =	vst v63  }
0x7b: {  	s6 =	sadd.s32 @!p0 $0x5400, s29;
	s8 =	sadd.s32 @!p0 $0xA80, s24  }
0x7c: {  	[tilespmem:s6], [sflag:$0x7] =	stream.indirect.gather @!p0 [spmem:s2], $0x8, s8, s25, $0xb8;
	[tilespmem:$0x1B800] =	vst v63  }
0x7d: {  	_ =	swait.ge [sflag:s18], $0x400  }
0x7e: {  	[sflag:s18] =	ssyncset.done $0x0  }
0x7f: {  	s6 =	sadd.s32 $0x1800, s29;
	s8 =	sadd.s32 $0x2B00, s31;
	[sflag:s18] =	ssyncadd.s32 $0xFFFFFC00  }
0x80: {  	[spmem:s3] =	stream.indirect.scatter.add.f32 [tilespmem:s6], [sflag:$0x1], $0x8, s8, s17, $0xb8;
	[tilespmem:$0x1B800] =	vst v63  }
0x81: {  	s6 =	simm.s32 @p0 $0x9  }
0x82: {  	_ =	swait.ge @p0 [sflag:s6], $0x400  }
0x83: {  	[sflag:s6] =	ssyncset.done @p0 $0x0  }
0x84: {  	s8 =	simm.s32 @p0 $0x16C00;
	[sflag:s6] =	ssyncadd.s32 @p0 $0xFFFFFC00;
	s6 =	simm.s32 @p0 $0x4B80  }
0x85: {  	[spmem:s3] =	stream.indirect.scatter.add.f32 @p0 [tilespmem:s8], [sflag:$0x1], $0x8, s6, s5, $0xb8;
	[tilespmem:$0x1B800] =	vst v63  }
0x86: {  	s6 =	sadd.s32 @!p0 $0x5800, s29;
	s8 =	sadd.s32 @!p0 $0xB00, s24  }
0x87: {  	[tilespmem:s6], [sflag:$0x8] =	stream.indirect.gather @!p0 [spmem:s2], $0x8, s8, s25, $0xb8;
	[tilespmem:$0x1B800] =	vst v63  }
0x88: {  	s6 =	simm.s32 @!p0 $0x9  }
0x89: {  	_ =	swait.ge @!p0 [sflag:s6], $0x400  }
0x8a: {  	[sflag:s6] =	ssyncset.done @!p0 $0x0  }
0x8b: {  	s8 =	sadd.s32 @!p0 $0x1C00, s29;
	[sflag:s6] =	ssyncadd.s32 @!p0 $0xFFFFFC00;
	s6 =	sadd.s32 @!p0 $0x2B80, s24  }
0x8c: {  	[spmem:s3] =	stream.indirect.scatter.add.f32 @!p0 [tilespmem:s8], [sflag:$0x1], $0x8, s6, s25, $0xb8;
	[tilespmem:$0x1B800] =	vst v63  }
0x8d: {  	s6 =	sadd.s32 @!p0 $0x5C00, s29;
	s8 =	sadd.s32 @!p0 $0xB80, s24  }
0x8e: {  	[tilespmem:s6], [sflag:$0x9] =	stream.indirect.gather @!p0 [spmem:s2], $0x8, s8, s25, $0xb8;
	[tilespmem:$0x1B800] =	vst v63  }
0x8f: {  	_ =	swait.ge [sflag:s19], $0x400  }
0x90: {  	[sflag:s19] =	ssyncset.done $0x0  }
0x91: {  	s6 =	sadd.s32 $0x2000, s29;
	s8 =	sadd.s32 $0x2C00, s31;
	[sflag:s19] =	ssyncadd.s32 $0xFFFFFC00  }
0x92: {  	[spmem:s3] =	stream.indirect.scatter.add.f32 [tilespmem:s6], [sflag:$0x1], $0x8, s8, s17, $0xb8;
	[tilespmem:$0x1B800] =	vst v63  }
0x93: {  	s6 =	simm.s32 @p0 $0xB  }
0x94: {  	_ =	swait.ge @p0 [sflag:s6], $0x400  }
0x95: {  	[sflag:s6] =	ssyncset.done @p0 $0x0  }
0x96: {  	s8 =	simm.s32 @p0 $0x17400;
	[sflag:s6] =	ssyncadd.s32 @p0 $0xFFFFFC00;
	s6 =	simm.s32 @p0 $0x4C80  }
0x97: {  	[spmem:s3] =	stream.indirect.scatter.add.f32 @p0 [tilespmem:s8], [sflag:$0x1], $0x8, s6, s5, $0xb8;
	[tilespmem:$0x1B800] =	vst v63  }
0x98: {  	s6 =	sadd.s32 @!p0 $0x6000, s29;
	s8 =	sadd.s32 @!p0 $0xC00, s24  }
0x99: {  	[tilespmem:s6], [sflag:$0xA] =	stream.indirect.gather @!p0 [spmem:s2], $0x8, s8, s25, $0xb8;
	[tilespmem:$0x1B800] =	vst v63  }
0x9a: {  	s6 =	simm.s32 @!p0 $0xB  }
0x9b: {  	_ =	swait.ge @!p0 [sflag:s6], $0x400  }
0x9c: {  	[sflag:s6] =	ssyncset.done @!p0 $0x0  }
0x9d: {  	s8 =	sadd.s32 @!p0 $0x2400, s29;
	[sflag:s6] =	ssyncadd.s32 @!p0 $0xFFFFFC00;
	s6 =	sadd.s32 @!p0 $0x2C80, s24  }
0x9e: {  	[spmem:s3] =	stream.indirect.scatter.add.f32 @!p0 [tilespmem:s8], [sflag:$0x1], $0x8, s6, s25, $0xb8;
	[tilespmem:$0x1B800] =	vst v63  }
0x9f: {  	s6 =	sadd.s32 @!p0 $0x6400, s29;
	s8 =	sadd.s32 @!p0 $0xC80, s24  }
0xa0: {  	[tilespmem:s6], [sflag:$0xB] =	stream.indirect.gather @!p0 [spmem:s2], $0x8, s8, s25, $0xb8;
	[tilespmem:$0x1B800] =	vst v63  }
0xa1: {  	_ =	swait.ge [sflag:s20], $0x400  }
0xa2: {  	[sflag:s20] =	ssyncset.done $0x0  }
0xa3: {  	s6 =	sadd.s32 $0x2800, s29;
	s8 =	sadd.s32 $0x2D00, s31;
	[sflag:s20] =	ssyncadd.s32 $0xFFFFFC00  }
0xa4: {  	[spmem:s3] =	stream.indirect.scatter.add.f32 [tilespmem:s6], [sflag:$0x1], $0x8, s8, s17, $0xb8;
	[tilespmem:$0x1B800] =	vst v63  }
0xa5: {  	s6 =	simm.s32 @p0 $0xD  }
0xa6: {  	_ =	swait.ge @p0 [sflag:s6], $0x400  }
0xa7: {  	[sflag:s6] =	ssyncset.done @p0 $0x0  }
0xa8: {  	s8 =	simm.s32 @p0 $0x17C00;
	[sflag:s6] =	ssyncadd.s32 @p0 $0xFFFFFC00;
	s6 =	simm.s32 @p0 $0x4D80  }
0xa9: {  	[spmem:s3] =	stream.indirect.scatter.add.f32 @p0 [tilespmem:s8], [sflag:$0x1], $0x8, s6, s5, $0xb8;
	[tilespmem:$0x1B800] =	vst v63  }
0xaa: {  	s6 =	sadd.s32 @!p0 $0x6800, s29;
	s8 =	sadd.s32 @!p0 $0xD00, s24  }
0xab: {  	[tilespmem:s6], [sflag:$0xC] =	stream.indirect.gather @!p0 [spmem:s2], $0x8, s8, s25, $0xb8;
	[tilespmem:$0x1B800] =	vst v63  }
0xac: {  	s6 =	simm.s32 @!p0 $0xD  }
0xad: {  	_ =	swait.ge @!p0 [sflag:s6], $0x400  }
0xae: {  	[sflag:s6] =	ssyncset.done @!p0 $0x0  }
0xaf: {  	s8 =	sadd.s32 @!p0 $0x2C00, s29;
	[sflag:s6] =	ssyncadd.s32 @!p0 $0xFFFFFC00;
	s6 =	sadd.s32 @!p0 $0x2D80, s24  }
0xb0: {  	[spmem:s3] =	stream.indirect.scatter.add.f32 @!p0 [tilespmem:s8], [sflag:$0x1], $0x8, s6, s25, $0xb8;
	[tilespmem:$0x1B800] =	vst v63  }
0xb1: {  	s6 =	sadd.s32 @!p0 $0x6C00, s29;
	s8 =	sadd.s32 @!p0 $0xD80, s24  }
0xb2: {  	[tilespmem:s6], [sflag:$0xD] =	stream.indirect.gather @!p0 [spmem:s2], $0x8, s8, s25, $0xb8;
	[tilespmem:$0x1B800] =	vst v63  }
0xb3: {  	_ =	swait.ge [sflag:s21], $0x400  }
0xb4: {  	[sflag:s21] =	ssyncset.done $0x0  }
0xb5: {  	s6 =	sadd.s32 $0x3000, s29;
	s8 =	sadd.s32 $0x2E00, s31;
	[sflag:s21] =	ssyncadd.s32 $0xFFFFFC00  }
0xb6: {  	[spmem:s3] =	stream.indirect.scatter.add.f32 [tilespmem:s6], [sflag:$0x1], $0x8, s8, s17, $0xb8;
	[tilespmem:$0x1B800] =	vst v63  }
0xb7: {  	s6 =	simm.s32 @p0 $0xF  }
0xb8: {  	_ =	swait.ge @p0 [sflag:s6], $0x400  }
0xb9: {  	[sflag:s6] =	ssyncset.done @p0 $0x0  }
0xba: {  	s8 =	simm.s32 @p0 $0x18400;
	[sflag:s6] =	ssyncadd.s32 @p0 $0xFFFFFC00;
	s6 =	simm.s32 @p0 $0x4E80  }
0xbb: {  	[spmem:s3] =	stream.indirect.scatter.add.f32 @p0 [tilespmem:s8], [sflag:$0x1], $0x8, s6, s5, $0xb8;
	[tilespmem:$0x1B800] =	vst v63  }
0xbc: {  	s5 =	sadd.s32 @!p0 $0x7000, s29;
	s6 =	sadd.s32 @!p0 $0xE00, s24  }
0xbd: {  	[tilespmem:s5], [sflag:$0xE] =	stream.indirect.gather @!p0 [spmem:s2], $0x8, s6, s25, $0xb8;
	[tilespmem:$0x1B800] =	vst v63  }
0xbe: {  	s5 =	simm.s32 @!p0 $0xF  }
0xbf: {  	_ =	swait.ge @!p0 [sflag:s5], $0x400  }
0xc0: {  	[sflag:s5] =	ssyncset.done @!p0 $0x0  }
0xc1: {  	s6 =	sadd.s32 @!p0 $0x3400, s29;
	[sflag:s5] =	ssyncadd.s32 @!p0 $0xFFFFFC00;
	s5 =	sadd.s32 @!p0 $0x2E80, s24  }
0xc2: {  	[spmem:s3] =	stream.indirect.scatter.add.f32 @!p0 [tilespmem:s6], [sflag:$0x1], $0x8, s5, s25, $0xb8;
	[tilespmem:$0x1B800] =	vst v63  }
0xc3: {  	s5 =	sadd.s32 @!p0 $0x7400, s29;
	s6 =	sadd.s32 @!p0 $0xE80, s24  }
0xc4: {  	[tilespmem:s5], [sflag:$0xF] =	stream.indirect.gather @!p0 [spmem:s2], $0x8, s6, s25, $0xb8;
	[tilespmem:$0x1B800] =	vst v63  }
.Ltmp0:
0xc5: {  	_ = 	snop;
	(pc) =	sbr.rel @p0 .LBB2_4-.Ltmp0, $4  }
0xc6: {  	_ =	swait.ge [sflag:s22], $0x400  }
0xc7: {  	[sflag:s22] =	ssyncset.done $0x0  }
0xc8: {  	s24 =	sadd.s32 $0x3800, s29;
	s25 =	sadd.s32 $0x2F00, s31;
	[sflag:s22] =	ssyncadd.s32 $0xFFFFFC00  }
0xc9: {  	[spmem:s3] =	stream.indirect.scatter.add.f32 [tilespmem:s24], [sflag:$0x1], $0x8, s25, s17, $0xb8;
	[tilespmem:$0x1B800] =	vst v63  }
0xca: {  	s5 =	sadd.s32 $0x7800, s29;
	s6 =	sadd.s32 $0xF00, s31  }
0xcb: {  	[tilespmem:s5], [sflag:$0x10] =	stream.indirect.gather [spmem:s2], $0x8, s6, s17, $0xb8;
	[tilespmem:$0x1B800] =	vst v63  }
0xcc: {  	_ =	swait.ge [sflag:s23], $0x400  }
.Ltmp1:
0xcd: {  	s8 =	sadd.s32 $0x3C00, s29;
	[sflag:s23] =	ssyncset.done $0x0;
	(pc) =	sbr.rel .LBB2_2-.Ltmp1, $4  }
0xce: {  	s24 =	sadd.s32 $0x2F80, s31;
	s25 =	sadd.s32 $0x7C00, s29;
	[sflag:s23] =	ssyncadd.s32 $0xFFFFFC00  }
0xcf: {  	[spmem:s3] =	stream.indirect.scatter.add.f32 [tilespmem:s8], [sflag:$0x1], $0x8, s24, s17, $0xb8;
	[tilespmem:$0x1B800] =	vst v63  }
0xd0: {  	s31 =	sadd.s32 $0xF80, s31;
	s30 =	sadd.s32 $0x2000, s30;
	s29 =	sadd.s32 $0x4000, s29  }
0xd1: {  	[tilespmem:s25], [sflag:$0x11] =	stream.indirect.gather [spmem:s2], $0x8, s31, s17, $0xb8;
	[tilespmem:$0x1B800] =	vst v63  }
.LBB2_4:
0xd2: {  	_ =	swait.ge [sflag:s23], $0x400  }
0xd3: {  	[sflag:s23] =	ssyncset.done $0x0  }
0xd4: {  	s5 =	simm.s32 $0x4F80;
	s6 =	simm.s32 $0x18C00;
	[sflag:s23] =	ssyncadd.s32 $0xFFFFFC00  }
0xd5: {  	[spmem:s3] =	stream.indirect.scatter.add.f32 [tilespmem:s6], [sflag:$0x1], $0x8, s5, s17, $0xb8;
	[tilespmem:$0x1B800] =	vst v63  }
0xd6: {  	_ =	swait.ge [sflag:s16], $0x400  }
0xd7: {  	s5 =	simm.s32 $0x4F;
	[sflag:s16] =	ssyncset.done $0x0  }
.LBB2_5:
0xd8: {  	p0 =	sne.s32 s5, $0x1;
	s5 =	sadd.s32 $0xFFFFFFFF, s5;
	[sflag:s16] =	ssyncadd.s32 $0xFFFFFC00  }
.Ltmp2:
0xd9: {  	(pc) =	sbr.rel @p0 .LBB2_5-.Ltmp2, $3  }
0xda: {  	_ =	sdelay $0x1  }
0xdb: {  	_ =	swait.ge [sflag:s16], $0x400  }
0xdc: {  	[sflag:s16] =	ssyncset.done $0x0  }
0xdd: {  	s28 =	sadd.s32 $0x1, s28  }
0xde: {  	[sflag:s16] =	ssyncadd.s32 $0xFFFFFC00;
	p0 =	sne.s32 s28, s12  }
.Ltmp3:
0xdf: {  	s5 =	sor.u32 $0x1C12, s7;
	[bflag:$0x0] =	sbarrier.arrive $0xFFFF;
	(pc) =	sbr.rel @p0 .LBB2_1-.Ltmp3, $4  }
0xe0: {  	[hbm:s11], [sflag:s5] =	dma.local [spmem:s15], $0x280  }
0xe1: {  	_ =	swait.ge [sflag:s26], $0x280  }
0xe2: {  	[sflag:s26] =	ssyncset.done $0x0  }
0xe3: {  	[sflag:s26] =	ssyncadd.s32 $0xFFFFFD80  }
0xe4: {  	_ =	sfence.sel $0x180000  }
0xe5: {  	[bflag:$0x0] =	sbarrier.arrive $0xFFFF  }
0xe6: {  	_ =	strace $0x9000004D  }
0xe7: {  	s0 =	stileid.u32;
	[bflag:$0x2] =	sbarrier.arrive $0xFFFF  }
0xe8: {  	p0 =	sne.s32 s0, $0x0;
	s0 =	rddreg [dreg:$0x3]  }
0xe9: {  	s0 =	sadd.s32 @!p0 $0x100000, s0  }
0xea: {  	[sflag:s0] =	ssyncadd.tile.s32 @!p0 $0x1;
	_ =	shalt  }
.Lfunc_end2:
_tile_overlayer_lowered:
.L_overlay_start_2:
0xeb: {  	(tag) =	ssettag $0x2  }
0xec: {  	s0 =	rddreg [dreg:$0x0];
	s2 =	stileid.u32  }
0xed: {  	s1 =	rddreg [dreg:$0x1];
	p0 =	sne.s32 s2, $0x0  }
0xee: {  	s3 =	rddreg [dreg:$0x2];
	[bflag:$0x3] =	sbarrier.arrive $0xFFFF;
	s2 =	simm.s32 @!p0 $0x1C12  }
0xef: {  	[timem:s3], [sflag:s2] =	dma.local @!p0 [hbm:s0], s1  }
0xf0: {  	s0 =	simm.s32 @!p0 $0x12  }
0xf1: {  	_ =	swait.ge @!p0 [sflag:s0], s1  }
0xf2: {  	s1 =	ssub.s32 @!p0 $0x0, s1;
	[sflag:s0] =	ssyncset.done @!p0 $0x0  }
0xf3: {  	[sflag:s0] =	ssyncadd.s32 @!p0 s1  }
0xf4: {  	[bflag:$0x3] =	sbarrier.arrive $0xFFFF  }
0xf5: {  	_ =	shalt  }

// kernel: kernel.8.cloned.1.call-start
scs
__scs_entry_jumppad:
0x0: {  	(pc) =	sbr.rel $0x88, $3  }
0x1: {  	(tag) =	ssettag $0x0;
	lr =	simm.s32 $0x1  }
0x2: {  	[smem:$0x3F9B] =	sst lr;
	_ =	strace $0xD0000000  }
0x3: {  	_ = 	snop  }
0x4: {  	_ = 	snop  }
0x5: {  	_ = 	snop  }
0x6: {  	_ = 	snop  }
0x7: {  	_ = 	snop  }
__scs_overlays_trampoline_lowered:
0x8: {  	[smem:$0x3FAA] =	sst s0  }
0x9: {  	[smem:$0x3FAB] =	sst s1  }
0xa: {  	[smem:$0x3FAC] =	sst s2  }
0xb: {  	[smem:$0x3FAD] =	sst s3  }
0xc: {  	[smem:$0x3FAE] =	sst s4  }
0xd: {  	[smem:$0x3FAF] =	sst s5  }
0xe: {  	[smem:$0x3FB0] =	sst s6  }
0xf: {  	[smem:$0x3FB1] =	sst s7  }
0x10: {  	[smem:$0x3FB2] =	sst s8  }
0x11: {  	[smem:$0x3FB3] =	sst s9;
	s0 =	simm.s32 @!p0 $0x0  }
0x12: {  	s1 =	sld [smem:$0x3F99];
	s0 =	simm.s32 @p0 $0x1  }
0x13: {  	[smem:$0x3FB4] =	sst s0;
	s0 =	simm.s32 @!p1 $0x0  }
0x14: {  	s2 =	sld [smem:$0x3F98];
	s0 =	simm.s32 @p1 $0x1  }
0x15: {  	[smem:$0x3FB5] =	sst s0;
	s0 =	simm.s32 @!p2 $0x0  }
0x16: {  	s3 =	sld [smem:$0x3FDB];
	s0 =	simm.s32 @p2 $0x1  }
0x17: {  	s4 =	simm.s32 $0x1BF5;
	[smem:$0x3FB7] =	sst s0  }
0x18: {  	s0 =	sld [smem:$0x3F9A];
	_ =	swait.ge [sflag:s4], $0x0  }
0x19: {  	s7 =	sld [smem:$0x3F9B]  }
0x1a: {  	s8 =	sadd.s32 $0xFFFFE003, lr  }
0x1b: {  	s9 =	sadd.s32 $0xFFFFFEF7, lr;
	s5 =	simm.s32 $0xFFFFFFFF;
	p2 =	slt.u32 s8, $0xFFFFF086  }
0x1c: {  	p1 =	slt.u32 s9, $0xF7A;
	s5 =	simm.s32 @!p2 $0x0  }
0x1d: {  	s5 =	simm.s32 @p1 $0x1;
	p0 =	seq.s32 s7, s2  }
0x1e: {  	s7 =	smul.u32 @!p0 $0xF7A, s2;
	p2 =	seq.s32 @!p0 s5, $0x0  }
0x1f: {  	s9 =	smul.u32 $0xF7A, s1;
	s8 =	simm.s32 @!p0 $0x1BF5;
	p2 =	por !p2, p0  }
0x20: {  	[sflag:s8] =	ssyncset.s32 @!p0 $0xFFFFF086;
	s6 =	sadd.s32 @!p0 s3, s7;
	s7 =	simm.s32 @!p0 $0x108  }
0x21: {  	s3 =	sadd.s32 s3, s9;
	s6 =	sadd.s32 @!p0 $0x88, s6;
	s7 =	simm.s32 @p2 $0x1082  }
0x22: {  	[simem:s7], [sflag:s8] =	dma.local @!p0 [hbm:s6], $0xF7A  }
0x23: {  	s9 =	sor.u32 $0xD0000000, s2;
	s6 =	simm.s32 $0x108;
	_ =	swait.ge @!p0 [sflag:s8], $0x0  }
0x24: {  	s3 =	sadd.s32 $0x88, s3;
	s6 =	simm.s32 @!p1 $0x1082;
	[sflag:s4] =	ssyncset.s32 $0xFFFFF086  }
0x25: {  	[simem:s6], [sflag:s4] =	dma.local [hbm:s3], $0xF7A  }
0x26: {  	[smem:$0x3F9B] =	sst s1;
	(tag) =	ssettag s2;
	_ =	strace s9  }
0x27: {  	s1 =	sld [smem:$0x3FAB]  }
0x28: {  	s2 =	sld [smem:$0x3FAC]  }
0x29: {  	s4 =	sld [smem:$0x3FAE]  }
0x2a: {  	p0 =	seq.s32 s5, $0x0;
	s5 =	sld [smem:$0x3FAF]  }
0x2b: {  	s6 =	sld [smem:$0x3FB0]  }
0x2c: {  	s7 =	sld [smem:$0x3FB1]  }
0x2d: {  	s3 =	simm.s32 $0x108;
	s8 =	sld [smem:$0x3FB2]  }
0x2e: {  	s3 =	simm.s32 @!p0 $0x1082;
	s9 =	sld [smem:$0x3FB3]  }
0x2f: {  	lr =	sadd.s32 s0, s3;
	s0 =	sld [smem:$0x3FAA]  }
0x30: {  	s3 =	sld [smem:$0x3FAD]  }
0x31: {  	[smem:$0x3FB6] =	sst s10  }
0x32: {  	s10 =	sld [smem:$0x3FB4];
	_ =	sdelay $0x3  }
0x33: {  	p0 =	seq.s32 s10, $0x1;
	s10 =	sld [smem:$0x3FB6];
	_ =	sdelay $0x3  }
0x34: {  	[smem:$0x3FB6] =	sst s10  }
0x35: {  	s10 =	sld [smem:$0x3FB5];
	_ =	sdelay $0x3  }
0x36: {  	p1 =	seq.s32 s10, $0x1;
	s10 =	sld [smem:$0x3FB6];
	_ =	sdelay $0x3  }
0x37: {  	[smem:$0x3FB6] =	sst s10  }
0x38: {  	s10 =	sld [smem:$0x3FB7]  }
0x39: {  	_ = 	snop;
	(pc) =	sbr.ind lr, $3  }
0x3a: {  	_ = 	snop  }
0x3b: {  	_ = 	snop  }
0x3c: {  	p2 =	seq.s32 s10, $0x1;
	s10 =	sld [smem:$0x3FB6]  }
0x3d: {  	_ =	shalt  }
0x3e: {  	_ =	shalt  }
0x3f: {  	_ =	shalt  }
0x40: {  	_ =	shalt  }
0x41: {  	_ =	shalt  }
0x42: {  	_ =	shalt  }
0x43: {  	_ =	shalt  }
0x44: {  	_ =	shalt  }
0x45: {  	_ =	shalt  }
0x46: {  	_ =	shalt  }
0x47: {  	_ =	shalt  }
0x48: {  	_ =	shalt  }
0x49: {  	_ =	shalt  }
0x4a: {  	_ =	shalt  }
0x4b: {  	_ =	shalt  }
0x4c: {  	_ =	shalt  }
0x4d: {  	_ =	shalt  }
0x4e: {  	_ =	shalt  }
0x4f: {  	_ =	shalt  }
0x50: {  	_ =	shalt  }
0x51: {  	_ =	shalt  }
0x52: {  	_ =	shalt  }
0x53: {  	_ =	shalt  }
0x54: {  	_ =	shalt  }
0x55: {  	_ =	shalt  }
0x56: {  	_ =	shalt  }
0x57: {  	_ =	shalt  }
0x58: {  	_ =	shalt  }
0x59: {  	_ =	shalt  }
0x5a: {  	_ =	shalt  }
0x5b: {  	_ =	shalt  }
0x5c: {  	_ =	shalt  }
0x5d: {  	_ =	shalt  }
0x5e: {  	_ =	shalt  }
0x5f: {  	_ =	shalt  }
0x60: {  	_ =	shalt  }
0x61: {  	_ =	shalt  }
0x62: {  	_ =	shalt  }
0x63: {  	_ =	shalt  }
0x64: {  	_ =	shalt  }
0x65: {  	_ =	shalt  }
0x66: {  	_ =	shalt  }
0x67: {  	_ =	shalt  }
0x68: {  	_ =	shalt  }
0x69: {  	_ =	shalt  }
0x6a: {  	_ =	shalt  }
0x6b: {  	_ =	shalt  }
0x6c: {  	_ =	shalt  }
0x6d: {  	_ =	shalt  }
0x6e: {  	_ =	shalt  }
0x6f: {  	_ =	shalt  }
0x70: {  	_ =	shalt  }
0x71: {  	_ =	shalt  }
0x72: {  	_ =	shalt  }
0x73: {  	_ =	shalt  }
0x74: {  	_ =	shalt  }
0x75: {  	_ =	shalt  }
0x76: {  	_ =	shalt  }
0x77: {  	_ =	shalt  }
0x78: {  	_ =	shalt  }
0x79: {  	_ =	shalt  }
0x7a: {  	_ =	shalt  }
0x7b: {  	_ =	shalt  }
0x7c: {  	_ =	shalt  }
0x7d: {  	_ =	shalt  }
0x7e: {  	_ =	shalt  }
0x7f: {  	_ =	shalt  }
0x80: {  	_ =	shalt  }
0x81: {  	_ =	shalt  }
0x82: {  	_ =	shalt  }
0x83: {  	_ =	shalt  }
0x84: {  	_ =	shalt  }
0x85: {  	_ =	shalt  }
0x86: {  	_ =	shalt  }
0x87: {  	_ =	shalt  }
.Lfunc_end0:
.L_simem_size_0:
called_computation_lowered:
.L_overlay_start_0:
0x88: {  	s2 =	sld [smem:$0x3FD9]  }
0x89: {  	s3 =	sld [smem:$0x3FFE];
	_ =	sdelay $0x1  }
0x8a: {  	s1 =	srdreg.scid  }
0x8b: {  	s0 =	sand.u32 $0x1, s1  }
0x8c: {  	s17 =	sshll.u32 s0, $0xA;
	s2 =	sadd.s32 s3, s2  }
0x8d: {  	s2 =	sadd.s32 s2, s17  }
0x8e: {  	[smem:$0x3FC2] =	sst s2  }
0x8f: {  	_ = 	snop  }
0x90: {  	s2 =	sld [smem:$0x3FD0];
	(tm) =	ssettm $0x1  }
0x91: {  	s18 =	sld [smem:$0x3FFB];
	_ =	sdelay $0x3  }
0x92: {  	_ =	strace s18  }
0x93: {  	s3 =	sld [smem:$0x3FFC];
	_ =	sdelay $0x3  }
0x94: {  	_ =	strace s3  }
0x95: {  	s3 =	sld [smem:$0x3FFD];
	_ =	sdelay $0x3  }
0x96: {  	_ =	strace s3  }
0x97: {  	_ =	strace $0x8FFFFFFF  }
0x98: {  	s19 =	sld [smem:$0x3FDB];
	_ =	sdelay $0x1  }
0x99: {  	s4 =	simm.s32 $_scs_section_size  }
0x9a: {  	s5 =	simm.s32 $_size__tile_overlayer_lowered;
	s6 =	simm.s32 $_tile_overlayer_lowered  }
0x9b: {  	s22 =	simm.s32 $0x1BFF;
	s21 =	sshll.u32 s6, $0x1;
	s3 =	sadd.s32 s4, s19  }
0x9c: {  	s7 =	simm.s32 $0x0;
	s20 =	sshll.u32 s5, $0x1;
	s5 =	sadd.s32 s21, s3  }
0x9d: {  	[timem:s7], [sflag:s22] =	dma.local [hbm:s5], s20  }
0x9e: {  	_ =	swait.ge [sflag:s22], s20  }
0x9f: {  	s4 =	ssub.s32 $0x0, s20;
	[sflag:s22] =	ssyncset.done $0x0  }
0xa0: {  	[sflag:s22] =	ssyncadd.s32 s4;
	_ =	sdelay $0x1  }
0xa1: {  	s23 =	simm.s32 $0x1B8B  }
0xa2: {  	_ =	swait.ge [sflag:s23], $0x1  }
0xa3: {  	[sflag:s23] =	ssyncset.done $0x0  }
0xa4: {  	s25 =	simm.s32 $0x1B8E;
	s24 =	sld [smem:$0x3FFE];
	[sflag:s23] =	ssyncadd.s32 $0xFFFFFFFF  }
0xa5: {  	s26 =	simm.s32 $execute0_lowered;
	[smem:$0x3FD2] =	sst s25  }
0xa6: {  	s5 =	sshll.u32 s26, $0x1;
	_ =	strace $0x80000046;
	[dreg:$0x1] =	wrdreg $0xFFFFFFFF  }
0xa7: {  	s28 =	simm.s32 $_size_execute0_lowered;
	s3 =	sadd.s32 s3, s5;
	[dreg:$0x0] =	wrdreg $0x0  }
0xa8: {  	s5 =	sshll.u32 s28, $0x1;
	[dreg:$0x2] =	wrdreg s3  }
0xa9: {  	[dreg:$0x3] =	wrdreg s5  }
0xaa: {  	[dreg:$0x4] =	wrdreg $0xC0  }
0xab: {  	_ =	task [dreg:s7], $0x5FFFF  }
0xac: {  	[dreg:$0x1] =	wrdreg $0xFFFFFFFF  }
0xad: {  	[dreg:$0x0] =	wrdreg $0x60  }
0xae: {  	[dreg:$0x2] =	wrdreg s24  }
0xaf: {  	[dreg:$0x3] =	wrdreg s2  }
0xb0: {  	[dreg:$0x4] =	wrdreg $0x28800  }
0xb1: {  	[dreg:$0x5] =	wrdreg $0x9  }
0xb2: {  	_ =	task.clear_ibuf [dreg:s7], $0x6FFFF;
	_ =	strace $0x90000046  }
0xb3: {  	s29 =	simm.s32 $0x9;
	_ =	strace $0x80000048  }
0xb4: {  	_ =	swait.ge [sflag:s29], $0x1  }
0xb5: {  	[sflag:s29] =	ssyncadd.s32 $0xFFFFFFFF  }
0xb6: {  	_ =	strace $0x90000048  }
0xb7: {  	_ =	sfence  }
0xb8: {  	s30 =	sld [smem:$0x0];
	_ =	sdelay $0x2  }
0xb9: {  	s31 =	sshll.u32 s1, $0xD;
	s1 =	sshrl.u32 s1, $0x2  }
0xba: {  	s3 =	sand.u32 $0x4000, s31;
	s1 =	sadd.s32 s1, s30  }
0xbb: {  	s0 =	sor.u32 s3, s0;
	s1 =	sshll.u32 s1, $0x11  }
0xbc: {  	s0 =	sor.u32 s1, s0  }
0xbd: {  	s0 =	sadd.s32 $0x8F2B, s0  }
0xbe: {  	[sflag:s0] =	ssyncadd.remote.s32 $0x1  }
0xbf: {  	_ =	sfence.sel $0xFFFF  }
0xc0: {  	[dreg:$0x0] =	wrdreg $0xFFFFFFFF;
	(pc) =	sbr.abs _section_cstart, $3  }
0xc1: {  	[dreg:$0x1] =	wrdreg $0xFFFFFFFF  }
0xc2: {  	_ =	task.clear_ibuf [dreg:s7], $0x2FFFF;
	_ =	strace $0x9FFFFFFF  }
0xc3: {  	(tm) =	ssettm $0x7FFFFFFF  }
tec
execute0_lowered:
.L_overlay_start_1:
0x0: {  	(tag) =	ssettag $0x1  }
0x1: {  	s5 =	rddreg [dreg:$0x0]  }
0x2: {  	s0 =	srdreg.scid;
	s8 =	rddreg [dreg:$0x1]  }
0x3: {  	s2 =	rddreg [dreg:$0x2];
	s1 =	stileid.u32  }
0x4: {  	s3 =	simm.s32 $0x0;
	s13 =	simm.s32 $0x80;
	s15 =	simm.s32 $0x2  }
0x5: {  	s16 =	simm.s32 $0x0;
	s6 =	sand.u32 $0x1, s0;
	s0 =	rddreg [dreg:$0x3]  }
0x6: {  	[smem:$0x7FF] =	sst s3;
	s7 =	smul.u32 $0x280, s1;
	s14 =	sshll.u32 s1, $0x6  }
0x7: {  	s4 =	sshll.u32 s6, $0x4;
	_ =	strace $0x80000047;
	s10 =	ssub.s32 $0x2, s6  }
0x8: {  	s6 =	smul.u32 $0x2800, s6;
	s4 =	sor.u32 s1, s4;
	s11 =	sshrl.u32 s7, $0x3  }
0x9: {  	s12 =	sshrl.u32 s10, $0x1;
	s30 =	sadd.s32 s7, s2;
	s4 =	smul.u32 $0x500, s4  }
0xa: {  	s11 =	sadd.s32 s11, s5;
	s10 =	ssub.s32 s10, s12;
	s31 =	sadd.s32 s7, s6  }
0xb: {  	s7 =	sor.u32 $0x1C01, s14;
	s12 =	simm.s32 $0x1;
	s14 =	sor.u32 $0x1C02, s14  }
0xc: {  	s6 =	sadd.s32 $0xB400, s11;
	s11 =	sshrl.u32 s30, $0x3;
	s9 =	sadd.s32 s4, s5  }
0xd: {  	s4 =	sadd.s32 $0xB200, s5;
	s5 =	sadd.s32 $0x1200, s9;
	s9 =	sshrl.u32 s31, $0x3  }
0xe: {  	s8 =	sadd.s32 s8, s9;
	s9 =	smax.u32 s10, $0x1;
	s10 =	simm.s32 $0x2800  }
.LBB2_1:
0xf: {  	[tilespmem:s3], [sflag:$0x1] =	stream.linear.gather [hbm4b:s5+s3], $0x2800, $0x38;
	[tilespmem:$0x2B00] =	vst v63  }
0x10: {  	_ = 	snop  }
0x11: {  	[tilespmem:s10], [sflag:$0x1] =	stream.linear.gather [hbm4b:s4+s3], $0x80, $0x38;
	[tilespmem:$0x2B00] =	vst v63  }
0x12: {  	[spmem:s11], [sflag:s7] =	dma.local [hbm:s6], $0x50  }
0x13: {  	_ =	swait.ge [sflag:s12], $0x2800  }
0x14: {  	[sflag:s12] =	ssyncset.done $0x0  }
0x15: {  	[sflag:s12] =	ssyncadd.s32 $0xFFFFD800  }
0x16: {  	_ =	swait.ge [sflag:s12], $0x80  }
0x17: {  	[sflag:s12] =	ssyncset.done $0x0  }
0x18: {  	[sflag:s12] =	ssyncadd.s32 $0xFFFFFF80  }
0x19: {  	_ =	swait.ge [sflag:s12], $0x50  }
0x1a: {  	[sflag:s12] =	ssyncset.done $0x0  }
0x1b: {  	[sflag:s12] =	ssyncadd.s32 $0xFFFFFFB0  }
0x1c: {  	s17 =	simm.s32 $0x0;
	[bflag:$0x0] =	sbarrier.arrive $0xFFFF  }
.LBB2_2:
0x1d: {  	p0 =	sne.s32 s17, $0x9E00  }
.Ltmp0:
0x1e: {  	_ = 	snop;
	(pc) =	sbr.rel @p0 .LBB2_2-.Ltmp0, $3  }
0x1f: {  	_ =	sdelay $0x1  }
0x20: {  	s18 =	sshra.s32 s17, $0x2;
	s17 =	sadd.s32 $0x200, s17  }
0x21: {  	[spmem:s2] =	stream.indirect.scatter.add.f32 [tilespmem:s10], [sflag:$0x1], $0x1, s18, s13, $0xb8;
	[tilespmem:$0x2B00] =	vst v63  }
0x22: {  	_ =	swait.ge [sflag:s12], $0x80  }
0x23: {  	s17 =	simm.s32 $0x4F;
	[sflag:s12] =	ssyncset.done $0x0  }
.LBB2_4:
0x24: {  	p0 =	sne.s32 s17, $0x1;
	s17 =	sadd.s32 $0xFFFFFFFF, s17;
	[sflag:s12] =	ssyncadd.s32 $0xFFFFFF80  }
.Ltmp1:
0x25: {  	(pc) =	sbr.rel @p0 .LBB2_4-.Ltmp1, $3  }
0x26: {  	_ =	sdelay $0x1  }
0x27: {  	_ =	swait.ge [sflag:s12], $0x80  }
0x28: {  	[sflag:s12] =	ssyncset.done $0x0  }
0x29: {  	s16 =	sadd.s32 $0x1, s16  }
0x2a: {  	[sflag:s12] =	ssyncadd.s32 $0xFFFFFF80;
	p0 =	sne.s32 s16, s9  }
.Ltmp2:
0x2b: {  	[bflag:$0x0] =	sbarrier.arrive $0xFFFF;
	(pc) =	sbr.rel @p0 .LBB2_1-.Ltmp2, $4  }
0x2c: {  	[hbm:s8], [sflag:s14] =	dma.local [spmem:s11], $0x50  }
0x2d: {  	_ =	swait.ge [sflag:s15], $0x50  }
0x2e: {  	[sflag:s15] =	ssyncset.done $0x0  }
0x2f: {  	[sflag:s15] =	ssyncadd.s32 $0xFFFFFFB0  }
0x30: {  	_ =	sfence.sel $0x180000  }
0x31: {  	[bflag:$0x0] =	sbarrier.arrive $0xFFFF  }
0x32: {  	p0 =	sne.s32 s1, $0x0;
	_ =	strace $0x90000047  }
0x33: {  	s0 =	sadd.s32 @!p0 $0x100000, s0;
	[bflag:$0x2] =	sbarrier.arrive $0xFFFF  }
0x34: {  	[sflag:s0] =	ssyncadd.tile.s32 @!p0 $0x1;
	_ =	shalt  }
.Lfunc_end2:
_tile_overlayer_lowered:
.L_overlay_start_2:
0x35: {  	(tag) =	ssettag $0x2  }
0x36: {  	s0 =	rddreg [dreg:$0x0];
	s2 =	stileid.u32  }
0x37: {  	s1 =	rddreg [dreg:$0x1];
	p0 =	sne.s32 s2, $0x0  }
0x38: {  	s3 =	rddreg [dreg:$0x2];
	[bflag:$0x3] =	sbarrier.arrive $0xFFFF;
	s2 =	simm.s32 @!p0 $0x1C02  }
0x39: {  	[timem:s3], [sflag:s2] =	dma.local @!p0 [hbm:s0], s1  }
0x3a: {  	s0 =	simm.s32 @!p0 $0x2  }
0x3b: {  	_ =	swait.ge @!p0 [sflag:s0], s1  }
0x3c: {  	s1 =	ssub.s32 @!p0 $0x0, s1;
	[sflag:s0] =	ssyncset.done @!p0 $0x0  }
0x3d: {  	[sflag:s0] =	ssyncadd.s32 @!p0 s1  }
0x3e: {  	[bflag:$0x3] =	sbarrier.arrive $0xFFFF  }
0x3f: {  	_ =	shalt  }

</sc_bundles>
